<compile_context>
chip_gen: v7x
topology: tpu7x:2x2x1
jax: 0.10.2.dev20260603
libtpu: 0.0.44.dev20260713+nightly
codegen_flags: <defaults>
</compile_context>

<pallas_src>
import functools

import jax
import jax.numpy as jnp
from jax import lax
from jax.experimental import pallas as pl
from jax.experimental.pallas import tpu as pltpu
from jax.experimental.pallas import tpu_sc as plsc

B = 16384
D = 50
DU = 64
HIDDEN = 64
NC = 2
NS = 16
NW = NC * NS
BPW = B // NW
KRING = 8
LANES = 16


def _sc_rowdma3(t0, t1, t2, i0, i1, i2):
    mesh = plsc.VectorSubcoreMesh(core_axis_name="c", subcore_axis_name="s")
    out_type = tuple(jax.ShapeDtypeStruct((B, D), jnp.float32) for _ in range(3))
    scratch = [
        pltpu.VMEM((BPW,), jnp.int32),
        pltpu.VMEM((BPW,), jnp.int32),
        pltpu.VMEM((BPW,), jnp.int32),
        pltpu.VMEM((BPW, D), jnp.float32),
        pltpu.SemaphoreType.DMA,
    ]

    @functools.partial(pl.kernel, mesh=mesh, out_type=out_type,
                       scratch_types=scratch,
                       compiler_params=pltpu.CompilerParams(
                           use_tc_tiling_on_sc=True))
    def k(t0, t1, t2, i0, i1, i2, o0, o1, o2, vi0, vi1, vi2, vr, sem):
        wid = lax.axis_index("s") * NC + lax.axis_index("c")
        base = wid * BPW
        tabs = (t0, t1, t2)
        idxs = (i0, i1, i2)
        outs = (o0, o1, o2)
        vis = (vi0, vi1, vi2)
        for t in range(3):
            pltpu.sync_copy(idxs[t].at[wid], vis[t])
        for t in range(3):
            tab, vi = tabs[t], vis[t]

            def issue(j, _, tab=tab, vi=vi):
                iv = vi[pl.ds(j * LANES, LANES)]
                for l in range(LANES):
                    r = j * LANES + l
                    pltpu.async_copy(
                        tab.at[pl.ds(iv[l], 1), :],
                        vr.at[pl.ds(r, 1), :],
                        sem)
                return 0

            lax.fori_loop(0, BPW // LANES, issue, 0, unroll=False)
            pltpu.make_async_copy(tab.at[pl.ds(0, BPW), :], vr, sem).wait()
            pltpu.sync_copy(vr, outs[t].at[pl.ds(base, BPW)])

    return k(t0, t1, t2, i0, i1, i2)


def _sc_user_gather(tabT, idx):
    mesh = plsc.VectorSubcoreMesh(core_axis_name="c", subcore_axis_name="s")
    scratch = [
        pltpu.VMEM((BPW,), jnp.int32),
        pltpu.VMEM((BPW, DU), jnp.float32),
    ]
    for _ in range(KRING):
        scratch.append(pltpu.VMEM((D, 128), jnp.float32))
    for _ in range(KRING):
        scratch.append(pltpu.SemaphoreType.DMA)

    @functools.partial(pl.kernel, mesh=mesh,
                       out_type=jax.ShapeDtypeStruct((B, DU), jnp.float32),
                       scratch_types=scratch,
                       compiler_params=pltpu.CompilerParams(
                           use_tc_tiling_on_sc=True,
                           needs_layout_passes=False))
    def k(tabT, idx, out, vi, stage, *ring_and_sems):
        ring = ring_and_sems[:KRING]
        sems = ring_and_sems[KRING:]
        wid = lax.axis_index("s") * NC + lax.axis_index("c")
        base = wid * BPW
        pltpu.sync_copy(idx.at[wid], vi)

        def fetch(v, slot):
            off = pl.multiple_of((v >> 7) * 128, 128)
            pltpu.async_copy(tabT.at[:, pl.ds(off, 128)], ring[slot],
                             sems[slot])

        def extract(v, r, slot):
            c = jnp.broadcast_to(v & 127, (LANES,))
            for a in range(4):
                rows = lax.iota(jnp.int32, LANES) + a * LANES
                if a < 3:
                    col = plsc.load_gather(ring[slot], [rows, c])
                else:
                    mask = lax.iota(jnp.int32, LANES) < (D - 3 * LANES)
                    col = plsc.load_gather(ring[slot], [rows, c], mask=mask)
                    col = jnp.where(mask, col, 0.0)
                stage[r, pl.ds(a * LANES, LANES)] = col

        iv0 = vi[pl.ds(0, LANES)]
        for s in range(KRING):
            fetch(iv0[s], s)

        ngroups = BPW // LANES

        def body(q, _):
            iv = vi[pl.ds(q * LANES, LANES)]
            qn = jnp.minimum(q + 1, ngroups - 1)
            ivn = vi[pl.ds(qn * LANES, LANES)]
            for s in range(LANES):
                r = q * LANES + s
                slot = s % KRING
                pltpu.make_async_copy(
                    tabT.at[:, pl.ds(0, 128)], ring[slot], sems[slot]).wait()
                extract(iv[s], r, slot)
                vnext = iv[s + KRING] if s + KRING < LANES \
                    else ivn[s + KRING - LANES]

                @pl.when(r + KRING < BPW)
                def _(vnext=vnext, slot=slot):
                    fetch(vnext, slot)
            return 0

        lax.fori_loop(0, ngroups, body, 0, unroll=False)
        pltpu.sync_copy(stage, out.at[pl.ds(base, BPW)])

    return k(tabT, idx)


def _tc_mlp(xc, xi, xr, xu, w1c, w1i, w1r, w1u, b1, wo, bo, offset):
    bm = 2048
    grid = (B // bm,)

    def body(xc_ref, xi_ref, xr_ref, xu_ref, w1c_ref, w1i_ref, w1r_ref,
             w1u_ref, b1_ref, wo_ref, bo_ref, off_ref, out_ref):
        h = jnp.dot(xc_ref[...], w1c_ref[...], preferred_element_type=jnp.float32)
        h = h + jnp.dot(xi_ref[...], w1i_ref[...], preferred_element_type=jnp.float32)
        h = h + jnp.dot(xr_ref[...], w1r_ref[...], preferred_element_type=jnp.float32)
        h = h + jnp.dot(xu_ref[...], w1u_ref[...], preferred_element_type=jnp.float32)
        h = jnp.maximum(h + b1_ref[...], 0.0)
        y = jnp.sum(h * wo_ref[...], axis=1) + bo_ref[0, 0]
        out_ref[...] = y + off_ref[...]

    xp_spec = pl.BlockSpec((bm, D), lambda i: (i, 0))
    wp_spec = pl.BlockSpec((D, HIDDEN), lambda i: (0, 0))
    return pl.pallas_call(
        body,
        grid=grid,
        in_specs=[
            xp_spec, xp_spec, xp_spec,
            pl.BlockSpec((bm, DU), lambda i: (i, 0)),
            wp_spec, wp_spec, wp_spec,
            pl.BlockSpec((DU, HIDDEN), lambda i: (0, 0)),
            pl.BlockSpec((1, HIDDEN), lambda i: (0, 0)),
            pl.BlockSpec((1, HIDDEN), lambda i: (0, 0)),
            pl.BlockSpec((1, 1), lambda i: (0, 0)),
            pl.BlockSpec((bm,), lambda i: (i,)),
        ],
        out_specs=pl.BlockSpec((bm,), lambda i: (i,)),
        out_shape=jax.ShapeDtypeStruct((B,), jnp.float32),
    )(xc, xi, xr, xu, w1c, w1i, w1r, w1u, b1, wo, bo, offset)


def kernel(user_id, item_id, category_id, region_id, offset,
           E_category, E_item, E_region, E_user, W1, b1, W_out, b_out):
    ic = category_id.astype(jnp.int32).reshape(NW, BPW)
    ii = item_id.astype(jnp.int32).reshape(NW, BPW)
    ir = region_id.astype(jnp.int32).reshape(NW, BPW)
    iu = user_id.astype(jnp.int32).reshape(NW, BPW)
    xc, xi, xr = _sc_rowdma3(E_category, E_item, E_region, ic, ii, ir)
    xu = _sc_user_gather(jnp.transpose(E_user), iu)
    w1c = W1[0:D]
    w1i = W1[D:2 * D]
    w1r = W1[2 * D:3 * D]
    w1u = jnp.pad(W1[3 * D:4 * D], ((0, DU - D), (0, 0)))
    return _tc_mlp(xc, xi, xr, xu, w1c, w1i, w1r, w1u,
                   b1.reshape(1, HIDDEN), W_out.reshape(1, HIDDEN),
                   b_out.reshape(1, 1), offset)

# --- scband reference (transcript-rebuilt; emitter-appended) ---
"""Pipeline reference for scband-embedding-net-52097953301161 (READ-ONLY COPY).

The authoritative reference and input builder live on the scoring server;
editing this copy changes nothing except your own understanding.
"""

import jax, jax.numpy as jnp
import numpy as np

B = 16384
VOCABS = {"category_id": 100000, "item_id": 100000, "region_id": 1000, "user_id": 1000000}
EMB_DIM = 50  # min(50, ceil(vocab/2)) = 50 for all columns here
TOTAL_EMB = 4 * EMB_DIM  # 200
HIDDEN = 64


def setup_inputs(seed: int = 0) -> dict:
    key = jax.random.key(seed)
    ks = jax.random.split(key, 16)
    user_id = jax.random.randint(ks[0], (B,), 0, VOCABS["user_id"], dtype=jnp.int64 if jax.config.jax_enable_x64 else jnp.int32)
    item_id = jax.random.randint(ks[1], (B,), 0, VOCABS["item_id"], dtype=jnp.int32)
    category_id = jax.random.randint(ks[2], (B,), 0, VOCABS["category_id"], dtype=jnp.int32)
    region_id = jax.random.randint(ks[3], (B,), 0, VOCABS["region_id"], dtype=jnp.int32)
    offset = jax.random.normal(ks[4], (B,), dtype=jnp.float32)
    # Embedding tables (nn.Embedding default init ~ N(0,1); scaled for stability)
    E_category = jax.random.normal(ks[5], (VOCABS["category_id"], EMB_DIM), dtype=jnp.float32) * 0.05
    E_item = jax.random.normal(ks[6], (VOCABS["item_id"], EMB_DIM), dtype=jnp.float32) * 0.05
    E_region = jax.random.normal(ks[7], (VOCABS["region_id"], EMB_DIM), dtype=jnp.float32) * 0.05
    E_user = jax.random.normal(ks[8], (VOCABS["user_id"], EMB_DIM), dtype=jnp.float32) * 0.05
    # Dense layers (Linear: kaiming-uniform-ish scaled)
    W1 = jax.random.normal(ks[9], (TOTAL_EMB, HIDDEN), dtype=jnp.float32) * (1.0 / np.sqrt(TOTAL_EMB))
    b1 = jnp.zeros((HIDDEN,), dtype=jnp.float32)
    W_out = jax.random.normal(ks[10], (HIDDEN, 1), dtype=jnp.float32) * (1.0 / np.sqrt(HIDDEN))
    b_out = jnp.zeros((1,), dtype=jnp.float32)
    return {
        "user_id": user_id, "item_id": item_id, "category_id": category_id, "region_id": region_id,
        "offset": offset,
        "E_category": E_category, "E_item": E_item, "E_region": E_region, "E_user": E_user,
        "W1": W1, "b1": b1, "W_out": W_out, "b_out": b_out,
    }


def reference(user_id, item_id, category_id, region_id, offset,
              E_category, E_item, E_region, E_user, W1, b1, W_out, b_out):
    # col_names = sorted(vocab_sizes) = [category_id, item_id, region_id, user_id]
    emb_vecs = [
        jnp.take(E_category, category_id, axis=0),
        jnp.take(E_item, item_id, axis=0),
        jnp.take(E_region, region_id, axis=0),
        jnp.take(E_user, user_id, axis=0),
    ]
    x = jnp.concatenate(emb_vecs, axis=-1)
    x = jax.nn.relu(x @ W1 + b1)
    log_pred = (x @ W_out + b_out).squeeze(-1)
    log_pred = log_pred + offset  # CANN skip connection
    return log_pred

if __name__ == "__main__":
    import jax
    _d = setup_inputs()
    print(jax.jit(kernel)(*tuple(_d.values())))

</pallas_src>

<mosaic_0001>
#map = affine_map<(d0, d1) -> (0, 0)>
module attributes {stable_mosaic.version = 14 : i64} {
  func.func @k(%arg0: i32, %arg1: i32, %arg2: memref<100000x50xf32, #tpu.memory_space<hbm>>, %arg3: memref<100000x50xf32, #tpu.memory_space<hbm>>, %arg4: memref<1000x50xf32, #tpu.memory_space<hbm>>, %arg5: memref<32x512xi32, #tpu.memory_space<hbm>>, %arg6: memref<32x512xi32, #tpu.memory_space<hbm>>, %arg7: memref<32x512xi32, #tpu.memory_space<hbm>>, %arg8: memref<16384x50xf32, #tpu.memory_space<hbm>>, %arg9: memref<16384x50xf32, #tpu.memory_space<hbm>>, %arg10: memref<16384x50xf32, #tpu.memory_space<hbm>>, %arg11: memref<512xi32, #tpu.memory_space<vmem>>, %arg12: memref<512xi32, #tpu.memory_space<vmem>>, %arg13: memref<512xi32, #tpu.memory_space<vmem>>, %arg14: memref<512x50xf32, #tpu.memory_space<vmem>>, %arg15: memref<!tpu.dma_semaphore, #tpu.memory_space<semaphore_mem>>) attributes {dimension_semantics = [#tpu.dimension_semantics<core_parallel>, #tpu.dimension_semantics<subcore_parallel>], iteration_bounds = array<i64: 2, 16>, scalar_prefetch = 0 : i64, scratch_operands = 5 : i64, tpu.core_type = #tpu.core_type<sc_vector_subcore>, window_params = [{transform_indices = #map}, {transform_indices = #map}, {transform_indices = #map}, {transform_indices = #map}, {transform_indices = #map}, {transform_indices = #map}, {transform_indices = #map}, {transform_indices = #map}, {transform_indices = #map}]} {
    %mul3A = arith.constant 2 : i32
    %mul3A_0 = arith.muli %arg1, %mul3A : i32
    %add3A = arith.addi %mul3A_0, %arg0 : i32
    %mul3A_1 = arith.constant 512 : i32
    %mul3A_2 = arith.muli %add3A, %mul3A_1 : i32
    "tpu.region"() ({
      %run_scoped3A = tpu.sem_alloc : memref<!tpu.dma_semaphore, #tpu.memory_space<semaphore_mem>>
      %dma_start3A = arith.constant 0 : i32
      %dma_start3A_40 = tpu.memref_slice %arg5[%add3A, %dma_start3A] : memref<32x512xi32, #tpu.memory_space<hbm>> -> memref<1x512xi32, #tpu.memory_space<hbm>>
      %dma_start3A_41 = tpu.memref_squeeze %dma_start3A_40 : memref<1x512xi32, #tpu.memory_space<hbm>> -> memref<512xi32, #tpu.memory_space<hbm>>
      %dma_start3A_42 = arith.constant 0 : i32
      %dma_start3A_43 = tpu.memref_slice %arg5[%add3A, %dma_start3A_42] : memref<32x512xi32, #tpu.memory_space<hbm>> -> memref<1x512xi32, #tpu.memory_space<hbm>>
      %dma_start3A_44 = tpu.memref_squeeze %dma_start3A_43 : memref<1x512xi32, #tpu.memory_space<hbm>> -> memref<512xi32, #tpu.memory_space<hbm>>
      tpu.enqueue_dma source(%dma_start3A_44 : memref<512xi32, #tpu.memory_space<hbm>>) target(%arg11 : memref<512xi32, #tpu.memory_space<vmem>>) target_semaphore(%run_scoped3A : memref<!tpu.dma_semaphore, #tpu.memory_space<semaphore_mem>>)
      %dma_wait3A_45 = arith.constant 0 : i32
      %dma_wait3A_46 = tpu.memref_slice %arg5[%add3A, %dma_wait3A_45] : memref<32x512xi32, #tpu.memory_space<hbm>> -> memref<1x512xi32, #tpu.memory_space<hbm>>
      %dma_wait3A_47 = tpu.memref_squeeze %dma_wait3A_46 : memref<1x512xi32, #tpu.memory_space<hbm>> -> memref<512xi32, #tpu.memory_space<hbm>>
      %dma_wait3A_48 = arith.constant 0 : i32
      %dma_wait3A_49 = tpu.memref_slice %arg5[%add3A, %dma_wait3A_48] : memref<32x512xi32, #tpu.memory_space<hbm>> -> memref<1x512xi32, #tpu.memory_space<hbm>>
      %dma_wait3A_50 = tpu.memref_squeeze %dma_wait3A_49 : memref<1x512xi32, #tpu.memory_space<hbm>> -> memref<512xi32, #tpu.memory_space<hbm>>
      tpu.wait_dma2 semaphore(%run_scoped3A : memref<!tpu.dma_semaphore, #tpu.memory_space<semaphore_mem>>) src(%dma_wait3A_50 : memref<512xi32, #tpu.memory_space<hbm>>) dst(%arg11 : memref<512xi32, #tpu.memory_space<vmem>>)
      tpu.yield
    }) : () -> ()
    "tpu.region"() ({
      %run_scoped3A = tpu.sem_alloc : memref<!tpu.dma_semaphore, #tpu.memory_space<semaphore_mem>>
      %dma_start3A = arith.constant 0 : i32
      %dma_start3A_40 = tpu.memref_slice %arg6[%add3A, %dma_start3A] : memref<32x512xi32, #tpu.memory_space<hbm>> -> memref<1x512xi32, #tpu.memory_space<hbm>>
      %dma_start3A_41 = tpu.memref_squeeze %dma_start3A_40 : memref<1x512xi32, #tpu.memory_space<hbm>> -> memref<512xi32, #tpu.memory_space<hbm>>
      %dma_start3A_42 = arith.constant 0 : i32
      %dma_start3A_43 = tpu.memref_slice %arg6[%add3A, %dma_start3A_42] : memref<32x512xi32, #tpu.memory_space<hbm>> -> memref<1x512xi32, #tpu.memory_space<hbm>>
      %dma_start3A_44 = tpu.memref_squeeze %dma_start3A_43 : memref<1x512xi32, #tpu.memory_space<hbm>> -> memref<512xi32, #tpu.memory_space<hbm>>
      tpu.enqueue_dma source(%dma_start3A_44 : memref<512xi32, #tpu.memory_space<hbm>>) target(%arg12 : memref<512xi32, #tpu.memory_space<vmem>>) target_semaphore(%run_scoped3A : memref<!tpu.dma_semaphore, #tpu.memory_space<semaphore_mem>>)
      %dma_wait3A_45 = arith.constant 0 : i32
      %dma_wait3A_46 = tpu.memref_slice %arg6[%add3A, %dma_wait3A_45] : memref<32x512xi32, #tpu.memory_space<hbm>> -> memref<1x512xi32, #tpu.memory_space<hbm>>
      %dma_wait3A_47 = tpu.memref_squeeze %dma_wait3A_46 : memref<1x512xi32, #tpu.memory_space<hbm>> -> memref<512xi32, #tpu.memory_space<hbm>>
      %dma_wait3A_48 = arith.constant 0 : i32
      %dma_wait3A_49 = tpu.memref_slice %arg6[%add3A, %dma_wait3A_48] : memref<32x512xi32, #tpu.memory_space<hbm>> -> memref<1x512xi32, #tpu.memory_space<hbm>>
      %dma_wait3A_50 = tpu.memref_squeeze %dma_wait3A_49 : memref<1x512xi32, #tpu.memory_space<hbm>> -> memref<512xi32, #tpu.memory_space<hbm>>
      tpu.wait_dma2 semaphore(%run_scoped3A : memref<!tpu.dma_semaphore, #tpu.memory_space<semaphore_mem>>) src(%dma_wait3A_50 : memref<512xi32, #tpu.memory_space<hbm>>) dst(%arg12 : memref<512xi32, #tpu.memory_space<vmem>>)
      tpu.yield
    }) : () -> ()
    "tpu.region"() ({
      %run_scoped3A = tpu.sem_alloc : memref<!tpu.dma_semaphore, #tpu.memory_space<semaphore_mem>>
      %dma_start3A = arith.constant 0 : i32
      %dma_start3A_40 = tpu.memref_slice %arg7[%add3A, %dma_start3A] : memref<32x512xi32, #tpu.memory_space<hbm>> -> memref<1x512xi32, #tpu.memory_space<hbm>>
      %dma_start3A_41 = tpu.memref_squeeze %dma_start3A_40 : memref<1x512xi32, #tpu.memory_space<hbm>> -> memref<512xi32, #tpu.memory_space<hbm>>
      %dma_start3A_42 = arith.constant 0 : i32
      %dma_start3A_43 = tpu.memref_slice %arg7[%add3A, %dma_start3A_42] : memref<32x512xi32, #tpu.memory_space<hbm>> -> memref<1x512xi32, #tpu.memory_space<hbm>>
      %dma_start3A_44 = tpu.memref_squeeze %dma_start3A_43 : memref<1x512xi32, #tpu.memory_space<hbm>> -> memref<512xi32, #tpu.memory_space<hbm>>
      tpu.enqueue_dma source(%dma_start3A_44 : memref<512xi32, #tpu.memory_space<hbm>>) target(%arg13 : memref<512xi32, #tpu.memory_space<vmem>>) target_semaphore(%run_scoped3A : memref<!tpu.dma_semaphore, #tpu.memory_space<semaphore_mem>>)
      %dma_wait3A_45 = arith.constant 0 : i32
      %dma_wait3A_46 = tpu.memref_slice %arg7[%add3A, %dma_wait3A_45] : memref<32x512xi32, #tpu.memory_space<hbm>> -> memref<1x512xi32, #tpu.memory_space<hbm>>
      %dma_wait3A_47 = tpu.memref_squeeze %dma_wait3A_46 : memref<1x512xi32, #tpu.memory_space<hbm>> -> memref<512xi32, #tpu.memory_space<hbm>>
      %dma_wait3A_48 = arith.constant 0 : i32
      %dma_wait3A_49 = tpu.memref_slice %arg7[%add3A, %dma_wait3A_48] : memref<32x512xi32, #tpu.memory_space<hbm>> -> memref<1x512xi32, #tpu.memory_space<hbm>>
      %dma_wait3A_50 = tpu.memref_squeeze %dma_wait3A_49 : memref<1x512xi32, #tpu.memory_space<hbm>> -> memref<512xi32, #tpu.memory_space<hbm>>
      tpu.wait_dma2 semaphore(%run_scoped3A : memref<!tpu.dma_semaphore, #tpu.memory_space<semaphore_mem>>) src(%dma_wait3A_50 : memref<512xi32, #tpu.memory_space<hbm>>) dst(%arg13 : memref<512xi32, #tpu.memory_space<vmem>>)
      tpu.yield
    }) : () -> ()
    %scan3A = arith.constant 0 : i32
    %scan3A_3 = arith.constant 0 : i32
    %scan3A_4 = arith.constant 32 : i32
    %scan3A_5 = arith.addi %scan3A_3, %scan3A_4 : i32
    %scan3A_6 = arith.constant 1 : i32
    %scan3A_7 = scf.for %scan3A_40 = %scan3A_3 to %scan3A_5 step %scan3A_6 iter_args(%scan3A_41 = %scan3A) -> (i32)  : i32 {
      %mul3A_42 = arith.constant 16 : i32
      %mul3A_43 = arith.muli %scan3A_40, %mul3A_42 : i32
      %get3A = arith.index_cast %mul3A_43 : i32 to index
      %get3A_44 = tpu.vector_load %arg11[%get3A] {strides = array<i32>} : memref<512xi32, #tpu.memory_space<vmem>>, vector<16xi32>,
      %get3A_45 = vector.shape_cast %get3A_44 : vector<16xi32> to vector<16xi32>
      %mul3A_46 = arith.constant 16 : i32
      %mul3A_47 = arith.muli %scan3A_40, %mul3A_46 : i32
      %add3A_48 = arith.constant 0 : i32
      %add3A_49 = arith.addi %mul3A_47, %add3A_48 : i32
      %slice3A = vector.extract_strided_slice %get3A_45 {offsets = [0], sizes = [1], strides = [1]} : vector<16xi32> to vector<1xi32>
      %squeeze3A = vector.extract %slice3A[0] : i32 from vector<1xi32>
      %dma_start3A = arith.constant 0 : i32
      %dma_start3A_50 = tpu.memref_slice %arg14[%add3A_49, %dma_start3A] : memref<512x50xf32, #tpu.memory_space<vmem>> -> memref<1x50xf32, #tpu.memory_space<vmem>>
      %dma_start3A_51 = arith.constant 0 : i32
      %dma_start3A_52 = tpu.memref_slice %arg2[%squeeze3A, %dma_start3A_51] : memref<100000x50xf32, #tpu.memory_space<hbm>> -> memref<1x50xf32, #tpu.memory_space<hbm>>
      %dma_start3A_53 = arith.constant 0 : i32
      %dma_start3A_54 = tpu.memref_slice %arg14[%add3A_49, %dma_start3A_53] : memref<512x50xf32, #tpu.memory_space<vmem>> -> memref<1x50xf32, #tpu.memory_space<vmem>>
      %dma_start3A_55 = arith.constant 0 : i32
      %dma_start3A_56 = tpu.memref_slice %arg2[%squeeze3A, %dma_start3A_55] : memref<100000x50xf32, #tpu.memory_space<hbm>> -> memref<1x50xf32, #tpu.memory_space<hbm>>
      tpu.enqueue_dma source(%dma_start3A_56 : memref<1x50xf32, #tpu.memory_space<hbm>>) target(%dma_start3A_54 : memref<1x50xf32, #tpu.memory_space<vmem>>) target_semaphore(%arg15 : memref<!tpu.dma_semaphore, #tpu.memory_space<semaphore_mem>>)
      %mul3A_57 = arith.constant 16 : i32
      %mul3A_58 = arith.muli %scan3A_40, %mul3A_57 : i32
      %add3A_59 = arith.constant 1 : i32
      %add3A_60 = arith.addi %mul3A_58, %add3A_59 : i32
      %slice3A_61 = vector.extract_strided_slice %get3A_45 {offsets = [1], sizes = [1], strides = [1]} : vector<16xi32> to vector<1xi32>
      %squeeze3A_62 = vector.extract %slice3A_61[0] : i32 from vector<1xi32>
      %dma_start3A_63 = arith.constant 0 : i32
      %dma_start3A_64 = tpu.memref_slice %arg14[%add3A_60, %dma_start3A_63] : memref<512x50xf32, #tpu.memory_space<vmem>> -> memref<1x50xf32, #tpu.memory_space<vmem>>
      %dma_start3A_65 = arith.constant 0 : i32
      %dma_start3A_66 = tpu.memref_slice %arg2[%squeeze3A_62, %dma_start3A_65] : memref<100000x50xf32, #tpu.memory_space<hbm>> -> memref<1x50xf32, #tpu.memory_space<hbm>>
      %dma_start3A_67 = arith.constant 0 : i32
      %dma_start3A_68 = tpu.memref_slice %arg14[%add3A_60, %dma_start3A_67] : memref<512x50xf32, #tpu.memory_space<vmem>> -> memref<1x50xf32, #tpu.memory_space<vmem>>
      %dma_start3A_69 = arith.constant 0 : i32
      %dma_start3A_70 = tpu.memref_slice %arg2[%squeeze3A_62, %dma_start3A_69] : memref<100000x50xf32, #tpu.memory_space<hbm>> -> memref<1x50xf32, #tpu.memory_space<hbm>>
      tpu.enqueue_dma source(%dma_start3A_70 : memref<1x50xf32, #tpu.memory_space<hbm>>) target(%dma_start3A_68 : memref<1x50xf32, #tpu.memory_space<vmem>>) target_semaphore(%arg15 : memref<!tpu.dma_semaphore, #tpu.memory_space<semaphore_mem>>)
      %mul3A_71 = arith.constant 16 : i32
      %mul3A_72 = arith.muli %scan3A_40, %mul3A_71 : i32
      %add3A_73 = arith.constant 2 : i32
      %add3A_74 = arith.addi %mul3A_72, %add3A_73 : i32
      %slice3A_75 = vector.extract_strided_slice %get3A_45 {offsets = [2], sizes = [1], strides = [1]} : vector<16xi32> to vector<1xi32>
      %squeeze3A_76 = vector.extract %slice3A_75[0] : i32 from vector<1xi32>
      %dma_start3A_77 = arith.constant 0 : i32
      %dma_start3A_78 = tpu.memref_slice %arg14[%add3A_74, %dma_start3A_77] : memref<512x50xf32, #tpu.memory_space<vmem>> -> memref<1x50xf32, #tpu.memory_space<vmem>>
      %dma_start3A_79 = arith.constant 0 : i32
      %dma_start3A_80 = tpu.memref_slice %arg2[%squeeze3A_76, %dma_start3A_79] : memref<100000x50xf32, #tpu.memory_space<hbm>> -> memref<1x50xf32, #tpu.memory_space<hbm>>
      %dma_start3A_81 = arith.constant 0 : i32
      %dma_start3A_82 = tpu.memref_slice %arg14[%add3A_74, %dma_start3A_81] : memref<512x50xf32, #tpu.memory_space<vmem>> -> memref<1x50xf32, #tpu.memory_space<vmem>>
      %dma_start3A_83 = arith.constant 0 : i32
      %dma_start3A_84 = tpu.memref_slice %arg2[%squeeze3A_76, %dma_start3A_83] : memref<100000x50xf32, #tpu.memory_space<hbm>> -> memref<1x50xf32, #tpu.memory_space<hbm>>
      tpu.enqueue_dma source(%dma_start3A_84 : memref<1x50xf32, #tpu.memory_space<hbm>>) target(%dma_start3A_82 : memref<1x50xf32, #tpu.memory_space<vmem>>) target_semaphore(%arg15 : memref<!tpu.dma_semaphore, #tpu.memory_space<semaphore_mem>>)
      %mul3A_85 = arith.constant 16 : i32
      %mul3A_86 = arith.muli %scan3A_40, %mul3A_85 : i32
      %add3A_87 = arith.constant 3 : i32
      %add3A_88 = arith.addi %mul3A_86, %add3A_87 : i32
      %slice3A_89 = vector.extract_strided_slice %get3A_45 {offsets = [3], sizes = [1], strides = [1]} : vector<16xi32> to vector<1xi32>
      %squeeze3A_90 = vector.extract %slice3A_89[0] : i32 from vector<1xi32>
      %dma_start3A_91 = arith.constant 0 : i32
      %dma_start3A_92 = tpu.memref_slice %arg14[%add3A_88, %dma_start3A_91] : memref<512x50xf32, #tpu.memory_space<vmem>> -> memref<1x50xf32, #tpu.memory_space<vmem>>
      %dma_start3A_93 = arith.constant 0 : i32
      %dma_start3A_94 = tpu.memref_slice %arg2[%squeeze3A_90, %dma_start3A_93] : memref<100000x50xf32, #tpu.memory_space<hbm>> -> memref<1x50xf32, #tpu.memory_space<hbm>>
      %dma_start3A_95 = arith.constant 0 : i32
      %dma_start3A_96 = tpu.memref_slice %arg14[%add3A_88, %dma_start3A_95] : memref<512x50xf32, #tpu.memory_space<vmem>> -> memref<1x50xf32, #tpu.memory_space<vmem>>
      %dma_start3A_97 = arith.constant 0 : i32
      %dma_start3A_98 = tpu.memref_slice %arg2[%squeeze3A_90, %dma_start3A_97] : memref<100000x50xf32, #tpu.memory_space<hbm>> -> memref<1x50xf32, #tpu.memory_space<hbm>>
      tpu.enqueue_dma source(%dma_start3A_98 : memref<1x50xf32, #tpu.memory_space<hbm>>) target(%dma_start3A_96 : memref<1x50xf32, #tpu.memory_space<vmem>>) target_semaphore(%arg15 : memref<!tpu.dma_semaphore, #tpu.memory_space<semaphore_mem>>)
      %mul3A_99 = arith.constant 16 : i32
      %mul3A_100 = arith.muli %scan3A_40, %mul3A_99 : i32
      %add3A_101 = arith.constant 4 : i32
      %add3A_102 = arith.addi %mul3A_100, %add3A_101 : i32
      %slice3A_103 = vector.extract_strided_slice %get3A_45 {offsets = [4], sizes = [1], strides = [1]} : vector<16xi32> to vector<1xi32>
      %squeeze3A_104 = vector.extract %slice3A_103[0] : i32 from vector<1xi32>
      %dma_start3A_105 = arith.constant 0 : i32
      %dma_start3A_106 = tpu.memref_slice %arg14[%add3A_102, %dma_start3A_105] : memref<512x50xf32, #tpu.memory_space<vmem>> -> memref<1x50xf32, #tpu.memory_space<vmem>>
      %dma_start3A_107 = arith.constant 0 : i32
      %dma_start3A_108 = tpu.memref_slice %arg2[%squeeze3A_104, %dma_start3A_107] : memref<100000x50xf32, #tpu.memory_space<hbm>> -> memref<1x50xf32, #tpu.memory_space<hbm>>
      %dma_start3A_109 = arith.constant 0 : i32
      %dma_start3A_110 = tpu.memref_slice %arg14[%add3A_102, %dma_start3A_109] : memref<512x50xf32, #tpu.memory_space<vmem>> -> memref<1x50xf32, #tpu.memory_space<vmem>>
      %dma_start3A_111 = arith.constant 0 : i32
      %dma_start3A_112 = tpu.memref_slice %arg2[%squeeze3A_104, %dma_start3A_111] : memref<100000x50xf32, #tpu.memory_space<hbm>> -> memref<1x50xf32, #tpu.memory_space<hbm>>
      tpu.enqueue_dma source(%dma_start3A_112 : memref<1x50xf32, #tpu.memory_space<hbm>>) target(%dma_start3A_110 : memref<1x50xf32, #tpu.memory_space<vmem>>) target_semaphore(%arg15 : memref<!tpu.dma_semaphore, #tpu.memory_space<semaphore_mem>>)
      %mul3A_113 = arith.constant 16 : i32
      %mul3A_114 = arith.muli %scan3A_40, %mul3A_113 : i32
      %add3A_115 = arith.constant 5 : i32
      %add3A_116 = arith.addi %mul3A_114, %add3A_115 : i32
      %slice3A_117 = vector.extract_strided_slice %get3A_45 {offsets = [5], sizes = [1], strides = [1]} : vector<16xi32> to vector<1xi32>
      %squeeze3A_118 = vector.extract %slice3A_117[0] : i32 from vector<1xi32>
      %dma_start3A_119 = arith.constant 0 : i32
      %dma_start3A_120 = tpu.memref_slice %arg14[%add3A_116, %dma_start3A_119] : memref<512x50xf32, #tpu.memory_space<vmem>> -> memref<1x50xf32, #tpu.memory_space<vmem>>
      %dma_start3A_121 = arith.constant 0 : i32
      %dma_start3A_122 = tpu.memref_slice %arg2[%squeeze3A_118, %dma_start3A_121] : memref<100000x50xf32, #tpu.memory_space<hbm>> -> memref<1x50xf32, #tpu.memory_space<hbm>>
      %dma_start3A_123 = arith.constant 0 : i32
      %dma_start3A_124 = tpu.memref_slice %arg14[%add3A_116, %dma_start3A_123] : memref<512x50xf32, #tpu.memory_space<vmem>> -> memref<1x50xf32, #tpu.memory_space<vmem>>
      %dma_start3A_125 = arith.constant 0 : i32
      %dma_start3A_126 = tpu.memref_slice %arg2[%squeeze3A_118, %dma_start3A_125] : memref<100000x50xf32, #tpu.memory_space<hbm>> -> memref<1x50xf32, #tpu.memory_space<hbm>>
      tpu.enqueue_dma source(%dma_start3A_126 : memref<1x50xf32, #tpu.memory_space<hbm>>) target(%dma_start3A_124 : memref<1x50xf32, #tpu.memory_space<vmem>>) target_semaphore(%arg15 : memref<!tpu.dma_semaphore, #tpu.memory_space<semaphore_mem>>)
      %mul3A_127 = arith.constant 16 : i32
      %mul3A_128 = arith.muli %scan3A_40, %mul3A_127 : i32
      %add3A_129 = arith.constant 6 : i32
      %add3A_130 = arith.addi %mul3A_128, %add3A_129 : i32
      %slice3A_131 = vector.extract_strided_slice %get3A_45 {offsets = [6], sizes = [1], strides = [1]} : vector<16xi32> to vector<1xi32>
      %squeeze3A_132 = vector.extract %slice3A_131[0] : i32 from vector<1xi32>
      %dma_start3A_133 = arith.constant 0 : i32
      %dma_start3A_134 = tpu.memref_slice %arg14[%add3A_130, %dma_start3A_133] : memref<512x50xf32, #tpu.memory_space<vmem>> -> memref<1x50xf32, #tpu.memory_space<vmem>>
      %dma_start3A_135 = arith.constant 0 : i32
      %dma_start3A_136 = tpu.memref_slice %arg2[%squeeze3A_132, %dma_start3A_135] : memref<100000x50xf32, #tpu.memory_space<hbm>> -> memref<1x50xf32, #tpu.memory_space<hbm>>
      %dma_start3A_137 = arith.constant 0 : i32
      %dma_start3A_138 = tpu.memref_slice %arg14[%add3A_130, %dma_start3A_137] : memref<512x50xf32, #tpu.memory_space<vmem>> -> memref<1x50xf32, #tpu.memory_space<vmem>>
      %dma_start3A_139 = arith.constant 0 : i32
      %dma_start3A_140 = tpu.memref_slice %arg2[%squeeze3A_132, %dma_start3A_139] : memref<100000x50xf32, #tpu.memory_space<hbm>> -> memref<1x50xf32, #tpu.memory_space<hbm>>
      tpu.enqueue_dma source(%dma_start3A_140 : memref<1x50xf32, #tpu.memory_space<hbm>>) target(%dma_start3A_138 : memref<1x50xf32, #tpu.memory_space<vmem>>) target_semaphore(%arg15 : memref<!tpu.dma_semaphore, #tpu.memory_space<semaphore_mem>>)
      %mul3A_141 = arith.constant 16 : i32
      %mul3A_142 = arith.muli %scan3A_40, %mul3A_141 : i32
      %add3A_143 = arith.constant 7 : i32
      %add3A_144 = arith.addi %mul3A_142, %add3A_143 : i32
      %slice3A_145 = vector.extract_strided_slice %get3A_45 {offsets = [7], sizes = [1], strides = [1]} : vector<16xi32> to vector<1xi32>
      %squeeze3A_146 = vector.extract %slice3A_145[0] : i32 from vector<1xi32>
      %dma_start3A_147 = arith.constant 0 : i32
      %dma_start3A_148 = tpu.memref_slice %arg14[%add3A_144, %dma_start3A_147] : memref<512x50xf32, #tpu.memory_space<vmem>> -> memref<1x50xf32, #tpu.memory_space<vmem>>
      %dma_start3A_149 = arith.constant 0 : i32
      %dma_start3A_150 = tpu.memref_slice %arg2[%squeeze3A_146, %dma_start3A_149] : memref<100000x50xf32, #tpu.memory_space<hbm>> -> memref<1x50xf32, #tpu.memory_space<hbm>>
      %dma_start3A_151 = arith.constant 0 : i32
      %dma_start3A_152 = tpu.memref_slice %arg14[%add3A_144, %dma_start3A_151] : memref<512x50xf32, #tpu.memory_space<vmem>> -> memref<1x50xf32, #tpu.memory_space<vmem>>
      %dma_start3A_153 = arith.constant 0 : i32
      %dma_start3A_154 = tpu.memref_slice %arg2[%squeeze3A_146, %dma_start3A_153] : memref<100000x50xf32, #tpu.memory_space<hbm>> -> memref<1x50xf32, #tpu.memory_space<hbm>>
      tpu.enqueue_dma source(%dma_start3A_154 : memref<1x50xf32, #tpu.memory_space<hbm>>) target(%dma_start3A_152 : memref<1x50xf32, #tpu.memory_space<vmem>>) target_semaphore(%arg15 : memref<!tpu.dma_semaphore, #tpu.memory_space<semaphore_mem>>)
      %mul3A_155 = arith.constant 16 : i32
      %mul3A_156 = arith.muli %scan3A_40, %mul3A_155 : i32
      %add3A_157 = arith.constant 8 : i32
      %add3A_158 = arith.addi %mul3A_156, %add3A_157 : i32
      %slice3A_159 = vector.extract_strided_slice %get3A_45 {offsets = [8], sizes = [1], strides = [1]} : vector<16xi32> to vector<1xi32>
      %squeeze3A_160 = vector.extract %slice3A_159[0] : i32 from vector<1xi32>
      %dma_start3A_161 = arith.constant 0 : i32
      %dma_start3A_162 = tpu.memref_slice %arg14[%add3A_158, %dma_start3A_161] : memref<512x50xf32, #tpu.memory_space<vmem>> -> memref<1x50xf32, #tpu.memory_space<vmem>>
      %dma_start3A_163 = arith.constant 0 : i32
      %dma_start3A_164 = tpu.memref_slice %arg2[%squeeze3A_160, %dma_start3A_163] : memref<100000x50xf32, #tpu.memory_space<hbm>> -> memref<1x50xf32, #tpu.memory_space<hbm>>
      %dma_start3A_165 = arith.constant 0 : i32
      %dma_start3A_166 = tpu.memref_slice %arg14[%add3A_158, %dma_start3A_165] : memref<512x50xf32, #tpu.memory_space<vmem>> -> memref<1x50xf32, #tpu.memory_space<vmem>>
      %dma_start3A_167 = arith.constant 0 : i32
      %dma_start3A_168 = tpu.memref_slice %arg2[%squeeze3A_160, %dma_start3A_167] : memref<100000x50xf32, #tpu.memory_space<hbm>> -> memref<1x50xf32, #tpu.memory_space<hbm>>
      tpu.enqueue_dma source(%dma_start3A_168 : memref<1x50xf32, #tpu.memory_space<hbm>>) target(%dma_start3A_166 : memref<1x50xf32, #tpu.memory_space<vmem>>) target_semaphore(%arg15 : memref<!tpu.dma_semaphore, #tpu.memory_space<semaphore_mem>>)
      %mul3A_169 = arith.constant 16 : i32
      %mul3A_170 = arith.muli %scan3A_40, %mul3A_169 : i32
      %add3A_171 = arith.constant 9 : i32
      %add3A_172 = arith.addi %mul3A_170, %add3A_171 : i32
      %slice3A_173 = vector.extract_strided_slice %get3A_45 {offsets = [9], sizes = [1], strides = [1]} : vector<16xi32> to vector<1xi32>
      %squeeze3A_174 = vector.extract %slice3A_173[0] : i32 from vector<1xi32>
      %dma_start3A_175 = arith.constant 0 : i32
      %dma_start3A_176 = tpu.memref_slice %arg14[%add3A_172, %dma_start3A_175] : memref<512x50xf32, #tpu.memory_space<vmem>> -> memref<1x50xf32, #tpu.memory_space<vmem>>
      %dma_start3A_177 = arith.constant 0 : i32
      %dma_start3A_178 = tpu.memref_slice %arg2[%squeeze3A_174, %dma_start3A_177] : memref<100000x50xf32, #tpu.memory_space<hbm>> -> memref<1x50xf32, #tpu.memory_space<hbm>>
      %dma_start3A_179 = arith.constant 0 : i32
      %dma_start3A_180 = tpu.memref_slice %arg14[%add3A_172, %dma_start3A_179] : memref<512x50xf32, #tpu.memory_space<vmem>> -> memref<1x50xf32, #tpu.memory_space<vmem>>
      %dma_start3A_181 = arith.constant 0 : i32
      %dma_start3A_182 = tpu.memref_slice %arg2[%squeeze3A_174, %dma_start3A_181] : memref<100000x50xf32, #tpu.memory_space<hbm>> -> memref<1x50xf32, #tpu.memory_space<hbm>>
      tpu.enqueue_dma source(%dma_start3A_182 : memref<1x50xf32, #tpu.memory_space<hbm>>) target(%dma_start3A_180 : memref<1x50xf32, #tpu.memory_space<vmem>>) target_semaphore(%arg15 : memref<!tpu.dma_semaphore, #tpu.memory_space<semaphore_mem>>)
      %mul3A_183 = arith.constant 16 : i32
      %mul3A_184 = arith.muli %scan3A_40, %mul3A_183 : i32
      %add3A_185 = arith.constant 10 : i32
      %add3A_186 = arith.addi %mul3A_184, %add3A_185 : i32
      %slice3A_187 = vector.extract_strided_slice %get3A_45 {offsets = [10], sizes = [1], strides = [1]} : vector<16xi32> to vector<1xi32>
      %squeeze3A_188 = vector.extract %slice3A_187[0] : i32 from vector<1xi32>
      %dma_start3A_189 = arith.constant 0 : i32
      %dma_start3A_190 = tpu.memref_slice %arg14[%add3A_186, %dma_start3A_189] : memref<512x50xf32, #tpu.memory_space<vmem>> -> memref<1x50xf32, #tpu.memory_space<vmem>>
      %dma_start3A_191 = arith.constant 0 : i32
      %dma_start3A_192 = tpu.memref_slice %arg2[%squeeze3A_188, %dma_start3A_191] : memref<100000x50xf32, #tpu.memory_space<hbm>> -> memref<1x50xf32, #tpu.memory_space<hbm>>
      %dma_start3A_193 = arith.constant 0 : i32
      %dma_start3A_194 = tpu.memref_slice %arg14[%add3A_186, %dma_start3A_193] : memref<512x50xf32, #tpu.memory_space<vmem>> -> memref<1x50xf32, #tpu.memory_space<vmem>>
      %dma_start3A_195 = arith.constant 0 : i32
      %dma_start3A_196 = tpu.memref_slice %arg2[%squeeze3A_188, %dma_start3A_195] : memref<100000x50xf32, #tpu.memory_space<hbm>> -> memref<1x50xf32, #tpu.memory_space<hbm>>
      tpu.enqueue_dma source(%dma_start3A_196 : memref<1x50xf32, #tpu.memory_space<hbm>>) target(%dma_start3A_194 : memref<1x50xf32, #tpu.memory_space<vmem>>) target_semaphore(%arg15 : memref<!tpu.dma_semaphore, #tpu.memory_space<semaphore_mem>>)
      %mul3A_197 = arith.constant 16 : i32
      %mul3A_198 = arith.muli %scan3A_40, %mul3A_197 : i32
      %add3A_199 = arith.constant 11 : i32
      %add3A_200 = arith.addi %mul3A_198, %add3A_199 : i32
      %slice3A_201 = vector.extract_strided_slice %get3A_45 {offsets = [11], sizes = [1], strides = [1]} : vector<16xi32> to vector<1xi32>
      %squeeze3A_202 = vector.extract %slice3A_201[0] : i32 from vector<1xi32>
      %dma_start3A_203 = arith.constant 0 : i32
      %dma_start3A_204 = tpu.memref_slice %arg14[%add3A_200, %dma_start3A_203] : memref<512x50xf32, #tpu.memory_space<vmem>> -> memref<1x50xf32, #tpu.memory_space<vmem>>
      %dma_start3A_205 = arith.constant 0 : i32
      %dma_start3A_206 = tpu.memref_slice %arg2[%squeeze3A_202, %dma_start3A_205] : memref<100000x50xf32, #tpu.memory_space<hbm>> -> memref<1x50xf32, #tpu.memory_space<hbm>>
      %dma_start3A_207 = arith.constant 0 : i32
      %dma_start3A_208 = tpu.memref_slice %arg14[%add3A_200, %dma_start3A_207] : memref<512x50xf32, #tpu.memory_space<vmem>> -> memref<1x50xf32, #tpu.memory_space<vmem>>
      %dma_start3A_209 = arith.constant 0 : i32
      %dma_start3A_210 = tpu.memref_slice %arg2[%squeeze3A_202, %dma_start3A_209] : memref<100000x50xf32, #tpu.memory_space<hbm>> -> memref<1x50xf32, #tpu.memory_space<hbm>>
      tpu.enqueue_dma source(%dma_start3A_210 : memref<1x50xf32, #tpu.memory_space<hbm>>) target(%dma_start3A_208 : memref<1x50xf32, #tpu.memory_space<vmem>>) target_semaphore(%arg15 : memref<!tpu.dma_semaphore, #tpu.memory_space<semaphore_mem>>)
      %mul3A_211 = arith.constant 16 : i32
      %mul3A_212 = arith.muli %scan3A_40, %mul3A_211 : i32
      %add3A_213 = arith.constant 12 : i32
      %add3A_214 = arith.addi %mul3A_212, %add3A_213 : i32
      %slice3A_215 = vector.extract_strided_slice %get3A_45 {offsets = [12], sizes = [1], strides = [1]} : vector<16xi32> to vector<1xi32>
      %squeeze3A_216 = vector.extract %slice3A_215[0] : i32 from vector<1xi32>
      %dma_start3A_217 = arith.constant 0 : i32
      %dma_start3A_218 = tpu.memref_slice %arg14[%add3A_214, %dma_start3A_217] : memref<512x50xf32, #tpu.memory_space<vmem>> -> memref<1x50xf32, #tpu.memory_space<vmem>>
      %dma_start3A_219 = arith.constant 0 : i32
      %dma_start3A_220 = tpu.memref_slice %arg2[%squeeze3A_216, %dma_start3A_219] : memref<100000x50xf32, #tpu.memory_space<hbm>> -> memref<1x50xf32, #tpu.memory_space<hbm>>
      %dma_start3A_221 = arith.constant 0 : i32
      %dma_start3A_222 = tpu.memref_slice %arg14[%add3A_214, %dma_start3A_221] : memref<512x50xf32, #tpu.memory_space<vmem>> -> memref<1x50xf32, #tpu.memory_space<vmem>>
      %dma_start3A_223 = arith.constant 0 : i32
      %dma_start3A_224 = tpu.memref_slice %arg2[%squeeze3A_216, %dma_start3A_223] : memref<100000x50xf32, #tpu.memory_space<hbm>> -> memref<1x50xf32, #tpu.memory_space<hbm>>
      tpu.enqueue_dma source(%dma_start3A_224 : memref<1x50xf32, #tpu.memory_space<hbm>>) target(%dma_start3A_222 : memref<1x50xf32, #tpu.memory_space<vmem>>) target_semaphore(%arg15 : memref<!tpu.dma_semaphore, #tpu.memory_space<semaphore_mem>>)
      %mul3A_225 = arith.constant 16 : i32
      %mul3A_226 = arith.muli %scan3A_40, %mul3A_225 : i32
      %add3A_227 = arith.constant 13 : i32
      %add3A_228 = arith.addi %mul3A_226, %add3A_227 : i32
      %slice3A_229 = vector.extract_strided_slice %get3A_45 {offsets = [13], sizes = [1], strides = [1]} : vector<16xi32> to vector<1xi32>
      %squeeze3A_230 = vector.extract %slice3A_229[0] : i32 from vector<1xi32>
      %dma_start3A_231 = arith.constant 0 : i32
      %dma_start3A_232 = tpu.memref_slice %arg14[%add3A_228, %dma_start3A_231] : memref<512x50xf32, #tpu.memory_space<vmem>> -> memref<1x50xf32, #tpu.memory_space<vmem>>
      %dma_start3A_233 = arith.constant 0 : i32
      %dma_start3A_234 = tpu.memref_slice %arg2[%squeeze3A_230, %dma_start3A_233] : memref<100000x50xf32, #tpu.memory_space<hbm>> -> memref<1x50xf32, #tpu.memory_space<hbm>>
      %dma_start3A_235 = arith.constant 0 : i32
      %dma_start3A_236 = tpu.memref_slice %arg14[%add3A_228, %dma_start3A_235] : memref<512x50xf32, #tpu.memory_space<vmem>> -> memref<1x50xf32, #tpu.memory_space<vmem>>
      %dma_start3A_237 = arith.constant 0 : i32
      %dma_start3A_238 = tpu.memref_slice %arg2[%squeeze3A_230, %dma_start3A_237] : memref<100000x50xf32, #tpu.memory_space<hbm>> -> memref<1x50xf32, #tpu.memory_space<hbm>>
      tpu.enqueue_dma source(%dma_start3A_238 : memref<1x50xf32, #tpu.memory_space<hbm>>) target(%dma_start3A_236 : memref<1x50xf32, #tpu.memory_space<vmem>>) target_semaphore(%arg15 : memref<!tpu.dma_semaphore, #tpu.memory_space<semaphore_mem>>)
      %mul3A_239 = arith.constant 16 : i32
      %mul3A_240 = arith.muli %scan3A_40, %mul3A_239 : i32
      %add3A_241 = arith.constant 14 : i32
      %add3A_242 = arith.addi %mul3A_240, %add3A_241 : i32
      %slice3A_243 = vector.extract_strided_slice %get3A_45 {offsets = [14], sizes = [1], strides = [1]} : vector<16xi32> to vector<1xi32>
      %squeeze3A_244 = vector.extract %slice3A_243[0] : i32 from vector<1xi32>
      %dma_start3A_245 = arith.constant 0 : i32
      %dma_start3A_246 = tpu.memref_slice %arg14[%add3A_242, %dma_start3A_245] : memref<512x50xf32, #tpu.memory_space<vmem>> -> memref<1x50xf32, #tpu.memory_space<vmem>>
      %dma_start3A_247 = arith.constant 0 : i32
      %dma_start3A_248 = tpu.memref_slice %arg2[%squeeze3A_244, %dma_start3A_247] : memref<100000x50xf32, #tpu.memory_space<hbm>> -> memref<1x50xf32, #tpu.memory_space<hbm>>
      %dma_start3A_249 = arith.constant 0 : i32
      %dma_start3A_250 = tpu.memref_slice %arg14[%add3A_242, %dma_start3A_249] : memref<512x50xf32, #tpu.memory_space<vmem>> -> memref<1x50xf32, #tpu.memory_space<vmem>>
      %dma_start3A_251 = arith.constant 0 : i32
      %dma_start3A_252 = tpu.memref_slice %arg2[%squeeze3A_244, %dma_start3A_251] : memref<100000x50xf32, #tpu.memory_space<hbm>> -> memref<1x50xf32, #tpu.memory_space<hbm>>
      tpu.enqueue_dma source(%dma_start3A_252 : memref<1x50xf32, #tpu.memory_space<hbm>>) target(%dma_start3A_250 : memref<1x50xf32, #tpu.memory_space<vmem>>) target_semaphore(%arg15 : memref<!tpu.dma_semaphore, #tpu.memory_space<semaphore_mem>>)
      %mul3A_253 = arith.constant 16 : i32
      %mul3A_254 = arith.muli %scan3A_40, %mul3A_253 : i32
      %add3A_255 = arith.constant 15 : i32
      %add3A_256 = arith.addi %mul3A_254, %add3A_255 : i32
      %slice3A_257 = vector.extract_strided_slice %get3A_45 {offsets = [15], sizes = [1], strides = [1]} : vector<16xi32> to vector<1xi32>
      %squeeze3A_258 = vector.extract %slice3A_257[0] : i32 from vector<1xi32>
      %dma_start3A_259 = arith.constant 0 : i32
      %dma_start3A_260 = tpu.memref_slice %arg14[%add3A_256, %dma_start3A_259] : memref<512x50xf32, #tpu.memory_space<vmem>> -> memref<1x50xf32, #tpu.memory_space<vmem>>
      %dma_start3A_261 = arith.constant 0 : i32
      %dma_start3A_262 = tpu.memref_slice %arg2[%squeeze3A_258, %dma_start3A_261] : memref<100000x50xf32, #tpu.memory_space<hbm>> -> memref<1x50xf32, #tpu.memory_space<hbm>>
      %dma_start3A_263 = arith.constant 0 : i32
      %dma_start3A_264 = tpu.memref_slice %arg14[%add3A_256, %dma_start3A_263] : memref<512x50xf32, #tpu.memory_space<vmem>> -> memref<1x50xf32, #tpu.memory_space<vmem>>
      %dma_start3A_265 = arith.constant 0 : i32
      %dma_start3A_266 = tpu.memref_slice %arg2[%squeeze3A_258, %dma_start3A_265] : memref<100000x50xf32, #tpu.memory_space<hbm>> -> memref<1x50xf32, #tpu.memory_space<hbm>>
      tpu.enqueue_dma source(%dma_start3A_266 : memref<1x50xf32, #tpu.memory_space<hbm>>) target(%dma_start3A_264 : memref<1x50xf32, #tpu.memory_space<vmem>>) target_semaphore(%arg15 : memref<!tpu.dma_semaphore, #tpu.memory_space<semaphore_mem>>)
      %scan3A_267 = arith.constant 0 : i32
      scf.yield %scan3A_267 : i32
    }
    %scan3A_8 = arith.constant 32 : i32
    %dma_wait3A = arith.constant 0 : i32
    %dma_wait3A_9 = arith.constant 0 : i32
    %dma_wait3A_10 = tpu.memref_slice %arg2[%dma_wait3A, %dma_wait3A_9] : memref<100000x50xf32, #tpu.memory_space<hbm>> -> memref<512x50xf32, #tpu.memory_space<hbm>>
    %dma_wait3A_11 = arith.constant 0 : i32
    %dma_wait3A_12 = arith.constant 0 : i32
    %dma_wait3A_13 = tpu.memref_slice %arg2[%dma_wait3A_11, %dma_wait3A_12] : memref<100000x50xf32, #tpu.memory_space<hbm>> -> memref<512x50xf32, #tpu.memory_space<hbm>>
    tpu.wait_dma2 semaphore(%arg15 : memref<!tpu.dma_semaphore, #tpu.memory_space<semaphore_mem>>) src(%dma_wait3A_13 : memref<512x50xf32, #tpu.memory_space<hbm>>) dst(%arg14 : memref<512x50xf32, #tpu.memory_space<vmem>>)
    "tpu.region"() ({
      %run_scoped3A = tpu.sem_alloc : memref<!tpu.dma_semaphore, #tpu.memory_space<semaphore_mem>>
      %dma_start3A = arith.constant 0 : i32
      %dma_start3A_40 = tpu.memref_slice %arg8[%mul3A_2, %dma_start3A] : memref<16384x50xf32, #tpu.memory_space<hbm>> -> memref<512x50xf32, #tpu.memory_space<hbm>>
      %dma_start3A_41 = arith.constant 0 : i32
      %dma_start3A_42 = tpu.memref_slice %arg8[%mul3A_2, %dma_start3A_41] : memref<16384x50xf32, #tpu.memory_space<hbm>> -> memref<512x50xf32, #tpu.memory_space<hbm>>
      tpu.enqueue_dma source(%arg14 : memref<512x50xf32, #tpu.memory_space<vmem>>) target(%dma_start3A_42 : memref<512x50xf32, #tpu.memory_space<hbm>>) target_semaphore(%run_scoped3A : memref<!tpu.dma_semaphore, #tpu.memory_space<semaphore_mem>>)
      %dma_wait3A_43 = arith.constant 0 : i32
      %dma_wait3A_44 = tpu.memref_slice %arg8[%mul3A_2, %dma_wait3A_43] : memref<16384x50xf32, #tpu.memory_space<hbm>> -> memref<512x50xf32, #tpu.memory_space<hbm>>
      %dma_wait3A_45 = arith.constant 0 : i32
      %dma_wait3A_46 = tpu.memref_slice %arg8[%mul3A_2, %dma_wait3A_45] : memref<16384x50xf32, #tpu.memory_space<hbm>> -> memref<512x50xf32, #tpu.memory_space<hbm>>
      tpu.wait_dma2 semaphore(%run_scoped3A : memref<!tpu.dma_semaphore, #tpu.memory_space<semaphore_mem>>) src(%arg14 : memref<512x50xf32, #tpu.memory_space<vmem>>) dst(%dma_wait3A_46 : memref<512x50xf32, #tpu.memory_space<hbm>>)
      tpu.yield
    }) : () -> ()
    %scan3A_14 = arith.constant 0 : i32
    %scan3A_15 = arith.constant 0 : i32
    %scan3A_16 = arith.constant 32 : i32
    %scan3A_17 = arith.addi %scan3A_15, %scan3A_16 : i32
    %scan3A_18 = arith.constant 1 : i32
    %scan3A_19 = scf.for %scan3A_40 = %scan3A_15 to %scan3A_17 step %scan3A_18 iter_args(%scan3A_41 = %scan3A_14) -> (i32)  : i32 {
      %mul3A_42 = arith.constant 16 : i32
      %mul3A_43 = arith.muli %scan3A_40, %mul3A_42 : i32
      %get3A = arith.index_cast %mul3A_43 : i32 to index
      %get3A_44 = tpu.vector_load %arg12[%get3A] {strides = array<i32>} : memref<512xi32, #tpu.memory_space<vmem>>, vector<16xi32>,
      %get3A_45 = vector.shape_cast %get3A_44 : vector<16xi32> to vector<16xi32>
      %mul3A_46 = arith.constant 16 : i32
      %mul3A_47 = arith.muli %scan3A_40, %mul3A_46 : i32
      %add3A_48 = arith.constant 0 : i32
      %add3A_49 = arith.addi %mul3A_47, %add3A_48 : i32
      %slice3A = vector.extract_strided_slice %get3A_45 {offsets = [0], sizes = [1], strides = [1]} : vector<16xi32> to vector<1xi32>
      %squeeze3A = vector.extract %slice3A[0] : i32 from vector<1xi32>
      %dma_start3A = arith.constant 0 : i32
      %dma_start3A_50 = tpu.memref_slice %arg14[%add3A_49, %dma_start3A] : memref<512x50xf32, #tpu.memory_space<vmem>> -> memref<1x50xf32, #tpu.memory_space<vmem>>
      %dma_start3A_51 = arith.constant 0 : i32
      %dma_start3A_52 = tpu.memref_slice %arg3[%squeeze3A, %dma_start3A_51] : memref<100000x50xf32, #tpu.memory_space<hbm>> -> memref<1x50xf32, #tpu.memory_space<hbm>>
      %dma_start3A_53 = arith.constant 0 : i32
      %dma_start3A_54 = tpu.memref_slice %arg14[%add3A_49, %dma_start3A_53] : memref<512x50xf32, #tpu.memory_space<vmem>> -> memref<1x50xf32, #tpu.memory_space<vmem>>
      %dma_start3A_55 = arith.constant 0 : i32
      %dma_start3A_56 = tpu.memref_slice %arg3[%squeeze3A, %dma_start3A_55] : memref<100000x50xf32, #tpu.memory_space<hbm>> -> memref<1x50xf32, #tpu.memory_space<hbm>>
      tpu.enqueue_dma source(%dma_start3A_56 : memref<1x50xf32, #tpu.memory_space<hbm>>) target(%dma_start3A_54 : memref<1x50xf32, #tpu.memory_space<vmem>>) target_semaphore(%arg15 : memref<!tpu.dma_semaphore, #tpu.memory_space<semaphore_mem>>)
      %mul3A_57 = arith.constant 16 : i32
      %mul3A_58 = arith.muli %scan3A_40, %mul3A_57 : i32
      %add3A_59 = arith.constant 1 : i32
      %add3A_60 = arith.addi %mul3A_58, %add3A_59 : i32
      %slice3A_61 = vector.extract_strided_slice %get3A_45 {offsets = [1], sizes = [1], strides = [1]} : vector<16xi32> to vector<1xi32>
      %squeeze3A_62 = vector.extract %slice3A_61[0] : i32 from vector<1xi32>
      %dma_start3A_63 = arith.constant 0 : i32
      %dma_start3A_64 = tpu.memref_slice %arg14[%add3A_60, %dma_start3A_63] : memref<512x50xf32, #tpu.memory_space<vmem>> -> memref<1x50xf32, #tpu.memory_space<vmem>>
      %dma_start3A_65 = arith.constant 0 : i32
      %dma_start3A_66 = tpu.memref_slice %arg3[%squeeze3A_62, %dma_start3A_65] : memref<100000x50xf32, #tpu.memory_space<hbm>> -> memref<1x50xf32, #tpu.memory_space<hbm>>
      %dma_start3A_67 = arith.constant 0 : i32
      %dma_start3A_68 = tpu.memref_slice %arg14[%add3A_60, %dma_start3A_67] : memref<512x50xf32, #tpu.memory_space<vmem>> -> memref<1x50xf32, #tpu.memory_space<vmem>>
      %dma_start3A_69 = arith.constant 0 : i32
      %dma_start3A_70 = tpu.memref_slice %arg3[%squeeze3A_62, %dma_start3A_69] : memref<100000x50xf32, #tpu.memory_space<hbm>> -> memref<1x50xf32, #tpu.memory_space<hbm>>
      tpu.enqueue_dma source(%dma_start3A_70 : memref<1x50xf32, #tpu.memory_space<hbm>>) target(%dma_start3A_68 : memref<1x50xf32, #tpu.memory_space<vmem>>) target_semaphore(%arg15 : memref<!tpu.dma_semaphore, #tpu.memory_space<semaphore_mem>>)
      %mul3A_71 = arith.constant 16 : i32
      %mul3A_72 = arith.muli %scan3A_40, %mul3A_71 : i32
      %add3A_73 = arith.constant 2 : i32
      %add3A_74 = arith.addi %mul3A_72, %add3A_73 : i32
      %slice3A_75 = vector.extract_strided_slice %get3A_45 {offsets = [2], sizes = [1], strides = [1]} : vector<16xi32> to vector<1xi32>
      %squeeze3A_76 = vector.extract %slice3A_75[0] : i32 from vector<1xi32>
      %dma_start3A_77 = arith.constant 0 : i32
      %dma_start3A_78 = tpu.memref_slice %arg14[%add3A_74, %dma_start3A_77] : memref<512x50xf32, #tpu.memory_space<vmem>> -> memref<1x50xf32, #tpu.memory_space<vmem>>
      %dma_start3A_79 = arith.constant 0 : i32
      %dma_start3A_80 = tpu.memref_slice %arg3[%squeeze3A_76, %dma_start3A_79] : memref<100000x50xf32, #tpu.memory_space<hbm>> -> memref<1x50xf32, #tpu.memory_space<hbm>>
      %dma_start3A_81 = arith.constant 0 : i32
      %dma_start3A_82 = tpu.memref_slice %arg14[%add3A_74, %dma_start3A_81] : memref<512x50xf32, #tpu.memory_space<vmem>> -> memref<1x50xf32, #tpu.memory_space<vmem>>
      %dma_start3A_83 = arith.constant 0 : i32
      %dma_start3A_84 = tpu.memref_slice %arg3[%squeeze3A_76, %dma_start3A_83] : memref<100000x50xf32, #tpu.memory_space<hbm>> -> memref<1x50xf32, #tpu.memory_space<hbm>>
      tpu.enqueue_dma source(%dma_start3A_84 : memref<1x50xf32, #tpu.memory_space<hbm>>) target(%dma_start3A_82 : memref<1x50xf32, #tpu.memory_space<vmem>>) target_semaphore(%arg15 : memref<!tpu.dma_semaphore, #tpu.memory_space<semaphore_mem>>)
      %mul3A_85 = arith.constant 16 : i32
      %mul3A_86 = arith.muli %scan3A_40, %mul3A_85 : i32
      %add3A_87 = arith.constant 3 : i32
      %add3A_88 = arith.addi %mul3A_86, %add3A_87 : i32
      %slice3A_89 = vector.extract_strided_slice %get3A_45 {offsets = [3], sizes = [1], strides = [1]} : vector<16xi32> to vector<1xi32>
      %squeeze3A_90 = vector.extract %slice3A_89[0] : i32 from vector<1xi32>
      %dma_start3A_91 = arith.constant 0 : i32
      %dma_start3A_92 = tpu.memref_slice %arg14[%add3A_88, %dma_start3A_91] : memref<512x50xf32, #tpu.memory_space<vmem>> -> memref<1x50xf32, #tpu.memory_space<vmem>>
      %dma_start3A_93 = arith.constant 0 : i32
      %dma_start3A_94 = tpu.memref_slice %arg3[%squeeze3A_90, %dma_start3A_93] : memref<100000x50xf32, #tpu.memory_space<hbm>> -> memref<1x50xf32, #tpu.memory_space<hbm>>
      %dma_start3A_95 = arith.constant 0 : i32
      %dma_start3A_96 = tpu.memref_slice %arg14[%add3A_88, %dma_start3A_95] : memref<512x50xf32, #tpu.memory_space<vmem>> -> memref<1x50xf32, #tpu.memory_space<vmem>>
      %dma_start3A_97 = arith.constant 0 : i32
      %dma_start3A_98 = tpu.memref_slice %arg3[%squeeze3A_90, %dma_start3A_97] : memref<100000x50xf32, #tpu.memory_space<hbm>> -> memref<1x50xf32, #tpu.memory_space<hbm>>
      tpu.enqueue_dma source(%dma_start3A_98 : memref<1x50xf32, #tpu.memory_space<hbm>>) target(%dma_start3A_96 : memref<1x50xf32, #tpu.memory_space<vmem>>) target_semaphore(%arg15 : memref<!tpu.dma_semaphore, #tpu.memory_space<semaphore_mem>>)
      %mul3A_99 = arith.constant 16 : i32
      %mul3A_100 = arith.muli %scan3A_40, %mul3A_99 : i32
      %add3A_101 = arith.constant 4 : i32
      %add3A_102 = arith.addi %mul3A_100, %add3A_101 : i32
      %slice3A_103 = vector.extract_strided_slice %get3A_45 {offsets = [4], sizes = [1], strides = [1]} : vector<16xi32> to vector<1xi32>
      %squeeze3A_104 = vector.extract %slice3A_103[0] : i32 from vector<1xi32>
      %dma_start3A_105 = arith.constant 0 : i32
      %dma_start3A_106 = tpu.memref_slice %arg14[%add3A_102, %dma_start3A_105] : memref<512x50xf32, #tpu.memory_space<vmem>> -> memref<1x50xf32, #tpu.memory_space<vmem>>
      %dma_start3A_107 = arith.constant 0 : i32
      %dma_start3A_108 = tpu.memref_slice %arg3[%squeeze3A_104, %dma_start3A_107] : memref<100000x50xf32, #tpu.memory_space<hbm>> -> memref<1x50xf32, #tpu.memory_space<hbm>>
      %dma_start3A_109 = arith.constant 0 : i32
      %dma_start3A_110 = tpu.memref_slice %arg14[%add3A_102, %dma_start3A_109] : memref<512x50xf32, #tpu.memory_space<vmem>> -> memref<1x50xf32, #tpu.memory_space<vmem>>
      %dma_start3A_111 = arith.constant 0 : i32
      %dma_start3A_112 = tpu.memref_slice %arg3[%squeeze3A_104, %dma_start3A_111] : memref<100000x50xf32, #tpu.memory_space<hbm>> -> memref<1x50xf32, #tpu.memory_space<hbm>>
      tpu.enqueue_dma source(%dma_start3A_112 : memref<1x50xf32, #tpu.memory_space<hbm>>) target(%dma_start3A_110 : memref<1x50xf32, #tpu.memory_space<vmem>>) target_semaphore(%arg15 : memref<!tpu.dma_semaphore, #tpu.memory_space<semaphore_mem>>)
      %mul3A_113 = arith.constant 16 : i32
      %mul3A_114 = arith.muli %scan3A_40, %mul3A_113 : i32
      %add3A_115 = arith.constant 5 : i32
      %add3A_116 = arith.addi %mul3A_114, %add3A_115 : i32
      %slice3A_117 = vector.extract_strided_slice %get3A_45 {offsets = [5], sizes = [1], strides = [1]} : vector<16xi32> to vector<1xi32>
      %squeeze3A_118 = vector.extract %slice3A_117[0] : i32 from vector<1xi32>
      %dma_start3A_119 = arith.constant 0 : i32
      %dma_start3A_120 = tpu.memref_slice %arg14[%add3A_116, %dma_start3A_119] : memref<512x50xf32, #tpu.memory_space<vmem>> -> memref<1x50xf32, #tpu.memory_space<vmem>>
      %dma_start3A_121 = arith.constant 0 : i32
      %dma_start3A_122 = tpu.memref_slice %arg3[%squeeze3A_118, %dma_start3A_121] : memref<100000x50xf32, #tpu.memory_space<hbm>> -> memref<1x50xf32, #tpu.memory_space<hbm>>
      %dma_start3A_123 = arith.constant 0 : i32
      %dma_start3A_124 = tpu.memref_slice %arg14[%add3A_116, %dma_start3A_123] : memref<512x50xf32, #tpu.memory_space<vmem>> -> memref<1x50xf32, #tpu.memory_space<vmem>>
      %dma_start3A_125 = arith.constant 0 : i32
      %dma_start3A_126 = tpu.memref_slice %arg3[%squeeze3A_118, %dma_start3A_125] : memref<100000x50xf32, #tpu.memory_space<hbm>> -> memref<1x50xf32, #tpu.memory_space<hbm>>
      tpu.enqueue_dma source(%dma_start3A_126 : memref<1x50xf32, #tpu.memory_space<hbm>>) target(%dma_start3A_124 : memref<1x50xf32, #tpu.memory_space<vmem>>) target_semaphore(%arg15 : memref<!tpu.dma_semaphore, #tpu.memory_space<semaphore_mem>>)
      %mul3A_127 = arith.constant 16 : i32
      %mul3A_128 = arith.muli %scan3A_40, %mul3A_127 : i32
      %add3A_129 = arith.constant 6 : i32
      %add3A_130 = arith.addi %mul3A_128, %add3A_129 : i32
      %slice3A_131 = vector.extract_strided_slice %get3A_45 {offsets = [6], sizes = [1], strides = [1]} : vector<16xi32> to vector<1xi32>
      %squeeze3A_132 = vector.extract %slice3A_131[0] : i32 from vector<1xi32>
      %dma_start3A_133 = arith.constant 0 : i32
      %dma_start3A_134 = tpu.memref_slice %arg14[%add3A_130, %dma_start3A_133] : memref<512x50xf32, #tpu.memory_space<vmem>> -> memref<1x50xf32, #tpu.memory_space<vmem>>
      %dma_start3A_135 = arith.constant 0 : i32
      %dma_start3A_136 = tpu.memref_slice %arg3[%squeeze3A_132, %dma_start3A_135] : memref<100000x50xf32, #tpu.memory_space<hbm>> -> memref<1x50xf32, #tpu.memory_space<hbm>>
      %dma_start3A_137 = arith.constant 0 : i32
      %dma_start3A_138 = tpu.memref_slice %arg14[%add3A_130, %dma_start3A_137] : memref<512x50xf32, #tpu.memory_space<vmem>> -> memref<1x50xf32, #tpu.memory_space<vmem>>
      %dma_start3A_139 = arith.constant 0 : i32
      %dma_start3A_140 = tpu.memref_slice %arg3[%squeeze3A_132, %dma_start3A_139] : memref<100000x50xf32, #tpu.memory_space<hbm>> -> memref<1x50xf32, #tpu.memory_space<hbm>>
      tpu.enqueue_dma source(%dma_start3A_140 : memref<1x50xf32, #tpu.memory_space<hbm>>) target(%dma_start3A_138 : memref<1x50xf32, #tpu.memory_space<vmem>>) target_semaphore(%arg15 : memref<!tpu.dma_semaphore, #tpu.memory_space<semaphore_mem>>)
      %mul3A_141 = arith.constant 16 : i32
      %mul3A_142 = arith.muli %scan3A_40, %mul3A_141 : i32
      %add3A_143 = arith.constant 7 : i32
      %add3A_144 = arith.addi %mul3A_142, %add3A_143 : i32
      %slice3A_145 = vector.extract_strided_slice %get3A_45 {offsets = [7], sizes = [1], strides = [1]} : vector<16xi32> to vector<1xi32>
      %squeeze3A_146 = vector.extract %slice3A_145[0] : i32 from vector<1xi32>
      %dma_start3A_147 = arith.constant 0 : i32
      %dma_start3A_148 = tpu.memref_slice %arg14[%add3A_144, %dma_start3A_147] : memref<512x50xf32, #tpu.memory_space<vmem>> -> memref<1x50xf32, #tpu.memory_space<vmem>>
      %dma_start3A_149 = arith.constant 0 : i32
      %dma_start3A_150 = tpu.memref_slice %arg3[%squeeze3A_146, %dma_start3A_149] : memref<100000x50xf32, #tpu.memory_space<hbm>> -> memref<1x50xf32, #tpu.memory_space<hbm>>
      %dma_start3A_151 = arith.constant 0 : i32
      %dma_start3A_152 = tpu.memref_slice %arg14[%add3A_144, %dma_start3A_151] : memref<512x50xf32, #tpu.memory_space<vmem>> -> memref<1x50xf32, #tpu.memory_space<vmem>>
      %dma_start3A_153 = arith.constant 0 : i32
      %dma_start3A_154 = tpu.memref_slice %arg3[%squeeze3A_146, %dma_start3A_153] : memref<100000x50xf32, #tpu.memory_space<hbm>> -> memref<1x50xf32, #tpu.memory_space<hbm>>
      tpu.enqueue_dma source(%dma_start3A_154 : memref<1x50xf32, #tpu.memory_space<hbm>>) target(%dma_start3A_152 : memref<1x50xf32, #tpu.memory_space<vmem>>) target_semaphore(%arg15 : memref<!tpu.dma_semaphore, #tpu.memory_space<semaphore_mem>>)
      %mul3A_155 = arith.constant 16 : i32
      %mul3A_156 = arith.muli %scan3A_40, %mul3A_155 : i32
      %add3A_157 = arith.constant 8 : i32
      %add3A_158 = arith.addi %mul3A_156, %add3A_157 : i32
      %slice3A_159 = vector.extract_strided_slice %get3A_45 {offsets = [8], sizes = [1], strides = [1]} : vector<16xi32> to vector<1xi32>
      %squeeze3A_160 = vector.extract %slice3A_159[0] : i32 from vector<1xi32>
      %dma_start3A_161 = arith.constant 0 : i32
      %dma_start3A_162 = tpu.memref_slice %arg14[%add3A_158, %dma_start3A_161] : memref<512x50xf32, #tpu.memory_space<vmem>> -> memref<1x50xf32, #tpu.memory_space<vmem>>
      %dma_start3A_163 = arith.constant 0 : i32
      %dma_start3A_164 = tpu.memref_slice %arg3[%squeeze3A_160, %dma_start3A_163] : memref<100000x50xf32, #tpu.memory_space<hbm>> -> memref<1x50xf32, #tpu.memory_space<hbm>>
      %dma_start3A_165 = arith.constant 0 : i32
      %dma_start3A_166 = tpu.memref_slice %arg14[%add3A_158, %dma_start3A_165] : memref<512x50xf32, #tpu.memory_space<vmem>> -> memref<1x50xf32, #tpu.memory_space<vmem>>
      %dma_start3A_167 = arith.constant 0 : i32
      %dma_start3A_168 = tpu.memref_slice %arg3[%squeeze3A_160, %dma_start3A_167] : memref<100000x50xf32, #tpu.memory_space<hbm>> -> memref<1x50xf32, #tpu.memory_space<hbm>>
      tpu.enqueue_dma source(%dma_start3A_168 : memref<1x50xf32, #tpu.memory_space<hbm>>) target(%dma_start3A_166 : memref<1x50xf32, #tpu.memory_space<vmem>>) target_semaphore(%arg15 : memref<!tpu.dma_semaphore, #tpu.memory_space<semaphore_mem>>)
      %mul3A_169 = arith.constant 16 : i32
      %mul3A_170 = arith.muli %scan3A_40, %mul3A_169 : i32
      %add3A_171 = arith.constant 9 : i32
      %add3A_172 = arith.addi %mul3A_170, %add3A_171 : i32
      %slice3A_173 = vector.extract_strided_slice %get3A_45 {offsets = [9], sizes = [1], strides = [1]} : vector<16xi32> to vector<1xi32>
      %squeeze3A_174 = vector.extract %slice3A_173[0] : i32 from vector<1xi32>
      %dma_start3A_175 = arith.constant 0 : i32
      %dma_start3A_176 = tpu.memref_slice %arg14[%add3A_172, %dma_start3A_175] : memref<512x50xf32, #tpu.memory_space<vmem>> -> memref<1x50xf32, #tpu.memory_space<vmem>>
      %dma_start3A_177 = arith.constant 0 : i32
      %dma_start3A_178 = tpu.memref_slice %arg3[%squeeze3A_174, %dma_start3A_177] : memref<100000x50xf32, #tpu.memory_space<hbm>> -> memref<1x50xf32, #tpu.memory_space<hbm>>
      %dma_start3A_179 = arith.constant 0 : i32
      %dma_start3A_180 = tpu.memref_slice %arg14[%add3A_172, %dma_start3A_179] : memref<512x50xf32, #tpu.memory_space<vmem>> -> memref<1x50xf32, #tpu.memory_space<vmem>>
      %dma_start3A_181 = arith.constant 0 : i32
      %dma_start3A_182 = tpu.memref_slice %arg3[%squeeze3A_174, %dma_start3A_181] : memref<100000x50xf32, #tpu.memory_space<hbm>> -> memref<1x50xf32, #tpu.memory_space<hbm>>
      tpu.enqueue_dma source(%dma_start3A_182 : memref<1x50xf32, #tpu.memory_space<hbm>>) target(%dma_start3A_180 : memref<1x50xf32, #tpu.memory_space<vmem>>) target_semaphore(%arg15 : memref<!tpu.dma_semaphore, #tpu.memory_space<semaphore_mem>>)
      %mul3A_183 = arith.constant 16 : i32
      %mul3A_184 = arith.muli %scan3A_40, %mul3A_183 : i32
      %add3A_185 = arith.constant 10 : i32
      %add3A_186 = arith.addi %mul3A_184, %add3A_185 : i32
      %slice3A_187 = vector.extract_strided_slice %get3A_45 {offsets = [10], sizes = [1], strides = [1]} : vector<16xi32> to vector<1xi32>
      %squeeze3A_188 = vector.extract %slice3A_187[0] : i32 from vector<1xi32>
      %dma_start3A_189 = arith.constant 0 : i32
      %dma_start3A_190 = tpu.memref_slice %arg14[%add3A_186, %dma_start3A_189] : memref<512x50xf32, #tpu.memory_space<vmem>> -> memref<1x50xf32, #tpu.memory_space<vmem>>
      %dma_start3A_191 = arith.constant 0 : i32
      %dma_start3A_192 = tpu.memref_slice %arg3[%squeeze3A_188, %dma_start3A_191] : memref<100000x50xf32, #tpu.memory_space<hbm>> -> memref<1x50xf32, #tpu.memory_space<hbm>>
      %dma_start3A_193 = arith.constant 0 : i32
      %dma_start3A_194 = tpu.memref_slice %arg14[%add3A_186, %dma_start3A_193] : memref<512x50xf32, #tpu.memory_space<vmem>> -> memref<1x50xf32, #tpu.memory_space<vmem>>
      %dma_start3A_195 = arith.constant 0 : i32
      %dma_start3A_196 = tpu.memref_slice %arg3[%squeeze3A_188, %dma_start3A_195] : memref<100000x50xf32, #tpu.memory_space<hbm>> -> memref<1x50xf32, #tpu.memory_space<hbm>>
      tpu.enqueue_dma source(%dma_start3A_196 : memref<1x50xf32, #tpu.memory_space<hbm>>) target(%dma_start3A_194 : memref<1x50xf32, #tpu.memory_space<vmem>>) target_semaphore(%arg15 : memref<!tpu.dma_semaphore, #tpu.memory_space<semaphore_mem>>)
      %mul3A_197 = arith.constant 16 : i32
      %mul3A_198 = arith.muli %scan3A_40, %mul3A_197 : i32
      %add3A_199 = arith.constant 11 : i32
      %add3A_200 = arith.addi %mul3A_198, %add3A_199 : i32
      %slice3A_201 = vector.extract_strided_slice %get3A_45 {offsets = [11], sizes = [1], strides = [1]} : vector<16xi32> to vector<1xi32>
      %squeeze3A_202 = vector.extract %slice3A_201[0] : i32 from vector<1xi32>
      %dma_start3A_203 = arith.constant 0 : i32
      %dma_start3A_204 = tpu.memref_slice %arg14[%add3A_200, %dma_start3A_203] : memref<512x50xf32, #tpu.memory_space<vmem>> -> memref<1x50xf32, #tpu.memory_space<vmem>>
      %dma_start3A_205 = arith.constant 0 : i32
      %dma_start3A_206 = tpu.memref_slice %arg3[%squeeze3A_202, %dma_start3A_205] : memref<100000x50xf32, #tpu.memory_space<hbm>> -> memref<1x50xf32, #tpu.memory_space<hbm>>
      %dma_start3A_207 = arith.constant 0 : i32
      %dma_start3A_208 = tpu.memref_slice %arg14[%add3A_200, %dma_start3A_207] : memref<512x50xf32, #tpu.memory_space<vmem>> -> memref<1x50xf32, #tpu.memory_space<vmem>>
      %dma_start3A_209 = arith.constant 0 : i32
      %dma_start3A_210 = tpu.memref_slice %arg3[%squeeze3A_202, %dma_start3A_209] : memref<100000x50xf32, #tpu.memory_space<hbm>> -> memref<1x50xf32, #tpu.memory_space<hbm>>
      tpu.enqueue_dma source(%dma_start3A_210 : memref<1x50xf32, #tpu.memory_space<hbm>>) target(%dma_start3A_208 : memref<1x50xf32, #tpu.memory_space<vmem>>) target_semaphore(%arg15 : memref<!tpu.dma_semaphore, #tpu.memory_space<semaphore_mem>>)
      %mul3A_211 = arith.constant 16 : i32
      %mul3A_212 = arith.muli %scan3A_40, %mul3A_211 : i32
      %add3A_213 = arith.constant 12 : i32
      %add3A_214 = arith.addi %mul3A_212, %add3A_213 : i32
      %slice3A_215 = vector.extract_strided_slice %get3A_45 {offsets = [12], sizes = [1], strides = [1]} : vector<16xi32> to vector<1xi32>
      %squeeze3A_216 = vector.extract %slice3A_215[0] : i32 from vector<1xi32>
      %dma_start3A_217 = arith.constant 0 : i32
      %dma_start3A_218 = tpu.memref_slice %arg14[%add3A_214, %dma_start3A_217] : memref<512x50xf32, #tpu.memory_space<vmem>> -> memref<1x50xf32, #tpu.memory_space<vmem>>
      %dma_start3A_219 = arith.constant 0 : i32
      %dma_start3A_220 = tpu.memref_slice %arg3[%squeeze3A_216, %dma_start3A_219] : memref<100000x50xf32, #tpu.memory_space<hbm>> -> memref<1x50xf32, #tpu.memory_space<hbm>>
      %dma_start3A_221 = arith.constant 0 : i32
      %dma_start3A_222 = tpu.memref_slice %arg14[%add3A_214, %dma_start3A_221] : memref<512x50xf32, #tpu.memory_space<vmem>> -> memref<1x50xf32, #tpu.memory_space<vmem>>
      %dma_start3A_223 = arith.constant 0 : i32
      %dma_start3A_224 = tpu.memref_slice %arg3[%squeeze3A_216, %dma_start3A_223] : memref<100000x50xf32, #tpu.memory_space<hbm>> -> memref<1x50xf32, #tpu.memory_space<hbm>>
      tpu.enqueue_dma source(%dma_start3A_224 : memref<1x50xf32, #tpu.memory_space<hbm>>) target(%dma_start3A_222 : memref<1x50xf32, #tpu.memory_space<vmem>>) target_semaphore(%arg15 : memref<!tpu.dma_semaphore, #tpu.memory_space<semaphore_mem>>)
      %mul3A_225 = arith.constant 16 : i32
      %mul3A_226 = arith.muli %scan3A_40, %mul3A_225 : i32
      %add3A_227 = arith.constant 13 : i32
      %add3A_228 = arith.addi %mul3A_226, %add3A_227 : i32
      %slice3A_229 = vector.extract_strided_slice %get3A_45 {offsets = [13], sizes = [1], strides = [1]} : vector<16xi32> to vector<1xi32>
      %squeeze3A_230 = vector.extract %slice3A_229[0] : i32 from vector<1xi32>
      %dma_start3A_231 = arith.constant 0 : i32
      %dma_start3A_232 = tpu.memref_slice %arg14[%add3A_228, %dma_start3A_231] : memref<512x50xf32, #tpu.memory_space<vmem>> -> memref<1x50xf32, #tpu.memory_space<vmem>>
      %dma_start3A_233 = arith.constant 0 : i32
      %dma_start3A_234 = tpu.memref_slice %arg3[%squeeze3A_230, %dma_start3A_233] : memref<100000x50xf32, #tpu.memory_space<hbm>> -> memref<1x50xf32, #tpu.memory_space<hbm>>
      %dma_start3A_235 = arith.constant 0 : i32
      %dma_start3A_236 = tpu.memref_slice %arg14[%add3A_228, %dma_start3A_235] : memref<512x50xf32, #tpu.memory_space<vmem>> -> memref<1x50xf32, #tpu.memory_space<vmem>>
      %dma_start3A_237 = arith.constant 0 : i32
      %dma_start3A_238 = tpu.memref_slice %arg3[%squeeze3A_230, %dma_start3A_237] : memref<100000x50xf32, #tpu.memory_space<hbm>> -> memref<1x50xf32, #tpu.memory_space<hbm>>
      tpu.enqueue_dma source(%dma_start3A_238 : memref<1x50xf32, #tpu.memory_space<hbm>>) target(%dma_start3A_236 : memref<1x50xf32, #tpu.memory_space<vmem>>) target_semaphore(%arg15 : memref<!tpu.dma_semaphore, #tpu.memory_space<semaphore_mem>>)
      %mul3A_239 = arith.constant 16 : i32
      %mul3A_240 = arith.muli %scan3A_40, %mul3A_239 : i32
      %add3A_241 = arith.constant 14 : i32
      %add3A_242 = arith.addi %mul3A_240, %add3A_241 : i32
      %slice3A_243 = vector.extract_strided_slice %get3A_45 {offsets = [14], sizes = [1], strides = [1]} : vector<16xi32> to vector<1xi32>
      %squeeze3A_244 = vector.extract %slice3A_243[0] : i32 from vector<1xi32>
      %dma_start3A_245 = arith.constant 0 : i32
      %dma_start3A_246 = tpu.memref_slice %arg14[%add3A_242, %dma_start3A_245] : memref<512x50xf32, #tpu.memory_space<vmem>> -> memref<1x50xf32, #tpu.memory_space<vmem>>
      %dma_start3A_247 = arith.constant 0 : i32
      %dma_start3A_248 = tpu.memref_slice %arg3[%squeeze3A_244, %dma_start3A_247] : memref<100000x50xf32, #tpu.memory_space<hbm>> -> memref<1x50xf32, #tpu.memory_space<hbm>>
      %dma_start3A_249 = arith.constant 0 : i32
      %dma_start3A_250 = tpu.memref_slice %arg14[%add3A_242, %dma_start3A_249] : memref<512x50xf32, #tpu.memory_space<vmem>> -> memref<1x50xf32, #tpu.memory_space<vmem>>
      %dma_start3A_251 = arith.constant 0 : i32
      %dma_start3A_252 = tpu.memref_slice %arg3[%squeeze3A_244, %dma_start3A_251] : memref<100000x50xf32, #tpu.memory_space<hbm>> -> memref<1x50xf32, #tpu.memory_space<hbm>>
      tpu.enqueue_dma source(%dma_start3A_252 : memref<1x50xf32, #tpu.memory_space<hbm>>) target(%dma_start3A_250 : memref<1x50xf32, #tpu.memory_space<vmem>>) target_semaphore(%arg15 : memref<!tpu.dma_semaphore, #tpu.memory_space<semaphore_mem>>)
      %mul3A_253 = arith.constant 16 : i32
      %mul3A_254 = arith.muli %scan3A_40, %mul3A_253 : i32
      %add3A_255 = arith.constant 15 : i32
      %add3A_256 = arith.addi %mul3A_254, %add3A_255 : i32
      %slice3A_257 = vector.extract_strided_slice %get3A_45 {offsets = [15], sizes = [1], strides = [1]} : vector<16xi32> to vector<1xi32>
      %squeeze3A_258 = vector.extract %slice3A_257[0] : i32 from vector<1xi32>
      %dma_start3A_259 = arith.constant 0 : i32
      %dma_start3A_260 = tpu.memref_slice %arg14[%add3A_256, %dma_start3A_259] : memref<512x50xf32, #tpu.memory_space<vmem>> -> memref<1x50xf32, #tpu.memory_space<vmem>>
      %dma_start3A_261 = arith.constant 0 : i32
      %dma_start3A_262 = tpu.memref_slice %arg3[%squeeze3A_258, %dma_start3A_261] : memref<100000x50xf32, #tpu.memory_space<hbm>> -> memref<1x50xf32, #tpu.memory_space<hbm>>
      %dma_start3A_263 = arith.constant 0 : i32
      %dma_start3A_264 = tpu.memref_slice %arg14[%add3A_256, %dma_start3A_263] : memref<512x50xf32, #tpu.memory_space<vmem>> -> memref<1x50xf32, #tpu.memory_space<vmem>>
      %dma_start3A_265 = arith.constant 0 : i32
      %dma_start3A_266 = tpu.memref_slice %arg3[%squeeze3A_258, %dma_start3A_265] : memref<100000x50xf32, #tpu.memory_space<hbm>> -> memref<1x50xf32, #tpu.memory_space<hbm>>
      tpu.enqueue_dma source(%dma_start3A_266 : memref<1x50xf32, #tpu.memory_space<hbm>>) target(%dma_start3A_264 : memref<1x50xf32, #tpu.memory_space<vmem>>) target_semaphore(%arg15 : memref<!tpu.dma_semaphore, #tpu.memory_space<semaphore_mem>>)
      %scan3A_267 = arith.constant 0 : i32
      scf.yield %scan3A_267 : i32
    }
    %scan3A_20 = arith.constant 32 : i32
    %dma_wait3A_21 = arith.constant 0 : i32
    %dma_wait3A_22 = arith.constant 0 : i32
    %dma_wait3A_23 = tpu.memref_slice %arg3[%dma_wait3A_21, %dma_wait3A_22] : memref<100000x50xf32, #tpu.memory_space<hbm>> -> memref<512x50xf32, #tpu.memory_space<hbm>>
    %dma_wait3A_24 = arith.constant 0 : i32
    %dma_wait3A_25 = arith.constant 0 : i32
    %dma_wait3A_26 = tpu.memref_slice %arg3[%dma_wait3A_24, %dma_wait3A_25] : memref<100000x50xf32, #tpu.memory_space<hbm>> -> memref<512x50xf32, #tpu.memory_space<hbm>>
    tpu.wait_dma2 semaphore(%arg15 : memref<!tpu.dma_semaphore, #tpu.memory_space<semaphore_mem>>) src(%dma_wait3A_26 : memref<512x50xf32, #tpu.memory_space<hbm>>) dst(%arg14 : memref<512x50xf32, #tpu.memory_space<vmem>>)
    "tpu.region"() ({
      %run_scoped3A = tpu.sem_alloc : memref<!tpu.dma_semaphore, #tpu.memory_space<semaphore_mem>>
      %dma_start3A = arith.constant 0 : i32
      %dma_start3A_40 = tpu.memref_slice %arg9[%mul3A_2, %dma_start3A] : memref<16384x50xf32, #tpu.memory_space<hbm>> -> memref<512x50xf32, #tpu.memory_space<hbm>>
      %dma_start3A_41 = arith.constant 0 : i32
      %dma_start3A_42 = tpu.memref_slice %arg9[%mul3A_2, %dma_start3A_41] : memref<16384x50xf32, #tpu.memory_space<hbm>> -> memref<512x50xf32, #tpu.memory_space<hbm>>
      tpu.enqueue_dma source(%arg14 : memref<512x50xf32, #tpu.memory_space<vmem>>) target(%dma_start3A_42 : memref<512x50xf32, #tpu.memory_space<hbm>>) target_semaphore(%run_scoped3A : memref<!tpu.dma_semaphore, #tpu.memory_space<semaphore_mem>>)
      %dma_wait3A_43 = arith.constant 0 : i32
      %dma_wait3A_44 = tpu.memref_slice %arg9[%mul3A_2, %dma_wait3A_43] : memref<16384x50xf32, #tpu.memory_space<hbm>> -> memref<512x50xf32, #tpu.memory_space<hbm>>
      %dma_wait3A_45 = arith.constant 0 : i32
      %dma_wait3A_46 = tpu.memref_slice %arg9[%mul3A_2, %dma_wait3A_45] : memref<16384x50xf32, #tpu.memory_space<hbm>> -> memref<512x50xf32, #tpu.memory_space<hbm>>
      tpu.wait_dma2 semaphore(%run_scoped3A : memref<!tpu.dma_semaphore, #tpu.memory_space<semaphore_mem>>) src(%arg14 : memref<512x50xf32, #tpu.memory_space<vmem>>) dst(%dma_wait3A_46 : memref<512x50xf32, #tpu.memory_space<hbm>>)
      tpu.yield
    }) : () -> ()
    %scan3A_27 = arith.constant 0 : i32
    %scan3A_28 = arith.constant 0 : i32
    %scan3A_29 = arith.constant 32 : i32
    %scan3A_30 = arith.addi %scan3A_28, %scan3A_29 : i32
    %scan3A_31 = arith.constant 1 : i32
    %scan3A_32 = scf.for %scan3A_40 = %scan3A_28 to %scan3A_30 step %scan3A_31 iter_args(%scan3A_41 = %scan3A_27) -> (i32)  : i32 {
      %mul3A_42 = arith.constant 16 : i32
      %mul3A_43 = arith.muli %scan3A_40, %mul3A_42 : i32
      %get3A = arith.index_cast %mul3A_43 : i32 to index
      %get3A_44 = tpu.vector_load %arg13[%get3A] {strides = array<i32>} : memref<512xi32, #tpu.memory_space<vmem>>, vector<16xi32>,
      %get3A_45 = vector.shape_cast %get3A_44 : vector<16xi32> to vector<16xi32>
      %mul3A_46 = arith.constant 16 : i32
      %mul3A_47 = arith.muli %scan3A_40, %mul3A_46 : i32
      %add3A_48 = arith.constant 0 : i32
      %add3A_49 = arith.addi %mul3A_47, %add3A_48 : i32
      %slice3A = vector.extract_strided_slice %get3A_45 {offsets = [0], sizes = [1], strides = [1]} : vector<16xi32> to vector<1xi32>
      %squeeze3A = vector.extract %slice3A[0] : i32 from vector<1xi32>
      %dma_start3A = arith.constant 0 : i32
      %dma_start3A_50 = tpu.memref_slice %arg14[%add3A_49, %dma_start3A] : memref<512x50xf32, #tpu.memory_space<vmem>> -> memref<1x50xf32, #tpu.memory_space<vmem>>
      %dma_start3A_51 = arith.constant 0 : i32
      %dma_start3A_52 = tpu.memref_slice %arg4[%squeeze3A, %dma_start3A_51] : memref<1000x50xf32, #tpu.memory_space<hbm>> -> memref<1x50xf32, #tpu.memory_space<hbm>>
      %dma_start3A_53 = arith.constant 0 : i32
      %dma_start3A_54 = tpu.memref_slice %arg14[%add3A_49, %dma_start3A_53] : memref<512x50xf32, #tpu.memory_space<vmem>> -> memref<1x50xf32, #tpu.memory_space<vmem>>
      %dma_start3A_55 = arith.constant 0 : i32
      %dma_start3A_56 = tpu.memref_slice %arg4[%squeeze3A, %dma_start3A_55] : memref<1000x50xf32, #tpu.memory_space<hbm>> -> memref<1x50xf32, #tpu.memory_space<hbm>>
      tpu.enqueue_dma source(%dma_start3A_56 : memref<1x50xf32, #tpu.memory_space<hbm>>) target(%dma_start3A_54 : memref<1x50xf32, #tpu.memory_space<vmem>>) target_semaphore(%arg15 : memref<!tpu.dma_semaphore, #tpu.memory_space<semaphore_mem>>)
      %mul3A_57 = arith.constant 16 : i32
      %mul3A_58 = arith.muli %scan3A_40, %mul3A_57 : i32
      %add3A_59 = arith.constant 1 : i32
      %add3A_60 = arith.addi %mul3A_58, %add3A_59 : i32
      %slice3A_61 = vector.extract_strided_slice %get3A_45 {offsets = [1], sizes = [1], strides = [1]} : vector<16xi32> to vector<1xi32>
      %squeeze3A_62 = vector.extract %slice3A_61[0] : i32 from vector<1xi32>
      %dma_start3A_63 = arith.constant 0 : i32
      %dma_start3A_64 = tpu.memref_slice %arg14[%add3A_60, %dma_start3A_63] : memref<512x50xf32, #tpu.memory_space<vmem>> -> memref<1x50xf32, #tpu.memory_space<vmem>>
      %dma_start3A_65 = arith.constant 0 : i32
      %dma_start3A_66 = tpu.memref_slice %arg4[%squeeze3A_62, %dma_start3A_65] : memref<1000x50xf32, #tpu.memory_space<hbm>> -> memref<1x50xf32, #tpu.memory_space<hbm>>
      %dma_start3A_67 = arith.constant 0 : i32
      %dma_start3A_68 = tpu.memref_slice %arg14[%add3A_60, %dma_start3A_67] : memref<512x50xf32, #tpu.memory_space<vmem>> -> memref<1x50xf32, #tpu.memory_space<vmem>>
      %dma_start3A_69 = arith.constant 0 : i32
      %dma_start3A_70 = tpu.memref_slice %arg4[%squeeze3A_62, %dma_start3A_69] : memref<1000x50xf32, #tpu.memory_space<hbm>> -> memref<1x50xf32, #tpu.memory_space<hbm>>
      tpu.enqueue_dma source(%dma_start3A_70 : memref<1x50xf32, #tpu.memory_space<hbm>>) target(%dma_start3A_68 : memref<1x50xf32, #tpu.memory_space<vmem>>) target_semaphore(%arg15 : memref<!tpu.dma_semaphore, #tpu.memory_space<semaphore_mem>>)
      %mul3A_71 = arith.constant 16 : i32
      %mul3A_72 = arith.muli %scan3A_40, %mul3A_71 : i32
      %add3A_73 = arith.constant 2 : i32
      %add3A_74 = arith.addi %mul3A_72, %add3A_73 : i32
      %slice3A_75 = vector.extract_strided_slice %get3A_45 {offsets = [2], sizes = [1], strides = [1]} : vector<16xi32> to vector<1xi32>
      %squeeze3A_76 = vector.extract %slice3A_75[0] : i32 from vector<1xi32>
      %dma_start3A_77 = arith.constant 0 : i32
      %dma_start3A_78 = tpu.memref_slice %arg14[%add3A_74, %dma_start3A_77] : memref<512x50xf32, #tpu.memory_space<vmem>> -> memref<1x50xf32, #tpu.memory_space<vmem>>
      %dma_start3A_79 = arith.constant 0 : i32
      %dma_start3A_80 = tpu.memref_slice %arg4[%squeeze3A_76, %dma_start3A_79] : memref<1000x50xf32, #tpu.memory_space<hbm>> -> memref<1x50xf32, #tpu.memory_space<hbm>>
      %dma_start3A_81 = arith.constant 0 : i32
      %dma_start3A_82 = tpu.memref_slice %arg14[%add3A_74, %dma_start3A_81] : memref<512x50xf32, #tpu.memory_space<vmem>> -> memref<1x50xf32, #tpu.memory_space<vmem>>
      %dma_start3A_83 = arith.constant 0 : i32
      %dma_start3A_84 = tpu.memref_slice %arg4[%squeeze3A_76, %dma_start3A_83] : memref<1000x50xf32, #tpu.memory_space<hbm>> -> memref<1x50xf32, #tpu.memory_space<hbm>>
      tpu.enqueue_dma source(%dma_start3A_84 : memref<1x50xf32, #tpu.memory_space<hbm>>) target(%dma_start3A_82 : memref<1x50xf32, #tpu.memory_space<vmem>>) target_semaphore(%arg15 : memref<!tpu.dma_semaphore, #tpu.memory_space<semaphore_mem>>)
      %mul3A_85 = arith.constant 16 : i32
      %mul3A_86 = arith.muli %scan3A_40, %mul3A_85 : i32
      %add3A_87 = arith.constant 3 : i32
      %add3A_88 = arith.addi %mul3A_86, %add3A_87 : i32
      %slice3A_89 = vector.extract_strided_slice %get3A_45 {offsets = [3], sizes = [1], strides = [1]} : vector<16xi32> to vector<1xi32>
      %squeeze3A_90 = vector.extract %slice3A_89[0] : i32 from vector<1xi32>
      %dma_start3A_91 = arith.constant 0 : i32
      %dma_start3A_92 = tpu.memref_slice %arg14[%add3A_88, %dma_start3A_91] : memref<512x50xf32, #tpu.memory_space<vmem>> -> memref<1x50xf32, #tpu.memory_space<vmem>>
      %dma_start3A_93 = arith.constant 0 : i32
      %dma_start3A_94 = tpu.memref_slice %arg4[%squeeze3A_90, %dma_start3A_93] : memref<1000x50xf32, #tpu.memory_space<hbm>> -> memref<1x50xf32, #tpu.memory_space<hbm>>
      %dma_start3A_95 = arith.constant 0 : i32
      %dma_start3A_96 = tpu.memref_slice %arg14[%add3A_88, %dma_start3A_95] : memref<512x50xf32, #tpu.memory_space<vmem>> -> memref<1x50xf32, #tpu.memory_space<vmem>>
      %dma_start3A_97 = arith.constant 0 : i32
      %dma_start3A_98 = tpu.memref_slice %arg4[%squeeze3A_90, %dma_start3A_97] : memref<1000x50xf32, #tpu.memory_space<hbm>> -> memref<1x50xf32, #tpu.memory_space<hbm>>
      tpu.enqueue_dma source(%dma_start3A_98 : memref<1x50xf32, #tpu.memory_space<hbm>>) target(%dma_start3A_96 : memref<1x50xf32, #tpu.memory_space<vmem>>) target_semaphore(%arg15 : memref<!tpu.dma_semaphore, #tpu.memory_space<semaphore_mem>>)
      %mul3A_99 = arith.constant 16 : i32
      %mul3A_100 = arith.muli %scan3A_40, %mul3A_99 : i32
      %add3A_101 = arith.constant 4 : i32
      %add3A_102 = arith.addi %mul3A_100, %add3A_101 : i32
      %slice3A_103 = vector.extract_strided_slice %get3A_45 {offsets = [4], sizes = [1], strides = [1]} : vector<16xi32> to vector<1xi32>
      %squeeze3A_104 = vector.extract %slice3A_103[0] : i32 from vector<1xi32>
      %dma_start3A_105 = arith.constant 0 : i32
      %dma_start3A_106 = tpu.memref_slice %arg14[%add3A_102, %dma_start3A_105] : memref<512x50xf32, #tpu.memory_space<vmem>> -> memref<1x50xf32, #tpu.memory_space<vmem>>
      %dma_start3A_107 = arith.constant 0 : i32
      %dma_start3A_108 = tpu.memref_slice %arg4[%squeeze3A_104, %dma_start3A_107] : memref<1000x50xf32, #tpu.memory_space<hbm>> -> memref<1x50xf32, #tpu.memory_space<hbm>>
      %dma_start3A_109 = arith.constant 0 : i32
      %dma_start3A_110 = tpu.memref_slice %arg14[%add3A_102, %dma_start3A_109] : memref<512x50xf32, #tpu.memory_space<vmem>> -> memref<1x50xf32, #tpu.memory_space<vmem>>
      %dma_start3A_111 = arith.constant 0 : i32
      %dma_start3A_112 = tpu.memref_slice %arg4[%squeeze3A_104, %dma_start3A_111] : memref<1000x50xf32, #tpu.memory_space<hbm>> -> memref<1x50xf32, #tpu.memory_space<hbm>>
      tpu.enqueue_dma source(%dma_start3A_112 : memref<1x50xf32, #tpu.memory_space<hbm>>) target(%dma_start3A_110 : memref<1x50xf32, #tpu.memory_space<vmem>>) target_semaphore(%arg15 : memref<!tpu.dma_semaphore, #tpu.memory_space<semaphore_mem>>)
      %mul3A_113 = arith.constant 16 : i32
      %mul3A_114 = arith.muli %scan3A_40, %mul3A_113 : i32
      %add3A_115 = arith.constant 5 : i32
      %add3A_116 = arith.addi %mul3A_114, %add3A_115 : i32
      %slice3A_117 = vector.extract_strided_slice %get3A_45 {offsets = [5], sizes = [1], strides = [1]} : vector<16xi32> to vector<1xi32>
      %squeeze3A_118 = vector.extract %slice3A_117[0] : i32 from vector<1xi32>
      %dma_start3A_119 = arith.constant 0 : i32
      %dma_start3A_120 = tpu.memref_slice %arg14[%add3A_116, %dma_start3A_119] : memref<512x50xf32, #tpu.memory_space<vmem>> -> memref<1x50xf32, #tpu.memory_space<vmem>>
      %dma_start3A_121 = arith.constant 0 : i32
      %dma_start3A_122 = tpu.memref_slice %arg4[%squeeze3A_118, %dma_start3A_121] : memref<1000x50xf32, #tpu.memory_space<hbm>> -> memref<1x50xf32, #tpu.memory_space<hbm>>
      %dma_start3A_123 = arith.constant 0 : i32
      %dma_start3A_124 = tpu.memref_slice %arg14[%add3A_116, %dma_start3A_123] : memref<512x50xf32, #tpu.memory_space<vmem>> -> memref<1x50xf32, #tpu.memory_space<vmem>>
      %dma_start3A_125 = arith.constant 0 : i32
      %dma_start3A_126 = tpu.memref_slice %arg4[%squeeze3A_118, %dma_start3A_125] : memref<1000x50xf32, #tpu.memory_space<hbm>> -> memref<1x50xf32, #tpu.memory_space<hbm>>
      tpu.enqueue_dma source(%dma_start3A_126 : memref<1x50xf32, #tpu.memory_space<hbm>>) target(%dma_start3A_124 : memref<1x50xf32, #tpu.memory_space<vmem>>) target_semaphore(%arg15 : memref<!tpu.dma_semaphore, #tpu.memory_space<semaphore_mem>>)
      %mul3A_127 = arith.constant 16 : i32
      %mul3A_128 = arith.muli %scan3A_40, %mul3A_127 : i32
      %add3A_129 = arith.constant 6 : i32
      %add3A_130 = arith.addi %mul3A_128, %add3A_129 : i32
      %slice3A_131 = vector.extract_strided_slice %get3A_45 {offsets = [6], sizes = [1], strides = [1]} : vector<16xi32> to vector<1xi32>
      %squeeze3A_132 = vector.extract %slice3A_131[0] : i32 from vector<1xi32>
      %dma_start3A_133 = arith.constant 0 : i32
      %dma_start3A_134 = tpu.memref_slice %arg14[%add3A_130, %dma_start3A_133] : memref<512x50xf32, #tpu.memory_space<vmem>> -> memref<1x50xf32, #tpu.memory_space<vmem>>
      %dma_start3A_135 = arith.constant 0 : i32
      %dma_start3A_136 = tpu.memref_slice %arg4[%squeeze3A_132, %dma_start3A_135] : memref<1000x50xf32, #tpu.memory_space<hbm>> -> memref<1x50xf32, #tpu.memory_space<hbm>>
      %dma_start3A_137 = arith.constant 0 : i32
      %dma_start3A_138 = tpu.memref_slice %arg14[%add3A_130, %dma_start3A_137] : memref<512x50xf32, #tpu.memory_space<vmem>> -> memref<1x50xf32, #tpu.memory_space<vmem>>
      %dma_start3A_139 = arith.constant 0 : i32
      %dma_start3A_140 = tpu.memref_slice %arg4[%squeeze3A_132, %dma_start3A_139] : memref<1000x50xf32, #tpu.memory_space<hbm>> -> memref<1x50xf32, #tpu.memory_space<hbm>>
      tpu.enqueue_dma source(%dma_start3A_140 : memref<1x50xf32, #tpu.memory_space<hbm>>) target(%dma_start3A_138 : memref<1x50xf32, #tpu.memory_space<vmem>>) target_semaphore(%arg15 : memref<!tpu.dma_semaphore, #tpu.memory_space<semaphore_mem>>)
      %mul3A_141 = arith.constant 16 : i32
      %mul3A_142 = arith.muli %scan3A_40, %mul3A_141 : i32
      %add3A_143 = arith.constant 7 : i32
      %add3A_144 = arith.addi %mul3A_142, %add3A_143 : i32
      %slice3A_145 = vector.extract_strided_slice %get3A_45 {offsets = [7], sizes = [1], strides = [1]} : vector<16xi32> to vector<1xi32>
      %squeeze3A_146 = vector.extract %slice3A_145[0] : i32 from vector<1xi32>
      %dma_start3A_147 = arith.constant 0 : i32
      %dma_start3A_148 = tpu.memref_slice %arg14[%add3A_144, %dma_start3A_147] : memref<512x50xf32, #tpu.memory_space<vmem>> -> memref<1x50xf32, #tpu.memory_space<vmem>>
      %dma_start3A_149 = arith.constant 0 : i32
      %dma_start3A_150 = tpu.memref_slice %arg4[%squeeze3A_146, %dma_start3A_149] : memref<1000x50xf32, #tpu.memory_space<hbm>> -> memref<1x50xf32, #tpu.memory_space<hbm>>
      %dma_start3A_151 = arith.constant 0 : i32
      %dma_start3A_152 = tpu.memref_slice %arg14[%add3A_144, %dma_start3A_151] : memref<512x50xf32, #tpu.memory_space<vmem>> -> memref<1x50xf32, #tpu.memory_space<vmem>>
      %dma_start3A_153 = arith.constant 0 : i32
      %dma_start3A_154 = tpu.memref_slice %arg4[%squeeze3A_146, %dma_start3A_153] : memref<1000x50xf32, #tpu.memory_space<hbm>> -> memref<1x50xf32, #tpu.memory_space<hbm>>
      tpu.enqueue_dma source(%dma_start3A_154 : memref<1x50xf32, #tpu.memory_space<hbm>>) target(%dma_start3A_152 : memref<1x50xf32, #tpu.memory_space<vmem>>) target_semaphore(%arg15 : memref<!tpu.dma_semaphore, #tpu.memory_space<semaphore_mem>>)
      %mul3A_155 = arith.constant 16 : i32
      %mul3A_156 = arith.muli %scan3A_40, %mul3A_155 : i32
      %add3A_157 = arith.constant 8 : i32
      %add3A_158 = arith.addi %mul3A_156, %add3A_157 : i32
      %slice3A_159 = vector.extract_strided_slice %get3A_45 {offsets = [8], sizes = [1], strides = [1]} : vector<16xi32> to vector<1xi32>
      %squeeze3A_160 = vector.extract %slice3A_159[0] : i32 from vector<1xi32>
      %dma_start3A_161 = arith.constant 0 : i32
      %dma_start3A_162 = tpu.memref_slice %arg14[%add3A_158, %dma_start3A_161] : memref<512x50xf32, #tpu.memory_space<vmem>> -> memref<1x50xf32, #tpu.memory_space<vmem>>
      %dma_start3A_163 = arith.constant 0 : i32
      %dma_start3A_164 = tpu.memref_slice %arg4[%squeeze3A_160, %dma_start3A_163] : memref<1000x50xf32, #tpu.memory_space<hbm>> -> memref<1x50xf32, #tpu.memory_space<hbm>>
      %dma_start3A_165 = arith.constant 0 : i32
      %dma_start3A_166 = tpu.memref_slice %arg14[%add3A_158, %dma_start3A_165] : memref<512x50xf32, #tpu.memory_space<vmem>> -> memref<1x50xf32, #tpu.memory_space<vmem>>
      %dma_start3A_167 = arith.constant 0 : i32
      %dma_start3A_168 = tpu.memref_slice %arg4[%squeeze3A_160, %dma_start3A_167] : memref<1000x50xf32, #tpu.memory_space<hbm>> -> memref<1x50xf32, #tpu.memory_space<hbm>>
      tpu.enqueue_dma source(%dma_start3A_168 : memref<1x50xf32, #tpu.memory_space<hbm>>) target(%dma_start3A_166 : memref<1x50xf32, #tpu.memory_space<vmem>>) target_semaphore(%arg15 : memref<!tpu.dma_semaphore, #tpu.memory_space<semaphore_mem>>)
      %mul3A_169 = arith.constant 16 : i32
      %mul3A_170 = arith.muli %scan3A_40, %mul3A_169 : i32
      %add3A_171 = arith.constant 9 : i32
      %add3A_172 = arith.addi %mul3A_170, %add3A_171 : i32
      %slice3A_173 = vector.extract_strided_slice %get3A_45 {offsets = [9], sizes = [1], strides = [1]} : vector<16xi32> to vector<1xi32>
      %squeeze3A_174 = vector.extract %slice3A_173[0] : i32 from vector<1xi32>
      %dma_start3A_175 = arith.constant 0 : i32
      %dma_start3A_176 = tpu.memref_slice %arg14[%add3A_172, %dma_start3A_175] : memref<512x50xf32, #tpu.memory_space<vmem>> -> memref<1x50xf32, #tpu.memory_space<vmem>>
      %dma_start3A_177 = arith.constant 0 : i32
      %dma_start3A_178 = tpu.memref_slice %arg4[%squeeze3A_174, %dma_start3A_177] : memref<1000x50xf32, #tpu.memory_space<hbm>> -> memref<1x50xf32, #tpu.memory_space<hbm>>
      %dma_start3A_179 = arith.constant 0 : i32
      %dma_start3A_180 = tpu.memref_slice %arg14[%add3A_172, %dma_start3A_179] : memref<512x50xf32, #tpu.memory_space<vmem>> -> memref<1x50xf32, #tpu.memory_space<vmem>>
      %dma_start3A_181 = arith.constant 0 : i32
      %dma_start3A_182 = tpu.memref_slice %arg4[%squeeze3A_174, %dma_start3A_181] : memref<1000x50xf32, #tpu.memory_space<hbm>> -> memref<1x50xf32, #tpu.memory_space<hbm>>
      tpu.enqueue_dma source(%dma_start3A_182 : memref<1x50xf32, #tpu.memory_space<hbm>>) target(%dma_start3A_180 : memref<1x50xf32, #tpu.memory_space<vmem>>) target_semaphore(%arg15 : memref<!tpu.dma_semaphore, #tpu.memory_space<semaphore_mem>>)
      %mul3A_183 = arith.constant 16 : i32
      %mul3A_184 = arith.muli %scan3A_40, %mul3A_183 : i32
      %add3A_185 = arith.constant 10 : i32
      %add3A_186 = arith.addi %mul3A_184, %add3A_185 : i32
      %slice3A_187 = vector.extract_strided_slice %get3A_45 {offsets = [10], sizes = [1], strides = [1]} : vector<16xi32> to vector<1xi32>
      %squeeze3A_188 = vector.extract %slice3A_187[0] : i32 from vector<1xi32>
      %dma_start3A_189 = arith.constant 0 : i32
      %dma_start3A_190 = tpu.memref_slice %arg14[%add3A_186, %dma_start3A_189] : memref<512x50xf32, #tpu.memory_space<vmem>> -> memref<1x50xf32, #tpu.memory_space<vmem>>
      %dma_start3A_191 = arith.constant 0 : i32
      %dma_start3A_192 = tpu.memref_slice %arg4[%squeeze3A_188, %dma_start3A_191] : memref<1000x50xf32, #tpu.memory_space<hbm>> -> memref<1x50xf32, #tpu.memory_space<hbm>>
      %dma_start3A_193 = arith.constant 0 : i32
      %dma_start3A_194 = tpu.memref_slice %arg14[%add3A_186, %dma_start3A_193] : memref<512x50xf32, #tpu.memory_space<vmem>> -> memref<1x50xf32, #tpu.memory_space<vmem>>
      %dma_start3A_195 = arith.constant 0 : i32
      %dma_start3A_196 = tpu.memref_slice %arg4[%squeeze3A_188, %dma_start3A_195] : memref<1000x50xf32, #tpu.memory_space<hbm>> -> memref<1x50xf32, #tpu.memory_space<hbm>>
      tpu.enqueue_dma source(%dma_start3A_196 : memref<1x50xf32, #tpu.memory_space<hbm>>) target(%dma_start3A_194 : memref<1x50xf32, #tpu.memory_space<vmem>>) target_semaphore(%arg15 : memref<!tpu.dma_semaphore, #tpu.memory_space<semaphore_mem>>)
      %mul3A_197 = arith.constant 16 : i32
      %mul3A_198 = arith.muli %scan3A_40, %mul3A_197 : i32
      %add3A_199 = arith.constant 11 : i32
      %add3A_200 = arith.addi %mul3A_198, %add3A_199 : i32
      %slice3A_201 = vector.extract_strided_slice %get3A_45 {offsets = [11], sizes = [1], strides = [1]} : vector<16xi32> to vector<1xi32>
      %squeeze3A_202 = vector.extract %slice3A_201[0] : i32 from vector<1xi32>
      %dma_start3A_203 = arith.constant 0 : i32
      %dma_start3A_204 = tpu.memref_slice %arg14[%add3A_200, %dma_start3A_203] : memref<512x50xf32, #tpu.memory_space<vmem>> -> memref<1x50xf32, #tpu.memory_space<vmem>>
      %dma_start3A_205 = arith.constant 0 : i32
      %dma_start3A_206 = tpu.memref_slice %arg4[%squeeze3A_202, %dma_start3A_205] : memref<1000x50xf32, #tpu.memory_space<hbm>> -> memref<1x50xf32, #tpu.memory_space<hbm>>
      %dma_start3A_207 = arith.constant 0 : i32
      %dma_start3A_208 = tpu.memref_slice %arg14[%add3A_200, %dma_start3A_207] : memref<512x50xf32, #tpu.memory_space<vmem>> -> memref<1x50xf32, #tpu.memory_space<vmem>>
      %dma_start3A_209 = arith.constant 0 : i32
      %dma_start3A_210 = tpu.memref_slice %arg4[%squeeze3A_202, %dma_start3A_209] : memref<1000x50xf32, #tpu.memory_space<hbm>> -> memref<1x50xf32, #tpu.memory_space<hbm>>
      tpu.enqueue_dma source(%dma_start3A_210 : memref<1x50xf32, #tpu.memory_space<hbm>>) target(%dma_start3A_208 : memref<1x50xf32, #tpu.memory_space<vmem>>) target_semaphore(%arg15 : memref<!tpu.dma_semaphore, #tpu.memory_space<semaphore_mem>>)
      %mul3A_211 = arith.constant 16 : i32
      %mul3A_212 = arith.muli %scan3A_40, %mul3A_211 : i32
      %add3A_213 = arith.constant 12 : i32
      %add3A_214 = arith.addi %mul3A_212, %add3A_213 : i32
      %slice3A_215 = vector.extract_strided_slice %get3A_45 {offsets = [12], sizes = [1], strides = [1]} : vector<16xi32> to vector<1xi32>
      %squeeze3A_216 = vector.extract %slice3A_215[0] : i32 from vector<1xi32>
      %dma_start3A_217 = arith.constant 0 : i32
      %dma_start3A_218 = tpu.memref_slice %arg14[%add3A_214, %dma_start3A_217] : memref<512x50xf32, #tpu.memory_space<vmem>> -> memref<1x50xf32, #tpu.memory_space<vmem>>
      %dma_start3A_219 = arith.constant 0 : i32
      %dma_start3A_220 = tpu.memref_slice %arg4[%squeeze3A_216, %dma_start3A_219] : memref<1000x50xf32, #tpu.memory_space<hbm>> -> memref<1x50xf32, #tpu.memory_space<hbm>>
      %dma_start3A_221 = arith.constant 0 : i32
      %dma_start3A_222 = tpu.memref_slice %arg14[%add3A_214, %dma_start3A_221] : memref<512x50xf32, #tpu.memory_space<vmem>> -> memref<1x50xf32, #tpu.memory_space<vmem>>
      %dma_start3A_223 = arith.constant 0 : i32
      %dma_start3A_224 = tpu.memref_slice %arg4[%squeeze3A_216, %dma_start3A_223] : memref<1000x50xf32, #tpu.memory_space<hbm>> -> memref<1x50xf32, #tpu.memory_space<hbm>>
      tpu.enqueue_dma source(%dma_start3A_224 : memref<1x50xf32, #tpu.memory_space<hbm>>) target(%dma_start3A_222 : memref<1x50xf32, #tpu.memory_space<vmem>>) target_semaphore(%arg15 : memref<!tpu.dma_semaphore, #tpu.memory_space<semaphore_mem>>)
      %mul3A_225 = arith.constant 16 : i32
      %mul3A_226 = arith.muli %scan3A_40, %mul3A_225 : i32
      %add3A_227 = arith.constant 13 : i32
      %add3A_228 = arith.addi %mul3A_226, %add3A_227 : i32
      %slice3A_229 = vector.extract_strided_slice %get3A_45 {offsets = [13], sizes = [1], strides = [1]} : vector<16xi32> to vector<1xi32>
      %squeeze3A_230 = vector.extract %slice3A_229[0] : i32 from vector<1xi32>
      %dma_start3A_231 = arith.constant 0 : i32
      %dma_start3A_232 = tpu.memref_slice %arg14[%add3A_228, %dma_start3A_231] : memref<512x50xf32, #tpu.memory_space<vmem>> -> memref<1x50xf32, #tpu.memory_space<vmem>>
      %dma_start3A_233 = arith.constant 0 : i32
      %dma_start3A_234 = tpu.memref_slice %arg4[%squeeze3A_230, %dma_start3A_233] : memref<1000x50xf32, #tpu.memory_space<hbm>> -> memref<1x50xf32, #tpu.memory_space<hbm>>
      %dma_start3A_235 = arith.constant 0 : i32
      %dma_start3A_236 = tpu.memref_slice %arg14[%add3A_228, %dma_start3A_235] : memref<512x50xf32, #tpu.memory_space<vmem>> -> memref<1x50xf32, #tpu.memory_space<vmem>>
      %dma_start3A_237 = arith.constant 0 : i32
      %dma_start3A_238 = tpu.memref_slice %arg4[%squeeze3A_230, %dma_start3A_237] : memref<1000x50xf32, #tpu.memory_space<hbm>> -> memref<1x50xf32, #tpu.memory_space<hbm>>
      tpu.enqueue_dma source(%dma_start3A_238 : memref<1x50xf32, #tpu.memory_space<hbm>>) target(%dma_start3A_236 : memref<1x50xf32, #tpu.memory_space<vmem>>) target_semaphore(%arg15 : memref<!tpu.dma_semaphore, #tpu.memory_space<semaphore_mem>>)
      %mul3A_239 = arith.constant 16 : i32
      %mul3A_240 = arith.muli %scan3A_40, %mul3A_239 : i32
      %add3A_241 = arith.constant 14 : i32
      %add3A_242 = arith.addi %mul3A_240, %add3A_241 : i32
      %slice3A_243 = vector.extract_strided_slice %get3A_45 {offsets = [14], sizes = [1], strides = [1]} : vector<16xi32> to vector<1xi32>
      %squeeze3A_244 = vector.extract %slice3A_243[0] : i32 from vector<1xi32>
      %dma_start3A_245 = arith.constant 0 : i32
      %dma_start3A_246 = tpu.memref_slice %arg14[%add3A_242, %dma_start3A_245] : memref<512x50xf32, #tpu.memory_space<vmem>> -> memref<1x50xf32, #tpu.memory_space<vmem>>
      %dma_start3A_247 = arith.constant 0 : i32
      %dma_start3A_248 = tpu.memref_slice %arg4[%squeeze3A_244, %dma_start3A_247] : memref<1000x50xf32, #tpu.memory_space<hbm>> -> memref<1x50xf32, #tpu.memory_space<hbm>>
      %dma_start3A_249 = arith.constant 0 : i32
      %dma_start3A_250 = tpu.memref_slice %arg14[%add3A_242, %dma_start3A_249] : memref<512x50xf32, #tpu.memory_space<vmem>> -> memref<1x50xf32, #tpu.memory_space<vmem>>
      %dma_start3A_251 = arith.constant 0 : i32
      %dma_start3A_252 = tpu.memref_slice %arg4[%squeeze3A_244, %dma_start3A_251] : memref<1000x50xf32, #tpu.memory_space<hbm>> -> memref<1x50xf32, #tpu.memory_space<hbm>>
      tpu.enqueue_dma source(%dma_start3A_252 : memref<1x50xf32, #tpu.memory_space<hbm>>) target(%dma_start3A_250 : memref<1x50xf32, #tpu.memory_space<vmem>>) target_semaphore(%arg15 : memref<!tpu.dma_semaphore, #tpu.memory_space<semaphore_mem>>)
      %mul3A_253 = arith.constant 16 : i32
      %mul3A_254 = arith.muli %scan3A_40, %mul3A_253 : i32
      %add3A_255 = arith.constant 15 : i32
      %add3A_256 = arith.addi %mul3A_254, %add3A_255 : i32
      %slice3A_257 = vector.extract_strided_slice %get3A_45 {offsets = [15], sizes = [1], strides = [1]} : vector<16xi32> to vector<1xi32>
      %squeeze3A_258 = vector.extract %slice3A_257[0] : i32 from vector<1xi32>
      %dma_start3A_259 = arith.constant 0 : i32
      %dma_start3A_260 = tpu.memref_slice %arg14[%add3A_256, %dma_start3A_259] : memref<512x50xf32, #tpu.memory_space<vmem>> -> memref<1x50xf32, #tpu.memory_space<vmem>>
      %dma_start3A_261 = arith.constant 0 : i32
      %dma_start3A_262 = tpu.memref_slice %arg4[%squeeze3A_258, %dma_start3A_261] : memref<1000x50xf32, #tpu.memory_space<hbm>> -> memref<1x50xf32, #tpu.memory_space<hbm>>
      %dma_start3A_263 = arith.constant 0 : i32
      %dma_start3A_264 = tpu.memref_slice %arg14[%add3A_256, %dma_start3A_263] : memref<512x50xf32, #tpu.memory_space<vmem>> -> memref<1x50xf32, #tpu.memory_space<vmem>>
      %dma_start3A_265 = arith.constant 0 : i32
      %dma_start3A_266 = tpu.memref_slice %arg4[%squeeze3A_258, %dma_start3A_265] : memref<1000x50xf32, #tpu.memory_space<hbm>> -> memref<1x50xf32, #tpu.memory_space<hbm>>
      tpu.enqueue_dma source(%dma_start3A_266 : memref<1x50xf32, #tpu.memory_space<hbm>>) target(%dma_start3A_264 : memref<1x50xf32, #tpu.memory_space<vmem>>) target_semaphore(%arg15 : memref<!tpu.dma_semaphore, #tpu.memory_space<semaphore_mem>>)
      %scan3A_267 = arith.constant 0 : i32
      scf.yield %scan3A_267 : i32
    }
    %scan3A_33 = arith.constant 32 : i32
    %dma_wait3A_34 = arith.constant 0 : i32
    %dma_wait3A_35 = arith.constant 0 : i32
    %dma_wait3A_36 = tpu.memref_slice %arg4[%dma_wait3A_34, %dma_wait3A_35] : memref<1000x50xf32, #tpu.memory_space<hbm>> -> memref<512x50xf32, #tpu.memory_space<hbm>>
    %dma_wait3A_37 = arith.constant 0 : i32
    %dma_wait3A_38 = arith.constant 0 : i32
    %dma_wait3A_39 = tpu.memref_slice %arg4[%dma_wait3A_37, %dma_wait3A_38] : memref<1000x50xf32, #tpu.memory_space<hbm>> -> memref<512x50xf32, #tpu.memory_space<hbm>>
    tpu.wait_dma2 semaphore(%arg15 : memref<!tpu.dma_semaphore, #tpu.memory_space<semaphore_mem>>) src(%dma_wait3A_39 : memref<512x50xf32, #tpu.memory_space<hbm>>) dst(%arg14 : memref<512x50xf32, #tpu.memory_space<vmem>>)
    "tpu.region"() ({
      %run_scoped3A = tpu.sem_alloc : memref<!tpu.dma_semaphore, #tpu.memory_space<semaphore_mem>>
      %dma_start3A = arith.constant 0 : i32
      %dma_start3A_40 = tpu.memref_slice %arg10[%mul3A_2, %dma_start3A] : memref<16384x50xf32, #tpu.memory_space<hbm>> -> memref<512x50xf32, #tpu.memory_space<hbm>>
      %dma_start3A_41 = arith.constant 0 : i32
      %dma_start3A_42 = tpu.memref_slice %arg10[%mul3A_2, %dma_start3A_41] : memref<16384x50xf32, #tpu.memory_space<hbm>> -> memref<512x50xf32, #tpu.memory_space<hbm>>
      tpu.enqueue_dma source(%arg14 : memref<512x50xf32, #tpu.memory_space<vmem>>) target(%dma_start3A_42 : memref<512x50xf32, #tpu.memory_space<hbm>>) target_semaphore(%run_scoped3A : memref<!tpu.dma_semaphore, #tpu.memory_space<semaphore_mem>>)
      %dma_wait3A_43 = arith.constant 0 : i32
      %dma_wait3A_44 = tpu.memref_slice %arg10[%mul3A_2, %dma_wait3A_43] : memref<16384x50xf32, #tpu.memory_space<hbm>> -> memref<512x50xf32, #tpu.memory_space<hbm>>
      %dma_wait3A_45 = arith.constant 0 : i32
      %dma_wait3A_46 = tpu.memref_slice %arg10[%mul3A_2, %dma_wait3A_45] : memref<16384x50xf32, #tpu.memory_space<hbm>> -> memref<512x50xf32, #tpu.memory_space<hbm>>
      tpu.wait_dma2 semaphore(%run_scoped3A : memref<!tpu.dma_semaphore, #tpu.memory_space<semaphore_mem>>) src(%arg14 : memref<512x50xf32, #tpu.memory_space<vmem>>) dst(%dma_wait3A_46 : memref<512x50xf32, #tpu.memory_space<hbm>>)
      tpu.yield
    }) : () -> ()
    return
  }
}

#map = affine_map<(d0, d1) -> (0, 0)>
module attributes {stable_mosaic.version = 14 : i64} {
  func.func @k(%arg0: i32, %arg1: i32, %arg2: memref<50x1000000xf32, #tpu.memory_space<hbm>>, %arg3: memref<32x512xi32, #tpu.memory_space<hbm>>, %arg4: memref<16384x64xf32, #tpu.memory_space<hbm>>, %arg5: memref<512xi32, #tpu.memory_space<vmem>>, %arg6: memref<512x64xf32, #tpu.memory_space<vmem>>, %arg7: memref<50x128xf32, #tpu.memory_space<vmem>>, %arg8: memref<50x128xf32, #tpu.memory_space<vmem>>, %arg9: memref<50x128xf32, #tpu.memory_space<vmem>>, %arg10: memref<50x128xf32, #tpu.memory_space<vmem>>, %arg11: memref<50x128xf32, #tpu.memory_space<vmem>>, %arg12: memref<50x128xf32, #tpu.memory_space<vmem>>, %arg13: memref<50x128xf32, #tpu.memory_space<vmem>>, %arg14: memref<50x128xf32, #tpu.memory_space<vmem>>, %arg15: memref<!tpu.dma_semaphore, #tpu.memory_space<semaphore_mem>>, %arg16: memref<!tpu.dma_semaphore, #tpu.memory_space<semaphore_mem>>, %arg17: memref<!tpu.dma_semaphore, #tpu.memory_space<semaphore_mem>>, %arg18: memref<!tpu.dma_semaphore, #tpu.memory_space<semaphore_mem>>, %arg19: memref<!tpu.dma_semaphore, #tpu.memory_space<semaphore_mem>>, %arg20: memref<!tpu.dma_semaphore, #tpu.memory_space<semaphore_mem>>, %arg21: memref<!tpu.dma_semaphore, #tpu.memory_space<semaphore_mem>>, %arg22: memref<!tpu.dma_semaphore, #tpu.memory_space<semaphore_mem>>) attributes {dimension_semantics = [#tpu.dimension_semantics<core_parallel>, #tpu.dimension_semantics<subcore_parallel>], iteration_bounds = array<i64: 2, 16>, scalar_prefetch = 0 : i64, scratch_operands = 18 : i64, tpu.core_type = #tpu.core_type<sc_vector_subcore>, window_params = [{transform_indices = #map}, {transform_indices = #map}, {transform_indices = #map}]} {
    %mul3A = arith.constant 2 : i32
    %mul3A_0 = arith.muli %arg1, %mul3A : i32
    %add3A = arith.addi %mul3A_0, %arg0 : i32
    %mul3A_1 = arith.constant 512 : i32
    %mul3A_2 = arith.muli %add3A, %mul3A_1 : i32
    "tpu.region"() ({
      %run_scoped3A = tpu.sem_alloc : memref<!tpu.dma_semaphore, #tpu.memory_space<semaphore_mem>>
      %dma_start3A_93 = arith.constant 0 : i32
      %dma_start3A_94 = tpu.memref_slice %arg3[%add3A, %dma_start3A_93] : memref<32x512xi32, #tpu.memory_space<hbm>> -> memref<1x512xi32, #tpu.memory_space<hbm>>
      %dma_start3A_95 = tpu.memref_squeeze %dma_start3A_94 : memref<1x512xi32, #tpu.memory_space<hbm>> -> memref<512xi32, #tpu.memory_space<hbm>>
      %dma_start3A_96 = arith.constant 0 : i32
      %dma_start3A_97 = tpu.memref_slice %arg3[%add3A, %dma_start3A_96] : memref<32x512xi32, #tpu.memory_space<hbm>> -> memref<1x512xi32, #tpu.memory_space<hbm>>
      %dma_start3A_98 = tpu.memref_squeeze %dma_start3A_97 : memref<1x512xi32, #tpu.memory_space<hbm>> -> memref<512xi32, #tpu.memory_space<hbm>>
      tpu.enqueue_dma source(%dma_start3A_98 : memref<512xi32, #tpu.memory_space<hbm>>) target(%arg5 : memref<512xi32, #tpu.memory_space<vmem>>) target_semaphore(%run_scoped3A : memref<!tpu.dma_semaphore, #tpu.memory_space<semaphore_mem>>)
      %dma_wait3A = arith.constant 0 : i32
      %dma_wait3A_99 = tpu.memref_slice %arg3[%add3A, %dma_wait3A] : memref<32x512xi32, #tpu.memory_space<hbm>> -> memref<1x512xi32, #tpu.memory_space<hbm>>
      %dma_wait3A_100 = tpu.memref_squeeze %dma_wait3A_99 : memref<1x512xi32, #tpu.memory_space<hbm>> -> memref<512xi32, #tpu.memory_space<hbm>>
      %dma_wait3A_101 = arith.constant 0 : i32
      %dma_wait3A_102 = tpu.memref_slice %arg3[%add3A, %dma_wait3A_101] : memref<32x512xi32, #tpu.memory_space<hbm>> -> memref<1x512xi32, #tpu.memory_space<hbm>>
      %dma_wait3A_103 = tpu.memref_squeeze %dma_wait3A_102 : memref<1x512xi32, #tpu.memory_space<hbm>> -> memref<512xi32, #tpu.memory_space<hbm>>
      tpu.wait_dma2 semaphore(%run_scoped3A : memref<!tpu.dma_semaphore, #tpu.memory_space<semaphore_mem>>) src(%dma_wait3A_103 : memref<512xi32, #tpu.memory_space<hbm>>) dst(%arg5 : memref<512xi32, #tpu.memory_space<vmem>>)
      tpu.yield
    }) : () -> ()
    %get3A = arith.constant 0 : index
    %get3A_3 = tpu.vector_load %arg5[%get3A] {strides = array<i32>} : memref<512xi32, #tpu.memory_space<vmem>>, vector<16xi32>,
    %slice3A = vector.extract_strided_slice %get3A_3 {offsets = [0], sizes = [1], strides = [1]} : vector<16xi32> to vector<1xi32>
    %squeeze3A = vector.extract %slice3A[0] : i32 from vector<1xi32>
    %shift_right_arithmetic3A = arith.constant 7 : i32
    %shift_right_arithmetic3A_4 = arith.shrsi %squeeze3A, %shift_right_arithmetic3A : i32
    %mul3A_5 = arith.constant 128 : i32
    %mul3A_6 = arith.muli %shift_right_arithmetic3A_4, %mul3A_5 : i32
    %multiple_of3A = tpu.assume_multiple %mul3A_6, 128 : i32
    %dma_start3A = arith.constant 0 : i32
    %dma_start3A_7 = tpu.memref_slice %arg2[%dma_start3A, %multiple_of3A] : memref<50x1000000xf32, #tpu.memory_space<hbm>> -> memref<50x128xf32, #tpu.memory_space<hbm>>
    %dma_start3A_8 = arith.constant 0 : i32
    %dma_start3A_9 = tpu.memref_slice %arg2[%dma_start3A_8, %multiple_of3A] : memref<50x1000000xf32, #tpu.memory_space<hbm>> -> memref<50x128xf32, #tpu.memory_space<hbm>>
    tpu.enqueue_dma source(%dma_start3A_9 : memref<50x128xf32, #tpu.memory_space<hbm>>) target(%arg7 : memref<50x128xf32, #tpu.memory_space<vmem>>) target_semaphore(%arg15 : memref<!tpu.dma_semaphore, #tpu.memory_space<semaphore_mem>>)
    %slice3A_10 = vector.extract_strided_slice %get3A_3 {offsets = [1], sizes = [1], strides = [1]} : vector<16xi32> to vector<1xi32>
    %squeeze3A_11 = vector.extract %slice3A_10[0] : i32 from vector<1xi32>
    %shift_right_arithmetic3A_12 = arith.constant 7 : i32
    %shift_right_arithmetic3A_13 = arith.shrsi %squeeze3A_11, %shift_right_arithmetic3A_12 : i32
    %mul3A_14 = arith.constant 128 : i32
    %mul3A_15 = arith.muli %shift_right_arithmetic3A_13, %mul3A_14 : i32
    %multiple_of3A_16 = tpu.assume_multiple %mul3A_15, 128 : i32
    %dma_start3A_17 = arith.constant 0 : i32
    %dma_start3A_18 = tpu.memref_slice %arg2[%dma_start3A_17, %multiple_of3A_16] : memref<50x1000000xf32, #tpu.memory_space<hbm>> -> memref<50x128xf32, #tpu.memory_space<hbm>>
    %dma_start3A_19 = arith.constant 0 : i32
    %dma_start3A_20 = tpu.memref_slice %arg2[%dma_start3A_19, %multiple_of3A_16] : memref<50x1000000xf32, #tpu.memory_space<hbm>> -> memref<50x128xf32, #tpu.memory_space<hbm>>
    tpu.enqueue_dma source(%dma_start3A_20 : memref<50x128xf32, #tpu.memory_space<hbm>>) target(%arg8 : memref<50x128xf32, #tpu.memory_space<vmem>>) target_semaphore(%arg16 : memref<!tpu.dma_semaphore, #tpu.memory_space<semaphore_mem>>)
    %slice3A_21 = vector.extract_strided_slice %get3A_3 {offsets = [2], sizes = [1], strides = [1]} : vector<16xi32> to vector<1xi32>
    %squeeze3A_22 = vector.extract %slice3A_21[0] : i32 from vector<1xi32>
    %shift_right_arithmetic3A_23 = arith.constant 7 : i32
    %shift_right_arithmetic3A_24 = arith.shrsi %squeeze3A_22, %shift_right_arithmetic3A_23 : i32
    %mul3A_25 = arith.constant 128 : i32
    %mul3A_26 = arith.muli %shift_right_arithmetic3A_24, %mul3A_25 : i32
    %multiple_of3A_27 = tpu.assume_multiple %mul3A_26, 128 : i32
    %dma_start3A_28 = arith.constant 0 : i32
    %dma_start3A_29 = tpu.memref_slice %arg2[%dma_start3A_28, %multiple_of3A_27] : memref<50x1000000xf32, #tpu.memory_space<hbm>> -> memref<50x128xf32, #tpu.memory_space<hbm>>
    %dma_start3A_30 = arith.constant 0 : i32
    %dma_start3A_31 = tpu.memref_slice %arg2[%dma_start3A_30, %multiple_of3A_27] : memref<50x1000000xf32, #tpu.memory_space<hbm>> -> memref<50x128xf32, #tpu.memory_space<hbm>>
    tpu.enqueue_dma source(%dma_start3A_31 : memref<50x128xf32, #tpu.memory_space<hbm>>) target(%arg9 : memref<50x128xf32, #tpu.memory_space<vmem>>) target_semaphore(%arg17 : memref<!tpu.dma_semaphore, #tpu.memory_space<semaphore_mem>>)
    %slice3A_32 = vector.extract_strided_slice %get3A_3 {offsets = [3], sizes = [1], strides = [1]} : vector<16xi32> to vector<1xi32>
    %squeeze3A_33 = vector.extract %slice3A_32[0] : i32 from vector<1xi32>
    %shift_right_arithmetic3A_34 = arith.constant 7 : i32
    %shift_right_arithmetic3A_35 = arith.shrsi %squeeze3A_33, %shift_right_arithmetic3A_34 : i32
    %mul3A_36 = arith.constant 128 : i32
    %mul3A_37 = arith.muli %shift_right_arithmetic3A_35, %mul3A_36 : i32
    %multiple_of3A_38 = tpu.assume_multiple %mul3A_37, 128 : i32
    %dma_start3A_39 = arith.constant 0 : i32
    %dma_start3A_40 = tpu.memref_slice %arg2[%dma_start3A_39, %multiple_of3A_38] : memref<50x1000000xf32, #tpu.memory_space<hbm>> -> memref<50x128xf32, #tpu.memory_space<hbm>>
    %dma_start3A_41 = arith.constant 0 : i32
    %dma_start3A_42 = tpu.memref_slice %arg2[%dma_start3A_41, %multiple_of3A_38] : memref<50x1000000xf32, #tpu.memory_space<hbm>> -> memref<50x128xf32, #tpu.memory_space<hbm>>
    tpu.enqueue_dma source(%dma_start3A_42 : memref<50x128xf32, #tpu.memory_space<hbm>>) target(%arg10 : memref<50x128xf32, #tpu.memory_space<vmem>>) target_semaphore(%arg18 : memref<!tpu.dma_semaphore, #tpu.memory_space<semaphore_mem>>)
    %slice3A_43 = vector.extract_strided_slice %get3A_3 {offsets = [4], sizes = [1], strides = [1]} : vector<16xi32> to vector<1xi32>
    %squeeze3A_44 = vector.extract %slice3A_43[0] : i32 from vector<1xi32>
    %shift_right_arithmetic3A_45 = arith.constant 7 : i32
    %shift_right_arithmetic3A_46 = arith.shrsi %squeeze3A_44, %shift_right_arithmetic3A_45 : i32
    %mul3A_47 = arith.constant 128 : i32
    %mul3A_48 = arith.muli %shift_right_arithmetic3A_46, %mul3A_47 : i32
    %multiple_of3A_49 = tpu.assume_multiple %mul3A_48, 128 : i32
    %dma_start3A_50 = arith.constant 0 : i32
    %dma_start3A_51 = tpu.memref_slice %arg2[%dma_start3A_50, %multiple_of3A_49] : memref<50x1000000xf32, #tpu.memory_space<hbm>> -> memref<50x128xf32, #tpu.memory_space<hbm>>
    %dma_start3A_52 = arith.constant 0 : i32
    %dma_start3A_53 = tpu.memref_slice %arg2[%dma_start3A_52, %multiple_of3A_49] : memref<50x1000000xf32, #tpu.memory_space<hbm>> -> memref<50x128xf32, #tpu.memory_space<hbm>>
    tpu.enqueue_dma source(%dma_start3A_53 : memref<50x128xf32, #tpu.memory_space<hbm>>) target(%arg11 : memref<50x128xf32, #tpu.memory_space<vmem>>) target_semaphore(%arg19 : memref<!tpu.dma_semaphore, #tpu.memory_space<semaphore_mem>>)
    %slice3A_54 = vector.extract_strided_slice %get3A_3 {offsets = [5], sizes = [1], strides = [1]} : vector<16xi32> to vector<1xi32>
    %squeeze3A_55 = vector.extract %slice3A_54[0] : i32 from vector<1xi32>
    %shift_right_arithmetic3A_56 = arith.constant 7 : i32
    %shift_right_arithmetic3A_57 = arith.shrsi %squeeze3A_55, %shift_right_arithmetic3A_56 : i32
    %mul3A_58 = arith.constant 128 : i32
    %mul3A_59 = arith.muli %shift_right_arithmetic3A_57, %mul3A_58 : i32
    %multiple_of3A_60 = tpu.assume_multiple %mul3A_59, 128 : i32
    %dma_start3A_61 = arith.constant 0 : i32
    %dma_start3A_62 = tpu.memref_slice %arg2[%dma_start3A_61, %multiple_of3A_60] : memref<50x1000000xf32, #tpu.memory_space<hbm>> -> memref<50x128xf32, #tpu.memory_space<hbm>>
    %dma_start3A_63 = arith.constant 0 : i32
    %dma_start3A_64 = tpu.memref_slice %arg2[%dma_start3A_63, %multiple_of3A_60] : memref<50x1000000xf32, #tpu.memory_space<hbm>> -> memref<50x128xf32, #tpu.memory_space<hbm>>
    tpu.enqueue_dma source(%dma_start3A_64 : memref<50x128xf32, #tpu.memory_space<hbm>>) target(%arg12 : memref<50x128xf32, #tpu.memory_space<vmem>>) target_semaphore(%arg20 : memref<!tpu.dma_semaphore, #tpu.memory_space<semaphore_mem>>)
    %slice3A_65 = vector.extract_strided_slice %get3A_3 {offsets = [6], sizes = [1], strides = [1]} : vector<16xi32> to vector<1xi32>
    %squeeze3A_66 = vector.extract %slice3A_65[0] : i32 from vector<1xi32>
    %shift_right_arithmetic3A_67 = arith.constant 7 : i32
    %shift_right_arithmetic3A_68 = arith.shrsi %squeeze3A_66, %shift_right_arithmetic3A_67 : i32
    %mul3A_69 = arith.constant 128 : i32
    %mul3A_70 = arith.muli %shift_right_arithmetic3A_68, %mul3A_69 : i32
    %multiple_of3A_71 = tpu.assume_multiple %mul3A_70, 128 : i32
    %dma_start3A_72 = arith.constant 0 : i32
    %dma_start3A_73 = tpu.memref_slice %arg2[%dma_start3A_72, %multiple_of3A_71] : memref<50x1000000xf32, #tpu.memory_space<hbm>> -> memref<50x128xf32, #tpu.memory_space<hbm>>
    %dma_start3A_74 = arith.constant 0 : i32
    %dma_start3A_75 = tpu.memref_slice %arg2[%dma_start3A_74, %multiple_of3A_71] : memref<50x1000000xf32, #tpu.memory_space<hbm>> -> memref<50x128xf32, #tpu.memory_space<hbm>>
    tpu.enqueue_dma source(%dma_start3A_75 : memref<50x128xf32, #tpu.memory_space<hbm>>) target(%arg13 : memref<50x128xf32, #tpu.memory_space<vmem>>) target_semaphore(%arg21 : memref<!tpu.dma_semaphore, #tpu.memory_space<semaphore_mem>>)
    %slice3A_76 = vector.extract_strided_slice %get3A_3 {offsets = [7], sizes = [1], strides = [1]} : vector<16xi32> to vector<1xi32>
    %squeeze3A_77 = vector.extract %slice3A_76[0] : i32 from vector<1xi32>
    %shift_right_arithmetic3A_78 = arith.constant 7 : i32
    %shift_right_arithmetic3A_79 = arith.shrsi %squeeze3A_77, %shift_right_arithmetic3A_78 : i32
    %mul3A_80 = arith.constant 128 : i32
    %mul3A_81 = arith.muli %shift_right_arithmetic3A_79, %mul3A_80 : i32
    %multiple_of3A_82 = tpu.assume_multiple %mul3A_81, 128 : i32
    %dma_start3A_83 = arith.constant 0 : i32
    %dma_start3A_84 = tpu.memref_slice %arg2[%dma_start3A_83, %multiple_of3A_82] : memref<50x1000000xf32, #tpu.memory_space<hbm>> -> memref<50x128xf32, #tpu.memory_space<hbm>>
    %dma_start3A_85 = arith.constant 0 : i32
    %dma_start3A_86 = tpu.memref_slice %arg2[%dma_start3A_85, %multiple_of3A_82] : memref<50x1000000xf32, #tpu.memory_space<hbm>> -> memref<50x128xf32, #tpu.memory_space<hbm>>
    tpu.enqueue_dma source(%dma_start3A_86 : memref<50x128xf32, #tpu.memory_space<hbm>>) target(%arg14 : memref<50x128xf32, #tpu.memory_space<vmem>>) target_semaphore(%arg22 : memref<!tpu.dma_semaphore, #tpu.memory_space<semaphore_mem>>)
    %scan3A = arith.constant 0 : i32
    %scan3A_87 = arith.constant 0 : i32
    %scan3A_88 = arith.constant 32 : i32
    %scan3A_89 = arith.addi %scan3A_87, %scan3A_88 : i32
    %scan3A_90 = arith.constant 1 : i32
    %scan3A_91 = scf.for %scan3A_93 = %scan3A_87 to %scan3A_89 step %scan3A_90 iter_args(%scan3A_94 = %scan3A) -> (i32)  : i32 {
      %mul3A_95 = arith.constant 16 : i32
      %mul3A_96 = arith.muli %scan3A_93, %mul3A_95 : i32
      %get3A_97 = arith.index_cast %mul3A_96 : i32 to index
      %get3A_98 = tpu.vector_load %arg5[%get3A_97] {strides = array<i32>} : memref<512xi32, #tpu.memory_space<vmem>>, vector<16xi32>,
      %get3A_99 = vector.shape_cast %get3A_98 : vector<16xi32> to vector<16xi32>
      %add3A_100 = arith.constant 1 : i32
      %add3A_101 = arith.addi %scan3A_93, %add3A_100 : i32
      %min3A = arith.constant 31 : i32
      %min3A_102 = arith.minsi %add3A_101, %min3A : i32
      %mul3A_103 = arith.constant 16 : i32
      %mul3A_104 = arith.muli %min3A_102, %mul3A_103 : i32
      %get3A_105 = arith.index_cast %mul3A_104 : i32 to index
      %get3A_106 = tpu.vector_load %arg5[%get3A_105] {strides = array<i32>} : memref<512xi32, #tpu.memory_space<vmem>>, vector<16xi32>,
      %get3A_107 = vector.shape_cast %get3A_106 : vector<16xi32> to vector<16xi32>
      %mul3A_108 = arith.constant 16 : i32
      %mul3A_109 = arith.muli %scan3A_93, %mul3A_108 : i32
      %add3A_110 = arith.constant 0 : i32
      %add3A_111 = arith.addi %mul3A_109, %add3A_110 : i32
      %dma_wait3A = arith.constant 0 : i32
      %dma_wait3A_112 = arith.constant 0 : i32
      %dma_wait3A_113 = tpu.memref_slice %arg2[%dma_wait3A, %dma_wait3A_112] : memref<50x1000000xf32, #tpu.memory_space<hbm>> -> memref<50x128xf32, #tpu.memory_space<hbm>>
      %dma_wait3A_114 = arith.constant 0 : i32
      %dma_wait3A_115 = arith.constant 0 : i32
      %dma_wait3A_116 = tpu.memref_slice %arg2[%dma_wait3A_114, %dma_wait3A_115] : memref<50x1000000xf32, #tpu.memory_space<hbm>> -> memref<50x128xf32, #tpu.memory_space<hbm>>
      tpu.wait_dma2 semaphore(%arg15 : memref<!tpu.dma_semaphore, #tpu.memory_space<semaphore_mem>>) src(%dma_wait3A_116 : memref<50x128xf32, #tpu.memory_space<hbm>>) dst(%arg7 : memref<50x128xf32, #tpu.memory_space<vmem>>)
      %slice3A_117 = vector.extract_strided_slice %get3A_99 {offsets = [0], sizes = [1], strides = [1]} : vector<16xi32> to vector<1xi32>
      %squeeze3A_118 = vector.extract %slice3A_117[0] : i32 from vector<1xi32>
      %and3A = arith.constant 127 : i32
      %and3A_119 = arith.andi %squeeze3A_118, %and3A : i32
      %broadcast_in_dim3A = vector.broadcast %and3A_119 : i32 to vector<16xi32>
      %iota3A = tpu.iota {dimensions = array<i32: 0>} : vector<16xi32>
      %add3A_120 = arith.constant 0 : i32
      %add3A_121 = vector.broadcast %add3A_120 : i32 to vector<16xi32>
      %add3A_122 = arith.addi %iota3A, %add3A_121 : vector<16xi32>
      %gather3A = tpu.vector_load_idx %arg7[%add3A_122, %broadcast_in_dim3A] : memref<50x128xf32, #tpu.memory_space<vmem>>[vector<16xi32>, vector<16xi32>], vector<16xf32>,
      %swap3A = arith.index_cast %add3A_111 : i32 to index
      %swap3A_123 = arith.constant 0 : index
      %swap3A_124 = tpu.vector_load %arg6[%swap3A, %swap3A_123] {strides = array<i32>} : memref<512x64xf32, #tpu.memory_space<vmem>>, vector<16xf32>,
      tpu.vector_store %arg6[%swap3A, %swap3A_123], %gather3A {strides = array<i32>} : memref<512x64xf32, #tpu.memory_space<vmem>>, vector<16xf32>,
      %iota3A_125 = tpu.iota {dimensions = array<i32: 0>} : vector<16xi32>
      %add3A_126 = arith.constant 16 : i32
      %add3A_127 = vector.broadcast %add3A_126 : i32 to vector<16xi32>
      %add3A_128 = arith.addi %iota3A_125, %add3A_127 : vector<16xi32>
      %gather3A_129 = tpu.vector_load_idx %arg7[%add3A_128, %broadcast_in_dim3A] : memref<50x128xf32, #tpu.memory_space<vmem>>[vector<16xi32>, vector<16xi32>], vector<16xf32>,
      %swap3A_130 = arith.index_cast %add3A_111 : i32 to index
      %swap3A_131 = arith.constant 16 : index
      %swap3A_132 = tpu.vector_load %arg6[%swap3A_130, %swap3A_131] {strides = array<i32>} : memref<512x64xf32, #tpu.memory_space<vmem>>, vector<16xf32>,
      tpu.vector_store %arg6[%swap3A_130, %swap3A_131], %gather3A_129 {strides = array<i32>} : memref<512x64xf32, #tpu.memory_space<vmem>>, vector<16xf32>,
      %iota3A_133 = tpu.iota {dimensions = array<i32: 0>} : vector<16xi32>
      %add3A_134 = arith.constant 32 : i32
      %add3A_135 = vector.broadcast %add3A_134 : i32 to vector<16xi32>
      %add3A_136 = arith.addi %iota3A_133, %add3A_135 : vector<16xi32>
      %gather3A_137 = tpu.vector_load_idx %arg7[%add3A_136, %broadcast_in_dim3A] : memref<50x128xf32, #tpu.memory_space<vmem>>[vector<16xi32>, vector<16xi32>], vector<16xf32>,
      %swap3A_138 = arith.index_cast %add3A_111 : i32 to index
      %swap3A_139 = arith.constant 32 : index
      %swap3A_140 = tpu.vector_load %arg6[%swap3A_138, %swap3A_139] {strides = array<i32>} : memref<512x64xf32, #tpu.memory_space<vmem>>, vector<16xf32>,
      tpu.vector_store %arg6[%swap3A_138, %swap3A_139], %gather3A_137 {strides = array<i32>} : memref<512x64xf32, #tpu.memory_space<vmem>>, vector<16xf32>,
      %iota3A_141 = tpu.iota {dimensions = array<i32: 0>} : vector<16xi32>
      %add3A_142 = arith.constant 48 : i32
      %add3A_143 = vector.broadcast %add3A_142 : i32 to vector<16xi32>
      %add3A_144 = arith.addi %iota3A_141, %add3A_143 : vector<16xi32>
      %iota3A_145 = tpu.iota {dimensions = array<i32: 0>} : vector<16xi32>
      %lt3A = arith.constant 2 : i32
      %lt3A_146 = vector.broadcast %lt3A : i32 to vector<16xi32>
      %lt3A_147 = arith.cmpi slt, %iota3A_145, %lt3A_146 : vector<16xi32>
      %gather3A_148 = tpu.vector_load_idx %arg7[%add3A_144, %broadcast_in_dim3A] masked %lt3A_147 : memref<50x128xf32, #tpu.memory_space<vmem>>[vector<16xi32>, vector<16xi32>], vector<16xf32>, vector<16xi1>
      %jit3A = arith.constant 0.000000e+00 : f32
      %broadcast_in_dim3A_149 = vector.broadcast %jit3A : f32 to vector<16xf32>
      %select_n3A = arith.select %lt3A_147, %gather3A_148, %broadcast_in_dim3A_149 : vector<16xi1>, vector<16xf32>
      %swap3A_150 = arith.index_cast %add3A_111 : i32 to index
      %swap3A_151 = arith.constant 48 : index
      %swap3A_152 = tpu.vector_load %arg6[%swap3A_150, %swap3A_151] {strides = array<i32>} : memref<512x64xf32, #tpu.memory_space<vmem>>, vector<16xf32>,
      tpu.vector_store %arg6[%swap3A_150, %swap3A_151], %select_n3A {strides = array<i32>} : memref<512x64xf32, #tpu.memory_space<vmem>>, vector<16xf32>,
      %slice3A_153 = vector.extract_strided_slice %get3A_99 {offsets = [8], sizes = [1], strides = [1]} : vector<16xi32> to vector<1xi32>
      %squeeze3A_154 = vector.extract %slice3A_153[0] : i32 from vector<1xi32>
      %add3A_155 = arith.constant 8 : i32
      %add3A_156 = arith.addi %add3A_111, %add3A_155 : i32
      %lt3A_157 = arith.constant 512 : i32
      %lt3A_158 = arith.cmpi slt, %add3A_156, %lt3A_157 : i32
      %convert_element_type3A = arith.extui %lt3A_158 : i1 to i32
      %cond3A = arith.constant 0 : i32
      %cond3A_159 = arith.cmpi ne, %convert_element_type3A, %cond3A : i32
      scf.if %cond3A_159 {
        %shift_right_arithmetic3A_1106 = arith.constant 7 : i32
        %shift_right_arithmetic3A_1107 = arith.shrsi %squeeze3A_154, %shift_right_arithmetic3A_1106 : i32
        %mul3A_1108 = arith.constant 128 : i32
        %mul3A_1109 = arith.muli %shift_right_arithmetic3A_1107, %mul3A_1108 : i32
        %multiple_of3A_1110 = tpu.assume_multiple %mul3A_1109, 128 : i32
        %dma_start3A_1111 = arith.constant 0 : i32
        %dma_start3A_1112 = tpu.memref_slice %arg2[%dma_start3A_1111, %multiple_of3A_1110] : memref<50x1000000xf32, #tpu.memory_space<hbm>> -> memref<50x128xf32, #tpu.memory_space<hbm>>
        %dma_start3A_1113 = arith.constant 0 : i32
        %dma_start3A_1114 = tpu.memref_slice %arg2[%dma_start3A_1113, %multiple_of3A_1110] : memref<50x1000000xf32, #tpu.memory_space<hbm>> -> memref<50x128xf32, #tpu.memory_space<hbm>>
        tpu.enqueue_dma source(%dma_start3A_1114 : memref<50x128xf32, #tpu.memory_space<hbm>>) target(%arg7 : memref<50x128xf32, #tpu.memory_space<vmem>>) target_semaphore(%arg15 : memref<!tpu.dma_semaphore, #tpu.memory_space<semaphore_mem>>)
      } else {
      }
      %mul3A_160 = arith.constant 16 : i32
      %mul3A_161 = arith.muli %scan3A_93, %mul3A_160 : i32
      %add3A_162 = arith.constant 1 : i32
      %add3A_163 = arith.addi %mul3A_161, %add3A_162 : i32
      %dma_wait3A_164 = arith.constant 0 : i32
      %dma_wait3A_165 = arith.constant 0 : i32
      %dma_wait3A_166 = tpu.memref_slice %arg2[%dma_wait3A_164, %dma_wait3A_165] : memref<50x1000000xf32, #tpu.memory_space<hbm>> -> memref<50x128xf32, #tpu.memory_space<hbm>>
      %dma_wait3A_167 = arith.constant 0 : i32
      %dma_wait3A_168 = arith.constant 0 : i32
      %dma_wait3A_169 = tpu.memref_slice %arg2[%dma_wait3A_167, %dma_wait3A_168] : memref<50x1000000xf32, #tpu.memory_space<hbm>> -> memref<50x128xf32, #tpu.memory_space<hbm>>
      tpu.wait_dma2 semaphore(%arg16 : memref<!tpu.dma_semaphore, #tpu.memory_space<semaphore_mem>>) src(%dma_wait3A_169 : memref<50x128xf32, #tpu.memory_space<hbm>>) dst(%arg8 : memref<50x128xf32, #tpu.memory_space<vmem>>)
      %slice3A_170 = vector.extract_strided_slice %get3A_99 {offsets = [1], sizes = [1], strides = [1]} : vector<16xi32> to vector<1xi32>
      %squeeze3A_171 = vector.extract %slice3A_170[0] : i32 from vector<1xi32>
      %and3A_172 = arith.constant 127 : i32
      %and3A_173 = arith.andi %squeeze3A_171, %and3A_172 : i32
      %broadcast_in_dim3A_174 = vector.broadcast %and3A_173 : i32 to vector<16xi32>
      %iota3A_175 = tpu.iota {dimensions = array<i32: 0>} : vector<16xi32>
      %add3A_176 = arith.constant 0 : i32
      %add3A_177 = vector.broadcast %add3A_176 : i32 to vector<16xi32>
      %add3A_178 = arith.addi %iota3A_175, %add3A_177 : vector<16xi32>
      %gather3A_179 = tpu.vector_load_idx %arg8[%add3A_178, %broadcast_in_dim3A_174] : memref<50x128xf32, #tpu.memory_space<vmem>>[vector<16xi32>, vector<16xi32>], vector<16xf32>,
      %swap3A_180 = arith.index_cast %add3A_163 : i32 to index
      %swap3A_181 = arith.constant 0 : index
      %swap3A_182 = tpu.vector_load %arg6[%swap3A_180, %swap3A_181] {strides = array<i32>} : memref<512x64xf32, #tpu.memory_space<vmem>>, vector<16xf32>,
      tpu.vector_store %arg6[%swap3A_180, %swap3A_181], %gather3A_179 {strides = array<i32>} : memref<512x64xf32, #tpu.memory_space<vmem>>, vector<16xf32>,
      %iota3A_183 = tpu.iota {dimensions = array<i32: 0>} : vector<16xi32>
      %add3A_184 = arith.constant 16 : i32
      %add3A_185 = vector.broadcast %add3A_184 : i32 to vector<16xi32>
      %add3A_186 = arith.addi %iota3A_183, %add3A_185 : vector<16xi32>
      %gather3A_187 = tpu.vector_load_idx %arg8[%add3A_186, %broadcast_in_dim3A_174] : memref<50x128xf32, #tpu.memory_space<vmem>>[vector<16xi32>, vector<16xi32>], vector<16xf32>,
      %swap3A_188 = arith.index_cast %add3A_163 : i32 to index
      %swap3A_189 = arith.constant 16 : index
      %swap3A_190 = tpu.vector_load %arg6[%swap3A_188, %swap3A_189] {strides = array<i32>} : memref<512x64xf32, #tpu.memory_space<vmem>>, vector<16xf32>,
      tpu.vector_store %arg6[%swap3A_188, %swap3A_189], %gather3A_187 {strides = array<i32>} : memref<512x64xf32, #tpu.memory_space<vmem>>, vector<16xf32>,
      %iota3A_191 = tpu.iota {dimensions = array<i32: 0>} : vector<16xi32>
      %add3A_192 = arith.constant 32 : i32
      %add3A_193 = vector.broadcast %add3A_192 : i32 to vector<16xi32>
      %add3A_194 = arith.addi %iota3A_191, %add3A_193 : vector<16xi32>
      %gather3A_195 = tpu.vector_load_idx %arg8[%add3A_194, %broadcast_in_dim3A_174] : memref<50x128xf32, #tpu.memory_space<vmem>>[vector<16xi32>, vector<16xi32>], vector<16xf32>,
      %swap3A_196 = arith.index_cast %add3A_163 : i32 to index
      %swap3A_197 = arith.constant 32 : index
      %swap3A_198 = tpu.vector_load %arg6[%swap3A_196, %swap3A_197] {strides = array<i32>} : memref<512x64xf32, #tpu.memory_space<vmem>>, vector<16xf32>,
      tpu.vector_store %arg6[%swap3A_196, %swap3A_197], %gather3A_195 {strides = array<i32>} : memref<512x64xf32, #tpu.memory_space<vmem>>, vector<16xf32>,
      %iota3A_199 = tpu.iota {dimensions = array<i32: 0>} : vector<16xi32>
      %add3A_200 = arith.constant 48 : i32
      %add3A_201 = vector.broadcast %add3A_200 : i32 to vector<16xi32>
      %add3A_202 = arith.addi %iota3A_199, %add3A_201 : vector<16xi32>
      %iota3A_203 = tpu.iota {dimensions = array<i32: 0>} : vector<16xi32>
      %lt3A_204 = arith.constant 2 : i32
      %lt3A_205 = vector.broadcast %lt3A_204 : i32 to vector<16xi32>
      %lt3A_206 = arith.cmpi slt, %iota3A_203, %lt3A_205 : vector<16xi32>
      %gather3A_207 = tpu.vector_load_idx %arg8[%add3A_202, %broadcast_in_dim3A_174] masked %lt3A_206 : memref<50x128xf32, #tpu.memory_space<vmem>>[vector<16xi32>, vector<16xi32>], vector<16xf32>, vector<16xi1>
      %jit3A_208 = arith.constant 0.000000e+00 : f32
      %broadcast_in_dim3A_209 = vector.broadcast %jit3A_208 : f32 to vector<16xf32>
      %select_n3A_210 = arith.select %lt3A_206, %gather3A_207, %broadcast_in_dim3A_209 : vector<16xi1>, vector<16xf32>
      %swap3A_211 = arith.index_cast %add3A_163 : i32 to index
      %swap3A_212 = arith.constant 48 : index
      %swap3A_213 = tpu.vector_load %arg6[%swap3A_211, %swap3A_212] {strides = array<i32>} : memref<512x64xf32, #tpu.memory_space<vmem>>, vector<16xf32>,
      tpu.vector_store %arg6[%swap3A_211, %swap3A_212], %select_n3A_210 {strides = array<i32>} : memref<512x64xf32, #tpu.memory_space<vmem>>, vector<16xf32>,
      %slice3A_214 = vector.extract_strided_slice %get3A_99 {offsets = [9], sizes = [1], strides = [1]} : vector<16xi32> to vector<1xi32>
      %squeeze3A_215 = vector.extract %slice3A_214[0] : i32 from vector<1xi32>
      %add3A_216 = arith.constant 8 : i32
      %add3A_217 = arith.addi %add3A_163, %add3A_216 : i32
      %lt3A_218 = arith.constant 512 : i32
      %lt3A_219 = arith.cmpi slt, %add3A_217, %lt3A_218 : i32
      %convert_element_type3A_220 = arith.extui %lt3A_219 : i1 to i32
      %cond3A_221 = arith.constant 0 : i32
      %cond3A_222 = arith.cmpi ne, %convert_element_type3A_220, %cond3A_221 : i32
      scf.if %cond3A_222 {
        %shift_right_arithmetic3A_1106 = arith.constant 7 : i32
        %shift_right_arithmetic3A_1107 = arith.shrsi %squeeze3A_215, %shift_right_arithmetic3A_1106 : i32
        %mul3A_1108 = arith.constant 128 : i32
        %mul3A_1109 = arith.muli %shift_right_arithmetic3A_1107, %mul3A_1108 : i32
        %multiple_of3A_1110 = tpu.assume_multiple %mul3A_1109, 128 : i32
        %dma_start3A_1111 = arith.constant 0 : i32
        %dma_start3A_1112 = tpu.memref_slice %arg2[%dma_start3A_1111, %multiple_of3A_1110] : memref<50x1000000xf32, #tpu.memory_space<hbm>> -> memref<50x128xf32, #tpu.memory_space<hbm>>
        %dma_start3A_1113 = arith.constant 0 : i32
        %dma_start3A_1114 = tpu.memref_slice %arg2[%dma_start3A_1113, %multiple_of3A_1110] : memref<50x1000000xf32, #tpu.memory_space<hbm>> -> memref<50x128xf32, #tpu.memory_space<hbm>>
        tpu.enqueue_dma source(%dma_start3A_1114 : memref<50x128xf32, #tpu.memory_space<hbm>>) target(%arg8 : memref<50x128xf32, #tpu.memory_space<vmem>>) target_semaphore(%arg16 : memref<!tpu.dma_semaphore, #tpu.memory_space<semaphore_mem>>)
      } else {
      }
      %mul3A_223 = arith.constant 16 : i32
      %mul3A_224 = arith.muli %scan3A_93, %mul3A_223 : i32
      %add3A_225 = arith.constant 2 : i32
      %add3A_226 = arith.addi %mul3A_224, %add3A_225 : i32
      %dma_wait3A_227 = arith.constant 0 : i32
      %dma_wait3A_228 = arith.constant 0 : i32
      %dma_wait3A_229 = tpu.memref_slice %arg2[%dma_wait3A_227, %dma_wait3A_228] : memref<50x1000000xf32, #tpu.memory_space<hbm>> -> memref<50x128xf32, #tpu.memory_space<hbm>>
      %dma_wait3A_230 = arith.constant 0 : i32
      %dma_wait3A_231 = arith.constant 0 : i32
      %dma_wait3A_232 = tpu.memref_slice %arg2[%dma_wait3A_230, %dma_wait3A_231] : memref<50x1000000xf32, #tpu.memory_space<hbm>> -> memref<50x128xf32, #tpu.memory_space<hbm>>
      tpu.wait_dma2 semaphore(%arg17 : memref<!tpu.dma_semaphore, #tpu.memory_space<semaphore_mem>>) src(%dma_wait3A_232 : memref<50x128xf32, #tpu.memory_space<hbm>>) dst(%arg9 : memref<50x128xf32, #tpu.memory_space<vmem>>)
      %slice3A_233 = vector.extract_strided_slice %get3A_99 {offsets = [2], sizes = [1], strides = [1]} : vector<16xi32> to vector<1xi32>
      %squeeze3A_234 = vector.extract %slice3A_233[0] : i32 from vector<1xi32>
      %and3A_235 = arith.constant 127 : i32
      %and3A_236 = arith.andi %squeeze3A_234, %and3A_235 : i32
      %broadcast_in_dim3A_237 = vector.broadcast %and3A_236 : i32 to vector<16xi32>
      %iota3A_238 = tpu.iota {dimensions = array<i32: 0>} : vector<16xi32>
      %add3A_239 = arith.constant 0 : i32
      %add3A_240 = vector.broadcast %add3A_239 : i32 to vector<16xi32>
      %add3A_241 = arith.addi %iota3A_238, %add3A_240 : vector<16xi32>
      %gather3A_242 = tpu.vector_load_idx %arg9[%add3A_241, %broadcast_in_dim3A_237] : memref<50x128xf32, #tpu.memory_space<vmem>>[vector<16xi32>, vector<16xi32>], vector<16xf32>,
      %swap3A_243 = arith.index_cast %add3A_226 : i32 to index
      %swap3A_244 = arith.constant 0 : index
      %swap3A_245 = tpu.vector_load %arg6[%swap3A_243, %swap3A_244] {strides = array<i32>} : memref<512x64xf32, #tpu.memory_space<vmem>>, vector<16xf32>,
      tpu.vector_store %arg6[%swap3A_243, %swap3A_244], %gather3A_242 {strides = array<i32>} : memref<512x64xf32, #tpu.memory_space<vmem>>, vector<16xf32>,
      %iota3A_246 = tpu.iota {dimensions = array<i32: 0>} : vector<16xi32>
      %add3A_247 = arith.constant 16 : i32
      %add3A_248 = vector.broadcast %add3A_247 : i32 to vector<16xi32>
      %add3A_249 = arith.addi %iota3A_246, %add3A_248 : vector<16xi32>
      %gather3A_250 = tpu.vector_load_idx %arg9[%add3A_249, %broadcast_in_dim3A_237] : memref<50x128xf32, #tpu.memory_space<vmem>>[vector<16xi32>, vector<16xi32>], vector<16xf32>,
      %swap3A_251 = arith.index_cast %add3A_226 : i32 to index
      %swap3A_252 = arith.constant 16 : index
      %swap3A_253 = tpu.vector_load %arg6[%swap3A_251, %swap3A_252] {strides = array<i32>} : memref<512x64xf32, #tpu.memory_space<vmem>>, vector<16xf32>,
      tpu.vector_store %arg6[%swap3A_251, %swap3A_252], %gather3A_250 {strides = array<i32>} : memref<512x64xf32, #tpu.memory_space<vmem>>, vector<16xf32>,
      %iota3A_254 = tpu.iota {dimensions = array<i32: 0>} : vector<16xi32>
      %add3A_255 = arith.constant 32 : i32
      %add3A_256 = vector.broadcast %add3A_255 : i32 to vector<16xi32>
      %add3A_257 = arith.addi %iota3A_254, %add3A_256 : vector<16xi32>
      %gather3A_258 = tpu.vector_load_idx %arg9[%add3A_257, %broadcast_in_dim3A_237] : memref<50x128xf32, #tpu.memory_space<vmem>>[vector<16xi32>, vector<16xi32>], vector<16xf32>,
      %swap3A_259 = arith.index_cast %add3A_226 : i32 to index
      %swap3A_260 = arith.constant 32 : index
      %swap3A_261 = tpu.vector_load %arg6[%swap3A_259, %swap3A_260] {strides = array<i32>} : memref<512x64xf32, #tpu.memory_space<vmem>>, vector<16xf32>,
      tpu.vector_store %arg6[%swap3A_259, %swap3A_260], %gather3A_258 {strides = array<i32>} : memref<512x64xf32, #tpu.memory_space<vmem>>, vector<16xf32>,
      %iota3A_262 = tpu.iota {dimensions = array<i32: 0>} : vector<16xi32>
      %add3A_263 = arith.constant 48 : i32
      %add3A_264 = vector.broadcast %add3A_263 : i32 to vector<16xi32>
      %add3A_265 = arith.addi %iota3A_262, %add3A_264 : vector<16xi32>
      %iota3A_266 = tpu.iota {dimensions = array<i32: 0>} : vector<16xi32>
      %lt3A_267 = arith.constant 2 : i32
      %lt3A_268 = vector.broadcast %lt3A_267 : i32 to vector<16xi32>
      %lt3A_269 = arith.cmpi slt, %iota3A_266, %lt3A_268 : vector<16xi32>
      %gather3A_270 = tpu.vector_load_idx %arg9[%add3A_265, %broadcast_in_dim3A_237] masked %lt3A_269 : memref<50x128xf32, #tpu.memory_space<vmem>>[vector<16xi32>, vector<16xi32>], vector<16xf32>, vector<16xi1>
      %jit3A_271 = arith.constant 0.000000e+00 : f32
      %broadcast_in_dim3A_272 = vector.broadcast %jit3A_271 : f32 to vector<16xf32>
      %select_n3A_273 = arith.select %lt3A_269, %gather3A_270, %broadcast_in_dim3A_272 : vector<16xi1>, vector<16xf32>
      %swap3A_274 = arith.index_cast %add3A_226 : i32 to index
      %swap3A_275 = arith.constant 48 : index
      %swap3A_276 = tpu.vector_load %arg6[%swap3A_274, %swap3A_275] {strides = array<i32>} : memref<512x64xf32, #tpu.memory_space<vmem>>, vector<16xf32>,
      tpu.vector_store %arg6[%swap3A_274, %swap3A_275], %select_n3A_273 {strides = array<i32>} : memref<512x64xf32, #tpu.memory_space<vmem>>, vector<16xf32>,
      %slice3A_277 = vector.extract_strided_slice %get3A_99 {offsets = [10], sizes = [1], strides = [1]} : vector<16xi32> to vector<1xi32>
      %squeeze3A_278 = vector.extract %slice3A_277[0] : i32 from vector<1xi32>
      %add3A_279 = arith.constant 8 : i32
      %add3A_280 = arith.addi %add3A_226, %add3A_279 : i32
      %lt3A_281 = arith.constant 512 : i32
      %lt3A_282 = arith.cmpi slt, %add3A_280, %lt3A_281 : i32
      %convert_element_type3A_283 = arith.extui %lt3A_282 : i1 to i32
      %cond3A_284 = arith.constant 0 : i32
      %cond3A_285 = arith.cmpi ne, %convert_element_type3A_283, %cond3A_284 : i32
      scf.if %cond3A_285 {
        %shift_right_arithmetic3A_1106 = arith.constant 7 : i32
        %shift_right_arithmetic3A_1107 = arith.shrsi %squeeze3A_278, %shift_right_arithmetic3A_1106 : i32
        %mul3A_1108 = arith.constant 128 : i32
        %mul3A_1109 = arith.muli %shift_right_arithmetic3A_1107, %mul3A_1108 : i32
        %multiple_of3A_1110 = tpu.assume_multiple %mul3A_1109, 128 : i32
        %dma_start3A_1111 = arith.constant 0 : i32
        %dma_start3A_1112 = tpu.memref_slice %arg2[%dma_start3A_1111, %multiple_of3A_1110] : memref<50x1000000xf32, #tpu.memory_space<hbm>> -> memref<50x128xf32, #tpu.memory_space<hbm>>
        %dma_start3A_1113 = arith.constant 0 : i32
        %dma_start3A_1114 = tpu.memref_slice %arg2[%dma_start3A_1113, %multiple_of3A_1110] : memref<50x1000000xf32, #tpu.memory_space<hbm>> -> memref<50x128xf32, #tpu.memory_space<hbm>>
        tpu.enqueue_dma source(%dma_start3A_1114 : memref<50x128xf32, #tpu.memory_space<hbm>>) target(%arg9 : memref<50x128xf32, #tpu.memory_space<vmem>>) target_semaphore(%arg17 : memref<!tpu.dma_semaphore, #tpu.memory_space<semaphore_mem>>)
      } else {
      }
      %mul3A_286 = arith.constant 16 : i32
      %mul3A_287 = arith.muli %scan3A_93, %mul3A_286 : i32
      %add3A_288 = arith.constant 3 : i32
      %add3A_289 = arith.addi %mul3A_287, %add3A_288 : i32
      %dma_wait3A_290 = arith.constant 0 : i32
      %dma_wait3A_291 = arith.constant 0 : i32
      %dma_wait3A_292 = tpu.memref_slice %arg2[%dma_wait3A_290, %dma_wait3A_291] : memref<50x1000000xf32, #tpu.memory_space<hbm>> -> memref<50x128xf32, #tpu.memory_space<hbm>>
      %dma_wait3A_293 = arith.constant 0 : i32
      %dma_wait3A_294 = arith.constant 0 : i32
      %dma_wait3A_295 = tpu.memref_slice %arg2[%dma_wait3A_293, %dma_wait3A_294] : memref<50x1000000xf32, #tpu.memory_space<hbm>> -> memref<50x128xf32, #tpu.memory_space<hbm>>
      tpu.wait_dma2 semaphore(%arg18 : memref<!tpu.dma_semaphore, #tpu.memory_space<semaphore_mem>>) src(%dma_wait3A_295 : memref<50x128xf32, #tpu.memory_space<hbm>>) dst(%arg10 : memref<50x128xf32, #tpu.memory_space<vmem>>)
      %slice3A_296 = vector.extract_strided_slice %get3A_99 {offsets = [3], sizes = [1], strides = [1]} : vector<16xi32> to vector<1xi32>
      %squeeze3A_297 = vector.extract %slice3A_296[0] : i32 from vector<1xi32>
      %and3A_298 = arith.constant 127 : i32
      %and3A_299 = arith.andi %squeeze3A_297, %and3A_298 : i32
      %broadcast_in_dim3A_300 = vector.broadcast %and3A_299 : i32 to vector<16xi32>
      %iota3A_301 = tpu.iota {dimensions = array<i32: 0>} : vector<16xi32>
      %add3A_302 = arith.constant 0 : i32
      %add3A_303 = vector.broadcast %add3A_302 : i32 to vector<16xi32>
      %add3A_304 = arith.addi %iota3A_301, %add3A_303 : vector<16xi32>
      %gather3A_305 = tpu.vector_load_idx %arg10[%add3A_304, %broadcast_in_dim3A_300] : memref<50x128xf32, #tpu.memory_space<vmem>>[vector<16xi32>, vector<16xi32>], vector<16xf32>,
      %swap3A_306 = arith.index_cast %add3A_289 : i32 to index
      %swap3A_307 = arith.constant 0 : index
      %swap3A_308 = tpu.vector_load %arg6[%swap3A_306, %swap3A_307] {strides = array<i32>} : memref<512x64xf32, #tpu.memory_space<vmem>>, vector<16xf32>,
      tpu.vector_store %arg6[%swap3A_306, %swap3A_307], %gather3A_305 {strides = array<i32>} : memref<512x64xf32, #tpu.memory_space<vmem>>, vector<16xf32>,
      %iota3A_309 = tpu.iota {dimensions = array<i32: 0>} : vector<16xi32>
      %add3A_310 = arith.constant 16 : i32
      %add3A_311 = vector.broadcast %add3A_310 : i32 to vector<16xi32>
      %add3A_312 = arith.addi %iota3A_309, %add3A_311 : vector<16xi32>
      %gather3A_313 = tpu.vector_load_idx %arg10[%add3A_312, %broadcast_in_dim3A_300] : memref<50x128xf32, #tpu.memory_space<vmem>>[vector<16xi32>, vector<16xi32>], vector<16xf32>,
      %swap3A_314 = arith.index_cast %add3A_289 : i32 to index
      %swap3A_315 = arith.constant 16 : index
      %swap3A_316 = tpu.vector_load %arg6[%swap3A_314, %swap3A_315] {strides = array<i32>} : memref<512x64xf32, #tpu.memory_space<vmem>>, vector<16xf32>,
      tpu.vector_store %arg6[%swap3A_314, %swap3A_315], %gather3A_313 {strides = array<i32>} : memref<512x64xf32, #tpu.memory_space<vmem>>, vector<16xf32>,
      %iota3A_317 = tpu.iota {dimensions = array<i32: 0>} : vector<16xi32>
      %add3A_318 = arith.constant 32 : i32
      %add3A_319 = vector.broadcast %add3A_318 : i32 to vector<16xi32>
      %add3A_320 = arith.addi %iota3A_317, %add3A_319 : vector<16xi32>
      %gather3A_321 = tpu.vector_load_idx %arg10[%add3A_320, %broadcast_in_dim3A_300] : memref<50x128xf32, #tpu.memory_space<vmem>>[vector<16xi32>, vector<16xi32>], vector<16xf32>,
      %swap3A_322 = arith.index_cast %add3A_289 : i32 to index
      %swap3A_323 = arith.constant 32 : index
      %swap3A_324 = tpu.vector_load %arg6[%swap3A_322, %swap3A_323] {strides = array<i32>} : memref<512x64xf32, #tpu.memory_space<vmem>>, vector<16xf32>,
      tpu.vector_store %arg6[%swap3A_322, %swap3A_323], %gather3A_321 {strides = array<i32>} : memref<512x64xf32, #tpu.memory_space<vmem>>, vector<16xf32>,
      %iota3A_325 = tpu.iota {dimensions = array<i32: 0>} : vector<16xi32>
      %add3A_326 = arith.constant 48 : i32
      %add3A_327 = vector.broadcast %add3A_326 : i32 to vector<16xi32>
      %add3A_328 = arith.addi %iota3A_325, %add3A_327 : vector<16xi32>
      %iota3A_329 = tpu.iota {dimensions = array<i32: 0>} : vector<16xi32>
      %lt3A_330 = arith.constant 2 : i32
      %lt3A_331 = vector.broadcast %lt3A_330 : i32 to vector<16xi32>
      %lt3A_332 = arith.cmpi slt, %iota3A_329, %lt3A_331 : vector<16xi32>
      %gather3A_333 = tpu.vector_load_idx %arg10[%add3A_328, %broadcast_in_dim3A_300] masked %lt3A_332 : memref<50x128xf32, #tpu.memory_space<vmem>>[vector<16xi32>, vector<16xi32>], vector<16xf32>, vector<16xi1>
      %jit3A_334 = arith.constant 0.000000e+00 : f32
      %broadcast_in_dim3A_335 = vector.broadcast %jit3A_334 : f32 to vector<16xf32>
      %select_n3A_336 = arith.select %lt3A_332, %gather3A_333, %broadcast_in_dim3A_335 : vector<16xi1>, vector<16xf32>
      %swap3A_337 = arith.index_cast %add3A_289 : i32 to index
      %swap3A_338 = arith.constant 48 : index
      %swap3A_339 = tpu.vector_load %arg6[%swap3A_337, %swap3A_338] {strides = array<i32>} : memref<512x64xf32, #tpu.memory_space<vmem>>, vector<16xf32>,
      tpu.vector_store %arg6[%swap3A_337, %swap3A_338], %select_n3A_336 {strides = array<i32>} : memref<512x64xf32, #tpu.memory_space<vmem>>, vector<16xf32>,
      %slice3A_340 = vector.extract_strided_slice %get3A_99 {offsets = [11], sizes = [1], strides = [1]} : vector<16xi32> to vector<1xi32>
      %squeeze3A_341 = vector.extract %slice3A_340[0] : i32 from vector<1xi32>
      %add3A_342 = arith.constant 8 : i32
      %add3A_343 = arith.addi %add3A_289, %add3A_342 : i32
      %lt3A_344 = arith.constant 512 : i32
      %lt3A_345 = arith.cmpi slt, %add3A_343, %lt3A_344 : i32
      %convert_element_type3A_346 = arith.extui %lt3A_345 : i1 to i32
      %cond3A_347 = arith.constant 0 : i32
      %cond3A_348 = arith.cmpi ne, %convert_element_type3A_346, %cond3A_347 : i32
      scf.if %cond3A_348 {
        %shift_right_arithmetic3A_1106 = arith.constant 7 : i32
        %shift_right_arithmetic3A_1107 = arith.shrsi %squeeze3A_341, %shift_right_arithmetic3A_1106 : i32
        %mul3A_1108 = arith.constant 128 : i32
        %mul3A_1109 = arith.muli %shift_right_arithmetic3A_1107, %mul3A_1108 : i32
        %multiple_of3A_1110 = tpu.assume_multiple %mul3A_1109, 128 : i32
        %dma_start3A_1111 = arith.constant 0 : i32
        %dma_start3A_1112 = tpu.memref_slice %arg2[%dma_start3A_1111, %multiple_of3A_1110] : memref<50x1000000xf32, #tpu.memory_space<hbm>> -> memref<50x128xf32, #tpu.memory_space<hbm>>
        %dma_start3A_1113 = arith.constant 0 : i32
        %dma_start3A_1114 = tpu.memref_slice %arg2[%dma_start3A_1113, %multiple_of3A_1110] : memref<50x1000000xf32, #tpu.memory_space<hbm>> -> memref<50x128xf32, #tpu.memory_space<hbm>>
        tpu.enqueue_dma source(%dma_start3A_1114 : memref<50x128xf32, #tpu.memory_space<hbm>>) target(%arg10 : memref<50x128xf32, #tpu.memory_space<vmem>>) target_semaphore(%arg18 : memref<!tpu.dma_semaphore, #tpu.memory_space<semaphore_mem>>)
      } else {
      }
      %mul3A_349 = arith.constant 16 : i32
      %mul3A_350 = arith.muli %scan3A_93, %mul3A_349 : i32
      %add3A_351 = arith.constant 4 : i32
      %add3A_352 = arith.addi %mul3A_350, %add3A_351 : i32
      %dma_wait3A_353 = arith.constant 0 : i32
      %dma_wait3A_354 = arith.constant 0 : i32
      %dma_wait3A_355 = tpu.memref_slice %arg2[%dma_wait3A_353, %dma_wait3A_354] : memref<50x1000000xf32, #tpu.memory_space<hbm>> -> memref<50x128xf32, #tpu.memory_space<hbm>>
      %dma_wait3A_356 = arith.constant 0 : i32
      %dma_wait3A_357 = arith.constant 0 : i32
      %dma_wait3A_358 = tpu.memref_slice %arg2[%dma_wait3A_356, %dma_wait3A_357] : memref<50x1000000xf32, #tpu.memory_space<hbm>> -> memref<50x128xf32, #tpu.memory_space<hbm>>
      tpu.wait_dma2 semaphore(%arg19 : memref<!tpu.dma_semaphore, #tpu.memory_space<semaphore_mem>>) src(%dma_wait3A_358 : memref<50x128xf32, #tpu.memory_space<hbm>>) dst(%arg11 : memref<50x128xf32, #tpu.memory_space<vmem>>)
      %slice3A_359 = vector.extract_strided_slice %get3A_99 {offsets = [4], sizes = [1], strides = [1]} : vector<16xi32> to vector<1xi32>
      %squeeze3A_360 = vector.extract %slice3A_359[0] : i32 from vector<1xi32>
      %and3A_361 = arith.constant 127 : i32
      %and3A_362 = arith.andi %squeeze3A_360, %and3A_361 : i32
      %broadcast_in_dim3A_363 = vector.broadcast %and3A_362 : i32 to vector<16xi32>
      %iota3A_364 = tpu.iota {dimensions = array<i32: 0>} : vector<16xi32>
      %add3A_365 = arith.constant 0 : i32
      %add3A_366 = vector.broadcast %add3A_365 : i32 to vector<16xi32>
      %add3A_367 = arith.addi %iota3A_364, %add3A_366 : vector<16xi32>
      %gather3A_368 = tpu.vector_load_idx %arg11[%add3A_367, %broadcast_in_dim3A_363] : memref<50x128xf32, #tpu.memory_space<vmem>>[vector<16xi32>, vector<16xi32>], vector<16xf32>,
      %swap3A_369 = arith.index_cast %add3A_352 : i32 to index
      %swap3A_370 = arith.constant 0 : index
      %swap3A_371 = tpu.vector_load %arg6[%swap3A_369, %swap3A_370] {strides = array<i32>} : memref<512x64xf32, #tpu.memory_space<vmem>>, vector<16xf32>,
      tpu.vector_store %arg6[%swap3A_369, %swap3A_370], %gather3A_368 {strides = array<i32>} : memref<512x64xf32, #tpu.memory_space<vmem>>, vector<16xf32>,
      %iota3A_372 = tpu.iota {dimensions = array<i32: 0>} : vector<16xi32>
      %add3A_373 = arith.constant 16 : i32
      %add3A_374 = vector.broadcast %add3A_373 : i32 to vector<16xi32>
      %add3A_375 = arith.addi %iota3A_372, %add3A_374 : vector<16xi32>
      %gather3A_376 = tpu.vector_load_idx %arg11[%add3A_375, %broadcast_in_dim3A_363] : memref<50x128xf32, #tpu.memory_space<vmem>>[vector<16xi32>, vector<16xi32>], vector<16xf32>,
      %swap3A_377 = arith.index_cast %add3A_352 : i32 to index
      %swap3A_378 = arith.constant 16 : index
      %swap3A_379 = tpu.vector_load %arg6[%swap3A_377, %swap3A_378] {strides = array<i32>} : memref<512x64xf32, #tpu.memory_space<vmem>>, vector<16xf32>,
      tpu.vector_store %arg6[%swap3A_377, %swap3A_378], %gather3A_376 {strides = array<i32>} : memref<512x64xf32, #tpu.memory_space<vmem>>, vector<16xf32>,
      %iota3A_380 = tpu.iota {dimensions = array<i32: 0>} : vector<16xi32>
      %add3A_381 = arith.constant 32 : i32
      %add3A_382 = vector.broadcast %add3A_381 : i32 to vector<16xi32>
      %add3A_383 = arith.addi %iota3A_380, %add3A_382 : vector<16xi32>
      %gather3A_384 = tpu.vector_load_idx %arg11[%add3A_383, %broadcast_in_dim3A_363] : memref<50x128xf32, #tpu.memory_space<vmem>>[vector<16xi32>, vector<16xi32>], vector<16xf32>,
      %swap3A_385 = arith.index_cast %add3A_352 : i32 to index
      %swap3A_386 = arith.constant 32 : index
      %swap3A_387 = tpu.vector_load %arg6[%swap3A_385, %swap3A_386] {strides = array<i32>} : memref<512x64xf32, #tpu.memory_space<vmem>>, vector<16xf32>,
      tpu.vector_store %arg6[%swap3A_385, %swap3A_386], %gather3A_384 {strides = array<i32>} : memref<512x64xf32, #tpu.memory_space<vmem>>, vector<16xf32>,
      %iota3A_388 = tpu.iota {dimensions = array<i32: 0>} : vector<16xi32>
      %add3A_389 = arith.constant 48 : i32
      %add3A_390 = vector.broadcast %add3A_389 : i32 to vector<16xi32>
      %add3A_391 = arith.addi %iota3A_388, %add3A_390 : vector<16xi32>
      %iota3A_392 = tpu.iota {dimensions = array<i32: 0>} : vector<16xi32>
      %lt3A_393 = arith.constant 2 : i32
      %lt3A_394 = vector.broadcast %lt3A_393 : i32 to vector<16xi32>
      %lt3A_395 = arith.cmpi slt, %iota3A_392, %lt3A_394 : vector<16xi32>
      %gather3A_396 = tpu.vector_load_idx %arg11[%add3A_391, %broadcast_in_dim3A_363] masked %lt3A_395 : memref<50x128xf32, #tpu.memory_space<vmem>>[vector<16xi32>, vector<16xi32>], vector<16xf32>, vector<16xi1>
      %jit3A_397 = arith.constant 0.000000e+00 : f32
      %broadcast_in_dim3A_398 = vector.broadcast %jit3A_397 : f32 to vector<16xf32>
      %select_n3A_399 = arith.select %lt3A_395, %gather3A_396, %broadcast_in_dim3A_398 : vector<16xi1>, vector<16xf32>
      %swap3A_400 = arith.index_cast %add3A_352 : i32 to index
      %swap3A_401 = arith.constant 48 : index
      %swap3A_402 = tpu.vector_load %arg6[%swap3A_400, %swap3A_401] {strides = array<i32>} : memref<512x64xf32, #tpu.memory_space<vmem>>, vector<16xf32>,
      tpu.vector_store %arg6[%swap3A_400, %swap3A_401], %select_n3A_399 {strides = array<i32>} : memref<512x64xf32, #tpu.memory_space<vmem>>, vector<16xf32>,
      %slice3A_403 = vector.extract_strided_slice %get3A_99 {offsets = [12], sizes = [1], strides = [1]} : vector<16xi32> to vector<1xi32>
      %squeeze3A_404 = vector.extract %slice3A_403[0] : i32 from vector<1xi32>
      %add3A_405 = arith.constant 8 : i32
      %add3A_406 = arith.addi %add3A_352, %add3A_405 : i32
      %lt3A_407 = arith.constant 512 : i32
      %lt3A_408 = arith.cmpi slt, %add3A_406, %lt3A_407 : i32
      %convert_element_type3A_409 = arith.extui %lt3A_408 : i1 to i32
      %cond3A_410 = arith.constant 0 : i32
      %cond3A_411 = arith.cmpi ne, %convert_element_type3A_409, %cond3A_410 : i32
      scf.if %cond3A_411 {
        %shift_right_arithmetic3A_1106 = arith.constant 7 : i32
        %shift_right_arithmetic3A_1107 = arith.shrsi %squeeze3A_404, %shift_right_arithmetic3A_1106 : i32
        %mul3A_1108 = arith.constant 128 : i32
        %mul3A_1109 = arith.muli %shift_right_arithmetic3A_1107, %mul3A_1108 : i32
        %multiple_of3A_1110 = tpu.assume_multiple %mul3A_1109, 128 : i32
        %dma_start3A_1111 = arith.constant 0 : i32
        %dma_start3A_1112 = tpu.memref_slice %arg2[%dma_start3A_1111, %multiple_of3A_1110] : memref<50x1000000xf32, #tpu.memory_space<hbm>> -> memref<50x128xf32, #tpu.memory_space<hbm>>
        %dma_start3A_1113 = arith.constant 0 : i32
        %dma_start3A_1114 = tpu.memref_slice %arg2[%dma_start3A_1113, %multiple_of3A_1110] : memref<50x1000000xf32, #tpu.memory_space<hbm>> -> memref<50x128xf32, #tpu.memory_space<hbm>>
        tpu.enqueue_dma source(%dma_start3A_1114 : memref<50x128xf32, #tpu.memory_space<hbm>>) target(%arg11 : memref<50x128xf32, #tpu.memory_space<vmem>>) target_semaphore(%arg19 : memref<!tpu.dma_semaphore, #tpu.memory_space<semaphore_mem>>)
      } else {
      }
      %mul3A_412 = arith.constant 16 : i32
      %mul3A_413 = arith.muli %scan3A_93, %mul3A_412 : i32
      %add3A_414 = arith.constant 5 : i32
      %add3A_415 = arith.addi %mul3A_413, %add3A_414 : i32
      %dma_wait3A_416 = arith.constant 0 : i32
      %dma_wait3A_417 = arith.constant 0 : i32
      %dma_wait3A_418 = tpu.memref_slice %arg2[%dma_wait3A_416, %dma_wait3A_417] : memref<50x1000000xf32, #tpu.memory_space<hbm>> -> memref<50x128xf32, #tpu.memory_space<hbm>>
      %dma_wait3A_419 = arith.constant 0 : i32
      %dma_wait3A_420 = arith.constant 0 : i32
      %dma_wait3A_421 = tpu.memref_slice %arg2[%dma_wait3A_419, %dma_wait3A_420] : memref<50x1000000xf32, #tpu.memory_space<hbm>> -> memref<50x128xf32, #tpu.memory_space<hbm>>
      tpu.wait_dma2 semaphore(%arg20 : memref<!tpu.dma_semaphore, #tpu.memory_space<semaphore_mem>>) src(%dma_wait3A_421 : memref<50x128xf32, #tpu.memory_space<hbm>>) dst(%arg12 : memref<50x128xf32, #tpu.memory_space<vmem>>)
      %slice3A_422 = vector.extract_strided_slice %get3A_99 {offsets = [5], sizes = [1], strides = [1]} : vector<16xi32> to vector<1xi32>
      %squeeze3A_423 = vector.extract %slice3A_422[0] : i32 from vector<1xi32>
      %and3A_424 = arith.constant 127 : i32
      %and3A_425 = arith.andi %squeeze3A_423, %and3A_424 : i32
      %broadcast_in_dim3A_426 = vector.broadcast %and3A_425 : i32 to vector<16xi32>
      %iota3A_427 = tpu.iota {dimensions = array<i32: 0>} : vector<16xi32>
      %add3A_428 = arith.constant 0 : i32
      %add3A_429 = vector.broadcast %add3A_428 : i32 to vector<16xi32>
      %add3A_430 = arith.addi %iota3A_427, %add3A_429 : vector<16xi32>
      %gather3A_431 = tpu.vector_load_idx %arg12[%add3A_430, %broadcast_in_dim3A_426] : memref<50x128xf32, #tpu.memory_space<vmem>>[vector<16xi32>, vector<16xi32>], vector<16xf32>,
      %swap3A_432 = arith.index_cast %add3A_415 : i32 to index
      %swap3A_433 = arith.constant 0 : index
      %swap3A_434 = tpu.vector_load %arg6[%swap3A_432, %swap3A_433] {strides = array<i32>} : memref<512x64xf32, #tpu.memory_space<vmem>>, vector<16xf32>,
      tpu.vector_store %arg6[%swap3A_432, %swap3A_433], %gather3A_431 {strides = array<i32>} : memref<512x64xf32, #tpu.memory_space<vmem>>, vector<16xf32>,
      %iota3A_435 = tpu.iota {dimensions = array<i32: 0>} : vector<16xi32>
      %add3A_436 = arith.constant 16 : i32
      %add3A_437 = vector.broadcast %add3A_436 : i32 to vector<16xi32>
      %add3A_438 = arith.addi %iota3A_435, %add3A_437 : vector<16xi32>
      %gather3A_439 = tpu.vector_load_idx %arg12[%add3A_438, %broadcast_in_dim3A_426] : memref<50x128xf32, #tpu.memory_space<vmem>>[vector<16xi32>, vector<16xi32>], vector<16xf32>,
      %swap3A_440 = arith.index_cast %add3A_415 : i32 to index
      %swap3A_441 = arith.constant 16 : index
      %swap3A_442 = tpu.vector_load %arg6[%swap3A_440, %swap3A_441] {strides = array<i32>} : memref<512x64xf32, #tpu.memory_space<vmem>>, vector<16xf32>,
      tpu.vector_store %arg6[%swap3A_440, %swap3A_441], %gather3A_439 {strides = array<i32>} : memref<512x64xf32, #tpu.memory_space<vmem>>, vector<16xf32>,
      %iota3A_443 = tpu.iota {dimensions = array<i32: 0>} : vector<16xi32>
      %add3A_444 = arith.constant 32 : i32
      %add3A_445 = vector.broadcast %add3A_444 : i32 to vector<16xi32>
      %add3A_446 = arith.addi %iota3A_443, %add3A_445 : vector<16xi32>
      %gather3A_447 = tpu.vector_load_idx %arg12[%add3A_446, %broadcast_in_dim3A_426] : memref<50x128xf32, #tpu.memory_space<vmem>>[vector<16xi32>, vector<16xi32>], vector<16xf32>,
      %swap3A_448 = arith.index_cast %add3A_415 : i32 to index
      %swap3A_449 = arith.constant 32 : index
      %swap3A_450 = tpu.vector_load %arg6[%swap3A_448, %swap3A_449] {strides = array<i32>} : memref<512x64xf32, #tpu.memory_space<vmem>>, vector<16xf32>,
      tpu.vector_store %arg6[%swap3A_448, %swap3A_449], %gather3A_447 {strides = array<i32>} : memref<512x64xf32, #tpu.memory_space<vmem>>, vector<16xf32>,
      %iota3A_451 = tpu.iota {dimensions = array<i32: 0>} : vector<16xi32>
      %add3A_452 = arith.constant 48 : i32
      %add3A_453 = vector.broadcast %add3A_452 : i32 to vector<16xi32>
      %add3A_454 = arith.addi %iota3A_451, %add3A_453 : vector<16xi32>
      %iota3A_455 = tpu.iota {dimensions = array<i32: 0>} : vector<16xi32>
      %lt3A_456 = arith.constant 2 : i32
      %lt3A_457 = vector.broadcast %lt3A_456 : i32 to vector<16xi32>
      %lt3A_458 = arith.cmpi slt, %iota3A_455, %lt3A_457 : vector<16xi32>
      %gather3A_459 = tpu.vector_load_idx %arg12[%add3A_454, %broadcast_in_dim3A_426] masked %lt3A_458 : memref<50x128xf32, #tpu.memory_space<vmem>>[vector<16xi32>, vector<16xi32>], vector<16xf32>, vector<16xi1>
      %jit3A_460 = arith.constant 0.000000e+00 : f32
      %broadcast_in_dim3A_461 = vector.broadcast %jit3A_460 : f32 to vector<16xf32>
      %select_n3A_462 = arith.select %lt3A_458, %gather3A_459, %broadcast_in_dim3A_461 : vector<16xi1>, vector<16xf32>
      %swap3A_463 = arith.index_cast %add3A_415 : i32 to index
      %swap3A_464 = arith.constant 48 : index
      %swap3A_465 = tpu.vector_load %arg6[%swap3A_463, %swap3A_464] {strides = array<i32>} : memref<512x64xf32, #tpu.memory_space<vmem>>, vector<16xf32>,
      tpu.vector_store %arg6[%swap3A_463, %swap3A_464], %select_n3A_462 {strides = array<i32>} : memref<512x64xf32, #tpu.memory_space<vmem>>, vector<16xf32>,
      %slice3A_466 = vector.extract_strided_slice %get3A_99 {offsets = [13], sizes = [1], strides = [1]} : vector<16xi32> to vector<1xi32>
      %squeeze3A_467 = vector.extract %slice3A_466[0] : i32 from vector<1xi32>
      %add3A_468 = arith.constant 8 : i32
      %add3A_469 = arith.addi %add3A_415, %add3A_468 : i32
      %lt3A_470 = arith.constant 512 : i32
      %lt3A_471 = arith.cmpi slt, %add3A_469, %lt3A_470 : i32
      %convert_element_type3A_472 = arith.extui %lt3A_471 : i1 to i32
      %cond3A_473 = arith.constant 0 : i32
      %cond3A_474 = arith.cmpi ne, %convert_element_type3A_472, %cond3A_473 : i32
      scf.if %cond3A_474 {
        %shift_right_arithmetic3A_1106 = arith.constant 7 : i32
        %shift_right_arithmetic3A_1107 = arith.shrsi %squeeze3A_467, %shift_right_arithmetic3A_1106 : i32
        %mul3A_1108 = arith.constant 128 : i32
        %mul3A_1109 = arith.muli %shift_right_arithmetic3A_1107, %mul3A_1108 : i32
        %multiple_of3A_1110 = tpu.assume_multiple %mul3A_1109, 128 : i32
        %dma_start3A_1111 = arith.constant 0 : i32
        %dma_start3A_1112 = tpu.memref_slice %arg2[%dma_start3A_1111, %multiple_of3A_1110] : memref<50x1000000xf32, #tpu.memory_space<hbm>> -> memref<50x128xf32, #tpu.memory_space<hbm>>
        %dma_start3A_1113 = arith.constant 0 : i32
        %dma_start3A_1114 = tpu.memref_slice %arg2[%dma_start3A_1113, %multiple_of3A_1110] : memref<50x1000000xf32, #tpu.memory_space<hbm>> -> memref<50x128xf32, #tpu.memory_space<hbm>>
        tpu.enqueue_dma source(%dma_start3A_1114 : memref<50x128xf32, #tpu.memory_space<hbm>>) target(%arg12 : memref<50x128xf32, #tpu.memory_space<vmem>>) target_semaphore(%arg20 : memref<!tpu.dma_semaphore, #tpu.memory_space<semaphore_mem>>)
      } else {
      }
      %mul3A_475 = arith.constant 16 : i32
      %mul3A_476 = arith.muli %scan3A_93, %mul3A_475 : i32
      %add3A_477 = arith.constant 6 : i32
      %add3A_478 = arith.addi %mul3A_476, %add3A_477 : i32
      %dma_wait3A_479 = arith.constant 0 : i32
      %dma_wait3A_480 = arith.constant 0 : i32
      %dma_wait3A_481 = tpu.memref_slice %arg2[%dma_wait3A_479, %dma_wait3A_480] : memref<50x1000000xf32, #tpu.memory_space<hbm>> -> memref<50x128xf32, #tpu.memory_space<hbm>>
      %dma_wait3A_482 = arith.constant 0 : i32
      %dma_wait3A_483 = arith.constant 0 : i32
      %dma_wait3A_484 = tpu.memref_slice %arg2[%dma_wait3A_482, %dma_wait3A_483] : memref<50x1000000xf32, #tpu.memory_space<hbm>> -> memref<50x128xf32, #tpu.memory_space<hbm>>
      tpu.wait_dma2 semaphore(%arg21 : memref<!tpu.dma_semaphore, #tpu.memory_space<semaphore_mem>>) src(%dma_wait3A_484 : memref<50x128xf32, #tpu.memory_space<hbm>>) dst(%arg13 : memref<50x128xf32, #tpu.memory_space<vmem>>)
      %slice3A_485 = vector.extract_strided_slice %get3A_99 {offsets = [6], sizes = [1], strides = [1]} : vector<16xi32> to vector<1xi32>
      %squeeze3A_486 = vector.extract %slice3A_485[0] : i32 from vector<1xi32>
      %and3A_487 = arith.constant 127 : i32
      %and3A_488 = arith.andi %squeeze3A_486, %and3A_487 : i32
      %broadcast_in_dim3A_489 = vector.broadcast %and3A_488 : i32 to vector<16xi32>
      %iota3A_490 = tpu.iota {dimensions = array<i32: 0>} : vector<16xi32>
      %add3A_491 = arith.constant 0 : i32
      %add3A_492 = vector.broadcast %add3A_491 : i32 to vector<16xi32>
      %add3A_493 = arith.addi %iota3A_490, %add3A_492 : vector<16xi32>
      %gather3A_494 = tpu.vector_load_idx %arg13[%add3A_493, %broadcast_in_dim3A_489] : memref<50x128xf32, #tpu.memory_space<vmem>>[vector<16xi32>, vector<16xi32>], vector<16xf32>,
      %swap3A_495 = arith.index_cast %add3A_478 : i32 to index
      %swap3A_496 = arith.constant 0 : index
      %swap3A_497 = tpu.vector_load %arg6[%swap3A_495, %swap3A_496] {strides = array<i32>} : memref<512x64xf32, #tpu.memory_space<vmem>>, vector<16xf32>,
      tpu.vector_store %arg6[%swap3A_495, %swap3A_496], %gather3A_494 {strides = array<i32>} : memref<512x64xf32, #tpu.memory_space<vmem>>, vector<16xf32>,
      %iota3A_498 = tpu.iota {dimensions = array<i32: 0>} : vector<16xi32>
      %add3A_499 = arith.constant 16 : i32
      %add3A_500 = vector.broadcast %add3A_499 : i32 to vector<16xi32>
      %add3A_501 = arith.addi %iota3A_498, %add3A_500 : vector<16xi32>
      %gather3A_502 = tpu.vector_load_idx %arg13[%add3A_501, %broadcast_in_dim3A_489] : memref<50x128xf32, #tpu.memory_space<vmem>>[vector<16xi32>, vector<16xi32>], vector<16xf32>,
      %swap3A_503 = arith.index_cast %add3A_478 : i32 to index
      %swap3A_504 = arith.constant 16 : index
      %swap3A_505 = tpu.vector_load %arg6[%swap3A_503, %swap3A_504] {strides = array<i32>} : memref<512x64xf32, #tpu.memory_space<vmem>>, vector<16xf32>,
      tpu.vector_store %arg6[%swap3A_503, %swap3A_504], %gather3A_502 {strides = array<i32>} : memref<512x64xf32, #tpu.memory_space<vmem>>, vector<16xf32>,
      %iota3A_506 = tpu.iota {dimensions = array<i32: 0>} : vector<16xi32>
      %add3A_507 = arith.constant 32 : i32
      %add3A_508 = vector.broadcast %add3A_507 : i32 to vector<16xi32>
      %add3A_509 = arith.addi %iota3A_506, %add3A_508 : vector<16xi32>
      %gather3A_510 = tpu.vector_load_idx %arg13[%add3A_509, %broadcast_in_dim3A_489] : memref<50x128xf32, #tpu.memory_space<vmem>>[vector<16xi32>, vector<16xi32>], vector<16xf32>,
      %swap3A_511 = arith.index_cast %add3A_478 : i32 to index
      %swap3A_512 = arith.constant 32 : index
      %swap3A_513 = tpu.vector_load %arg6[%swap3A_511, %swap3A_512] {strides = array<i32>} : memref<512x64xf32, #tpu.memory_space<vmem>>, vector<16xf32>,
      tpu.vector_store %arg6[%swap3A_511, %swap3A_512], %gather3A_510 {strides = array<i32>} : memref<512x64xf32, #tpu.memory_space<vmem>>, vector<16xf32>,
      %iota3A_514 = tpu.iota {dimensions = array<i32: 0>} : vector<16xi32>
      %add3A_515 = arith.constant 48 : i32
      %add3A_516 = vector.broadcast %add3A_515 : i32 to vector<16xi32>
      %add3A_517 = arith.addi %iota3A_514, %add3A_516 : vector<16xi32>
      %iota3A_518 = tpu.iota {dimensions = array<i32: 0>} : vector<16xi32>
      %lt3A_519 = arith.constant 2 : i32
      %lt3A_520 = vector.broadcast %lt3A_519 : i32 to vector<16xi32>
      %lt3A_521 = arith.cmpi slt, %iota3A_518, %lt3A_520 : vector<16xi32>
      %gather3A_522 = tpu.vector_load_idx %arg13[%add3A_517, %broadcast_in_dim3A_489] masked %lt3A_521 : memref<50x128xf32, #tpu.memory_space<vmem>>[vector<16xi32>, vector<16xi32>], vector<16xf32>, vector<16xi1>
      %jit3A_523 = arith.constant 0.000000e+00 : f32
      %broadcast_in_dim3A_524 = vector.broadcast %jit3A_523 : f32 to vector<16xf32>
      %select_n3A_525 = arith.select %lt3A_521, %gather3A_522, %broadcast_in_dim3A_524 : vector<16xi1>, vector<16xf32>
      %swap3A_526 = arith.index_cast %add3A_478 : i32 to index
      %swap3A_527 = arith.constant 48 : index
      %swap3A_528 = tpu.vector_load %arg6[%swap3A_526, %swap3A_527] {strides = array<i32>} : memref<512x64xf32, #tpu.memory_space<vmem>>, vector<16xf32>,
      tpu.vector_store %arg6[%swap3A_526, %swap3A_527], %select_n3A_525 {strides = array<i32>} : memref<512x64xf32, #tpu.memory_space<vmem>>, vector<16xf32>,
      %slice3A_529 = vector.extract_strided_slice %get3A_99 {offsets = [14], sizes = [1], strides = [1]} : vector<16xi32> to vector<1xi32>
      %squeeze3A_530 = vector.extract %slice3A_529[0] : i32 from vector<1xi32>
      %add3A_531 = arith.constant 8 : i32
      %add3A_532 = arith.addi %add3A_478, %add3A_531 : i32
      %lt3A_533 = arith.constant 512 : i32
      %lt3A_534 = arith.cmpi slt, %add3A_532, %lt3A_533 : i32
      %convert_element_type3A_535 = arith.extui %lt3A_534 : i1 to i32
      %cond3A_536 = arith.constant 0 : i32
      %cond3A_537 = arith.cmpi ne, %convert_element_type3A_535, %cond3A_536 : i32
      scf.if %cond3A_537 {
        %shift_right_arithmetic3A_1106 = arith.constant 7 : i32
        %shift_right_arithmetic3A_1107 = arith.shrsi %squeeze3A_530, %shift_right_arithmetic3A_1106 : i32
        %mul3A_1108 = arith.constant 128 : i32
        %mul3A_1109 = arith.muli %shift_right_arithmetic3A_1107, %mul3A_1108 : i32
        %multiple_of3A_1110 = tpu.assume_multiple %mul3A_1109, 128 : i32
        %dma_start3A_1111 = arith.constant 0 : i32
        %dma_start3A_1112 = tpu.memref_slice %arg2[%dma_start3A_1111, %multiple_of3A_1110] : memref<50x1000000xf32, #tpu.memory_space<hbm>> -> memref<50x128xf32, #tpu.memory_space<hbm>>
        %dma_start3A_1113 = arith.constant 0 : i32
        %dma_start3A_1114 = tpu.memref_slice %arg2[%dma_start3A_1113, %multiple_of3A_1110] : memref<50x1000000xf32, #tpu.memory_space<hbm>> -> memref<50x128xf32, #tpu.memory_space<hbm>>
        tpu.enqueue_dma source(%dma_start3A_1114 : memref<50x128xf32, #tpu.memory_space<hbm>>) target(%arg13 : memref<50x128xf32, #tpu.memory_space<vmem>>) target_semaphore(%arg21 : memref<!tpu.dma_semaphore, #tpu.memory_space<semaphore_mem>>)
      } else {
      }
      %mul3A_538 = arith.constant 16 : i32
      %mul3A_539 = arith.muli %scan3A_93, %mul3A_538 : i32
      %add3A_540 = arith.constant 7 : i32
      %add3A_541 = arith.addi %mul3A_539, %add3A_540 : i32
      %dma_wait3A_542 = arith.constant 0 : i32
      %dma_wait3A_543 = arith.constant 0 : i32
      %dma_wait3A_544 = tpu.memref_slice %arg2[%dma_wait3A_542, %dma_wait3A_543] : memref<50x1000000xf32, #tpu.memory_space<hbm>> -> memref<50x128xf32, #tpu.memory_space<hbm>>
      %dma_wait3A_545 = arith.constant 0 : i32
      %dma_wait3A_546 = arith.constant 0 : i32
      %dma_wait3A_547 = tpu.memref_slice %arg2[%dma_wait3A_545, %dma_wait3A_546] : memref<50x1000000xf32, #tpu.memory_space<hbm>> -> memref<50x128xf32, #tpu.memory_space<hbm>>
      tpu.wait_dma2 semaphore(%arg22 : memref<!tpu.dma_semaphore, #tpu.memory_space<semaphore_mem>>) src(%dma_wait3A_547 : memref<50x128xf32, #tpu.memory_space<hbm>>) dst(%arg14 : memref<50x128xf32, #tpu.memory_space<vmem>>)
      %slice3A_548 = vector.extract_strided_slice %get3A_99 {offsets = [7], sizes = [1], strides = [1]} : vector<16xi32> to vector<1xi32>
      %squeeze3A_549 = vector.extract %slice3A_548[0] : i32 from vector<1xi32>
      %and3A_550 = arith.constant 127 : i32
      %and3A_551 = arith.andi %squeeze3A_549, %and3A_550 : i32
      %broadcast_in_dim3A_552 = vector.broadcast %and3A_551 : i32 to vector<16xi32>
      %iota3A_553 = tpu.iota {dimensions = array<i32: 0>} : vector<16xi32>
      %add3A_554 = arith.constant 0 : i32
      %add3A_555 = vector.broadcast %add3A_554 : i32 to vector<16xi32>
      %add3A_556 = arith.addi %iota3A_553, %add3A_555 : vector<16xi32>
      %gather3A_557 = tpu.vector_load_idx %arg14[%add3A_556, %broadcast_in_dim3A_552] : memref<50x128xf32, #tpu.memory_space<vmem>>[vector<16xi32>, vector<16xi32>], vector<16xf32>,
      %swap3A_558 = arith.index_cast %add3A_541 : i32 to index
      %swap3A_559 = arith.constant 0 : index
      %swap3A_560 = tpu.vector_load %arg6[%swap3A_558, %swap3A_559] {strides = array<i32>} : memref<512x64xf32, #tpu.memory_space<vmem>>, vector<16xf32>,
      tpu.vector_store %arg6[%swap3A_558, %swap3A_559], %gather3A_557 {strides = array<i32>} : memref<512x64xf32, #tpu.memory_space<vmem>>, vector<16xf32>,
      %iota3A_561 = tpu.iota {dimensions = array<i32: 0>} : vector<16xi32>
      %add3A_562 = arith.constant 16 : i32
      %add3A_563 = vector.broadcast %add3A_562 : i32 to vector<16xi32>
      %add3A_564 = arith.addi %iota3A_561, %add3A_563 : vector<16xi32>
      %gather3A_565 = tpu.vector_load_idx %arg14[%add3A_564, %broadcast_in_dim3A_552] : memref<50x128xf32, #tpu.memory_space<vmem>>[vector<16xi32>, vector<16xi32>], vector<16xf32>,
      %swap3A_566 = arith.index_cast %add3A_541 : i32 to index
      %swap3A_567 = arith.constant 16 : index
      %swap3A_568 = tpu.vector_load %arg6[%swap3A_566, %swap3A_567] {strides = array<i32>} : memref<512x64xf32, #tpu.memory_space<vmem>>, vector<16xf32>,
      tpu.vector_store %arg6[%swap3A_566, %swap3A_567], %gather3A_565 {strides = array<i32>} : memref<512x64xf32, #tpu.memory_space<vmem>>, vector<16xf32>,
      %iota3A_569 = tpu.iota {dimensions = array<i32: 0>} : vector<16xi32>
      %add3A_570 = arith.constant 32 : i32
      %add3A_571 = vector.broadcast %add3A_570 : i32 to vector<16xi32>
      %add3A_572 = arith.addi %iota3A_569, %add3A_571 : vector<16xi32>
      %gather3A_573 = tpu.vector_load_idx %arg14[%add3A_572, %broadcast_in_dim3A_552] : memref<50x128xf32, #tpu.memory_space<vmem>>[vector<16xi32>, vector<16xi32>], vector<16xf32>,
      %swap3A_574 = arith.index_cast %add3A_541 : i32 to index
      %swap3A_575 = arith.constant 32 : index
      %swap3A_576 = tpu.vector_load %arg6[%swap3A_574, %swap3A_575] {strides = array<i32>} : memref<512x64xf32, #tpu.memory_space<vmem>>, vector<16xf32>,
      tpu.vector_store %arg6[%swap3A_574, %swap3A_575], %gather3A_573 {strides = array<i32>} : memref<512x64xf32, #tpu.memory_space<vmem>>, vector<16xf32>,
      %iota3A_577 = tpu.iota {dimensions = array<i32: 0>} : vector<16xi32>
      %add3A_578 = arith.constant 48 : i32
      %add3A_579 = vector.broadcast %add3A_578 : i32 to vector<16xi32>
      %add3A_580 = arith.addi %iota3A_577, %add3A_579 : vector<16xi32>
      %iota3A_581 = tpu.iota {dimensions = array<i32: 0>} : vector<16xi32>
      %lt3A_582 = arith.constant 2 : i32
      %lt3A_583 = vector.broadcast %lt3A_582 : i32 to vector<16xi32>
      %lt3A_584 = arith.cmpi slt, %iota3A_581, %lt3A_583 : vector<16xi32>
      %gather3A_585 = tpu.vector_load_idx %arg14[%add3A_580, %broadcast_in_dim3A_552] masked %lt3A_584 : memref<50x128xf32, #tpu.memory_space<vmem>>[vector<16xi32>, vector<16xi32>], vector<16xf32>, vector<16xi1>
      %jit3A_586 = arith.constant 0.000000e+00 : f32
      %broadcast_in_dim3A_587 = vector.broadcast %jit3A_586 : f32 to vector<16xf32>
      %select_n3A_588 = arith.select %lt3A_584, %gather3A_585, %broadcast_in_dim3A_587 : vector<16xi1>, vector<16xf32>
      %swap3A_589 = arith.index_cast %add3A_541 : i32 to index
      %swap3A_590 = arith.constant 48 : index
      %swap3A_591 = tpu.vector_load %arg6[%swap3A_589, %swap3A_590] {strides = array<i32>} : memref<512x64xf32, #tpu.memory_space<vmem>>, vector<16xf32>,
      tpu.vector_store %arg6[%swap3A_589, %swap3A_590], %select_n3A_588 {strides = array<i32>} : memref<512x64xf32, #tpu.memory_space<vmem>>, vector<16xf32>,
      %slice3A_592 = vector.extract_strided_slice %get3A_99 {offsets = [15], sizes = [1], strides = [1]} : vector<16xi32> to vector<1xi32>
      %squeeze3A_593 = vector.extract %slice3A_592[0] : i32 from vector<1xi32>
      %add3A_594 = arith.constant 8 : i32
      %add3A_595 = arith.addi %add3A_541, %add3A_594 : i32
      %lt3A_596 = arith.constant 512 : i32
      %lt3A_597 = arith.cmpi slt, %add3A_595, %lt3A_596 : i32
      %convert_element_type3A_598 = arith.extui %lt3A_597 : i1 to i32
      %cond3A_599 = arith.constant 0 : i32
      %cond3A_600 = arith.cmpi ne, %convert_element_type3A_598, %cond3A_599 : i32
      scf.if %cond3A_600 {
        %shift_right_arithmetic3A_1106 = arith.constant 7 : i32
        %shift_right_arithmetic3A_1107 = arith.shrsi %squeeze3A_593, %shift_right_arithmetic3A_1106 : i32
        %mul3A_1108 = arith.constant 128 : i32
        %mul3A_1109 = arith.muli %shift_right_arithmetic3A_1107, %mul3A_1108 : i32
        %multiple_of3A_1110 = tpu.assume_multiple %mul3A_1109, 128 : i32
        %dma_start3A_1111 = arith.constant 0 : i32
        %dma_start3A_1112 = tpu.memref_slice %arg2[%dma_start3A_1111, %multiple_of3A_1110] : memref<50x1000000xf32, #tpu.memory_space<hbm>> -> memref<50x128xf32, #tpu.memory_space<hbm>>
        %dma_start3A_1113 = arith.constant 0 : i32
        %dma_start3A_1114 = tpu.memref_slice %arg2[%dma_start3A_1113, %multiple_of3A_1110] : memref<50x1000000xf32, #tpu.memory_space<hbm>> -> memref<50x128xf32, #tpu.memory_space<hbm>>
        tpu.enqueue_dma source(%dma_start3A_1114 : memref<50x128xf32, #tpu.memory_space<hbm>>) target(%arg14 : memref<50x128xf32, #tpu.memory_space<vmem>>) target_semaphore(%arg22 : memref<!tpu.dma_semaphore, #tpu.memory_space<semaphore_mem>>)
      } else {
      }
      %mul3A_601 = arith.constant 16 : i32
      %mul3A_602 = arith.muli %scan3A_93, %mul3A_601 : i32
      %add3A_603 = arith.constant 8 : i32
      %add3A_604 = arith.addi %mul3A_602, %add3A_603 : i32
      %dma_wait3A_605 = arith.constant 0 : i32
      %dma_wait3A_606 = arith.constant 0 : i32
      %dma_wait3A_607 = tpu.memref_slice %arg2[%dma_wait3A_605, %dma_wait3A_606] : memref<50x1000000xf32, #tpu.memory_space<hbm>> -> memref<50x128xf32, #tpu.memory_space<hbm>>
      %dma_wait3A_608 = arith.constant 0 : i32
      %dma_wait3A_609 = arith.constant 0 : i32
      %dma_wait3A_610 = tpu.memref_slice %arg2[%dma_wait3A_608, %dma_wait3A_609] : memref<50x1000000xf32, #tpu.memory_space<hbm>> -> memref<50x128xf32, #tpu.memory_space<hbm>>
      tpu.wait_dma2 semaphore(%arg15 : memref<!tpu.dma_semaphore, #tpu.memory_space<semaphore_mem>>) src(%dma_wait3A_610 : memref<50x128xf32, #tpu.memory_space<hbm>>) dst(%arg7 : memref<50x128xf32, #tpu.memory_space<vmem>>)
      %slice3A_611 = vector.extract_strided_slice %get3A_99 {offsets = [8], sizes = [1], strides = [1]} : vector<16xi32> to vector<1xi32>
      %squeeze3A_612 = vector.extract %slice3A_611[0] : i32 from vector<1xi32>
      %and3A_613 = arith.constant 127 : i32
      %and3A_614 = arith.andi %squeeze3A_612, %and3A_613 : i32
      %broadcast_in_dim3A_615 = vector.broadcast %and3A_614 : i32 to vector<16xi32>
      %iota3A_616 = tpu.iota {dimensions = array<i32: 0>} : vector<16xi32>
      %add3A_617 = arith.constant 0 : i32
      %add3A_618 = vector.broadcast %add3A_617 : i32 to vector<16xi32>
      %add3A_619 = arith.addi %iota3A_616, %add3A_618 : vector<16xi32>
      %gather3A_620 = tpu.vector_load_idx %arg7[%add3A_619, %broadcast_in_dim3A_615] : memref<50x128xf32, #tpu.memory_space<vmem>>[vector<16xi32>, vector<16xi32>], vector<16xf32>,
      %swap3A_621 = arith.index_cast %add3A_604 : i32 to index
      %swap3A_622 = arith.constant 0 : index
      %swap3A_623 = tpu.vector_load %arg6[%swap3A_621, %swap3A_622] {strides = array<i32>} : memref<512x64xf32, #tpu.memory_space<vmem>>, vector<16xf32>,
      tpu.vector_store %arg6[%swap3A_621, %swap3A_622], %gather3A_620 {strides = array<i32>} : memref<512x64xf32, #tpu.memory_space<vmem>>, vector<16xf32>,
      %iota3A_624 = tpu.iota {dimensions = array<i32: 0>} : vector<16xi32>
      %add3A_625 = arith.constant 16 : i32
      %add3A_626 = vector.broadcast %add3A_625 : i32 to vector<16xi32>
      %add3A_627 = arith.addi %iota3A_624, %add3A_626 : vector<16xi32>
      %gather3A_628 = tpu.vector_load_idx %arg7[%add3A_627, %broadcast_in_dim3A_615] : memref<50x128xf32, #tpu.memory_space<vmem>>[vector<16xi32>, vector<16xi32>], vector<16xf32>,
      %swap3A_629 = arith.index_cast %add3A_604 : i32 to index
      %swap3A_630 = arith.constant 16 : index
      %swap3A_631 = tpu.vector_load %arg6[%swap3A_629, %swap3A_630] {strides = array<i32>} : memref<512x64xf32, #tpu.memory_space<vmem>>, vector<16xf32>,
      tpu.vector_store %arg6[%swap3A_629, %swap3A_630], %gather3A_628 {strides = array<i32>} : memref<512x64xf32, #tpu.memory_space<vmem>>, vector<16xf32>,
      %iota3A_632 = tpu.iota {dimensions = array<i32: 0>} : vector<16xi32>
      %add3A_633 = arith.constant 32 : i32
      %add3A_634 = vector.broadcast %add3A_633 : i32 to vector<16xi32>
      %add3A_635 = arith.addi %iota3A_632, %add3A_634 : vector<16xi32>
      %gather3A_636 = tpu.vector_load_idx %arg7[%add3A_635, %broadcast_in_dim3A_615] : memref<50x128xf32, #tpu.memory_space<vmem>>[vector<16xi32>, vector<16xi32>], vector<16xf32>,
      %swap3A_637 = arith.index_cast %add3A_604 : i32 to index
      %swap3A_638 = arith.constant 32 : index
      %swap3A_639 = tpu.vector_load %arg6[%swap3A_637, %swap3A_638] {strides = array<i32>} : memref<512x64xf32, #tpu.memory_space<vmem>>, vector<16xf32>,
      tpu.vector_store %arg6[%swap3A_637, %swap3A_638], %gather3A_636 {strides = array<i32>} : memref<512x64xf32, #tpu.memory_space<vmem>>, vector<16xf32>,
      %iota3A_640 = tpu.iota {dimensions = array<i32: 0>} : vector<16xi32>
      %add3A_641 = arith.constant 48 : i32
      %add3A_642 = vector.broadcast %add3A_641 : i32 to vector<16xi32>
      %add3A_643 = arith.addi %iota3A_640, %add3A_642 : vector<16xi32>
      %iota3A_644 = tpu.iota {dimensions = array<i32: 0>} : vector<16xi32>
      %lt3A_645 = arith.constant 2 : i32
      %lt3A_646 = vector.broadcast %lt3A_645 : i32 to vector<16xi32>
      %lt3A_647 = arith.cmpi slt, %iota3A_644, %lt3A_646 : vector<16xi32>
      %gather3A_648 = tpu.vector_load_idx %arg7[%add3A_643, %broadcast_in_dim3A_615] masked %lt3A_647 : memref<50x128xf32, #tpu.memory_space<vmem>>[vector<16xi32>, vector<16xi32>], vector<16xf32>, vector<16xi1>
      %jit3A_649 = arith.constant 0.000000e+00 : f32
      %broadcast_in_dim3A_650 = vector.broadcast %jit3A_649 : f32 to vector<16xf32>
      %select_n3A_651 = arith.select %lt3A_647, %gather3A_648, %broadcast_in_dim3A_650 : vector<16xi1>, vector<16xf32>
      %swap3A_652 = arith.index_cast %add3A_604 : i32 to index
      %swap3A_653 = arith.constant 48 : index
      %swap3A_654 = tpu.vector_load %arg6[%swap3A_652, %swap3A_653] {strides = array<i32>} : memref<512x64xf32, #tpu.memory_space<vmem>>, vector<16xf32>,
      tpu.vector_store %arg6[%swap3A_652, %swap3A_653], %select_n3A_651 {strides = array<i32>} : memref<512x64xf32, #tpu.memory_space<vmem>>, vector<16xf32>,
      %slice3A_655 = vector.extract_strided_slice %get3A_107 {offsets = [0], sizes = [1], strides = [1]} : vector<16xi32> to vector<1xi32>
      %squeeze3A_656 = vector.extract %slice3A_655[0] : i32 from vector<1xi32>
      %add3A_657 = arith.constant 8 : i32
      %add3A_658 = arith.addi %add3A_604, %add3A_657 : i32
      %lt3A_659 = arith.constant 512 : i32
      %lt3A_660 = arith.cmpi slt, %add3A_658, %lt3A_659 : i32
      %convert_element_type3A_661 = arith.extui %lt3A_660 : i1 to i32
      %cond3A_662 = arith.constant 0 : i32
      %cond3A_663 = arith.cmpi ne, %convert_element_type3A_661, %cond3A_662 : i32
      scf.if %cond3A_663 {
        %shift_right_arithmetic3A_1106 = arith.constant 7 : i32
        %shift_right_arithmetic3A_1107 = arith.shrsi %squeeze3A_656, %shift_right_arithmetic3A_1106 : i32
        %mul3A_1108 = arith.constant 128 : i32
        %mul3A_1109 = arith.muli %shift_right_arithmetic3A_1107, %mul3A_1108 : i32
        %multiple_of3A_1110 = tpu.assume_multiple %mul3A_1109, 128 : i32
        %dma_start3A_1111 = arith.constant 0 : i32
        %dma_start3A_1112 = tpu.memref_slice %arg2[%dma_start3A_1111, %multiple_of3A_1110] : memref<50x1000000xf32, #tpu.memory_space<hbm>> -> memref<50x128xf32, #tpu.memory_space<hbm>>
        %dma_start3A_1113 = arith.constant 0 : i32
        %dma_start3A_1114 = tpu.memref_slice %arg2[%dma_start3A_1113, %multiple_of3A_1110] : memref<50x1000000xf32, #tpu.memory_space<hbm>> -> memref<50x128xf32, #tpu.memory_space<hbm>>
        tpu.enqueue_dma source(%dma_start3A_1114 : memref<50x128xf32, #tpu.memory_space<hbm>>) target(%arg7 : memref<50x128xf32, #tpu.memory_space<vmem>>) target_semaphore(%arg15 : memref<!tpu.dma_semaphore, #tpu.memory_space<semaphore_mem>>)
      } else {
      }
      %mul3A_664 = arith.constant 16 : i32
      %mul3A_665 = arith.muli %scan3A_93, %mul3A_664 : i32
      %add3A_666 = arith.constant 9 : i32
      %add3A_667 = arith.addi %mul3A_665, %add3A_666 : i32
      %dma_wait3A_668 = arith.constant 0 : i32
      %dma_wait3A_669 = arith.constant 0 : i32
      %dma_wait3A_670 = tpu.memref_slice %arg2[%dma_wait3A_668, %dma_wait3A_669] : memref<50x1000000xf32, #tpu.memory_space<hbm>> -> memref<50x128xf32, #tpu.memory_space<hbm>>
      %dma_wait3A_671 = arith.constant 0 : i32
      %dma_wait3A_672 = arith.constant 0 : i32
      %dma_wait3A_673 = tpu.memref_slice %arg2[%dma_wait3A_671, %dma_wait3A_672] : memref<50x1000000xf32, #tpu.memory_space<hbm>> -> memref<50x128xf32, #tpu.memory_space<hbm>>
      tpu.wait_dma2 semaphore(%arg16 : memref<!tpu.dma_semaphore, #tpu.memory_space<semaphore_mem>>) src(%dma_wait3A_673 : memref<50x128xf32, #tpu.memory_space<hbm>>) dst(%arg8 : memref<50x128xf32, #tpu.memory_space<vmem>>)
      %slice3A_674 = vector.extract_strided_slice %get3A_99 {offsets = [9], sizes = [1], strides = [1]} : vector<16xi32> to vector<1xi32>
      %squeeze3A_675 = vector.extract %slice3A_674[0] : i32 from vector<1xi32>
      %and3A_676 = arith.constant 127 : i32
      %and3A_677 = arith.andi %squeeze3A_675, %and3A_676 : i32
      %broadcast_in_dim3A_678 = vector.broadcast %and3A_677 : i32 to vector<16xi32>
      %iota3A_679 = tpu.iota {dimensions = array<i32: 0>} : vector<16xi32>
      %add3A_680 = arith.constant 0 : i32
      %add3A_681 = vector.broadcast %add3A_680 : i32 to vector<16xi32>
      %add3A_682 = arith.addi %iota3A_679, %add3A_681 : vector<16xi32>
      %gather3A_683 = tpu.vector_load_idx %arg8[%add3A_682, %broadcast_in_dim3A_678] : memref<50x128xf32, #tpu.memory_space<vmem>>[vector<16xi32>, vector<16xi32>], vector<16xf32>,
      %swap3A_684 = arith.index_cast %add3A_667 : i32 to index
      %swap3A_685 = arith.constant 0 : index
      %swap3A_686 = tpu.vector_load %arg6[%swap3A_684, %swap3A_685] {strides = array<i32>} : memref<512x64xf32, #tpu.memory_space<vmem>>, vector<16xf32>,
      tpu.vector_store %arg6[%swap3A_684, %swap3A_685], %gather3A_683 {strides = array<i32>} : memref<512x64xf32, #tpu.memory_space<vmem>>, vector<16xf32>,
      %iota3A_687 = tpu.iota {dimensions = array<i32: 0>} : vector<16xi32>
      %add3A_688 = arith.constant 16 : i32
      %add3A_689 = vector.broadcast %add3A_688 : i32 to vector<16xi32>
      %add3A_690 = arith.addi %iota3A_687, %add3A_689 : vector<16xi32>
      %gather3A_691 = tpu.vector_load_idx %arg8[%add3A_690, %broadcast_in_dim3A_678] : memref<50x128xf32, #tpu.memory_space<vmem>>[vector<16xi32>, vector<16xi32>], vector<16xf32>,
      %swap3A_692 = arith.index_cast %add3A_667 : i32 to index
      %swap3A_693 = arith.constant 16 : index
      %swap3A_694 = tpu.vector_load %arg6[%swap3A_692, %swap3A_693] {strides = array<i32>} : memref<512x64xf32, #tpu.memory_space<vmem>>, vector<16xf32>,
      tpu.vector_store %arg6[%swap3A_692, %swap3A_693], %gather3A_691 {strides = array<i32>} : memref<512x64xf32, #tpu.memory_space<vmem>>, vector<16xf32>,
      %iota3A_695 = tpu.iota {dimensions = array<i32: 0>} : vector<16xi32>
      %add3A_696 = arith.constant 32 : i32
      %add3A_697 = vector.broadcast %add3A_696 : i32 to vector<16xi32>
      %add3A_698 = arith.addi %iota3A_695, %add3A_697 : vector<16xi32>
      %gather3A_699 = tpu.vector_load_idx %arg8[%add3A_698, %broadcast_in_dim3A_678] : memref<50x128xf32, #tpu.memory_space<vmem>>[vector<16xi32>, vector<16xi32>], vector<16xf32>,
      %swap3A_700 = arith.index_cast %add3A_667 : i32 to index
      %swap3A_701 = arith.constant 32 : index
      %swap3A_702 = tpu.vector_load %arg6[%swap3A_700, %swap3A_701] {strides = array<i32>} : memref<512x64xf32, #tpu.memory_space<vmem>>, vector<16xf32>,
      tpu.vector_store %arg6[%swap3A_700, %swap3A_701], %gather3A_699 {strides = array<i32>} : memref<512x64xf32, #tpu.memory_space<vmem>>, vector<16xf32>,
      %iota3A_703 = tpu.iota {dimensions = array<i32: 0>} : vector<16xi32>
      %add3A_704 = arith.constant 48 : i32
      %add3A_705 = vector.broadcast %add3A_704 : i32 to vector<16xi32>
      %add3A_706 = arith.addi %iota3A_703, %add3A_705 : vector<16xi32>
      %iota3A_707 = tpu.iota {dimensions = array<i32: 0>} : vector<16xi32>
      %lt3A_708 = arith.constant 2 : i32
      %lt3A_709 = vector.broadcast %lt3A_708 : i32 to vector<16xi32>
      %lt3A_710 = arith.cmpi slt, %iota3A_707, %lt3A_709 : vector<16xi32>
      %gather3A_711 = tpu.vector_load_idx %arg8[%add3A_706, %broadcast_in_dim3A_678] masked %lt3A_710 : memref<50x128xf32, #tpu.memory_space<vmem>>[vector<16xi32>, vector<16xi32>], vector<16xf32>, vector<16xi1>
      %jit3A_712 = arith.constant 0.000000e+00 : f32
      %broadcast_in_dim3A_713 = vector.broadcast %jit3A_712 : f32 to vector<16xf32>
      %select_n3A_714 = arith.select %lt3A_710, %gather3A_711, %broadcast_in_dim3A_713 : vector<16xi1>, vector<16xf32>
      %swap3A_715 = arith.index_cast %add3A_667 : i32 to index
      %swap3A_716 = arith.constant 48 : index
      %swap3A_717 = tpu.vector_load %arg6[%swap3A_715, %swap3A_716] {strides = array<i32>} : memref<512x64xf32, #tpu.memory_space<vmem>>, vector<16xf32>,
      tpu.vector_store %arg6[%swap3A_715, %swap3A_716], %select_n3A_714 {strides = array<i32>} : memref<512x64xf32, #tpu.memory_space<vmem>>, vector<16xf32>,
      %slice3A_718 = vector.extract_strided_slice %get3A_107 {offsets = [1], sizes = [1], strides = [1]} : vector<16xi32> to vector<1xi32>
      %squeeze3A_719 = vector.extract %slice3A_718[0] : i32 from vector<1xi32>
      %add3A_720 = arith.constant 8 : i32
      %add3A_721 = arith.addi %add3A_667, %add3A_720 : i32
      %lt3A_722 = arith.constant 512 : i32
      %lt3A_723 = arith.cmpi slt, %add3A_721, %lt3A_722 : i32
      %convert_element_type3A_724 = arith.extui %lt3A_723 : i1 to i32
      %cond3A_725 = arith.constant 0 : i32
      %cond3A_726 = arith.cmpi ne, %convert_element_type3A_724, %cond3A_725 : i32
      scf.if %cond3A_726 {
        %shift_right_arithmetic3A_1106 = arith.constant 7 : i32
        %shift_right_arithmetic3A_1107 = arith.shrsi %squeeze3A_719, %shift_right_arithmetic3A_1106 : i32
        %mul3A_1108 = arith.constant 128 : i32
        %mul3A_1109 = arith.muli %shift_right_arithmetic3A_1107, %mul3A_1108 : i32
        %multiple_of3A_1110 = tpu.assume_multiple %mul3A_1109, 128 : i32
        %dma_start3A_1111 = arith.constant 0 : i32
        %dma_start3A_1112 = tpu.memref_slice %arg2[%dma_start3A_1111, %multiple_of3A_1110] : memref<50x1000000xf32, #tpu.memory_space<hbm>> -> memref<50x128xf32, #tpu.memory_space<hbm>>
        %dma_start3A_1113 = arith.constant 0 : i32
        %dma_start3A_1114 = tpu.memref_slice %arg2[%dma_start3A_1113, %multiple_of3A_1110] : memref<50x1000000xf32, #tpu.memory_space<hbm>> -> memref<50x128xf32, #tpu.memory_space<hbm>>
        tpu.enqueue_dma source(%dma_start3A_1114 : memref<50x128xf32, #tpu.memory_space<hbm>>) target(%arg8 : memref<50x128xf32, #tpu.memory_space<vmem>>) target_semaphore(%arg16 : memref<!tpu.dma_semaphore, #tpu.memory_space<semaphore_mem>>)
      } else {
      }
      %mul3A_727 = arith.constant 16 : i32
      %mul3A_728 = arith.muli %scan3A_93, %mul3A_727 : i32
      %add3A_729 = arith.constant 10 : i32
      %add3A_730 = arith.addi %mul3A_728, %add3A_729 : i32
      %dma_wait3A_731 = arith.constant 0 : i32
      %dma_wait3A_732 = arith.constant 0 : i32
      %dma_wait3A_733 = tpu.memref_slice %arg2[%dma_wait3A_731, %dma_wait3A_732] : memref<50x1000000xf32, #tpu.memory_space<hbm>> -> memref<50x128xf32, #tpu.memory_space<hbm>>
      %dma_wait3A_734 = arith.constant 0 : i32
      %dma_wait3A_735 = arith.constant 0 : i32
      %dma_wait3A_736 = tpu.memref_slice %arg2[%dma_wait3A_734, %dma_wait3A_735] : memref<50x1000000xf32, #tpu.memory_space<hbm>> -> memref<50x128xf32, #tpu.memory_space<hbm>>
      tpu.wait_dma2 semaphore(%arg17 : memref<!tpu.dma_semaphore, #tpu.memory_space<semaphore_mem>>) src(%dma_wait3A_736 : memref<50x128xf32, #tpu.memory_space<hbm>>) dst(%arg9 : memref<50x128xf32, #tpu.memory_space<vmem>>)
      %slice3A_737 = vector.extract_strided_slice %get3A_99 {offsets = [10], sizes = [1], strides = [1]} : vector<16xi32> to vector<1xi32>
      %squeeze3A_738 = vector.extract %slice3A_737[0] : i32 from vector<1xi32>
      %and3A_739 = arith.constant 127 : i32
      %and3A_740 = arith.andi %squeeze3A_738, %and3A_739 : i32
      %broadcast_in_dim3A_741 = vector.broadcast %and3A_740 : i32 to vector<16xi32>
      %iota3A_742 = tpu.iota {dimensions = array<i32: 0>} : vector<16xi32>
      %add3A_743 = arith.constant 0 : i32
      %add3A_744 = vector.broadcast %add3A_743 : i32 to vector<16xi32>
      %add3A_745 = arith.addi %iota3A_742, %add3A_744 : vector<16xi32>
      %gather3A_746 = tpu.vector_load_idx %arg9[%add3A_745, %broadcast_in_dim3A_741] : memref<50x128xf32, #tpu.memory_space<vmem>>[vector<16xi32>, vector<16xi32>], vector<16xf32>,
      %swap3A_747 = arith.index_cast %add3A_730 : i32 to index
      %swap3A_748 = arith.constant 0 : index
      %swap3A_749 = tpu.vector_load %arg6[%swap3A_747, %swap3A_748] {strides = array<i32>} : memref<512x64xf32, #tpu.memory_space<vmem>>, vector<16xf32>,
      tpu.vector_store %arg6[%swap3A_747, %swap3A_748], %gather3A_746 {strides = array<i32>} : memref<512x64xf32, #tpu.memory_space<vmem>>, vector<16xf32>,
      %iota3A_750 = tpu.iota {dimensions = array<i32: 0>} : vector<16xi32>
      %add3A_751 = arith.constant 16 : i32
      %add3A_752 = vector.broadcast %add3A_751 : i32 to vector<16xi32>
      %add3A_753 = arith.addi %iota3A_750, %add3A_752 : vector<16xi32>
      %gather3A_754 = tpu.vector_load_idx %arg9[%add3A_753, %broadcast_in_dim3A_741] : memref<50x128xf32, #tpu.memory_space<vmem>>[vector<16xi32>, vector<16xi32>], vector<16xf32>,
      %swap3A_755 = arith.index_cast %add3A_730 : i32 to index
      %swap3A_756 = arith.constant 16 : index
      %swap3A_757 = tpu.vector_load %arg6[%swap3A_755, %swap3A_756] {strides = array<i32>} : memref<512x64xf32, #tpu.memory_space<vmem>>, vector<16xf32>,
      tpu.vector_store %arg6[%swap3A_755, %swap3A_756], %gather3A_754 {strides = array<i32>} : memref<512x64xf32, #tpu.memory_space<vmem>>, vector<16xf32>,
      %iota3A_758 = tpu.iota {dimensions = array<i32: 0>} : vector<16xi32>
      %add3A_759 = arith.constant 32 : i32
      %add3A_760 = vector.broadcast %add3A_759 : i32 to vector<16xi32>
      %add3A_761 = arith.addi %iota3A_758, %add3A_760 : vector<16xi32>
      %gather3A_762 = tpu.vector_load_idx %arg9[%add3A_761, %broadcast_in_dim3A_741] : memref<50x128xf32, #tpu.memory_space<vmem>>[vector<16xi32>, vector<16xi32>], vector<16xf32>,
      %swap3A_763 = arith.index_cast %add3A_730 : i32 to index
      %swap3A_764 = arith.constant 32 : index
      %swap3A_765 = tpu.vector_load %arg6[%swap3A_763, %swap3A_764] {strides = array<i32>} : memref<512x64xf32, #tpu.memory_space<vmem>>, vector<16xf32>,
      tpu.vector_store %arg6[%swap3A_763, %swap3A_764], %gather3A_762 {strides = array<i32>} : memref<512x64xf32, #tpu.memory_space<vmem>>, vector<16xf32>,
      %iota3A_766 = tpu.iota {dimensions = array<i32: 0>} : vector<16xi32>
      %add3A_767 = arith.constant 48 : i32
      %add3A_768 = vector.broadcast %add3A_767 : i32 to vector<16xi32>
      %add3A_769 = arith.addi %iota3A_766, %add3A_768 : vector<16xi32>
      %iota3A_770 = tpu.iota {dimensions = array<i32: 0>} : vector<16xi32>
      %lt3A_771 = arith.constant 2 : i32
      %lt3A_772 = vector.broadcast %lt3A_771 : i32 to vector<16xi32>
      %lt3A_773 = arith.cmpi slt, %iota3A_770, %lt3A_772 : vector<16xi32>
      %gather3A_774 = tpu.vector_load_idx %arg9[%add3A_769, %broadcast_in_dim3A_741] masked %lt3A_773 : memref<50x128xf32, #tpu.memory_space<vmem>>[vector<16xi32>, vector<16xi32>], vector<16xf32>, vector<16xi1>
      %jit3A_775 = arith.constant 0.000000e+00 : f32
      %broadcast_in_dim3A_776 = vector.broadcast %jit3A_775 : f32 to vector<16xf32>
      %select_n3A_777 = arith.select %lt3A_773, %gather3A_774, %broadcast_in_dim3A_776 : vector<16xi1>, vector<16xf32>
      %swap3A_778 = arith.index_cast %add3A_730 : i32 to index
      %swap3A_779 = arith.constant 48 : index
      %swap3A_780 = tpu.vector_load %arg6[%swap3A_778, %swap3A_779] {strides = array<i32>} : memref<512x64xf32, #tpu.memory_space<vmem>>, vector<16xf32>,
      tpu.vector_store %arg6[%swap3A_778, %swap3A_779], %select_n3A_777 {strides = array<i32>} : memref<512x64xf32, #tpu.memory_space<vmem>>, vector<16xf32>,
      %slice3A_781 = vector.extract_strided_slice %get3A_107 {offsets = [2], sizes = [1], strides = [1]} : vector<16xi32> to vector<1xi32>
      %squeeze3A_782 = vector.extract %slice3A_781[0] : i32 from vector<1xi32>
      %add3A_783 = arith.constant 8 : i32
      %add3A_784 = arith.addi %add3A_730, %add3A_783 : i32
      %lt3A_785 = arith.constant 512 : i32
      %lt3A_786 = arith.cmpi slt, %add3A_784, %lt3A_785 : i32
      %convert_element_type3A_787 = arith.extui %lt3A_786 : i1 to i32
      %cond3A_788 = arith.constant 0 : i32
      %cond3A_789 = arith.cmpi ne, %convert_element_type3A_787, %cond3A_788 : i32
      scf.if %cond3A_789 {
        %shift_right_arithmetic3A_1106 = arith.constant 7 : i32
        %shift_right_arithmetic3A_1107 = arith.shrsi %squeeze3A_782, %shift_right_arithmetic3A_1106 : i32
        %mul3A_1108 = arith.constant 128 : i32
        %mul3A_1109 = arith.muli %shift_right_arithmetic3A_1107, %mul3A_1108 : i32
        %multiple_of3A_1110 = tpu.assume_multiple %mul3A_1109, 128 : i32
        %dma_start3A_1111 = arith.constant 0 : i32
        %dma_start3A_1112 = tpu.memref_slice %arg2[%dma_start3A_1111, %multiple_of3A_1110] : memref<50x1000000xf32, #tpu.memory_space<hbm>> -> memref<50x128xf32, #tpu.memory_space<hbm>>
        %dma_start3A_1113 = arith.constant 0 : i32
        %dma_start3A_1114 = tpu.memref_slice %arg2[%dma_start3A_1113, %multiple_of3A_1110] : memref<50x1000000xf32, #tpu.memory_space<hbm>> -> memref<50x128xf32, #tpu.memory_space<hbm>>
        tpu.enqueue_dma source(%dma_start3A_1114 : memref<50x128xf32, #tpu.memory_space<hbm>>) target(%arg9 : memref<50x128xf32, #tpu.memory_space<vmem>>) target_semaphore(%arg17 : memref<!tpu.dma_semaphore, #tpu.memory_space<semaphore_mem>>)
      } else {
      }
      %mul3A_790 = arith.constant 16 : i32
      %mul3A_791 = arith.muli %scan3A_93, %mul3A_790 : i32
      %add3A_792 = arith.constant 11 : i32
      %add3A_793 = arith.addi %mul3A_791, %add3A_792 : i32
      %dma_wait3A_794 = arith.constant 0 : i32
      %dma_wait3A_795 = arith.constant 0 : i32
      %dma_wait3A_796 = tpu.memref_slice %arg2[%dma_wait3A_794, %dma_wait3A_795] : memref<50x1000000xf32, #tpu.memory_space<hbm>> -> memref<50x128xf32, #tpu.memory_space<hbm>>
      %dma_wait3A_797 = arith.constant 0 : i32
      %dma_wait3A_798 = arith.constant 0 : i32
      %dma_wait3A_799 = tpu.memref_slice %arg2[%dma_wait3A_797, %dma_wait3A_798] : memref<50x1000000xf32, #tpu.memory_space<hbm>> -> memref<50x128xf32, #tpu.memory_space<hbm>>
      tpu.wait_dma2 semaphore(%arg18 : memref<!tpu.dma_semaphore, #tpu.memory_space<semaphore_mem>>) src(%dma_wait3A_799 : memref<50x128xf32, #tpu.memory_space<hbm>>) dst(%arg10 : memref<50x128xf32, #tpu.memory_space<vmem>>)
      %slice3A_800 = vector.extract_strided_slice %get3A_99 {offsets = [11], sizes = [1], strides = [1]} : vector<16xi32> to vector<1xi32>
      %squeeze3A_801 = vector.extract %slice3A_800[0] : i32 from vector<1xi32>
      %and3A_802 = arith.constant 127 : i32
      %and3A_803 = arith.andi %squeeze3A_801, %and3A_802 : i32
      %broadcast_in_dim3A_804 = vector.broadcast %and3A_803 : i32 to vector<16xi32>
      %iota3A_805 = tpu.iota {dimensions = array<i32: 0>} : vector<16xi32>
      %add3A_806 = arith.constant 0 : i32
      %add3A_807 = vector.broadcast %add3A_806 : i32 to vector<16xi32>
      %add3A_808 = arith.addi %iota3A_805, %add3A_807 : vector<16xi32>
      %gather3A_809 = tpu.vector_load_idx %arg10[%add3A_808, %broadcast_in_dim3A_804] : memref<50x128xf32, #tpu.memory_space<vmem>>[vector<16xi32>, vector<16xi32>], vector<16xf32>,
      %swap3A_810 = arith.index_cast %add3A_793 : i32 to index
      %swap3A_811 = arith.constant 0 : index
      %swap3A_812 = tpu.vector_load %arg6[%swap3A_810, %swap3A_811] {strides = array<i32>} : memref<512x64xf32, #tpu.memory_space<vmem>>, vector<16xf32>,
      tpu.vector_store %arg6[%swap3A_810, %swap3A_811], %gather3A_809 {strides = array<i32>} : memref<512x64xf32, #tpu.memory_space<vmem>>, vector<16xf32>,
      %iota3A_813 = tpu.iota {dimensions = array<i32: 0>} : vector<16xi32>
      %add3A_814 = arith.constant 16 : i32
      %add3A_815 = vector.broadcast %add3A_814 : i32 to vector<16xi32>
      %add3A_816 = arith.addi %iota3A_813, %add3A_815 : vector<16xi32>
      %gather3A_817 = tpu.vector_load_idx %arg10[%add3A_816, %broadcast_in_dim3A_804] : memref<50x128xf32, #tpu.memory_space<vmem>>[vector<16xi32>, vector<16xi32>], vector<16xf32>,
      %swap3A_818 = arith.index_cast %add3A_793 : i32 to index
      %swap3A_819 = arith.constant 16 : index
      %swap3A_820 = tpu.vector_load %arg6[%swap3A_818, %swap3A_819] {strides = array<i32>} : memref<512x64xf32, #tpu.memory_space<vmem>>, vector<16xf32>,
      tpu.vector_store %arg6[%swap3A_818, %swap3A_819], %gather3A_817 {strides = array<i32>} : memref<512x64xf32, #tpu.memory_space<vmem>>, vector<16xf32>,
      %iota3A_821 = tpu.iota {dimensions = array<i32: 0>} : vector<16xi32>
      %add3A_822 = arith.constant 32 : i32
      %add3A_823 = vector.broadcast %add3A_822 : i32 to vector<16xi32>
      %add3A_824 = arith.addi %iota3A_821, %add3A_823 : vector<16xi32>
      %gather3A_825 = tpu.vector_load_idx %arg10[%add3A_824, %broadcast_in_dim3A_804] : memref<50x128xf32, #tpu.memory_space<vmem>>[vector<16xi32>, vector<16xi32>], vector<16xf32>,
      %swap3A_826 = arith.index_cast %add3A_793 : i32 to index
      %swap3A_827 = arith.constant 32 : index
      %swap3A_828 = tpu.vector_load %arg6[%swap3A_826, %swap3A_827] {strides = array<i32>} : memref<512x64xf32, #tpu.memory_space<vmem>>, vector<16xf32>,
      tpu.vector_store %arg6[%swap3A_826, %swap3A_827], %gather3A_825 {strides = array<i32>} : memref<512x64xf32, #tpu.memory_space<vmem>>, vector<16xf32>,
      %iota3A_829 = tpu.iota {dimensions = array<i32: 0>} : vector<16xi32>
      %add3A_830 = arith.constant 48 : i32
      %add3A_831 = vector.broadcast %add3A_830 : i32 to vector<16xi32>
      %add3A_832 = arith.addi %iota3A_829, %add3A_831 : vector<16xi32>
      %iota3A_833 = tpu.iota {dimensions = array<i32: 0>} : vector<16xi32>
      %lt3A_834 = arith.constant 2 : i32
      %lt3A_835 = vector.broadcast %lt3A_834 : i32 to vector<16xi32>
      %lt3A_836 = arith.cmpi slt, %iota3A_833, %lt3A_835 : vector<16xi32>
      %gather3A_837 = tpu.vector_load_idx %arg10[%add3A_832, %broadcast_in_dim3A_804] masked %lt3A_836 : memref<50x128xf32, #tpu.memory_space<vmem>>[vector<16xi32>, vector<16xi32>], vector<16xf32>, vector<16xi1>
      %jit3A_838 = arith.constant 0.000000e+00 : f32
      %broadcast_in_dim3A_839 = vector.broadcast %jit3A_838 : f32 to vector<16xf32>
      %select_n3A_840 = arith.select %lt3A_836, %gather3A_837, %broadcast_in_dim3A_839 : vector<16xi1>, vector<16xf32>
      %swap3A_841 = arith.index_cast %add3A_793 : i32 to index
      %swap3A_842 = arith.constant 48 : index
      %swap3A_843 = tpu.vector_load %arg6[%swap3A_841, %swap3A_842] {strides = array<i32>} : memref<512x64xf32, #tpu.memory_space<vmem>>, vector<16xf32>,
      tpu.vector_store %arg6[%swap3A_841, %swap3A_842], %select_n3A_840 {strides = array<i32>} : memref<512x64xf32, #tpu.memory_space<vmem>>, vector<16xf32>,
      %slice3A_844 = vector.extract_strided_slice %get3A_107 {offsets = [3], sizes = [1], strides = [1]} : vector<16xi32> to vector<1xi32>
      %squeeze3A_845 = vector.extract %slice3A_844[0] : i32 from vector<1xi32>
      %add3A_846 = arith.constant 8 : i32
      %add3A_847 = arith.addi %add3A_793, %add3A_846 : i32
      %lt3A_848 = arith.constant 512 : i32
      %lt3A_849 = arith.cmpi slt, %add3A_847, %lt3A_848 : i32
      %convert_element_type3A_850 = arith.extui %lt3A_849 : i1 to i32
      %cond3A_851 = arith.constant 0 : i32
      %cond3A_852 = arith.cmpi ne, %convert_element_type3A_850, %cond3A_851 : i32
      scf.if %cond3A_852 {
        %shift_right_arithmetic3A_1106 = arith.constant 7 : i32
        %shift_right_arithmetic3A_1107 = arith.shrsi %squeeze3A_845, %shift_right_arithmetic3A_1106 : i32
        %mul3A_1108 = arith.constant 128 : i32
        %mul3A_1109 = arith.muli %shift_right_arithmetic3A_1107, %mul3A_1108 : i32
        %multiple_of3A_1110 = tpu.assume_multiple %mul3A_1109, 128 : i32
        %dma_start3A_1111 = arith.constant 0 : i32
        %dma_start3A_1112 = tpu.memref_slice %arg2[%dma_start3A_1111, %multiple_of3A_1110] : memref<50x1000000xf32, #tpu.memory_space<hbm>> -> memref<50x128xf32, #tpu.memory_space<hbm>>
        %dma_start3A_1113 = arith.constant 0 : i32
        %dma_start3A_1114 = tpu.memref_slice %arg2[%dma_start3A_1113, %multiple_of3A_1110] : memref<50x1000000xf32, #tpu.memory_space<hbm>> -> memref<50x128xf32, #tpu.memory_space<hbm>>
        tpu.enqueue_dma source(%dma_start3A_1114 : memref<50x128xf32, #tpu.memory_space<hbm>>) target(%arg10 : memref<50x128xf32, #tpu.memory_space<vmem>>) target_semaphore(%arg18 : memref<!tpu.dma_semaphore, #tpu.memory_space<semaphore_mem>>)
      } else {
      }
      %mul3A_853 = arith.constant 16 : i32
      %mul3A_854 = arith.muli %scan3A_93, %mul3A_853 : i32
      %add3A_855 = arith.constant 12 : i32
      %add3A_856 = arith.addi %mul3A_854, %add3A_855 : i32
      %dma_wait3A_857 = arith.constant 0 : i32
      %dma_wait3A_858 = arith.constant 0 : i32
      %dma_wait3A_859 = tpu.memref_slice %arg2[%dma_wait3A_857, %dma_wait3A_858] : memref<50x1000000xf32, #tpu.memory_space<hbm>> -> memref<50x128xf32, #tpu.memory_space<hbm>>
      %dma_wait3A_860 = arith.constant 0 : i32
      %dma_wait3A_861 = arith.constant 0 : i32
      %dma_wait3A_862 = tpu.memref_slice %arg2[%dma_wait3A_860, %dma_wait3A_861] : memref<50x1000000xf32, #tpu.memory_space<hbm>> -> memref<50x128xf32, #tpu.memory_space<hbm>>
      tpu.wait_dma2 semaphore(%arg19 : memref<!tpu.dma_semaphore, #tpu.memory_space<semaphore_mem>>) src(%dma_wait3A_862 : memref<50x128xf32, #tpu.memory_space<hbm>>) dst(%arg11 : memref<50x128xf32, #tpu.memory_space<vmem>>)
      %slice3A_863 = vector.extract_strided_slice %get3A_99 {offsets = [12], sizes = [1], strides = [1]} : vector<16xi32> to vector<1xi32>
      %squeeze3A_864 = vector.extract %slice3A_863[0] : i32 from vector<1xi32>
      %and3A_865 = arith.constant 127 : i32
      %and3A_866 = arith.andi %squeeze3A_864, %and3A_865 : i32
      %broadcast_in_dim3A_867 = vector.broadcast %and3A_866 : i32 to vector<16xi32>
      %iota3A_868 = tpu.iota {dimensions = array<i32: 0>} : vector<16xi32>
      %add3A_869 = arith.constant 0 : i32
      %add3A_870 = vector.broadcast %add3A_869 : i32 to vector<16xi32>
      %add3A_871 = arith.addi %iota3A_868, %add3A_870 : vector<16xi32>
      %gather3A_872 = tpu.vector_load_idx %arg11[%add3A_871, %broadcast_in_dim3A_867] : memref<50x128xf32, #tpu.memory_space<vmem>>[vector<16xi32>, vector<16xi32>], vector<16xf32>,
      %swap3A_873 = arith.index_cast %add3A_856 : i32 to index
      %swap3A_874 = arith.constant 0 : index
      %swap3A_875 = tpu.vector_load %arg6[%swap3A_873, %swap3A_874] {strides = array<i32>} : memref<512x64xf32, #tpu.memory_space<vmem>>, vector<16xf32>,
      tpu.vector_store %arg6[%swap3A_873, %swap3A_874], %gather3A_872 {strides = array<i32>} : memref<512x64xf32, #tpu.memory_space<vmem>>, vector<16xf32>,
      %iota3A_876 = tpu.iota {dimensions = array<i32: 0>} : vector<16xi32>
      %add3A_877 = arith.constant 16 : i32
      %add3A_878 = vector.broadcast %add3A_877 : i32 to vector<16xi32>
      %add3A_879 = arith.addi %iota3A_876, %add3A_878 : vector<16xi32>
      %gather3A_880 = tpu.vector_load_idx %arg11[%add3A_879, %broadcast_in_dim3A_867] : memref<50x128xf32, #tpu.memory_space<vmem>>[vector<16xi32>, vector<16xi32>], vector<16xf32>,
      %swap3A_881 = arith.index_cast %add3A_856 : i32 to index
      %swap3A_882 = arith.constant 16 : index
      %swap3A_883 = tpu.vector_load %arg6[%swap3A_881, %swap3A_882] {strides = array<i32>} : memref<512x64xf32, #tpu.memory_space<vmem>>, vector<16xf32>,
      tpu.vector_store %arg6[%swap3A_881, %swap3A_882], %gather3A_880 {strides = array<i32>} : memref<512x64xf32, #tpu.memory_space<vmem>>, vector<16xf32>,
      %iota3A_884 = tpu.iota {dimensions = array<i32: 0>} : vector<16xi32>
      %add3A_885 = arith.constant 32 : i32
      %add3A_886 = vector.broadcast %add3A_885 : i32 to vector<16xi32>
      %add3A_887 = arith.addi %iota3A_884, %add3A_886 : vector<16xi32>
      %gather3A_888 = tpu.vector_load_idx %arg11[%add3A_887, %broadcast_in_dim3A_867] : memref<50x128xf32, #tpu.memory_space<vmem>>[vector<16xi32>, vector<16xi32>], vector<16xf32>,
      %swap3A_889 = arith.index_cast %add3A_856 : i32 to index
      %swap3A_890 = arith.constant 32 : index
      %swap3A_891 = tpu.vector_load %arg6[%swap3A_889, %swap3A_890] {strides = array<i32>} : memref<512x64xf32, #tpu.memory_space<vmem>>, vector<16xf32>,
      tpu.vector_store %arg6[%swap3A_889, %swap3A_890], %gather3A_888 {strides = array<i32>} : memref<512x64xf32, #tpu.memory_space<vmem>>, vector<16xf32>,
      %iota3A_892 = tpu.iota {dimensions = array<i32: 0>} : vector<16xi32>
      %add3A_893 = arith.constant 48 : i32
      %add3A_894 = vector.broadcast %add3A_893 : i32 to vector<16xi32>
      %add3A_895 = arith.addi %iota3A_892, %add3A_894 : vector<16xi32>
      %iota3A_896 = tpu.iota {dimensions = array<i32: 0>} : vector<16xi32>
      %lt3A_897 = arith.constant 2 : i32
      %lt3A_898 = vector.broadcast %lt3A_897 : i32 to vector<16xi32>
      %lt3A_899 = arith.cmpi slt, %iota3A_896, %lt3A_898 : vector<16xi32>
      %gather3A_900 = tpu.vector_load_idx %arg11[%add3A_895, %broadcast_in_dim3A_867] masked %lt3A_899 : memref<50x128xf32, #tpu.memory_space<vmem>>[vector<16xi32>, vector<16xi32>], vector<16xf32>, vector<16xi1>
      %jit3A_901 = arith.constant 0.000000e+00 : f32
      %broadcast_in_dim3A_902 = vector.broadcast %jit3A_901 : f32 to vector<16xf32>
      %select_n3A_903 = arith.select %lt3A_899, %gather3A_900, %broadcast_in_dim3A_902 : vector<16xi1>, vector<16xf32>
      %swap3A_904 = arith.index_cast %add3A_856 : i32 to index
      %swap3A_905 = arith.constant 48 : index
      %swap3A_906 = tpu.vector_load %arg6[%swap3A_904, %swap3A_905] {strides = array<i32>} : memref<512x64xf32, #tpu.memory_space<vmem>>, vector<16xf32>,
      tpu.vector_store %arg6[%swap3A_904, %swap3A_905], %select_n3A_903 {strides = array<i32>} : memref<512x64xf32, #tpu.memory_space<vmem>>, vector<16xf32>,
      %slice3A_907 = vector.extract_strided_slice %get3A_107 {offsets = [4], sizes = [1], strides = [1]} : vector<16xi32> to vector<1xi32>
      %squeeze3A_908 = vector.extract %slice3A_907[0] : i32 from vector<1xi32>
      %add3A_909 = arith.constant 8 : i32
      %add3A_910 = arith.addi %add3A_856, %add3A_909 : i32
      %lt3A_911 = arith.constant 512 : i32
      %lt3A_912 = arith.cmpi slt, %add3A_910, %lt3A_911 : i32
      %convert_element_type3A_913 = arith.extui %lt3A_912 : i1 to i32
      %cond3A_914 = arith.constant 0 : i32
      %cond3A_915 = arith.cmpi ne, %convert_element_type3A_913, %cond3A_914 : i32
      scf.if %cond3A_915 {
        %shift_right_arithmetic3A_1106 = arith.constant 7 : i32
        %shift_right_arithmetic3A_1107 = arith.shrsi %squeeze3A_908, %shift_right_arithmetic3A_1106 : i32
        %mul3A_1108 = arith.constant 128 : i32
        %mul3A_1109 = arith.muli %shift_right_arithmetic3A_1107, %mul3A_1108 : i32
        %multiple_of3A_1110 = tpu.assume_multiple %mul3A_1109, 128 : i32
        %dma_start3A_1111 = arith.constant 0 : i32
        %dma_start3A_1112 = tpu.memref_slice %arg2[%dma_start3A_1111, %multiple_of3A_1110] : memref<50x1000000xf32, #tpu.memory_space<hbm>> -> memref<50x128xf32, #tpu.memory_space<hbm>>
        %dma_start3A_1113 = arith.constant 0 : i32
        %dma_start3A_1114 = tpu.memref_slice %arg2[%dma_start3A_1113, %multiple_of3A_1110] : memref<50x1000000xf32, #tpu.memory_space<hbm>> -> memref<50x128xf32, #tpu.memory_space<hbm>>
        tpu.enqueue_dma source(%dma_start3A_1114 : memref<50x128xf32, #tpu.memory_space<hbm>>) target(%arg11 : memref<50x128xf32, #tpu.memory_space<vmem>>) target_semaphore(%arg19 : memref<!tpu.dma_semaphore, #tpu.memory_space<semaphore_mem>>)
      } else {
      }
      %mul3A_916 = arith.constant 16 : i32
      %mul3A_917 = arith.muli %scan3A_93, %mul3A_916 : i32
      %add3A_918 = arith.constant 13 : i32
      %add3A_919 = arith.addi %mul3A_917, %add3A_918 : i32
      %dma_wait3A_920 = arith.constant 0 : i32
      %dma_wait3A_921 = arith.constant 0 : i32
      %dma_wait3A_922 = tpu.memref_slice %arg2[%dma_wait3A_920, %dma_wait3A_921] : memref<50x1000000xf32, #tpu.memory_space<hbm>> -> memref<50x128xf32, #tpu.memory_space<hbm>>
      %dma_wait3A_923 = arith.constant 0 : i32
      %dma_wait3A_924 = arith.constant 0 : i32
      %dma_wait3A_925 = tpu.memref_slice %arg2[%dma_wait3A_923, %dma_wait3A_924] : memref<50x1000000xf32, #tpu.memory_space<hbm>> -> memref<50x128xf32, #tpu.memory_space<hbm>>
      tpu.wait_dma2 semaphore(%arg20 : memref<!tpu.dma_semaphore, #tpu.memory_space<semaphore_mem>>) src(%dma_wait3A_925 : memref<50x128xf32, #tpu.memory_space<hbm>>) dst(%arg12 : memref<50x128xf32, #tpu.memory_space<vmem>>)
      %slice3A_926 = vector.extract_strided_slice %get3A_99 {offsets = [13], sizes = [1], strides = [1]} : vector<16xi32> to vector<1xi32>
      %squeeze3A_927 = vector.extract %slice3A_926[0] : i32 from vector<1xi32>
      %and3A_928 = arith.constant 127 : i32
      %and3A_929 = arith.andi %squeeze3A_927, %and3A_928 : i32
      %broadcast_in_dim3A_930 = vector.broadcast %and3A_929 : i32 to vector<16xi32>
      %iota3A_931 = tpu.iota {dimensions = array<i32: 0>} : vector<16xi32>
      %add3A_932 = arith.constant 0 : i32
      %add3A_933 = vector.broadcast %add3A_932 : i32 to vector<16xi32>
      %add3A_934 = arith.addi %iota3A_931, %add3A_933 : vector<16xi32>
      %gather3A_935 = tpu.vector_load_idx %arg12[%add3A_934, %broadcast_in_dim3A_930] : memref<50x128xf32, #tpu.memory_space<vmem>>[vector<16xi32>, vector<16xi32>], vector<16xf32>,
      %swap3A_936 = arith.index_cast %add3A_919 : i32 to index
      %swap3A_937 = arith.constant 0 : index
      %swap3A_938 = tpu.vector_load %arg6[%swap3A_936, %swap3A_937] {strides = array<i32>} : memref<512x64xf32, #tpu.memory_space<vmem>>, vector<16xf32>,
      tpu.vector_store %arg6[%swap3A_936, %swap3A_937], %gather3A_935 {strides = array<i32>} : memref<512x64xf32, #tpu.memory_space<vmem>>, vector<16xf32>,
      %iota3A_939 = tpu.iota {dimensions = array<i32: 0>} : vector<16xi32>
      %add3A_940 = arith.constant 16 : i32
      %add3A_941 = vector.broadcast %add3A_940 : i32 to vector<16xi32>
      %add3A_942 = arith.addi %iota3A_939, %add3A_941 : vector<16xi32>
      %gather3A_943 = tpu.vector_load_idx %arg12[%add3A_942, %broadcast_in_dim3A_930] : memref<50x128xf32, #tpu.memory_space<vmem>>[vector<16xi32>, vector<16xi32>], vector<16xf32>,
      %swap3A_944 = arith.index_cast %add3A_919 : i32 to index
      %swap3A_945 = arith.constant 16 : index
      %swap3A_946 = tpu.vector_load %arg6[%swap3A_944, %swap3A_945] {strides = array<i32>} : memref<512x64xf32, #tpu.memory_space<vmem>>, vector<16xf32>,
      tpu.vector_store %arg6[%swap3A_944, %swap3A_945], %gather3A_943 {strides = array<i32>} : memref<512x64xf32, #tpu.memory_space<vmem>>, vector<16xf32>,
      %iota3A_947 = tpu.iota {dimensions = array<i32: 0>} : vector<16xi32>
      %add3A_948 = arith.constant 32 : i32
      %add3A_949 = vector.broadcast %add3A_948 : i32 to vector<16xi32>
      %add3A_950 = arith.addi %iota3A_947, %add3A_949 : vector<16xi32>
      %gather3A_951 = tpu.vector_load_idx %arg12[%add3A_950, %broadcast_in_dim3A_930] : memref<50x128xf32, #tpu.memory_space<vmem>>[vector<16xi32>, vector<16xi32>], vector<16xf32>,
      %swap3A_952 = arith.index_cast %add3A_919 : i32 to index
      %swap3A_953 = arith.constant 32 : index
      %swap3A_954 = tpu.vector_load %arg6[%swap3A_952, %swap3A_953] {strides = array<i32>} : memref<512x64xf32, #tpu.memory_space<vmem>>, vector<16xf32>,
      tpu.vector_store %arg6[%swap3A_952, %swap3A_953], %gather3A_951 {strides = array<i32>} : memref<512x64xf32, #tpu.memory_space<vmem>>, vector<16xf32>,
      %iota3A_955 = tpu.iota {dimensions = array<i32: 0>} : vector<16xi32>
      %add3A_956 = arith.constant 48 : i32
      %add3A_957 = vector.broadcast %add3A_956 : i32 to vector<16xi32>
      %add3A_958 = arith.addi %iota3A_955, %add3A_957 : vector<16xi32>
      %iota3A_959 = tpu.iota {dimensions = array<i32: 0>} : vector<16xi32>
      %lt3A_960 = arith.constant 2 : i32
      %lt3A_961 = vector.broadcast %lt3A_960 : i32 to vector<16xi32>
      %lt3A_962 = arith.cmpi slt, %iota3A_959, %lt3A_961 : vector<16xi32>
      %gather3A_963 = tpu.vector_load_idx %arg12[%add3A_958, %broadcast_in_dim3A_930] masked %lt3A_962 : memref<50x128xf32, #tpu.memory_space<vmem>>[vector<16xi32>, vector<16xi32>], vector<16xf32>, vector<16xi1>
      %jit3A_964 = arith.constant 0.000000e+00 : f32
      %broadcast_in_dim3A_965 = vector.broadcast %jit3A_964 : f32 to vector<16xf32>
      %select_n3A_966 = arith.select %lt3A_962, %gather3A_963, %broadcast_in_dim3A_965 : vector<16xi1>, vector<16xf32>
      %swap3A_967 = arith.index_cast %add3A_919 : i32 to index
      %swap3A_968 = arith.constant 48 : index
      %swap3A_969 = tpu.vector_load %arg6[%swap3A_967, %swap3A_968] {strides = array<i32>} : memref<512x64xf32, #tpu.memory_space<vmem>>, vector<16xf32>,
      tpu.vector_store %arg6[%swap3A_967, %swap3A_968], %select_n3A_966 {strides = array<i32>} : memref<512x64xf32, #tpu.memory_space<vmem>>, vector<16xf32>,
      %slice3A_970 = vector.extract_strided_slice %get3A_107 {offsets = [5], sizes = [1], strides = [1]} : vector<16xi32> to vector<1xi32>
      %squeeze3A_971 = vector.extract %slice3A_970[0] : i32 from vector<1xi32>
      %add3A_972 = arith.constant 8 : i32
      %add3A_973 = arith.addi %add3A_919, %add3A_972 : i32
      %lt3A_974 = arith.constant 512 : i32
      %lt3A_975 = arith.cmpi slt, %add3A_973, %lt3A_974 : i32
      %convert_element_type3A_976 = arith.extui %lt3A_975 : i1 to i32
      %cond3A_977 = arith.constant 0 : i32
      %cond3A_978 = arith.cmpi ne, %convert_element_type3A_976, %cond3A_977 : i32
      scf.if %cond3A_978 {
        %shift_right_arithmetic3A_1106 = arith.constant 7 : i32
        %shift_right_arithmetic3A_1107 = arith.shrsi %squeeze3A_971, %shift_right_arithmetic3A_1106 : i32
        %mul3A_1108 = arith.constant 128 : i32
        %mul3A_1109 = arith.muli %shift_right_arithmetic3A_1107, %mul3A_1108 : i32
        %multiple_of3A_1110 = tpu.assume_multiple %mul3A_1109, 128 : i32
        %dma_start3A_1111 = arith.constant 0 : i32
        %dma_start3A_1112 = tpu.memref_slice %arg2[%dma_start3A_1111, %multiple_of3A_1110] : memref<50x1000000xf32, #tpu.memory_space<hbm>> -> memref<50x128xf32, #tpu.memory_space<hbm>>
        %dma_start3A_1113 = arith.constant 0 : i32
        %dma_start3A_1114 = tpu.memref_slice %arg2[%dma_start3A_1113, %multiple_of3A_1110] : memref<50x1000000xf32, #tpu.memory_space<hbm>> -> memref<50x128xf32, #tpu.memory_space<hbm>>
        tpu.enqueue_dma source(%dma_start3A_1114 : memref<50x128xf32, #tpu.memory_space<hbm>>) target(%arg12 : memref<50x128xf32, #tpu.memory_space<vmem>>) target_semaphore(%arg20 : memref<!tpu.dma_semaphore, #tpu.memory_space<semaphore_mem>>)
      } else {
      }
      %mul3A_979 = arith.constant 16 : i32
      %mul3A_980 = arith.muli %scan3A_93, %mul3A_979 : i32
      %add3A_981 = arith.constant 14 : i32
      %add3A_982 = arith.addi %mul3A_980, %add3A_981 : i32
      %dma_wait3A_983 = arith.constant 0 : i32
      %dma_wait3A_984 = arith.constant 0 : i32
      %dma_wait3A_985 = tpu.memref_slice %arg2[%dma_wait3A_983, %dma_wait3A_984] : memref<50x1000000xf32, #tpu.memory_space<hbm>> -> memref<50x128xf32, #tpu.memory_space<hbm>>
      %dma_wait3A_986 = arith.constant 0 : i32
      %dma_wait3A_987 = arith.constant 0 : i32
      %dma_wait3A_988 = tpu.memref_slice %arg2[%dma_wait3A_986, %dma_wait3A_987] : memref<50x1000000xf32, #tpu.memory_space<hbm>> -> memref<50x128xf32, #tpu.memory_space<hbm>>
      tpu.wait_dma2 semaphore(%arg21 : memref<!tpu.dma_semaphore, #tpu.memory_space<semaphore_mem>>) src(%dma_wait3A_988 : memref<50x128xf32, #tpu.memory_space<hbm>>) dst(%arg13 : memref<50x128xf32, #tpu.memory_space<vmem>>)
      %slice3A_989 = vector.extract_strided_slice %get3A_99 {offsets = [14], sizes = [1], strides = [1]} : vector<16xi32> to vector<1xi32>
      %squeeze3A_990 = vector.extract %slice3A_989[0] : i32 from vector<1xi32>
      %and3A_991 = arith.constant 127 : i32
      %and3A_992 = arith.andi %squeeze3A_990, %and3A_991 : i32
      %broadcast_in_dim3A_993 = vector.broadcast %and3A_992 : i32 to vector<16xi32>
      %iota3A_994 = tpu.iota {dimensions = array<i32: 0>} : vector<16xi32>
      %add3A_995 = arith.constant 0 : i32
      %add3A_996 = vector.broadcast %add3A_995 : i32 to vector<16xi32>
      %add3A_997 = arith.addi %iota3A_994, %add3A_996 : vector<16xi32>
      %gather3A_998 = tpu.vector_load_idx %arg13[%add3A_997, %broadcast_in_dim3A_993] : memref<50x128xf32, #tpu.memory_space<vmem>>[vector<16xi32>, vector<16xi32>], vector<16xf32>,
      %swap3A_999 = arith.index_cast %add3A_982 : i32 to index
      %swap3A_1000 = arith.constant 0 : index
      %swap3A_1001 = tpu.vector_load %arg6[%swap3A_999, %swap3A_1000] {strides = array<i32>} : memref<512x64xf32, #tpu.memory_space<vmem>>, vector<16xf32>,
      tpu.vector_store %arg6[%swap3A_999, %swap3A_1000], %gather3A_998 {strides = array<i32>} : memref<512x64xf32, #tpu.memory_space<vmem>>, vector<16xf32>,
      %iota3A_1002 = tpu.iota {dimensions = array<i32: 0>} : vector<16xi32>
      %add3A_1003 = arith.constant 16 : i32
      %add3A_1004 = vector.broadcast %add3A_1003 : i32 to vector<16xi32>
      %add3A_1005 = arith.addi %iota3A_1002, %add3A_1004 : vector<16xi32>
      %gather3A_1006 = tpu.vector_load_idx %arg13[%add3A_1005, %broadcast_in_dim3A_993] : memref<50x128xf32, #tpu.memory_space<vmem>>[vector<16xi32>, vector<16xi32>], vector<16xf32>,
      %swap3A_1007 = arith.index_cast %add3A_982 : i32 to index
      %swap3A_1008 = arith.constant 16 : index
      %swap3A_1009 = tpu.vector_load %arg6[%swap3A_1007, %swap3A_1008] {strides = array<i32>} : memref<512x64xf32, #tpu.memory_space<vmem>>, vector<16xf32>,
      tpu.vector_store %arg6[%swap3A_1007, %swap3A_1008], %gather3A_1006 {strides = array<i32>} : memref<512x64xf32, #tpu.memory_space<vmem>>, vector<16xf32>,
      %iota3A_1010 = tpu.iota {dimensions = array<i32: 0>} : vector<16xi32>
      %add3A_1011 = arith.constant 32 : i32
      %add3A_1012 = vector.broadcast %add3A_1011 : i32 to vector<16xi32>
      %add3A_1013 = arith.addi %iota3A_1010, %add3A_1012 : vector<16xi32>
      %gather3A_1014 = tpu.vector_load_idx %arg13[%add3A_1013, %broadcast_in_dim3A_993] : memref<50x128xf32, #tpu.memory_space<vmem>>[vector<16xi32>, vector<16xi32>], vector<16xf32>,
      %swap3A_1015 = arith.index_cast %add3A_982 : i32 to index
      %swap3A_1016 = arith.constant 32 : index
      %swap3A_1017 = tpu.vector_load %arg6[%swap3A_1015, %swap3A_1016] {strides = array<i32>} : memref<512x64xf32, #tpu.memory_space<vmem>>, vector<16xf32>,
      tpu.vector_store %arg6[%swap3A_1015, %swap3A_1016], %gather3A_1014 {strides = array<i32>} : memref<512x64xf32, #tpu.memory_space<vmem>>, vector<16xf32>,
      %iota3A_1018 = tpu.iota {dimensions = array<i32: 0>} : vector<16xi32>
      %add3A_1019 = arith.constant 48 : i32
      %add3A_1020 = vector.broadcast %add3A_1019 : i32 to vector<16xi32>
      %add3A_1021 = arith.addi %iota3A_1018, %add3A_1020 : vector<16xi32>
      %iota3A_1022 = tpu.iota {dimensions = array<i32: 0>} : vector<16xi32>
      %lt3A_1023 = arith.constant 2 : i32
      %lt3A_1024 = vector.broadcast %lt3A_1023 : i32 to vector<16xi32>
      %lt3A_1025 = arith.cmpi slt, %iota3A_1022, %lt3A_1024 : vector<16xi32>
      %gather3A_1026 = tpu.vector_load_idx %arg13[%add3A_1021, %broadcast_in_dim3A_993] masked %lt3A_1025 : memref<50x128xf32, #tpu.memory_space<vmem>>[vector<16xi32>, vector<16xi32>], vector<16xf32>, vector<16xi1>
      %jit3A_1027 = arith.constant 0.000000e+00 : f32
      %broadcast_in_dim3A_1028 = vector.broadcast %jit3A_1027 : f32 to vector<16xf32>
      %select_n3A_1029 = arith.select %lt3A_1025, %gather3A_1026, %broadcast_in_dim3A_1028 : vector<16xi1>, vector<16xf32>
      %swap3A_1030 = arith.index_cast %add3A_982 : i32 to index
      %swap3A_1031 = arith.constant 48 : index
      %swap3A_1032 = tpu.vector_load %arg6[%swap3A_1030, %swap3A_1031] {strides = array<i32>} : memref<512x64xf32, #tpu.memory_space<vmem>>, vector<16xf32>,
      tpu.vector_store %arg6[%swap3A_1030, %swap3A_1031], %select_n3A_1029 {strides = array<i32>} : memref<512x64xf32, #tpu.memory_space<vmem>>, vector<16xf32>,
      %slice3A_1033 = vector.extract_strided_slice %get3A_107 {offsets = [6], sizes = [1], strides = [1]} : vector<16xi32> to vector<1xi32>
      %squeeze3A_1034 = vector.extract %slice3A_1033[0] : i32 from vector<1xi32>
      %add3A_1035 = arith.constant 8 : i32
      %add3A_1036 = arith.addi %add3A_982, %add3A_1035 : i32
      %lt3A_1037 = arith.constant 512 : i32
      %lt3A_1038 = arith.cmpi slt, %add3A_1036, %lt3A_1037 : i32
      %convert_element_type3A_1039 = arith.extui %lt3A_1038 : i1 to i32
      %cond3A_1040 = arith.constant 0 : i32
      %cond3A_1041 = arith.cmpi ne, %convert_element_type3A_1039, %cond3A_1040 : i32
      scf.if %cond3A_1041 {
        %shift_right_arithmetic3A_1106 = arith.constant 7 : i32
        %shift_right_arithmetic3A_1107 = arith.shrsi %squeeze3A_1034, %shift_right_arithmetic3A_1106 : i32
        %mul3A_1108 = arith.constant 128 : i32
        %mul3A_1109 = arith.muli %shift_right_arithmetic3A_1107, %mul3A_1108 : i32
        %multiple_of3A_1110 = tpu.assume_multiple %mul3A_1109, 128 : i32
        %dma_start3A_1111 = arith.constant 0 : i32
        %dma_start3A_1112 = tpu.memref_slice %arg2[%dma_start3A_1111, %multiple_of3A_1110] : memref<50x1000000xf32, #tpu.memory_space<hbm>> -> memref<50x128xf32, #tpu.memory_space<hbm>>
        %dma_start3A_1113 = arith.constant 0 : i32
        %dma_start3A_1114 = tpu.memref_slice %arg2[%dma_start3A_1113, %multiple_of3A_1110] : memref<50x1000000xf32, #tpu.memory_space<hbm>> -> memref<50x128xf32, #tpu.memory_space<hbm>>
        tpu.enqueue_dma source(%dma_start3A_1114 : memref<50x128xf32, #tpu.memory_space<hbm>>) target(%arg13 : memref<50x128xf32, #tpu.memory_space<vmem>>) target_semaphore(%arg21 : memref<!tpu.dma_semaphore, #tpu.memory_space<semaphore_mem>>)
      } else {
      }
      %mul3A_1042 = arith.constant 16 : i32
      %mul3A_1043 = arith.muli %scan3A_93, %mul3A_1042 : i32
      %add3A_1044 = arith.constant 15 : i32
      %add3A_1045 = arith.addi %mul3A_1043, %add3A_1044 : i32
      %dma_wait3A_1046 = arith.constant 0 : i32
      %dma_wait3A_1047 = arith.constant 0 : i32
      %dma_wait3A_1048 = tpu.memref_slice %arg2[%dma_wait3A_1046, %dma_wait3A_1047] : memref<50x1000000xf32, #tpu.memory_space<hbm>> -> memref<50x128xf32, #tpu.memory_space<hbm>>
      %dma_wait3A_1049 = arith.constant 0 : i32
      %dma_wait3A_1050 = arith.constant 0 : i32
      %dma_wait3A_1051 = tpu.memref_slice %arg2[%dma_wait3A_1049, %dma_wait3A_1050] : memref<50x1000000xf32, #tpu.memory_space<hbm>> -> memref<50x128xf32, #tpu.memory_space<hbm>>
      tpu.wait_dma2 semaphore(%arg22 : memref<!tpu.dma_semaphore, #tpu.memory_space<semaphore_mem>>) src(%dma_wait3A_1051 : memref<50x128xf32, #tpu.memory_space<hbm>>) dst(%arg14 : memref<50x128xf32, #tpu.memory_space<vmem>>)
      %slice3A_1052 = vector.extract_strided_slice %get3A_99 {offsets = [15], sizes = [1], strides = [1]} : vector<16xi32> to vector<1xi32>
      %squeeze3A_1053 = vector.extract %slice3A_1052[0] : i32 from vector<1xi32>
      %and3A_1054 = arith.constant 127 : i32
      %and3A_1055 = arith.andi %squeeze3A_1053, %and3A_1054 : i32
      %broadcast_in_dim3A_1056 = vector.broadcast %and3A_1055 : i32 to vector<16xi32>
      %iota3A_1057 = tpu.iota {dimensions = array<i32: 0>} : vector<16xi32>
      %add3A_1058 = arith.constant 0 : i32
      %add3A_1059 = vector.broadcast %add3A_1058 : i32 to vector<16xi32>
      %add3A_1060 = arith.addi %iota3A_1057, %add3A_1059 : vector<16xi32>
      %gather3A_1061 = tpu.vector_load_idx %arg14[%add3A_1060, %broadcast_in_dim3A_1056] : memref<50x128xf32, #tpu.memory_space<vmem>>[vector<16xi32>, vector<16xi32>], vector<16xf32>,
      %swap3A_1062 = arith.index_cast %add3A_1045 : i32 to index
      %swap3A_1063 = arith.constant 0 : index
      %swap3A_1064 = tpu.vector_load %arg6[%swap3A_1062, %swap3A_1063] {strides = array<i32>} : memref<512x64xf32, #tpu.memory_space<vmem>>, vector<16xf32>,
      tpu.vector_store %arg6[%swap3A_1062, %swap3A_1063], %gather3A_1061 {strides = array<i32>} : memref<512x64xf32, #tpu.memory_space<vmem>>, vector<16xf32>,
      %iota3A_1065 = tpu.iota {dimensions = array<i32: 0>} : vector<16xi32>
      %add3A_1066 = arith.constant 16 : i32
      %add3A_1067 = vector.broadcast %add3A_1066 : i32 to vector<16xi32>
      %add3A_1068 = arith.addi %iota3A_1065, %add3A_1067 : vector<16xi32>
      %gather3A_1069 = tpu.vector_load_idx %arg14[%add3A_1068, %broadcast_in_dim3A_1056] : memref<50x128xf32, #tpu.memory_space<vmem>>[vector<16xi32>, vector<16xi32>], vector<16xf32>,
      %swap3A_1070 = arith.index_cast %add3A_1045 : i32 to index
      %swap3A_1071 = arith.constant 16 : index
      %swap3A_1072 = tpu.vector_load %arg6[%swap3A_1070, %swap3A_1071] {strides = array<i32>} : memref<512x64xf32, #tpu.memory_space<vmem>>, vector<16xf32>,
      tpu.vector_store %arg6[%swap3A_1070, %swap3A_1071], %gather3A_1069 {strides = array<i32>} : memref<512x64xf32, #tpu.memory_space<vmem>>, vector<16xf32>,
      %iota3A_1073 = tpu.iota {dimensions = array<i32: 0>} : vector<16xi32>
      %add3A_1074 = arith.constant 32 : i32
      %add3A_1075 = vector.broadcast %add3A_1074 : i32 to vector<16xi32>
      %add3A_1076 = arith.addi %iota3A_1073, %add3A_1075 : vector<16xi32>
      %gather3A_1077 = tpu.vector_load_idx %arg14[%add3A_1076, %broadcast_in_dim3A_1056] : memref<50x128xf32, #tpu.memory_space<vmem>>[vector<16xi32>, vector<16xi32>], vector<16xf32>,
      %swap3A_1078 = arith.index_cast %add3A_1045 : i32 to index
      %swap3A_1079 = arith.constant 32 : index
      %swap3A_1080 = tpu.vector_load %arg6[%swap3A_1078, %swap3A_1079] {strides = array<i32>} : memref<512x64xf32, #tpu.memory_space<vmem>>, vector<16xf32>,
      tpu.vector_store %arg6[%swap3A_1078, %swap3A_1079], %gather3A_1077 {strides = array<i32>} : memref<512x64xf32, #tpu.memory_space<vmem>>, vector<16xf32>,
      %iota3A_1081 = tpu.iota {dimensions = array<i32: 0>} : vector<16xi32>
      %add3A_1082 = arith.constant 48 : i32
      %add3A_1083 = vector.broadcast %add3A_1082 : i32 to vector<16xi32>
      %add3A_1084 = arith.addi %iota3A_1081, %add3A_1083 : vector<16xi32>
      %iota3A_1085 = tpu.iota {dimensions = array<i32: 0>} : vector<16xi32>
      %lt3A_1086 = arith.constant 2 : i32
      %lt3A_1087 = vector.broadcast %lt3A_1086 : i32 to vector<16xi32>
      %lt3A_1088 = arith.cmpi slt, %iota3A_1085, %lt3A_1087 : vector<16xi32>
      %gather3A_1089 = tpu.vector_load_idx %arg14[%add3A_1084, %broadcast_in_dim3A_1056] masked %lt3A_1088 : memref<50x128xf32, #tpu.memory_space<vmem>>[vector<16xi32>, vector<16xi32>], vector<16xf32>, vector<16xi1>
      %jit3A_1090 = arith.constant 0.000000e+00 : f32
      %broadcast_in_dim3A_1091 = vector.broadcast %jit3A_1090 : f32 to vector<16xf32>
      %select_n3A_1092 = arith.select %lt3A_1088, %gather3A_1089, %broadcast_in_dim3A_1091 : vector<16xi1>, vector<16xf32>
      %swap3A_1093 = arith.index_cast %add3A_1045 : i32 to index
      %swap3A_1094 = arith.constant 48 : index
      %swap3A_1095 = tpu.vector_load %arg6[%swap3A_1093, %swap3A_1094] {strides = array<i32>} : memref<512x64xf32, #tpu.memory_space<vmem>>, vector<16xf32>,
      tpu.vector_store %arg6[%swap3A_1093, %swap3A_1094], %select_n3A_1092 {strides = array<i32>} : memref<512x64xf32, #tpu.memory_space<vmem>>, vector<16xf32>,
      %slice3A_1096 = vector.extract_strided_slice %get3A_107 {offsets = [7], sizes = [1], strides = [1]} : vector<16xi32> to vector<1xi32>
      %squeeze3A_1097 = vector.extract %slice3A_1096[0] : i32 from vector<1xi32>
      %add3A_1098 = arith.constant 8 : i32
      %add3A_1099 = arith.addi %add3A_1045, %add3A_1098 : i32
      %lt3A_1100 = arith.constant 512 : i32
      %lt3A_1101 = arith.cmpi slt, %add3A_1099, %lt3A_1100 : i32
      %convert_element_type3A_1102 = arith.extui %lt3A_1101 : i1 to i32
      %cond3A_1103 = arith.constant 0 : i32
      %cond3A_1104 = arith.cmpi ne, %convert_element_type3A_1102, %cond3A_1103 : i32
      scf.if %cond3A_1104 {
        %shift_right_arithmetic3A_1106 = arith.constant 7 : i32
        %shift_right_arithmetic3A_1107 = arith.shrsi %squeeze3A_1097, %shift_right_arithmetic3A_1106 : i32
        %mul3A_1108 = arith.constant 128 : i32
        %mul3A_1109 = arith.muli %shift_right_arithmetic3A_1107, %mul3A_1108 : i32
        %multiple_of3A_1110 = tpu.assume_multiple %mul3A_1109, 128 : i32
        %dma_start3A_1111 = arith.constant 0 : i32
        %dma_start3A_1112 = tpu.memref_slice %arg2[%dma_start3A_1111, %multiple_of3A_1110] : memref<50x1000000xf32, #tpu.memory_space<hbm>> -> memref<50x128xf32, #tpu.memory_space<hbm>>
        %dma_start3A_1113 = arith.constant 0 : i32
        %dma_start3A_1114 = tpu.memref_slice %arg2[%dma_start3A_1113, %multiple_of3A_1110] : memref<50x1000000xf32, #tpu.memory_space<hbm>> -> memref<50x128xf32, #tpu.memory_space<hbm>>
        tpu.enqueue_dma source(%dma_start3A_1114 : memref<50x128xf32, #tpu.memory_space<hbm>>) target(%arg14 : memref<50x128xf32, #tpu.memory_space<vmem>>) target_semaphore(%arg22 : memref<!tpu.dma_semaphore, #tpu.memory_space<semaphore_mem>>)
      } else {
      }
      %scan3A_1105 = arith.constant 0 : i32
      scf.yield %scan3A_1105 : i32
    }
    %scan3A_92 = arith.constant 32 : i32
    "tpu.region"() ({
      %run_scoped3A = tpu.sem_alloc : memref<!tpu.dma_semaphore, #tpu.memory_space<semaphore_mem>>
      %dma_start3A_93 = arith.constant 0 : i32
      %dma_start3A_94 = tpu.memref_slice %arg4[%mul3A_2, %dma_start3A_93] : memref<16384x64xf32, #tpu.memory_space<hbm>> -> memref<512x64xf32, #tpu.memory_space<hbm>>
      %dma_start3A_95 = arith.constant 0 : i32
      %dma_start3A_96 = tpu.memref_slice %arg4[%mul3A_2, %dma_start3A_95] : memref<16384x64xf32, #tpu.memory_space<hbm>> -> memref<512x64xf32, #tpu.memory_space<hbm>>
      tpu.enqueue_dma source(%arg6 : memref<512x64xf32, #tpu.memory_space<vmem>>) target(%dma_start3A_96 : memref<512x64xf32, #tpu.memory_space<hbm>>) target_semaphore(%run_scoped3A : memref<!tpu.dma_semaphore, #tpu.memory_space<semaphore_mem>>)
      %dma_wait3A = arith.constant 0 : i32
      %dma_wait3A_97 = tpu.memref_slice %arg4[%mul3A_2, %dma_wait3A] : memref<16384x64xf32, #tpu.memory_space<hbm>> -> memref<512x64xf32, #tpu.memory_space<hbm>>
      %dma_wait3A_98 = arith.constant 0 : i32
      %dma_wait3A_99 = tpu.memref_slice %arg4[%mul3A_2, %dma_wait3A_98] : memref<16384x64xf32, #tpu.memory_space<hbm>> -> memref<512x64xf32, #tpu.memory_space<hbm>>
      tpu.wait_dma2 semaphore(%run_scoped3A : memref<!tpu.dma_semaphore, #tpu.memory_space<semaphore_mem>>) src(%arg6 : memref<512x64xf32, #tpu.memory_space<vmem>>) dst(%dma_wait3A_99 : memref<512x64xf32, #tpu.memory_space<hbm>>)
      tpu.yield
    }) : () -> ()
    return
  }
}

module attributes {stable_mosaic.version = 14 : i64} {
  func.func @body(%arg0: i32, %arg1: memref<2048x50xf32, #tpu.memory_space<vmem>>, %arg2: memref<2048x50xf32, #tpu.memory_space<vmem>>, %arg3: memref<2048x50xf32, #tpu.memory_space<vmem>>, %arg4: memref<2048x64xf32, #tpu.memory_space<vmem>>, %arg5: memref<50x64xf32, #tpu.memory_space<vmem>>, %arg6: memref<50x64xf32, #tpu.memory_space<vmem>>, %arg7: memref<50x64xf32, #tpu.memory_space<vmem>>, %arg8: memref<64x64xf32, #tpu.memory_space<vmem>>, %arg9: memref<1x64xf32, #tpu.memory_space<vmem>>, %arg10: memref<1x64xf32, #tpu.memory_space<vmem>>, %arg11: memref<1x1xf32, #tpu.memory_space<vmem>>, %arg12: memref<2048xf32, #tpu.memory_space<vmem>>, %arg13: memref<2048xf32, #tpu.memory_space<vmem>>) attributes {dimension_semantics = [#tpu.dimension_semantics<arbitrary>], iteration_bounds = array<i64: 8>, scalar_prefetch = 0 : i64, scratch_operands = 0 : i64, tpu.core_type = #tpu.core_type<tc>, window_params = [{transform_indices = @transform_0, window_bounds = array<i64: 2048, 50>}, {transform_indices = @transform_1, window_bounds = array<i64: 2048, 50>}, {transform_indices = @transform_2, window_bounds = array<i64: 2048, 50>}, {transform_indices = @transform_3, window_bounds = array<i64: 2048, 64>}, {pipeline_mode = #tpu.pipeline_mode<synchronous>, transform_indices = @transform_4, window_bounds = array<i64: 50, 64>}, {pipeline_mode = #tpu.pipeline_mode<synchronous>, transform_indices = @transform_5, window_bounds = array<i64: 50, 64>}, {pipeline_mode = #tpu.pipeline_mode<synchronous>, transform_indices = @transform_6, window_bounds = array<i64: 50, 64>}, {pipeline_mode = #tpu.pipeline_mode<synchronous>, transform_indices = @transform_7, window_bounds = array<i64: 64, 64>}, {pipeline_mode = #tpu.pipeline_mode<synchronous>, transform_indices = @transform_8, window_bounds = array<i64: 1, 64>}, {pipeline_mode = #tpu.pipeline_mode<synchronous>, transform_indices = @transform_9, window_bounds = array<i64: 1, 64>}, {pipeline_mode = #tpu.pipeline_mode<synchronous>, transform_indices = @transform_10, window_bounds = array<i64: 1, 1>}, {transform_indices = @transform_11, window_bounds = array<i64: 2048>}, {transform_indices = @transform_12, window_bounds = array<i64: 2048>}]} {
    %get3A = arith.constant 0 : index
    %get3A_0 = arith.constant 0 : index
    %get3A_1 = vector.load %arg1[%get3A, %get3A_0] : memref<2048x50xf32, #tpu.memory_space<vmem>>, vector<2048x50xf32>
    %get3A_2 = arith.constant 0 : index
    %get3A_3 = arith.constant 0 : index
    %get3A_4 = vector.load %arg5[%get3A_2, %get3A_3] : memref<50x64xf32, #tpu.memory_space<vmem>>, vector<50x64xf32>
    %dot_general3A = arith.constant dense<0.000000e+00> : vector<2048x64xf32>
    %dot_general3A_5 = tpu.matmul %get3A_1, %get3A_4, %dot_general3A {dimension_numbers = #tpu.dot_dimension_numbers<[1], [0], [0], [1], [0, 0, 1, 1], [], []>, transpose_lhs_hint = false} : vector<2048x50xf32>, vector<50x64xf32>, vector<2048x64xf32> -> vector<2048x64xf32>
    %get3A_6 = arith.constant 0 : index
    %get3A_7 = arith.constant 0 : index
    %get3A_8 = vector.load %arg2[%get3A_6, %get3A_7] : memref<2048x50xf32, #tpu.memory_space<vmem>>, vector<2048x50xf32>
    %get3A_9 = arith.constant 0 : index
    %get3A_10 = arith.constant 0 : index
    %get3A_11 = vector.load %arg6[%get3A_9, %get3A_10] : memref<50x64xf32, #tpu.memory_space<vmem>>, vector<50x64xf32>
    %dot_general3A_12 = arith.constant dense<0.000000e+00> : vector<2048x64xf32>
    %dot_general3A_13 = tpu.matmul %get3A_8, %get3A_11, %dot_general3A_12 {dimension_numbers = #tpu.dot_dimension_numbers<[1], [0], [0], [1], [0, 0, 1, 1], [], []>, transpose_lhs_hint = false} : vector<2048x50xf32>, vector<50x64xf32>, vector<2048x64xf32> -> vector<2048x64xf32>
    %add3A = arith.addf %dot_general3A_5, %dot_general3A_13 : vector<2048x64xf32>
    %get3A_14 = arith.constant 0 : index
    %get3A_15 = arith.constant 0 : index
    %get3A_16 = vector.load %arg3[%get3A_14, %get3A_15] : memref<2048x50xf32, #tpu.memory_space<vmem>>, vector<2048x50xf32>
    %get3A_17 = arith.constant 0 : index
    %get3A_18 = arith.constant 0 : index
    %get3A_19 = vector.load %arg7[%get3A_17, %get3A_18] : memref<50x64xf32, #tpu.memory_space<vmem>>, vector<50x64xf32>
    %dot_general3A_20 = arith.constant dense<0.000000e+00> : vector<2048x64xf32>
    %dot_general3A_21 = tpu.matmul %get3A_16, %get3A_19, %dot_general3A_20 {dimension_numbers = #tpu.dot_dimension_numbers<[1], [0], [0], [1], [0, 0, 1, 1], [], []>, transpose_lhs_hint = false} : vector<2048x50xf32>, vector<50x64xf32>, vector<2048x64xf32> -> vector<2048x64xf32>
    %add3A_22 = arith.addf %add3A, %dot_general3A_21 : vector<2048x64xf32>
    %get3A_23 = arith.constant 0 : index
    %get3A_24 = arith.constant 0 : index
    %get3A_25 = vector.load %arg4[%get3A_23, %get3A_24] : memref<2048x64xf32, #tpu.memory_space<vmem>>, vector<2048x64xf32>
    %get3A_26 = arith.constant 0 : index
    %get3A_27 = arith.constant 0 : index
    %get3A_28 = vector.load %arg8[%get3A_26, %get3A_27] : memref<64x64xf32, #tpu.memory_space<vmem>>, vector<64x64xf32>
    %dot_general3A_29 = arith.constant dense<0.000000e+00> : vector<2048x64xf32>
    %dot_general3A_30 = tpu.matmul %get3A_25, %get3A_28, %dot_general3A_29 {dimension_numbers = #tpu.dot_dimension_numbers<[1], [0], [0], [1], [0, 0, 1, 1], [], []>, transpose_lhs_hint = false} : vector<2048x64xf32>, vector<64x64xf32>, vector<2048x64xf32> -> vector<2048x64xf32>
    %add3A_31 = arith.addf %add3A_22, %dot_general3A_30 : vector<2048x64xf32>
    %get3A_32 = arith.constant 0 : index
    %get3A_33 = arith.constant 0 : index
    %get3A_34 = vector.load %arg9[%get3A_32, %get3A_33] : memref<1x64xf32, #tpu.memory_space<vmem>>, vector<1x64xf32>
    %add3A_35 = vector.broadcast %get3A_34 : vector<1x64xf32> to vector<2048x64xf32>
    %add3A_36 = arith.addf %add3A_31, %add3A_35 : vector<2048x64xf32>
    %max3A = arith.constant 0.000000e+00 : f32
    %max3A_37 = vector.broadcast %max3A : f32 to vector<2048x64xf32>
    %max3A_38 = arith.maximumf %add3A_36, %max3A_37 : vector<2048x64xf32>
    %get3A_39 = arith.constant 0 : index
    %get3A_40 = arith.constant 0 : index
    %get3A_41 = vector.load %arg10[%get3A_39, %get3A_40] : memref<1x64xf32, #tpu.memory_space<vmem>>, vector<1x64xf32>
    %mul3A = vector.broadcast %get3A_41 : vector<1x64xf32> to vector<2048x64xf32>
    %mul3A_42 = arith.mulf %max3A_38, %mul3A : vector<2048x64xf32>
    %reduce_sum3A = arith.constant dense<0.000000e+00> : vector<2048xf32>
    %reduce_sum3A_43 = vector.multi_reduction <add>, %mul3A_42, %reduce_sum3A [1] : vector<2048x64xf32> to vector<2048xf32>
    %get3A_44 = arith.constant 0 : index
    %get3A_45 = arith.constant 0 : index
    %get3A_46 = vector.load %arg11[%get3A_44, %get3A_45] : memref<1x1xf32, #tpu.memory_space<vmem>>, vector<1x1xf32>
    %get3A_47 = vector.extract %get3A_46[0, 0] : f32 from vector<1x1xf32>
    %add3A_48 = vector.broadcast %get3A_47 : f32 to vector<2048xf32>
    %add3A_49 = arith.addf %reduce_sum3A_43, %add3A_48 : vector<2048xf32>
    %get3A_50 = arith.constant 0 : index
    %get3A_51 = vector.load %arg12[%get3A_50] : memref<2048xf32, #tpu.memory_space<vmem>>, vector<2048xf32>
    %add3A_52 = arith.addf %add3A_49, %get3A_51 : vector<2048xf32>
    %swap3A = arith.constant 0 : index
    %swap3A_53 = vector.load %arg13[%swap3A] : memref<2048xf32, #tpu.memory_space<vmem>>, vector<2048xf32>
    tpu.vector_store %arg13[%swap3A], %add3A_52 {strides = array<i32>} : memref<2048xf32, #tpu.memory_space<vmem>>, vector<2048xf32>,
    return
  }
  func.func @transform_0(%arg0: i32) -> (i32, i32) {
    %c0_i32 = arith.constant 0 : i32
    %c0_i32_0 = arith.constant 0 : i32
    return %arg0, %c0_i32 : i32, i32
  }
  func.func @transform_1(%arg0: i32) -> (i32, i32) {
    %c0_i32 = arith.constant 0 : i32
    %c0_i32_0 = arith.constant 0 : i32
    return %arg0, %c0_i32 : i32, i32
  }
  func.func @transform_2(%arg0: i32) -> (i32, i32) {
    %c0_i32 = arith.constant 0 : i32
    %c0_i32_0 = arith.constant 0 : i32
    return %arg0, %c0_i32 : i32, i32
  }
  func.func @transform_3(%arg0: i32) -> (i32, i32) {
    %c0_i32 = arith.constant 0 : i32
    %c0_i32_0 = arith.constant 0 : i32
    return %arg0, %c0_i32 : i32, i32
  }
  func.func @transform_4(%arg0: i32) -> (i32, i32) {
    %c0_i32 = arith.constant 0 : i32
    %c0_i32_0 = arith.constant 0 : i32
    %c0_i32_1 = arith.constant 0 : i32
    return %c0_i32, %c0_i32_0 : i32, i32
  }
  func.func @transform_5(%arg0: i32) -> (i32, i32) {
    %c0_i32 = arith.constant 0 : i32
    %c0_i32_0 = arith.constant 0 : i32
    %c0_i32_1 = arith.constant 0 : i32
    return %c0_i32, %c0_i32_0 : i32, i32
  }
  func.func @transform_6(%arg0: i32) -> (i32, i32) {
    %c0_i32 = arith.constant 0 : i32
    %c0_i32_0 = arith.constant 0 : i32
    %c0_i32_1 = arith.constant 0 : i32
    return %c0_i32, %c0_i32_0 : i32, i32
  }
  func.func @transform_7(%arg0: i32) -> (i32, i32) {
    %c0_i32 = arith.constant 0 : i32
    %c0_i32_0 = arith.constant 0 : i32
    %c0_i32_1 = arith.constant 0 : i32
    return %c0_i32, %c0_i32_0 : i32, i32
  }
  func.func @transform_8(%arg0: i32) -> (i32, i32) {
    %c0_i32 = arith.constant 0 : i32
    %c0_i32_0 = arith.constant 0 : i32
    %c0_i32_1 = arith.constant 0 : i32
    return %c0_i32, %c0_i32_0 : i32, i32
  }
  func.func @transform_9(%arg0: i32) -> (i32, i32) {
    %c0_i32 = arith.constant 0 : i32
    %c0_i32_0 = arith.constant 0 : i32
    %c0_i32_1 = arith.constant 0 : i32
    return %c0_i32, %c0_i32_0 : i32, i32
  }
  func.func @transform_10(%arg0: i32) -> (i32, i32) {
    %c0_i32 = arith.constant 0 : i32
    %c0_i32_0 = arith.constant 0 : i32
    %c0_i32_1 = arith.constant 0 : i32
    return %c0_i32, %c0_i32_0 : i32, i32
  }
  func.func @transform_11(%arg0: i32) -> i32 {
    %c0_i32 = arith.constant 0 : i32
    return %arg0 : i32
  }
  func.func @transform_12(%arg0: i32) -> i32 {
    %c0_i32 = arith.constant 0 : i32
    return %arg0 : i32
  }
}

</mosaic_0001>

<sc_bundles>
// kernel: kernel.5.cloned.1.call-start
scs
__scs_entry_jumppad:
0x0: {  	(pc) =	sbr.rel $0x88, $3  }
0x1: {  	(tag) =	ssettag $0x0;
	lr =	simm.s32 $0x1  }
0x2: {  	[smem:$0x3F94] =	sst lr;
	_ =	strace $0xD0000000  }
0x3: {  	_ = 	snop  }
0x4: {  	_ = 	snop  }
0x5: {  	_ = 	snop  }
0x6: {  	_ = 	snop  }
0x7: {  	_ = 	snop  }
__scs_overlays_trampoline_lowered:
0x8: {  	[smem:$0x3FA3] =	sst s0  }
0x9: {  	[smem:$0x3FA4] =	sst s1  }
0xa: {  	[smem:$0x3FA5] =	sst s2  }
0xb: {  	[smem:$0x3FA6] =	sst s3  }
0xc: {  	[smem:$0x3FA7] =	sst s4  }
0xd: {  	[smem:$0x3FA8] =	sst s5  }
0xe: {  	[smem:$0x3FA9] =	sst s6  }
0xf: {  	[smem:$0x3FAA] =	sst s7  }
0x10: {  	[smem:$0x3FAB] =	sst s8  }
0x11: {  	[smem:$0x3FAC] =	sst s9;
	s0 =	simm.s32 @!p0 $0x0  }
0x12: {  	s1 =	sld [smem:$0x3F92];
	s0 =	simm.s32 @p0 $0x1  }
0x13: {  	[smem:$0x3FAD] =	sst s0;
	s0 =	simm.s32 @!p1 $0x0  }
0x14: {  	s2 =	sld [smem:$0x3F91];
	s0 =	simm.s32 @p1 $0x1  }
0x15: {  	[smem:$0x3FAE] =	sst s0;
	s0 =	simm.s32 @!p2 $0x0  }
0x16: {  	s3 =	sld [smem:$0x3FDB];
	s0 =	simm.s32 @p2 $0x1  }
0x17: {  	s4 =	simm.s32 $0x1BF5;
	[smem:$0x3FB0] =	sst s0  }
0x18: {  	s0 =	sld [smem:$0x3F93];
	_ =	swait.ge [sflag:s4], $0x0  }
0x19: {  	s7 =	sld [smem:$0x3F94]  }
0x1a: {  	s8 =	sadd.s32 $0xFFFFE003, lr  }
0x1b: {  	s9 =	sadd.s32 $0xFFFFFEF7, lr;
	s5 =	simm.s32 $0xFFFFFFFF;
	p2 =	slt.u32 s8, $0xFFFFF086  }
0x1c: {  	p1 =	slt.u32 s9, $0xF7A;
	s5 =	simm.s32 @!p2 $0x0  }
0x1d: {  	s5 =	simm.s32 @p1 $0x1;
	p0 =	seq.s32 s7, s2  }
0x1e: {  	s7 =	smul.u32 @!p0 $0xF7A, s2;
	p2 =	seq.s32 @!p0 s5, $0x0  }
0x1f: {  	s9 =	smul.u32 $0xF7A, s1;
	s8 =	simm.s32 @!p0 $0x1BF5;
	p2 =	por !p2, p0  }
0x20: {  	[sflag:s8] =	ssyncset.s32 @!p0 $0xFFFFF086;
	s6 =	sadd.s32 @!p0 s3, s7;
	s7 =	simm.s32 @!p0 $0x108  }
0x21: {  	s3 =	sadd.s32 s3, s9;
	s6 =	sadd.s32 @!p0 $0x88, s6;
	s7 =	simm.s32 @p2 $0x1082  }
0x22: {  	[simem:s7], [sflag:s8] =	dma.local @!p0 [hbm:s6], $0xF7A  }
0x23: {  	s9 =	sor.u32 $0xD0000000, s2;
	s6 =	simm.s32 $0x108;
	_ =	swait.ge @!p0 [sflag:s8], $0x0  }
0x24: {  	s3 =	sadd.s32 $0x88, s3;
	s6 =	simm.s32 @!p1 $0x1082;
	[sflag:s4] =	ssyncset.s32 $0xFFFFF086  }
0x25: {  	[simem:s6], [sflag:s4] =	dma.local [hbm:s3], $0xF7A  }
0x26: {  	[smem:$0x3F94] =	sst s1;
	(tag) =	ssettag s2;
	_ =	strace s9  }
0x27: {  	s1 =	sld [smem:$0x3FA4]  }
0x28: {  	s2 =	sld [smem:$0x3FA5]  }
0x29: {  	s4 =	sld [smem:$0x3FA7]  }
0x2a: {  	p0 =	seq.s32 s5, $0x0;
	s5 =	sld [smem:$0x3FA8]  }
0x2b: {  	s6 =	sld [smem:$0x3FA9]  }
0x2c: {  	s7 =	sld [smem:$0x3FAA]  }
0x2d: {  	s3 =	simm.s32 $0x108;
	s8 =	sld [smem:$0x3FAB]  }
0x2e: {  	s3 =	simm.s32 @!p0 $0x1082;
	s9 =	sld [smem:$0x3FAC]  }
0x2f: {  	lr =	sadd.s32 s0, s3;
	s0 =	sld [smem:$0x3FA3]  }
0x30: {  	s3 =	sld [smem:$0x3FA6]  }
0x31: {  	[smem:$0x3FAF] =	sst s10  }
0x32: {  	s10 =	sld [smem:$0x3FAD];
	_ =	sdelay $0x3  }
0x33: {  	p0 =	seq.s32 s10, $0x1;
	s10 =	sld [smem:$0x3FAF];
	_ =	sdelay $0x3  }
0x34: {  	[smem:$0x3FAF] =	sst s10  }
0x35: {  	s10 =	sld [smem:$0x3FAE];
	_ =	sdelay $0x3  }
0x36: {  	p1 =	seq.s32 s10, $0x1;
	s10 =	sld [smem:$0x3FAF];
	_ =	sdelay $0x3  }
0x37: {  	[smem:$0x3FAF] =	sst s10  }
0x38: {  	s10 =	sld [smem:$0x3FB0]  }
0x39: {  	_ = 	snop;
	(pc) =	sbr.ind lr, $3  }
0x3a: {  	_ = 	snop  }
0x3b: {  	_ = 	snop  }
0x3c: {  	p2 =	seq.s32 s10, $0x1;
	s10 =	sld [smem:$0x3FAF]  }
0x3d: {  	_ =	shalt  }
0x3e: {  	_ =	shalt  }
0x3f: {  	_ =	shalt  }
0x40: {  	_ =	shalt  }
0x41: {  	_ =	shalt  }
0x42: {  	_ =	shalt  }
0x43: {  	_ =	shalt  }
0x44: {  	_ =	shalt  }
0x45: {  	_ =	shalt  }
0x46: {  	_ =	shalt  }
0x47: {  	_ =	shalt  }
0x48: {  	_ =	shalt  }
0x49: {  	_ =	shalt  }
0x4a: {  	_ =	shalt  }
0x4b: {  	_ =	shalt  }
0x4c: {  	_ =	shalt  }
0x4d: {  	_ =	shalt  }
0x4e: {  	_ =	shalt  }
0x4f: {  	_ =	shalt  }
0x50: {  	_ =	shalt  }
0x51: {  	_ =	shalt  }
0x52: {  	_ =	shalt  }
0x53: {  	_ =	shalt  }
0x54: {  	_ =	shalt  }
0x55: {  	_ =	shalt  }
0x56: {  	_ =	shalt  }
0x57: {  	_ =	shalt  }
0x58: {  	_ =	shalt  }
0x59: {  	_ =	shalt  }
0x5a: {  	_ =	shalt  }
0x5b: {  	_ =	shalt  }
0x5c: {  	_ =	shalt  }
0x5d: {  	_ =	shalt  }
0x5e: {  	_ =	shalt  }
0x5f: {  	_ =	shalt  }
0x60: {  	_ =	shalt  }
0x61: {  	_ =	shalt  }
0x62: {  	_ =	shalt  }
0x63: {  	_ =	shalt  }
0x64: {  	_ =	shalt  }
0x65: {  	_ =	shalt  }
0x66: {  	_ =	shalt  }
0x67: {  	_ =	shalt  }
0x68: {  	_ =	shalt  }
0x69: {  	_ =	shalt  }
0x6a: {  	_ =	shalt  }
0x6b: {  	_ =	shalt  }
0x6c: {  	_ =	shalt  }
0x6d: {  	_ =	shalt  }
0x6e: {  	_ =	shalt  }
0x6f: {  	_ =	shalt  }
0x70: {  	_ =	shalt  }
0x71: {  	_ =	shalt  }
0x72: {  	_ =	shalt  }
0x73: {  	_ =	shalt  }
0x74: {  	_ =	shalt  }
0x75: {  	_ =	shalt  }
0x76: {  	_ =	shalt  }
0x77: {  	_ =	shalt  }
0x78: {  	_ =	shalt  }
0x79: {  	_ =	shalt  }
0x7a: {  	_ =	shalt  }
0x7b: {  	_ =	shalt  }
0x7c: {  	_ =	shalt  }
0x7d: {  	_ =	shalt  }
0x7e: {  	_ =	shalt  }
0x7f: {  	_ =	shalt  }
0x80: {  	_ =	shalt  }
0x81: {  	_ =	shalt  }
0x82: {  	_ =	shalt  }
0x83: {  	_ =	shalt  }
0x84: {  	_ =	shalt  }
0x85: {  	_ =	shalt  }
0x86: {  	_ =	shalt  }
0x87: {  	_ =	shalt  }
.Lfunc_end0:
.L_simem_size_0:
called_computation_lowered:
.L_overlay_start_0:
0x88: {  	s2 =	sld [smem:$0x3FD9]  }
0x89: {  	s3 =	sld [smem:$0x3FFE];
	_ =	sdelay $0x1  }
0x8a: {  	s1 =	srdreg.scid  }
0x8b: {  	s0 =	sand.u32 $0x1, s1  }
0x8c: {  	s17 =	sshll.u32 s0, $0xA;
	s2 =	sadd.s32 s3, s2  }
0x8d: {  	s2 =	sadd.s32 s2, s17  }
0x8e: {  	[smem:$0x3FBB] =	sst s2  }
0x8f: {  	_ = 	snop  }
0x90: {  	s2 =	sld [smem:$0x3FD0];
	(tm) =	ssettm $0x1  }
0x91: {  	s18 =	sld [smem:$0x3FFB];
	_ =	sdelay $0x3  }
0x92: {  	_ =	strace s18  }
0x93: {  	s3 =	sld [smem:$0x3FFC];
	_ =	sdelay $0x3  }
0x94: {  	_ =	strace s3  }
0x95: {  	s3 =	sld [smem:$0x3FFD];
	_ =	sdelay $0x3  }
0x96: {  	_ =	strace s3  }
0x97: {  	_ =	strace $0x8FFFFFFF  }
0x98: {  	s19 =	sld [smem:$0x3FDB];
	_ =	sdelay $0x1  }
0x99: {  	s4 =	simm.s32 $_scs_section_size  }
0x9a: {  	s5 =	simm.s32 $_size__tile_overlayer_lowered;
	s6 =	simm.s32 $_tile_overlayer_lowered  }
0x9b: {  	s22 =	simm.s32 $0x1BFF;
	s21 =	sshll.u32 s6, $0x1;
	s3 =	sadd.s32 s4, s19  }
0x9c: {  	s7 =	simm.s32 $0x0;
	s20 =	sshll.u32 s5, $0x1;
	s5 =	sadd.s32 s21, s3  }
0x9d: {  	[timem:s7], [sflag:s22] =	dma.local [hbm:s5], s20  }
0x9e: {  	_ =	swait.ge [sflag:s22], s20  }
0x9f: {  	s4 =	ssub.s32 $0x0, s20;
	[sflag:s22] =	ssyncset.done $0x0  }
0xa0: {  	[sflag:s22] =	ssyncadd.s32 s4;
	_ =	sdelay $0x1  }
0xa1: {  	s23 =	simm.s32 $0x1B8B  }
0xa2: {  	_ =	swait.ge [sflag:s23], $0x1  }
0xa3: {  	[sflag:s23] =	ssyncset.done $0x0  }
0xa4: {  	s25 =	simm.s32 $0x1B8E;
	s24 =	sld [smem:$0x3FFE];
	[sflag:s23] =	ssyncadd.s32 $0xFFFFFFFF  }
0xa5: {  	s26 =	simm.s32 $execute0_lowered;
	[smem:$0x3FD2] =	sst s25  }
0xa6: {  	s5 =	sshll.u32 s26, $0x1;
	_ =	strace $0x80000046;
	[dreg:$0x1] =	wrdreg $0xFFFFFFFF  }
0xa7: {  	s28 =	simm.s32 $_size_execute0_lowered;
	s3 =	sadd.s32 s3, s5;
	[dreg:$0x0] =	wrdreg $0x0  }
0xa8: {  	s5 =	sshll.u32 s28, $0x1;
	[dreg:$0x2] =	wrdreg s3  }
0xa9: {  	[dreg:$0x3] =	wrdreg s5  }
0xaa: {  	[dreg:$0x4] =	wrdreg $0xC0  }
0xab: {  	_ =	task [dreg:s7], $0x5FFFF  }
0xac: {  	[dreg:$0x1] =	wrdreg $0xFFFFFFFF  }
0xad: {  	[dreg:$0x0] =	wrdreg $0x60  }
0xae: {  	[dreg:$0x2] =	wrdreg s24  }
0xaf: {  	[dreg:$0x3] =	wrdreg s2  }
0xb0: {  	[dreg:$0x4] =	wrdreg $0x9  }
0xb1: {  	_ =	task.clear_ibuf [dreg:s7], $0x5FFFF;
	_ =	strace $0x90000046  }
0xb2: {  	s29 =	simm.s32 $0x9;
	_ =	strace $0x80000048  }
0xb3: {  	_ =	swait.ge [sflag:s29], $0x1  }
0xb4: {  	[sflag:s29] =	ssyncadd.s32 $0xFFFFFFFF  }
0xb5: {  	_ =	strace $0x90000048  }
0xb6: {  	_ =	sfence  }
0xb7: {  	s30 =	sld [smem:$0x0];
	_ =	sdelay $0x2  }
0xb8: {  	s31 =	sshll.u32 s1, $0xD;
	s1 =	sshrl.u32 s1, $0x2  }
0xb9: {  	s3 =	sand.u32 $0x4000, s31;
	s1 =	sadd.s32 s1, s30  }
0xba: {  	s0 =	sor.u32 s3, s0;
	s1 =	sshll.u32 s1, $0x11  }
0xbb: {  	s0 =	sor.u32 s1, s0  }
0xbc: {  	s0 =	sadd.s32 $0x8F2B, s0  }
0xbd: {  	[sflag:s0] =	ssyncadd.remote.s32 $0x1  }
0xbe: {  	_ =	sfence.sel $0xFFFF  }
0xbf: {  	[dreg:$0x0] =	wrdreg $0xFFFFFFFF;
	(pc) =	sbr.abs _section_cstart, $3  }
0xc0: {  	[dreg:$0x1] =	wrdreg $0xFFFFFFFF  }
0xc1: {  	_ =	task.clear_ibuf [dreg:s7], $0x2FFFF;
	_ =	strace $0x9FFFFFFF  }
0xc2: {  	(tm) =	ssettm $0x7FFFFFFF  }
0xc3: {  	_ =	shalt  }
tec
execute0_lowered:
.L_overlay_start_1:
0x0: {  	(tag) =	ssettag $0x1  }
0x1: {  	s0 =	rddreg [dreg:$0x0]  }
0x2: {  	s8 =	rddreg [dreg:$0x1];
	s2 =	simm.s32 $0x0  }
0x3: {  	s3 =	srdreg.scid;
	s1 =	stileid.u32;
	s13 =	simm.s32 $0x80  }
0x4: {  	s14 =	simm.s32 $0x400;
	s6 =	sand.u32 $0x1, s3;
	s23 =	sshll.u32 s1, $0x1  }
0x5: {  	s15 =	simm.s32 $0x2;
	s17 =	simm.s32 $0x1;
	s7 =	sor.u32 s6, s23  }
0x6: {  	s18 =	simm.s32 $0x600;
	s9 =	sshll.u32 s1, $0x7;
	s10 =	sshll.u32 s7, $0x4  }
0x7: {  	[smem:$0x7FF] =	sst s2;
	s3 =	sadd.s32 $0x2600, s0;
	s9 =	sor.u32 s9, s10  }
0x8: {  	s4 =	sadd.s32 $0x189000, s0;
	s5 =	sadd.s32 $0x30FA00, s0;
	s9 =	sand.u32 $0x670, s9  }
0x9: {  	_ =	strace $0x80000047;
	s24 =	sadd.s32 s9, s0;
	s29 =	sadd.s32 s8, s9  }
0xa: {  	s7 =	sshll.u32 s7, $0xD;
	s26 =	sadd.s32 $0x313A00, s24;
	[dreg:$0x5] =	wrdreg s29  }
0xb: {  	s0 =	sadd.s32 s7, s0;
	s28 =	sadd.s32 $0x314200, s24;
	[dreg:$0x3] =	wrdreg s26  }
0xc: {  	s6 =	ssub.s32 $0x2, s6;
	s30 =	sadd.s32 $0x314A00, s0;
	[dreg:$0x4] =	wrdreg s28  }
0xd: {  	s25 =	sshrl.u32 s6, $0x1;
	s31 =	sadd.s32 $0x354A00, s0;
	[dreg:$0x6] =	wrdreg s30  }
0xe: {  	s12 =	ssub.s32 s6, s25;
	s0 =	sadd.s32 $0x394A00, s0;
	[dreg:$0x7] =	wrdreg s31  }
0xf: {  	s19 =	simm.s32 $0x0;
	s12 =	smax.u32 s12, $0x1;
	[dreg:$0x8] =	wrdreg s0  }
.LBB2_1:
0x10: {  	s0 =	rddreg [dreg:$0x5]  }
0x11: {  	[tilespmem:s2], [sflag:$0x2] =	stream.strided.gather [hbm4b:s0+s13], $0x200, s14, s13, $0x38;
	[tilespmem:$0x10600] =	vst v63  }
0x12: {  	_ =	swait.ge [sflag:s15], $0x200  }
0x13: {  	[sflag:s15] =	ssyncset.done $0x0  }
0x14: {  	s1 =	simm.s32 $0x200;
	s30 =	rddreg [dreg:$0x3];
	[sflag:s15] =	ssyncadd.s32 $0xFFFFFE00  }
0x15: {  	[tilespmem:s1], [sflag:$0x2] =	stream.strided.gather [hbm4b:s30+s13], $0x200, s14, s13, $0x38;
	[tilespmem:$0x10600] =	vst v63  }
0x16: {  	_ =	swait.ge [sflag:s15], $0x200  }
0x17: {  	[sflag:s15] =	ssyncset.done $0x0  }
0x18: {  	s31 =	rddreg [dreg:$0x4];
	[sflag:s15] =	ssyncadd.s32 $0xFFFFFE00  }
0x19: {  	[tilespmem:s14], [sflag:$0x2] =	stream.strided.gather [hbm4b:s31+s13], $0x200, s14, s13, $0x38;
	[tilespmem:$0x10600] =	vst v63  }
0x1a: {  	_ =	swait.ge [sflag:s15], $0x200  }
0x1b: {  	[sflag:s15] =	ssyncset.done $0x0  }
0x1c: {  	[sflag:s15] =	ssyncadd.s32 $0xFFFFFE00  }
0x1d: {  	v0 =	vld [tilespmem:s2+$0x0];
	_ =	sdelay $0x4  }
0x1e: {  	v0 =	vshll.u32 v0, $0x4  }
0x1f: {  	(v2sf) =	vpush v0, $0x0  }
0x20: {  	(v2sf) =	vpush v0, $0x1  }
0x21: {  	(v2sf) =	vpush v0, $0x2;
	_ =	sdelay $0x1  }
0x22: {  	(v2sf) =	vpush v0, $0x4;
	_ =	sdelay $0x1  }
0x23: {  	(v2sf) =	vpush v0, $0x3  }
0x24: {  	(v2sf) =	vpush v0, $0x5  }
0x25: {  	s21 =	simm.s32 $0x2000;
	s20 =	simm.s32 $0x0;
	s22 =	simm.s32 $0x0;
	(v2sf) =	vpush v0, $0x6  }
.LBB2_2:
0x26: {  	p0 =	sne.s32 s21, $0x3E000  }
0x27: {  	s1 =	sadd.s32 $0x680, s20;
	s26 =	sadd.s32 $0xB80, s20;
	s23 =	smov.u32 s21  }
0x28: {  	s21 =	sadd.s32 $0x2000, s21;
	s30 =	sadd.s32 $0x980, s20;
	s24 =	sadd.s32 $0xC00, s20;
	(v2sf) =	vpush v0, $0x7  }
0x29: {  	s0 =	sadd.s32 $0x880, s20;
	s29 =	sadd.s32 $0xA00, s20;
	s25 =	sadd.s32 $0xC80, s20  }
0x2a: {  	s16 =	sadd.s32 $0x600, s20;
	s6 =	sadd.s32 $0x800, s20;
	(v2sf) =	vpush v0, $0x8  }
0x2b: {  	s7 =	sadd.s32 $0x900, s20;
	s22 =	sadd.s32 $0x10, s22  }
0x2c: {  	s8 =	sadd.s32 $0x700, s20;
	s28 =	sadd.s32 $0xB00, s20;
	s31 =	spop (v2sf);
	(v2sf) =	vpush v0, $0x9  }
0x2d: {  	s9 =	sand.u32 $0x1FFFFFF0, s31;
	s31 =	sadd.s32 $0xA80, s20;
	s10 =	spop (v2sf)  }
0x2e: {  	s9 =	sadd.s32 s3, s9;
	s10 =	sand.u32 $0x1FFFFFF0, s10;
	s11 =	spop (v2sf);
	(v2sf) =	vpush v0, $0xA  }
0x2f: {  	[tilespmem:s16], [sflag:$0x1] =	stream.linear.gather [hbm4b:s9+s2], $0x80, $0x38;
	[tilespmem:$0x10600] =	vst v63  }
0x30: {  	s9 =	sadd.s32 s3, s10;
	s10 =	sadd.s32 $0x780, s20;
	s16 =	spop (v2sf);
	(v2sf) =	vpush v0, $0xB  }
0x31: {  	[tilespmem:s1], [sflag:$0x1] =	stream.linear.gather [hbm4b:s9+s2], $0x80, $0x38;
	[tilespmem:$0x10600] =	vst v63  }
0x32: {  	s1 =	sand.u32 $0x1FFFFFF0, s11;
	s9 =	sand.u32 $0x1FFFFFF0, s16;
	s11 =	spop (v2sf);
	(v2sf) =	vpush v0, $0xC  }
0x33: {  	s1 =	sadd.s32 s3, s1;
	s11 =	sand.u32 $0x1FFFFFF0, s11;
	s16 =	spop (v2sf)  }
0x34: {  	[tilespmem:s8], [sflag:$0x1] =	stream.linear.gather [hbm4b:s1+s2], $0x80, $0x38;
	(v2sf) =	vpush v0, $0xD;
	[tilespmem:$0x10600] =	vst v63  }
0x35: {  	s1 =	sadd.s32 s3, s11;
	s8 =	sand.u32 $0x1FFFFFF0, s16;
	s11 =	spop (v2sf)  }
0x36: {  	[tilespmem:s10], [sflag:$0x1] =	stream.linear.gather [hbm4b:s1+s2], $0x80, $0x38;
	(v2sf) =	vpush v0, $0xE;
	[tilespmem:$0x10600] =	vst v63  }
0x37: {  	s1 =	sadd.s32 s3, s9;
	s9 =	sand.u32 $0x1FFFFFF0, s11;
	s10 =	spop (v2sf)  }
0x38: {  	[tilespmem:s6], [sflag:$0x1] =	stream.linear.gather [hbm4b:s1+s2], $0x80, $0x38;
	(v2sf) =	vpush v0, $0xF;
	[tilespmem:$0x10600] =	vst v63  }
0x39: {  	s1 =	sadd.s32 s3, s8;
	s6 =	sand.u32 $0x1FFFFFF0, s10;
	s8 =	spop (v2sf)  }
0x3a: {  	[tilespmem:s0], [sflag:$0x1] =	stream.linear.gather [hbm4b:s1+s2], $0x80, $0x38;
	[tilespmem:$0x10600] =	vst v63  }
0x3b: {  	s0 =	sadd.s32 s3, s9;
	s1 =	sand.u32 $0x1FFFFFF0, s8;
	s8 =	spop (v2sf)  }
0x3c: {  	[tilespmem:s7], [sflag:$0x1] =	stream.linear.gather [hbm4b:s0+s2], $0x80, $0x38;
	[tilespmem:$0x10600] =	vst v63  }
0x3d: {  	s0 =	sadd.s32 s3, s6;
	s6 =	sand.u32 $0x1FFFFFF0, s8;
	s7 =	spop (v2sf)  }
0x3e: {  	[tilespmem:s30], [sflag:$0x1] =	stream.linear.gather [hbm4b:s0+s2], $0x80, $0x38;
	[tilespmem:$0x10600] =	vst v63  }
0x3f: {  	s0 =	sadd.s32 s3, s1;
	s1 =	sand.u32 $0x1FFFFFF0, s7;
	s7 =	spop (v2sf)  }
0x40: {  	[tilespmem:s29], [sflag:$0x1] =	stream.linear.gather [hbm4b:s0+s2], $0x80, $0x38;
	[tilespmem:$0x10600] =	vst v63  }
0x41: {  	s0 =	sadd.s32 s3, s6;
	s6 =	sand.u32 $0x1FFFFFF0, s7;
	s7 =	spop (v2sf)  }
0x42: {  	[tilespmem:s31], [sflag:$0x1] =	stream.linear.gather [hbm4b:s0+s2], $0x80, $0x38;
	[tilespmem:$0x10600] =	vst v63  }
0x43: {  	s0 =	sadd.s32 s3, s1;
	s1 =	sand.u32 $0x1FFFFFF0, s7;
	s7 =	spop (v2sf)  }
0x44: {  	[tilespmem:s28], [sflag:$0x1] =	stream.linear.gather [hbm4b:s0+s2], $0x80, $0x38;
	[tilespmem:$0x10600] =	vst v63  }
0x45: {  	s0 =	sadd.s32 s3, s6;
	s6 =	sand.u32 $0x1FFFFFF0, s7;
	s7 =	spop (v2sf)  }
0x46: {  	[tilespmem:s26], [sflag:$0x1] =	stream.linear.gather [hbm4b:s0+s2], $0x80, $0x38;
	[tilespmem:$0x10600] =	vst v63  }
0x47: {  	s0 =	sadd.s32 s3, s1;
	s1 =	sand.u32 $0x1FFFFFF0, s7;
	s7 =	spop (v2sf)  }
0x48: {  	[tilespmem:s24], [sflag:$0x1] =	stream.linear.gather [hbm4b:s0+s2], $0x80, $0x38;
	[tilespmem:$0x10600] =	vst v63  }
0x49: {  	s0 =	sadd.s32 s3, s6;
	s6 =	sand.u32 $0x1FFFFFF0, s7  }
0x4a: {  	[tilespmem:s25], [sflag:$0x1] =	stream.linear.gather [hbm4b:s0+s2], $0x80, $0x38;
	[tilespmem:$0x10600] =	vst v63  }
0x4b: {  	s1 =	sadd.s32 s3, s1;
	s0 =	sadd.s32 $0xD00, s20  }
0x4c: {  	[tilespmem:s0], [sflag:$0x1] =	stream.linear.gather [hbm4b:s1+s2], $0x80, $0x38;
	[tilespmem:$0x10600] =	vst v63  }
0x4d: {  	s0 =	sadd.s32 $0xD80, s20;
	s1 =	sadd.s32 s3, s6  }
0x4e: {  	[tilespmem:s0], [sflag:$0x1] =	stream.linear.gather [hbm4b:s1+s2], $0x80, $0x38;
	[tilespmem:$0x10600] =	vst v63  }
0x4f: {  	v0 =	vld [tilespmem:s22+$0x0];
	_ =	sdelay $0x4  }
0x50: {  	v0 =	vshll.u32 v0, $0x4  }
0x51: {  	(v2sf) =	vpush v0, $0x0  }
0x52: {  	(v2sf) =	vpush v0, $0x1  }
0x53: {  	(v2sf) =	vpush v0, $0x2;
	_ =	sdelay $0x1  }
0x54: {  	(v2sf) =	vpush v0, $0x4  }
.Ltmp0:
0x55: {  	(pc) =	sbr.rel @p0 .LBB2_2-.Ltmp0, $3  }
0x56: {  	(v2sf) =	vpush v0, $0x3  }
0x57: {  	(v2sf) =	vpush v0, $0x5;
	_ =	sdelay $0x1  }
0x58: {  	s20 =	sshra.s32 s23, $0x2;
	(v2sf) =	vpush v0, $0x6  }
0x59: {  	_ =	sdelay $0x1  }
0x5a: {  	s0 =	sadd.s32 $0x680, s20;
	s23 =	sadd.s32 $0xB80, s20  }
0x5b: {  	s1 =	sadd.s32 $0x980, s20;
	s21 =	sadd.s32 $0xC00, s20;
	(v2sf) =	vpush v0, $0x7;
	s6 =	sadd.s32 $0x880, s20  }
0x5c: {  	s7 =	sadd.s32 $0xA00, s20;
	s22 =	sadd.s32 $0xC80, s20;
	s8 =	sadd.s32 $0x600, s20  }
0x5d: {  	s9 =	sadd.s32 $0x800, s20;
	s10 =	sadd.s32 $0x900, s20;
	(v2sf) =	vpush v0, $0x8;
	s11 =	spop (v2sf)  }
0x5e: {  	s16 =	sadd.s32 $0x700, s20;
	s11 =	sand.u32 $0x1FFFFFF0, s11;
	s24 =	spop (v2sf)  }
0x5f: {  	(v2sf) =	vpush v0, $0x9;
	s11 =	sadd.s32 s3, s11;
	s24 =	sand.u32 $0x1FFFFFF0, s24;
	s25 =	spop (v2sf)  }
0x60: {  	[tilespmem:s8], [sflag:$0x1] =	stream.linear.gather [hbm4b:s11+s2], $0x80, $0x38;
	[tilespmem:$0x10600] =	vst v63  }
0x61: {  	s26 =	sadd.s32 $0x780, s20;
	(v2sf) =	vpush v0, $0xA;
	s30 =	sadd.s32 s3, s24;
	s31 =	spop (v2sf)  }
0x62: {  	[tilespmem:s0], [sflag:$0x1] =	stream.linear.gather [hbm4b:s30+s2], $0x80, $0x38;
	[tilespmem:$0x10600] =	vst v63  }
0x63: {  	s8 =	sadd.s32 $0xB00, s20;
	s28 =	sand.u32 $0x1FFFFFF0, s25;
	(v2sf) =	vpush v0, $0xB;
	s29 =	spop (v2sf)  }
0x64: {  	s11 =	sadd.s32 s3, s28;
	s0 =	sadd.s32 $0xA80, s20;
	s25 =	sand.u32 $0x1FFFFFF0, s29  }
0x65: {  	(v2sf) =	vpush v0, $0xC;
	[tilespmem:s16], [sflag:$0x1] =	stream.linear.gather [hbm4b:s11+s2], $0x80, $0x38;
	[tilespmem:$0x10600] =	vst v63  }
0x66: {  	s30 =	sand.u32 $0x1FFFFFF0, s31;
	s31 =	spop (v2sf);
	s28 =	sadd.s32 s3, s25  }
0x67: {  	(v2sf) =	vpush v0, $0xD;
	[tilespmem:s26], [sflag:$0x1] =	stream.linear.gather [hbm4b:s28+s2], $0x80, $0x38;
	[tilespmem:$0x10600] =	vst v63  }
0x68: {  	s11 =	sadd.s32 s3, s30;
	s16 =	sand.u32 $0x1FFFFFF0, s31;
	s29 =	spop (v2sf)  }
0x69: {  	(v2sf) =	vpush v0, $0xE;
	[tilespmem:s9], [sflag:$0x1] =	stream.linear.gather [hbm4b:s11+s2], $0x80, $0x38;
	[tilespmem:$0x10600] =	vst v63  }
0x6a: {  	s16 =	sadd.s32 s3, s16;
	s30 =	sand.u32 $0x1FFFFFF0, s29;
	s31 =	spop (v2sf)  }
0x6b: {  	(v2sf) =	vpush v0, $0xF;
	[tilespmem:s6], [sflag:$0x1] =	stream.linear.gather [hbm4b:s16+s2], $0x80, $0x38;
	[tilespmem:$0x10600] =	vst v63  }
0x6c: {  	s24 =	sand.u32 $0x1FFFFFF0, s31;
	s25 =	spop (v2sf);
	s9 =	sadd.s32 s3, s30  }
0x6d: {  	[tilespmem:s10], [sflag:$0x1] =	stream.linear.gather [hbm4b:s9+s2], $0x80, $0x38;
	[tilespmem:$0x10600] =	vst v63  }
0x6e: {  	s26 =	sand.u32 $0x1FFFFFF0, s25;
	s6 =	sadd.s32 s3, s24;
	s28 =	spop (v2sf)  }
0x6f: {  	[tilespmem:s1], [sflag:$0x1] =	stream.linear.gather [hbm4b:s6+s2], $0x80, $0x38;
	[tilespmem:$0x10600] =	vst v63  }
0x70: {  	s9 =	sadd.s32 s3, s26;
	s29 =	sand.u32 $0x1FFFFFF0, s28;
	s30 =	spop (v2sf)  }
0x71: {  	[tilespmem:s7], [sflag:$0x1] =	stream.linear.gather [hbm4b:s9+s2], $0x80, $0x38;
	[tilespmem:$0x10600] =	vst v63  }
0x72: {  	s6 =	sand.u32 $0x1FFFFFF0, s30;
	s1 =	sadd.s32 s3, s29;
	s31 =	spop (v2sf)  }
0x73: {  	[tilespmem:s0], [sflag:$0x1] =	stream.linear.gather [hbm4b:s1+s2], $0x80, $0x38;
	[tilespmem:$0x10600] =	vst v63  }
0x74: {  	s6 =	sadd.s32 s3, s6;
	s9 =	sand.u32 $0x1FFFFFF0, s31;
	s10 =	spop (v2sf)  }
0x75: {  	[tilespmem:s8], [sflag:$0x1] =	stream.linear.gather [hbm4b:s6+s2], $0x80, $0x38;
	[tilespmem:$0x10600] =	vst v63  }
0x76: {  	s0 =	sadd.s32 s3, s9;
	s1 =	sand.u32 $0x1FFFFFF0, s10;
	s11 =	spop (v2sf)  }
0x77: {  	[tilespmem:s23], [sflag:$0x1] =	stream.linear.gather [hbm4b:s0+s2], $0x80, $0x38;
	[tilespmem:$0x10600] =	vst v63  }
0x78: {  	s16 =	sand.u32 $0x1FFFFFF0, s11;
	s1 =	sadd.s32 s3, s1;
	s23 =	spop (v2sf)  }
0x79: {  	[tilespmem:s21], [sflag:$0x1] =	stream.linear.gather [hbm4b:s1+s2], $0x80, $0x38;
	[tilespmem:$0x10600] =	vst v63  }
0x7a: {  	s0 =	sadd.s32 s3, s16;
	s24 =	sand.u32 $0x1FFFFFF0, s23;
	s25 =	spop (v2sf)  }
0x7b: {  	[tilespmem:s22], [sflag:$0x1] =	stream.linear.gather [hbm4b:s0+s2], $0x80, $0x38;
	[tilespmem:$0x10600] =	vst v63  }
0x7c: {  	s28 =	sadd.s32 $0xD00, s20;
	s26 =	sand.u32 $0x1FFFFFF0, s25;
	s1 =	sadd.s32 s3, s24  }
0x7d: {  	[tilespmem:s28], [sflag:$0x1] =	stream.linear.gather [hbm4b:s1+s2], $0x80, $0x38;
	[tilespmem:$0x10600] =	vst v63  }
0x7e: {  	s29 =	sadd.s32 $0xD80, s20;
	s0 =	sadd.s32 s3, s26  }
0x7f: {  	[tilespmem:s29], [sflag:$0x1] =	stream.linear.gather [hbm4b:s0+s2], $0x80, $0x38;
	[tilespmem:$0x10600] =	vst v63  }
0x80: {  	_ =	swait.ge [sflag:s17], $0x10000  }
0x81: {  	[sflag:s17] =	ssyncset.done $0x0  }
0x82: {  	s30 =	simm.s32 $0x0;
	s31 =	rddreg [dreg:$0x6];
	[sflag:s17] =	ssyncadd.s32 $0xFFFF0000  }
0x83: {  	[hbm4b:s31+s30] =	stream.linear.scatter [tilespmem:s18], [sflag:$0x2], $0x10000, $0x38;
	[tilespmem:$0x10600] =	vst v63  }
0x84: {  	_ =	swait.ge [sflag:s15], $0x10000  }
0x85: {  	[sflag:s15] =	ssyncset.done $0x0  }
0x86: {  	s21 =	simm.s32 $0x200;
	[sflag:s15] =	ssyncadd.s32 $0xFFFF0000  }
0x87: {  	v0 =	vld [tilespmem:s21+$0x0];
	_ =	sdelay $0x4  }
0x88: {  	v0 =	vshll.u32 v0, $0x4  }
0x89: {  	(v2sf) =	vpush v0, $0x0  }
0x8a: {  	(v2sf) =	vpush v0, $0x1  }
0x8b: {  	(v2sf) =	vpush v0, $0x2;
	_ =	sdelay $0x1  }
0x8c: {  	(v2sf) =	vpush v0, $0x4;
	_ =	sdelay $0x1  }
0x8d: {  	(v2sf) =	vpush v0, $0x3  }
0x8e: {  	(v2sf) =	vpush v0, $0x5  }
0x8f: {  	s20 =	simm.s32 $0x0;
	s22 =	simm.s32 $0x2000;
	(v2sf) =	vpush v0, $0x6  }
.LBB2_4:
0x90: {  	p0 =	sne.s32 s22, $0x3E000  }
0x91: {  	s1 =	sadd.s32 $0x680, s20;
	s26 =	sadd.s32 $0xB80, s20;
	s23 =	smov.u32 s22  }
0x92: {  	s22 =	sadd.s32 $0x2000, s22;
	s30 =	sadd.s32 $0x980, s20;
	s24 =	sadd.s32 $0xC00, s20;
	(v2sf) =	vpush v0, $0x7  }
0x93: {  	s0 =	sadd.s32 $0x880, s20;
	s29 =	sadd.s32 $0xA00, s20;
	s25 =	sadd.s32 $0xC80, s20  }
0x94: {  	s6 =	sadd.s32 $0x600, s20;
	s7 =	sadd.s32 $0x800, s20;
	(v2sf) =	vpush v0, $0x8  }
0x95: {  	s8 =	sadd.s32 $0x900, s20;
	s21 =	sadd.s32 $0x10, s21  }
0x96: {  	s9 =	sadd.s32 $0x700, s20;
	s28 =	sadd.s32 $0xB00, s20;
	s10 =	spop (v2sf);
	(v2sf) =	vpush v0, $0x9  }
0x97: {  	s31 =	sadd.s32 $0xA80, s20;
	s10 =	sand.u32 $0x1FFFFFF0, s10;
	s11 =	spop (v2sf)  }
0x98: {  	s10 =	sadd.s32 s4, s10;
	s11 =	sand.u32 $0x1FFFFFF0, s11;
	s16 =	spop (v2sf);
	(v2sf) =	vpush v0, $0xA  }
0x99: {  	[tilespmem:s6], [sflag:$0x1] =	stream.linear.gather [hbm4b:s10+s2], $0x80, $0x38;
	[tilespmem:$0x10600] =	vst v63  }
0x9a: {  	s6 =	sadd.s32 s4, s11;
	s10 =	sadd.s32 $0x780, s20;
	s11 =	spop (v2sf);
	(v2sf) =	vpush v0, $0xB  }
0x9b: {  	[tilespmem:s1], [sflag:$0x1] =	stream.linear.gather [hbm4b:s6+s2], $0x80, $0x38;
	[tilespmem:$0x10600] =	vst v63  }
0x9c: {  	s1 =	sand.u32 $0x1FFFFFF0, s16;
	s6 =	sand.u32 $0x1FFFFFF0, s11;
	s11 =	spop (v2sf);
	(v2sf) =	vpush v0, $0xC  }
0x9d: {  	s1 =	sadd.s32 s4, s1;
	s11 =	sand.u32 $0x1FFFFFF0, s11;
	s16 =	spop (v2sf)  }
0x9e: {  	[tilespmem:s9], [sflag:$0x1] =	stream.linear.gather [hbm4b:s1+s2], $0x80, $0x38;
	(v2sf) =	vpush v0, $0xD;
	[tilespmem:$0x10600] =	vst v63  }
0x9f: {  	s1 =	sadd.s32 s4, s11;
	s9 =	sand.u32 $0x1FFFFFF0, s16;
	s11 =	spop (v2sf)  }
0xa0: {  	[tilespmem:s10], [sflag:$0x1] =	stream.linear.gather [hbm4b:s1+s2], $0x80, $0x38;
	(v2sf) =	vpush v0, $0xE;
	[tilespmem:$0x10600] =	vst v63  }
0xa1: {  	s1 =	sadd.s32 s4, s6;
	s6 =	sand.u32 $0x1FFFFFF0, s11;
	s10 =	spop (v2sf)  }
0xa2: {  	[tilespmem:s7], [sflag:$0x1] =	stream.linear.gather [hbm4b:s1+s2], $0x80, $0x38;
	(v2sf) =	vpush v0, $0xF;
	[tilespmem:$0x10600] =	vst v63  }
0xa3: {  	s1 =	sadd.s32 s4, s9;
	s7 =	sand.u32 $0x1FFFFFF0, s10;
	s9 =	spop (v2sf)  }
0xa4: {  	[tilespmem:s0], [sflag:$0x1] =	stream.linear.gather [hbm4b:s1+s2], $0x80, $0x38;
	[tilespmem:$0x10600] =	vst v63  }
0xa5: {  	s0 =	sadd.s32 s4, s6;
	s1 =	sand.u32 $0x1FFFFFF0, s9;
	s6 =	spop (v2sf)  }
0xa6: {  	[tilespmem:s8], [sflag:$0x1] =	stream.linear.gather [hbm4b:s0+s2], $0x80, $0x38;
	[tilespmem:$0x10600] =	vst v63  }
0xa7: {  	s0 =	sadd.s32 s4, s7;
	s6 =	sand.u32 $0x1FFFFFF0, s6;
	s7 =	spop (v2sf)  }
0xa8: {  	[tilespmem:s30], [sflag:$0x1] =	stream.linear.gather [hbm4b:s0+s2], $0x80, $0x38;
	[tilespmem:$0x10600] =	vst v63  }
0xa9: {  	s0 =	sadd.s32 s4, s1;
	s1 =	sand.u32 $0x1FFFFFF0, s7;
	s7 =	spop (v2sf)  }
0xaa: {  	[tilespmem:s29], [sflag:$0x1] =	stream.linear.gather [hbm4b:s0+s2], $0x80, $0x38;
	[tilespmem:$0x10600] =	vst v63  }
0xab: {  	s0 =	sadd.s32 s4, s6;
	s6 =	sand.u32 $0x1FFFFFF0, s7;
	s7 =	spop (v2sf)  }
0xac: {  	[tilespmem:s31], [sflag:$0x1] =	stream.linear.gather [hbm4b:s0+s2], $0x80, $0x38;
	[tilespmem:$0x10600] =	vst v63  }
0xad: {  	s0 =	sadd.s32 s4, s1;
	s1 =	sand.u32 $0x1FFFFFF0, s7;
	s7 =	spop (v2sf)  }
0xae: {  	[tilespmem:s28], [sflag:$0x1] =	stream.linear.gather [hbm4b:s0+s2], $0x80, $0x38;
	[tilespmem:$0x10600] =	vst v63  }
0xaf: {  	s0 =	sadd.s32 s4, s6;
	s6 =	sand.u32 $0x1FFFFFF0, s7;
	s7 =	spop (v2sf)  }
0xb0: {  	[tilespmem:s26], [sflag:$0x1] =	stream.linear.gather [hbm4b:s0+s2], $0x80, $0x38;
	[tilespmem:$0x10600] =	vst v63  }
0xb1: {  	s0 =	sadd.s32 s4, s1;
	s1 =	sand.u32 $0x1FFFFFF0, s7;
	s7 =	spop (v2sf)  }
0xb2: {  	[tilespmem:s24], [sflag:$0x1] =	stream.linear.gather [hbm4b:s0+s2], $0x80, $0x38;
	[tilespmem:$0x10600] =	vst v63  }
0xb3: {  	s0 =	sadd.s32 s4, s6;
	s6 =	sand.u32 $0x1FFFFFF0, s7  }
0xb4: {  	[tilespmem:s25], [sflag:$0x1] =	stream.linear.gather [hbm4b:s0+s2], $0x80, $0x38;
	[tilespmem:$0x10600] =	vst v63  }
0xb5: {  	s1 =	sadd.s32 s4, s1;
	s0 =	sadd.s32 $0xD00, s20  }
0xb6: {  	[tilespmem:s0], [sflag:$0x1] =	stream.linear.gather [hbm4b:s1+s2], $0x80, $0x38;
	[tilespmem:$0x10600] =	vst v63  }
0xb7: {  	s0 =	sadd.s32 $0xD80, s20;
	s1 =	sadd.s32 s4, s6  }
0xb8: {  	[tilespmem:s0], [sflag:$0x1] =	stream.linear.gather [hbm4b:s1+s2], $0x80, $0x38;
	[tilespmem:$0x10600] =	vst v63  }
0xb9: {  	v0 =	vld [tilespmem:s21+$0x0];
	_ =	sdelay $0x4  }
0xba: {  	v0 =	vshll.u32 v0, $0x4  }
0xbb: {  	(v2sf) =	vpush v0, $0x0  }
0xbc: {  	(v2sf) =	vpush v0, $0x1  }
0xbd: {  	(v2sf) =	vpush v0, $0x2;
	_ =	sdelay $0x1  }
0xbe: {  	(v2sf) =	vpush v0, $0x4  }
.Ltmp1:
0xbf: {  	(pc) =	sbr.rel @p0 .LBB2_4-.Ltmp1, $3  }
0xc0: {  	(v2sf) =	vpush v0, $0x3  }
0xc1: {  	(v2sf) =	vpush v0, $0x5;
	_ =	sdelay $0x1  }
0xc2: {  	s20 =	sshra.s32 s23, $0x2;
	(v2sf) =	vpush v0, $0x6  }
0xc3: {  	_ =	sdelay $0x1  }
0xc4: {  	s0 =	sadd.s32 $0x680, s20;
	s23 =	sadd.s32 $0xB80, s20  }
0xc5: {  	s1 =	sadd.s32 $0x980, s20;
	s21 =	sadd.s32 $0xC00, s20;
	(v2sf) =	vpush v0, $0x7;
	s6 =	sadd.s32 $0x880, s20  }
0xc6: {  	s7 =	sadd.s32 $0xA00, s20;
	s22 =	sadd.s32 $0xC80, s20;
	s8 =	sadd.s32 $0x600, s20  }
0xc7: {  	s9 =	sadd.s32 $0x800, s20;
	s10 =	sadd.s32 $0x900, s20;
	(v2sf) =	vpush v0, $0x8;
	s11 =	spop (v2sf)  }
0xc8: {  	s16 =	sadd.s32 $0x700, s20;
	s11 =	sand.u32 $0x1FFFFFF0, s11;
	s24 =	spop (v2sf)  }
0xc9: {  	(v2sf) =	vpush v0, $0x9;
	s11 =	sadd.s32 s4, s11;
	s24 =	sand.u32 $0x1FFFFFF0, s24;
	s25 =	spop (v2sf)  }
0xca: {  	[tilespmem:s8], [sflag:$0x1] =	stream.linear.gather [hbm4b:s11+s2], $0x80, $0x38;
	[tilespmem:$0x10600] =	vst v63  }
0xcb: {  	s26 =	sadd.s32 $0x780, s20;
	(v2sf) =	vpush v0, $0xA;
	s30 =	sadd.s32 s4, s24;
	s31 =	spop (v2sf)  }
0xcc: {  	[tilespmem:s0], [sflag:$0x1] =	stream.linear.gather [hbm4b:s30+s2], $0x80, $0x38;
	[tilespmem:$0x10600] =	vst v63  }
0xcd: {  	s8 =	sadd.s32 $0xB00, s20;
	s28 =	sand.u32 $0x1FFFFFF0, s25;
	(v2sf) =	vpush v0, $0xB;
	s29 =	spop (v2sf)  }
0xce: {  	s11 =	sadd.s32 s4, s28;
	s0 =	sadd.s32 $0xA80, s20;
	s25 =	sand.u32 $0x1FFFFFF0, s29  }
0xcf: {  	(v2sf) =	vpush v0, $0xC;
	[tilespmem:s16], [sflag:$0x1] =	stream.linear.gather [hbm4b:s11+s2], $0x80, $0x38;
	[tilespmem:$0x10600] =	vst v63  }
0xd0: {  	s30 =	sand.u32 $0x1FFFFFF0, s31;
	s31 =	spop (v2sf);
	s28 =	sadd.s32 s4, s25  }
0xd1: {  	(v2sf) =	vpush v0, $0xD;
	[tilespmem:s26], [sflag:$0x1] =	stream.linear.gather [hbm4b:s28+s2], $0x80, $0x38;
	[tilespmem:$0x10600] =	vst v63  }
0xd2: {  	s11 =	sadd.s32 s4, s30;
	s16 =	sand.u32 $0x1FFFFFF0, s31;
	s29 =	spop (v2sf)  }
0xd3: {  	(v2sf) =	vpush v0, $0xE;
	[tilespmem:s9], [sflag:$0x1] =	stream.linear.gather [hbm4b:s11+s2], $0x80, $0x38;
	[tilespmem:$0x10600] =	vst v63  }
0xd4: {  	s16 =	sadd.s32 s4, s16;
	s30 =	sand.u32 $0x1FFFFFF0, s29;
	s31 =	spop (v2sf)  }
0xd5: {  	(v2sf) =	vpush v0, $0xF;
	[tilespmem:s6], [sflag:$0x1] =	stream.linear.gather [hbm4b:s16+s2], $0x80, $0x38;
	[tilespmem:$0x10600] =	vst v63  }
0xd6: {  	s24 =	sand.u32 $0x1FFFFFF0, s31;
	s25 =	spop (v2sf);
	s9 =	sadd.s32 s4, s30  }
0xd7: {  	[tilespmem:s10], [sflag:$0x1] =	stream.linear.gather [hbm4b:s9+s2], $0x80, $0x38;
	[tilespmem:$0x10600] =	vst v63  }
0xd8: {  	s26 =	sand.u32 $0x1FFFFFF0, s25;
	s6 =	sadd.s32 s4, s24;
	s28 =	spop (v2sf)  }
0xd9: {  	[tilespmem:s1], [sflag:$0x1] =	stream.linear.gather [hbm4b:s6+s2], $0x80, $0x38;
	[tilespmem:$0x10600] =	vst v63  }
0xda: {  	s9 =	sadd.s32 s4, s26;
	s29 =	sand.u32 $0x1FFFFFF0, s28;
	s30 =	spop (v2sf)  }
0xdb: {  	[tilespmem:s7], [sflag:$0x1] =	stream.linear.gather [hbm4b:s9+s2], $0x80, $0x38;
	[tilespmem:$0x10600] =	vst v63  }
0xdc: {  	s6 =	sand.u32 $0x1FFFFFF0, s30;
	s1 =	sadd.s32 s4, s29;
	s31 =	spop (v2sf)  }
0xdd: {  	[tilespmem:s0], [sflag:$0x1] =	stream.linear.gather [hbm4b:s1+s2], $0x80, $0x38;
	[tilespmem:$0x10600] =	vst v63  }
0xde: {  	s6 =	sadd.s32 s4, s6;
	s9 =	sand.u32 $0x1FFFFFF0, s31;
	s10 =	spop (v2sf)  }
0xdf: {  	[tilespmem:s8], [sflag:$0x1] =	stream.linear.gather [hbm4b:s6+s2], $0x80, $0x38;
	[tilespmem:$0x10600] =	vst v63  }
0xe0: {  	s0 =	sadd.s32 s4, s9;
	s1 =	sand.u32 $0x1FFFFFF0, s10;
	s11 =	spop (v2sf)  }
0xe1: {  	[tilespmem:s23], [sflag:$0x1] =	stream.linear.gather [hbm4b:s0+s2], $0x80, $0x38;
	[tilespmem:$0x10600] =	vst v63  }
0xe2: {  	s16 =	sand.u32 $0x1FFFFFF0, s11;
	s1 =	sadd.s32 s4, s1;
	s23 =	spop (v2sf)  }
0xe3: {  	[tilespmem:s21], [sflag:$0x1] =	stream.linear.gather [hbm4b:s1+s2], $0x80, $0x38;
	[tilespmem:$0x10600] =	vst v63  }
0xe4: {  	s0 =	sadd.s32 s4, s16;
	s24 =	sand.u32 $0x1FFFFFF0, s23;
	s25 =	spop (v2sf)  }
0xe5: {  	[tilespmem:s22], [sflag:$0x1] =	stream.linear.gather [hbm4b:s0+s2], $0x80, $0x38;
	[tilespmem:$0x10600] =	vst v63  }
0xe6: {  	s28 =	sadd.s32 $0xD00, s20;
	s26 =	sand.u32 $0x1FFFFFF0, s25;
	s1 =	sadd.s32 s4, s24  }
0xe7: {  	[tilespmem:s28], [sflag:$0x1] =	stream.linear.gather [hbm4b:s1+s2], $0x80, $0x38;
	[tilespmem:$0x10600] =	vst v63  }
0xe8: {  	s29 =	sadd.s32 $0xD80, s20;
	s0 =	sadd.s32 s4, s26  }
0xe9: {  	[tilespmem:s29], [sflag:$0x1] =	stream.linear.gather [hbm4b:s0+s2], $0x80, $0x38;
	[tilespmem:$0x10600] =	vst v63  }
0xea: {  	_ =	swait.ge [sflag:s17], $0x10000  }
0xeb: {  	[sflag:s17] =	ssyncset.done $0x0  }
0xec: {  	s30 =	simm.s32 $0x0;
	s31 =	rddreg [dreg:$0x7];
	[sflag:s17] =	ssyncadd.s32 $0xFFFF0000  }
0xed: {  	[hbm4b:s31+s30] =	stream.linear.scatter [tilespmem:s18], [sflag:$0x2], $0x10000, $0x38;
	[tilespmem:$0x10600] =	vst v63  }
0xee: {  	_ =	swait.ge [sflag:s15], $0x10000  }
0xef: {  	[sflag:s15] =	ssyncset.done $0x0  }
0xf0: {  	s21 =	simm.s32 $0x400;
	[sflag:s15] =	ssyncadd.s32 $0xFFFF0000  }
0xf1: {  	v0 =	vld [tilespmem:s21+$0x0];
	_ =	sdelay $0x4  }
0xf2: {  	v0 =	vshll.u32 v0, $0x4  }
0xf3: {  	(v2sf) =	vpush v0, $0x0  }
0xf4: {  	(v2sf) =	vpush v0, $0x1  }
0xf5: {  	(v2sf) =	vpush v0, $0x2;
	_ =	sdelay $0x1  }
0xf6: {  	(v2sf) =	vpush v0, $0x4;
	_ =	sdelay $0x1  }
0xf7: {  	(v2sf) =	vpush v0, $0x3  }
0xf8: {  	(v2sf) =	vpush v0, $0x5  }
0xf9: {  	s20 =	simm.s32 $0x0;
	s22 =	simm.s32 $0x2000;
	(v2sf) =	vpush v0, $0x6  }
.LBB2_6:
0xfa: {  	p0 =	sne.s32 s22, $0x3E000  }
0xfb: {  	s1 =	sadd.s32 $0x680, s20;
	s26 =	sadd.s32 $0xB80, s20;
	s23 =	smov.u32 s22  }
0xfc: {  	s22 =	sadd.s32 $0x2000, s22;
	s30 =	sadd.s32 $0x980, s20;
	s24 =	sadd.s32 $0xC00, s20;
	(v2sf) =	vpush v0, $0x7  }
0xfd: {  	s0 =	sadd.s32 $0x880, s20;
	s29 =	sadd.s32 $0xA00, s20;
	s25 =	sadd.s32 $0xC80, s20  }
0xfe: {  	s6 =	sadd.s32 $0x600, s20;
	s7 =	sadd.s32 $0x800, s20;
	(v2sf) =	vpush v0, $0x8  }
0xff: {  	s8 =	sadd.s32 $0x900, s20;
	s21 =	sadd.s32 $0x10, s21  }
0x100: {  	s9 =	sadd.s32 $0x700, s20;
	s28 =	sadd.s32 $0xB00, s20;
	s10 =	spop (v2sf);
	(v2sf) =	vpush v0, $0x9  }
0x101: {  	s31 =	sadd.s32 $0xA80, s20;
	s10 =	sand.u32 $0x1FFFFFF0, s10;
	s11 =	spop (v2sf)  }
0x102: {  	s10 =	sadd.s32 s5, s10;
	s11 =	sand.u32 $0x1FFFFFF0, s11;
	s16 =	spop (v2sf);
	(v2sf) =	vpush v0, $0xA  }
0x103: {  	[tilespmem:s6], [sflag:$0x1] =	stream.linear.gather [hbm4b:s10+s2], $0x80, $0x38;
	[tilespmem:$0x10600] =	vst v63  }
0x104: {  	s6 =	sadd.s32 s5, s11;
	s10 =	sadd.s32 $0x780, s20;
	s11 =	spop (v2sf);
	(v2sf) =	vpush v0, $0xB  }
0x105: {  	[tilespmem:s1], [sflag:$0x1] =	stream.linear.gather [hbm4b:s6+s2], $0x80, $0x38;
	[tilespmem:$0x10600] =	vst v63  }
0x106: {  	s1 =	sand.u32 $0x1FFFFFF0, s16;
	s6 =	sand.u32 $0x1FFFFFF0, s11;
	s11 =	spop (v2sf);
	(v2sf) =	vpush v0, $0xC  }
0x107: {  	s1 =	sadd.s32 s5, s1;
	s11 =	sand.u32 $0x1FFFFFF0, s11;
	s16 =	spop (v2sf)  }
0x108: {  	[tilespmem:s9], [sflag:$0x1] =	stream.linear.gather [hbm4b:s1+s2], $0x80, $0x38;
	(v2sf) =	vpush v0, $0xD;
	[tilespmem:$0x10600] =	vst v63  }
0x109: {  	s1 =	sadd.s32 s5, s11;
	s9 =	sand.u32 $0x1FFFFFF0, s16;
	s11 =	spop (v2sf)  }
0x10a: {  	[tilespmem:s10], [sflag:$0x1] =	stream.linear.gather [hbm4b:s1+s2], $0x80, $0x38;
	(v2sf) =	vpush v0, $0xE;
	[tilespmem:$0x10600] =	vst v63  }
0x10b: {  	s1 =	sadd.s32 s5, s6;
	s6 =	sand.u32 $0x1FFFFFF0, s11;
	s10 =	spop (v2sf)  }
0x10c: {  	[tilespmem:s7], [sflag:$0x1] =	stream.linear.gather [hbm4b:s1+s2], $0x80, $0x38;
	(v2sf) =	vpush v0, $0xF;
	[tilespmem:$0x10600] =	vst v63  }
0x10d: {  	s1 =	sadd.s32 s5, s9;
	s7 =	sand.u32 $0x1FFFFFF0, s10;
	s9 =	spop (v2sf)  }
0x10e: {  	[tilespmem:s0], [sflag:$0x1] =	stream.linear.gather [hbm4b:s1+s2], $0x80, $0x38;
	[tilespmem:$0x10600] =	vst v63  }
0x10f: {  	s0 =	sadd.s32 s5, s6;
	s1 =	sand.u32 $0x1FFFFFF0, s9;
	s6 =	spop (v2sf)  }
0x110: {  	[tilespmem:s8], [sflag:$0x1] =	stream.linear.gather [hbm4b:s0+s2], $0x80, $0x38;
	[tilespmem:$0x10600] =	vst v63  }
0x111: {  	s0 =	sadd.s32 s5, s7;
	s6 =	sand.u32 $0x1FFFFFF0, s6;
	s7 =	spop (v2sf)  }
0x112: {  	[tilespmem:s30], [sflag:$0x1] =	stream.linear.gather [hbm4b:s0+s2], $0x80, $0x38;
	[tilespmem:$0x10600] =	vst v63  }
0x113: {  	s0 =	sadd.s32 s5, s1;
	s1 =	sand.u32 $0x1FFFFFF0, s7;
	s7 =	spop (v2sf)  }
0x114: {  	[tilespmem:s29], [sflag:$0x1] =	stream.linear.gather [hbm4b:s0+s2], $0x80, $0x38;
	[tilespmem:$0x10600] =	vst v63  }
0x115: {  	s0 =	sadd.s32 s5, s6;
	s6 =	sand.u32 $0x1FFFFFF0, s7;
	s7 =	spop (v2sf)  }
0x116: {  	[tilespmem:s31], [sflag:$0x1] =	stream.linear.gather [hbm4b:s0+s2], $0x80, $0x38;
	[tilespmem:$0x10600] =	vst v63  }
0x117: {  	s0 =	sadd.s32 s5, s1;
	s1 =	sand.u32 $0x1FFFFFF0, s7;
	s7 =	spop (v2sf)  }
0x118: {  	[tilespmem:s28], [sflag:$0x1] =	stream.linear.gather [hbm4b:s0+s2], $0x80, $0x38;
	[tilespmem:$0x10600] =	vst v63  }
0x119: {  	s0 =	sadd.s32 s5, s6;
	s6 =	sand.u32 $0x1FFFFFF0, s7;
	s7 =	spop (v2sf)  }
0x11a: {  	[tilespmem:s26], [sflag:$0x1] =	stream.linear.gather [hbm4b:s0+s2], $0x80, $0x38;
	[tilespmem:$0x10600] =	vst v63  }
0x11b: {  	s0 =	sadd.s32 s5, s1;
	s1 =	sand.u32 $0x1FFFFFF0, s7;
	s7 =	spop (v2sf)  }
0x11c: {  	[tilespmem:s24], [sflag:$0x1] =	stream.linear.gather [hbm4b:s0+s2], $0x80, $0x38;
	[tilespmem:$0x10600] =	vst v63  }
0x11d: {  	s0 =	sadd.s32 s5, s6;
	s6 =	sand.u32 $0x1FFFFFF0, s7  }
0x11e: {  	[tilespmem:s25], [sflag:$0x1] =	stream.linear.gather [hbm4b:s0+s2], $0x80, $0x38;
	[tilespmem:$0x10600] =	vst v63  }
0x11f: {  	s1 =	sadd.s32 s5, s1;
	s0 =	sadd.s32 $0xD00, s20  }
0x120: {  	[tilespmem:s0], [sflag:$0x1] =	stream.linear.gather [hbm4b:s1+s2], $0x80, $0x38;
	[tilespmem:$0x10600] =	vst v63  }
0x121: {  	s0 =	sadd.s32 $0xD80, s20;
	s1 =	sadd.s32 s5, s6  }
0x122: {  	[tilespmem:s0], [sflag:$0x1] =	stream.linear.gather [hbm4b:s1+s2], $0x80, $0x38;
	[tilespmem:$0x10600] =	vst v63  }
0x123: {  	v0 =	vld [tilespmem:s21+$0x0];
	_ =	sdelay $0x4  }
0x124: {  	v0 =	vshll.u32 v0, $0x4  }
0x125: {  	(v2sf) =	vpush v0, $0x0  }
0x126: {  	(v2sf) =	vpush v0, $0x1  }
0x127: {  	(v2sf) =	vpush v0, $0x2;
	_ =	sdelay $0x1  }
0x128: {  	(v2sf) =	vpush v0, $0x4  }
.Ltmp2:
0x129: {  	(pc) =	sbr.rel @p0 .LBB2_6-.Ltmp2, $3  }
0x12a: {  	(v2sf) =	vpush v0, $0x3  }
0x12b: {  	(v2sf) =	vpush v0, $0x5;
	_ =	sdelay $0x1  }
0x12c: {  	s20 =	sshra.s32 s23, $0x2;
	(v2sf) =	vpush v0, $0x6  }
0x12d: {  	_ =	sdelay $0x1  }
0x12e: {  	s0 =	sadd.s32 $0x680, s20;
	s23 =	sadd.s32 $0xB80, s20  }
0x12f: {  	s1 =	sadd.s32 $0x980, s20;
	s21 =	sadd.s32 $0xC00, s20;
	(v2sf) =	vpush v0, $0x7;
	s6 =	sadd.s32 $0x880, s20  }
0x130: {  	s7 =	sadd.s32 $0xA00, s20;
	s22 =	sadd.s32 $0xC80, s20;
	s8 =	sadd.s32 $0x600, s20  }
0x131: {  	s9 =	sadd.s32 $0x800, s20;
	s10 =	sadd.s32 $0x900, s20;
	(v2sf) =	vpush v0, $0x8;
	s11 =	spop (v2sf)  }
0x132: {  	s16 =	sadd.s32 $0x700, s20;
	s11 =	sand.u32 $0x1FFFFFF0, s11;
	s24 =	spop (v2sf)  }
0x133: {  	(v2sf) =	vpush v0, $0x9;
	s11 =	sadd.s32 s5, s11;
	s24 =	sand.u32 $0x1FFFFFF0, s24;
	s25 =	spop (v2sf)  }
0x134: {  	[tilespmem:s8], [sflag:$0x1] =	stream.linear.gather [hbm4b:s11+s2], $0x80, $0x38;
	[tilespmem:$0x10600] =	vst v63  }
0x135: {  	(v2sf) =	vpush v0, $0xA;
	s26 =	sadd.s32 s5, s24;
	s29 =	sand.u32 $0x1FFFFFF0, s25;
	s28 =	spop (v2sf)  }
0x136: {  	[tilespmem:s0], [sflag:$0x1] =	stream.linear.gather [hbm4b:s26+s2], $0x80, $0x38;
	[tilespmem:$0x10600] =	vst v63  }
0x137: {  	s8 =	sadd.s32 $0xB00, s20;
	(v2sf) =	vpush v0, $0xB;
	s11 =	sadd.s32 s5, s29;
	s30 =	spop (v2sf)  }
0x138: {  	s0 =	sadd.s32 $0xA80, s20;
	s26 =	sadd.s32 $0x780, s20;
	s25 =	sand.u32 $0x1FFFFFF0, s30  }
0x139: {  	(v2sf) =	vpush v0, $0xC;
	[tilespmem:s16], [sflag:$0x1] =	stream.linear.gather [hbm4b:s11+s2], $0x80, $0x38;
	[tilespmem:$0x10600] =	vst v63  }
0x13a: {  	s31 =	sand.u32 $0x1FFFFFF0, s28;
	s28 =	spop (v2sf);
	s29 =	sadd.s32 s5, s25  }
0x13b: {  	(v2sf) =	vpush v0, $0xD;
	[tilespmem:s26], [sflag:$0x1] =	stream.linear.gather [hbm4b:s29+s2], $0x80, $0x38;
	[tilespmem:$0x10600] =	vst v63  }
0x13c: {  	s11 =	sadd.s32 s5, s31;
	s16 =	sand.u32 $0x1FFFFFF0, s28;
	s30 =	spop (v2sf)  }
0x13d: {  	(v2sf) =	vpush v0, $0xE;
	[tilespmem:s9], [sflag:$0x1] =	stream.linear.gather [hbm4b:s11+s2], $0x80, $0x38;
	[tilespmem:$0x10600] =	vst v63  }
0x13e: {  	s16 =	sadd.s32 s5, s16;
	s31 =	sand.u32 $0x1FFFFFF0, s30;
	s24 =	spop (v2sf)  }
0x13f: {  	(v2sf) =	vpush v0, $0xF;
	[tilespmem:s6], [sflag:$0x1] =	stream.linear.gather [hbm4b:s16+s2], $0x80, $0x38;
	[tilespmem:$0x10600] =	vst v63  }
0x140: {  	s25 =	sand.u32 $0x1FFFFFF0, s24;
	s26 =	spop (v2sf);
	s9 =	sadd.s32 s5, s31  }
0x141: {  	[tilespmem:s10], [sflag:$0x1] =	stream.linear.gather [hbm4b:s9+s2], $0x80, $0x38;
	[tilespmem:$0x10600] =	vst v63  }
0x142: {  	s28 =	sand.u32 $0x1FFFFFF0, s26;
	s6 =	sadd.s32 s5, s25;
	s29 =	spop (v2sf)  }
0x143: {  	[tilespmem:s1], [sflag:$0x1] =	stream.linear.gather [hbm4b:s6+s2], $0x80, $0x38;
	[tilespmem:$0x10600] =	vst v63  }
0x144: {  	s9 =	sadd.s32 s5, s28;
	s30 =	sand.u32 $0x1FFFFFF0, s29;
	s31 =	spop (v2sf)  }
0x145: {  	[tilespmem:s7], [sflag:$0x1] =	stream.linear.gather [hbm4b:s9+s2], $0x80, $0x38;
	[tilespmem:$0x10600] =	vst v63  }
0x146: {  	s6 =	sand.u32 $0x1FFFFFF0, s31;
	s1 =	sadd.s32 s5, s30;
	s9 =	spop (v2sf)  }
0x147: {  	[tilespmem:s0], [sflag:$0x1] =	stream.linear.gather [hbm4b:s1+s2], $0x80, $0x38;
	[tilespmem:$0x10600] =	vst v63  }
0x148: {  	s6 =	sadd.s32 s5, s6;
	s10 =	sand.u32 $0x1FFFFFF0, s9;
	s11 =	spop (v2sf)  }
0x149: {  	[tilespmem:s8], [sflag:$0x1] =	stream.linear.gather [hbm4b:s6+s2], $0x80, $0x38;
	[tilespmem:$0x10600] =	vst v63  }
0x14a: {  	s0 =	sadd.s32 s5, s10;
	s1 =	sand.u32 $0x1FFFFFF0, s11;
	s16 =	spop (v2sf)  }
0x14b: {  	[tilespmem:s23], [sflag:$0x1] =	stream.linear.gather [hbm4b:s0+s2], $0x80, $0x38;
	[tilespmem:$0x10600] =	vst v63  }
0x14c: {  	s1 =	sadd.s32 s5, s1;
	s24 =	spop (v2sf);
	s23 =	sand.u32 $0x1FFFFFF0, s16  }
0x14d: {  	[tilespmem:s21], [sflag:$0x1] =	stream.linear.gather [hbm4b:s1+s2], $0x80, $0x38;
	[tilespmem:$0x10600] =	vst v63  }
0x14e: {  	s25 =	sand.u32 $0x1FFFFFF0, s24;
	s26 =	spop (v2sf);
	s0 =	sadd.s32 s5, s23  }
0x14f: {  	[tilespmem:s22], [sflag:$0x1] =	stream.linear.gather [hbm4b:s0+s2], $0x80, $0x38;
	[tilespmem:$0x10600] =	vst v63  }
0x150: {  	s29 =	sadd.s32 $0xD00, s20;
	s28 =	sand.u32 $0x1FFFFFF0, s26;
	s1 =	sadd.s32 s5, s25  }
0x151: {  	[tilespmem:s29], [sflag:$0x1] =	stream.linear.gather [hbm4b:s1+s2], $0x80, $0x38;
	[tilespmem:$0x10600] =	vst v63  }
0x152: {  	s30 =	sadd.s32 $0xD80, s20;
	s0 =	sadd.s32 s5, s28  }
0x153: {  	[tilespmem:s30], [sflag:$0x1] =	stream.linear.gather [hbm4b:s0+s2], $0x80, $0x38;
	[tilespmem:$0x10600] =	vst v63  }
0x154: {  	s19 =	sadd.s32 $0x1, s19;
	_ =	swait.ge [sflag:s17], $0x10000  }
0x155: {  	p0 =	sne.s32 s19, s12;
	[sflag:s17] =	ssyncset.done $0x0  }
.Ltmp3:
0x156: {  	s31 =	rddreg [dreg:$0x8];
	[sflag:s17] =	ssyncadd.s32 $0xFFFF0000;
	(pc) =	sbr.rel @p0 .LBB2_1-.Ltmp3, $4  }
0x157: {  	[hbm4b:s31+s2] =	stream.linear.scatter [tilespmem:s18], [sflag:$0x2], $0x10000, $0x38;
	[tilespmem:$0x10600] =	vst v63  }
0x158: {  	_ =	swait.ge [sflag:s15], $0x10000  }
0x159: {  	[sflag:s15] =	ssyncset.done $0x0  }
0x15a: {  	[sflag:s15] =	ssyncadd.s32 $0xFFFF0000  }
0x15b: {  	_ =	sfence.sel $0x180000  }
0x15c: {  	[bflag:$0x0] =	sbarrier.arrive $0xFFFF  }
0x15d: {  	_ =	strace $0x90000047  }
0x15e: {  	s0 =	stileid.u32;
	[bflag:$0x2] =	sbarrier.arrive $0xFFFF  }
0x15f: {  	p0 =	sne.s32 s0, $0x0;
	s0 =	rddreg [dreg:$0x2]  }
0x160: {  	s0 =	sadd.s32 @!p0 $0x100000, s0  }
0x161: {  	[sflag:s0] =	ssyncadd.tile.s32 @!p0 $0x1;
	_ =	shalt  }
.Lfunc_end2:
_tile_overlayer_lowered:
.L_overlay_start_2:
0x162: {  	(tag) =	ssettag $0x2  }
0x163: {  	s0 =	rddreg [dreg:$0x0];
	s2 =	stileid.u32  }
0x164: {  	s1 =	rddreg [dreg:$0x1];
	p0 =	sne.s32 s2, $0x0  }
0x165: {  	s3 =	rddreg [dreg:$0x2];
	[bflag:$0x3] =	sbarrier.arrive $0xFFFF;
	s2 =	simm.s32 @!p0 $0x1C02  }
0x166: {  	[timem:s3], [sflag:s2] =	dma.local @!p0 [hbm:s0], s1  }
0x167: {  	s0 =	simm.s32 @!p0 $0x2  }
0x168: {  	_ =	swait.ge @!p0 [sflag:s0], s1  }
0x169: {  	s1 =	ssub.s32 @!p0 $0x0, s1;
	[sflag:s0] =	ssyncset.done @!p0 $0x0  }
0x16a: {  	[sflag:s0] =	ssyncadd.s32 @!p0 s1  }
0x16b: {  	[bflag:$0x3] =	sbarrier.arrive $0xFFFF  }
0x16c: {  	_ =	shalt  }

// kernel: kernel.8.cloned.1.call-start
scs
__scs_entry_jumppad:
0x0: {  	(pc) =	sbr.rel $0x88, $3  }
0x1: {  	(tag) =	ssettag $0x0;
	lr =	simm.s32 $0x1  }
0x2: {  	[smem:$0x3F94] =	sst lr;
	_ =	strace $0xD0000000  }
0x3: {  	_ = 	snop  }
0x4: {  	_ = 	snop  }
0x5: {  	_ = 	snop  }
0x6: {  	_ = 	snop  }
0x7: {  	_ = 	snop  }
__scs_overlays_trampoline_lowered:
0x8: {  	[smem:$0x3FA3] =	sst s0  }
0x9: {  	[smem:$0x3FA4] =	sst s1  }
0xa: {  	[smem:$0x3FA5] =	sst s2  }
0xb: {  	[smem:$0x3FA6] =	sst s3  }
0xc: {  	[smem:$0x3FA7] =	sst s4  }
0xd: {  	[smem:$0x3FA8] =	sst s5  }
0xe: {  	[smem:$0x3FA9] =	sst s6  }
0xf: {  	[smem:$0x3FAA] =	sst s7  }
0x10: {  	[smem:$0x3FAB] =	sst s8  }
0x11: {  	[smem:$0x3FAC] =	sst s9;
	s0 =	simm.s32 @!p0 $0x0  }
0x12: {  	s1 =	sld [smem:$0x3F92];
	s0 =	simm.s32 @p0 $0x1  }
0x13: {  	[smem:$0x3FAD] =	sst s0;
	s0 =	simm.s32 @!p1 $0x0  }
0x14: {  	s2 =	sld [smem:$0x3F91];
	s0 =	simm.s32 @p1 $0x1  }
0x15: {  	[smem:$0x3FAE] =	sst s0;
	s0 =	simm.s32 @!p2 $0x0  }
0x16: {  	s3 =	sld [smem:$0x3FDB];
	s0 =	simm.s32 @p2 $0x1  }
0x17: {  	s4 =	simm.s32 $0x1BF5;
	[smem:$0x3FB0] =	sst s0  }
0x18: {  	s0 =	sld [smem:$0x3F93];
	_ =	swait.ge [sflag:s4], $0x0  }
0x19: {  	s7 =	sld [smem:$0x3F94]  }
0x1a: {  	s8 =	sadd.s32 $0xFFFFE003, lr  }
0x1b: {  	s9 =	sadd.s32 $0xFFFFFEF7, lr;
	s5 =	simm.s32 $0xFFFFFFFF;
	p2 =	slt.u32 s8, $0xFFFFF086  }
0x1c: {  	p1 =	slt.u32 s9, $0xF7A;
	s5 =	simm.s32 @!p2 $0x0  }
0x1d: {  	s5 =	simm.s32 @p1 $0x1;
	p0 =	seq.s32 s7, s2  }
0x1e: {  	s7 =	smul.u32 @!p0 $0xF7A, s2;
	p2 =	seq.s32 @!p0 s5, $0x0  }
0x1f: {  	s9 =	smul.u32 $0xF7A, s1;
	s8 =	simm.s32 @!p0 $0x1BF5;
	p2 =	por !p2, p0  }
0x20: {  	[sflag:s8] =	ssyncset.s32 @!p0 $0xFFFFF086;
	s6 =	sadd.s32 @!p0 s3, s7;
	s7 =	simm.s32 @!p0 $0x108  }
0x21: {  	s3 =	sadd.s32 s3, s9;
	s6 =	sadd.s32 @!p0 $0x88, s6;
	s7 =	simm.s32 @p2 $0x1082  }
0x22: {  	[simem:s7], [sflag:s8] =	dma.local @!p0 [hbm:s6], $0xF7A  }
0x23: {  	s9 =	sor.u32 $0xD0000000, s2;
	s6 =	simm.s32 $0x108;
	_ =	swait.ge @!p0 [sflag:s8], $0x0  }
0x24: {  	s3 =	sadd.s32 $0x88, s3;
	s6 =	simm.s32 @!p1 $0x1082;
	[sflag:s4] =	ssyncset.s32 $0xFFFFF086  }
0x25: {  	[simem:s6], [sflag:s4] =	dma.local [hbm:s3], $0xF7A  }
0x26: {  	[smem:$0x3F94] =	sst s1;
	(tag) =	ssettag s2;
	_ =	strace s9  }
0x27: {  	s1 =	sld [smem:$0x3FA4]  }
0x28: {  	s2 =	sld [smem:$0x3FA5]  }
0x29: {  	s4 =	sld [smem:$0x3FA7]  }
0x2a: {  	p0 =	seq.s32 s5, $0x0;
	s5 =	sld [smem:$0x3FA8]  }
0x2b: {  	s6 =	sld [smem:$0x3FA9]  }
0x2c: {  	s7 =	sld [smem:$0x3FAA]  }
0x2d: {  	s3 =	simm.s32 $0x108;
	s8 =	sld [smem:$0x3FAB]  }
0x2e: {  	s3 =	simm.s32 @!p0 $0x1082;
	s9 =	sld [smem:$0x3FAC]  }
0x2f: {  	lr =	sadd.s32 s0, s3;
	s0 =	sld [smem:$0x3FA3]  }
0x30: {  	s3 =	sld [smem:$0x3FA6]  }
0x31: {  	[smem:$0x3FAF] =	sst s10  }
0x32: {  	s10 =	sld [smem:$0x3FAD];
	_ =	sdelay $0x3  }
0x33: {  	p0 =	seq.s32 s10, $0x1;
	s10 =	sld [smem:$0x3FAF];
	_ =	sdelay $0x3  }
0x34: {  	[smem:$0x3FAF] =	sst s10  }
0x35: {  	s10 =	sld [smem:$0x3FAE];
	_ =	sdelay $0x3  }
0x36: {  	p1 =	seq.s32 s10, $0x1;
	s10 =	sld [smem:$0x3FAF];
	_ =	sdelay $0x3  }
0x37: {  	[smem:$0x3FAF] =	sst s10  }
0x38: {  	s10 =	sld [smem:$0x3FB0]  }
0x39: {  	_ = 	snop;
	(pc) =	sbr.ind lr, $3  }
0x3a: {  	_ = 	snop  }
0x3b: {  	_ = 	snop  }
0x3c: {  	p2 =	seq.s32 s10, $0x1;
	s10 =	sld [smem:$0x3FAF]  }
0x3d: {  	_ =	shalt  }
0x3e: {  	_ =	shalt  }
0x3f: {  	_ =	shalt  }
0x40: {  	_ =	shalt  }
0x41: {  	_ =	shalt  }
0x42: {  	_ =	shalt  }
0x43: {  	_ =	shalt  }
0x44: {  	_ =	shalt  }
0x45: {  	_ =	shalt  }
0x46: {  	_ =	shalt  }
0x47: {  	_ =	shalt  }
0x48: {  	_ =	shalt  }
0x49: {  	_ =	shalt  }
0x4a: {  	_ =	shalt  }
0x4b: {  	_ =	shalt  }
0x4c: {  	_ =	shalt  }
0x4d: {  	_ =	shalt  }
0x4e: {  	_ =	shalt  }
0x4f: {  	_ =	shalt  }
0x50: {  	_ =	shalt  }
0x51: {  	_ =	shalt  }
0x52: {  	_ =	shalt  }
0x53: {  	_ =	shalt  }
0x54: {  	_ =	shalt  }
0x55: {  	_ =	shalt  }
0x56: {  	_ =	shalt  }
0x57: {  	_ =	shalt  }
0x58: {  	_ =	shalt  }
0x59: {  	_ =	shalt  }
0x5a: {  	_ =	shalt  }
0x5b: {  	_ =	shalt  }
0x5c: {  	_ =	shalt  }
0x5d: {  	_ =	shalt  }
0x5e: {  	_ =	shalt  }
0x5f: {  	_ =	shalt  }
0x60: {  	_ =	shalt  }
0x61: {  	_ =	shalt  }
0x62: {  	_ =	shalt  }
0x63: {  	_ =	shalt  }
0x64: {  	_ =	shalt  }
0x65: {  	_ =	shalt  }
0x66: {  	_ =	shalt  }
0x67: {  	_ =	shalt  }
0x68: {  	_ =	shalt  }
0x69: {  	_ =	shalt  }
0x6a: {  	_ =	shalt  }
0x6b: {  	_ =	shalt  }
0x6c: {  	_ =	shalt  }
0x6d: {  	_ =	shalt  }
0x6e: {  	_ =	shalt  }
0x6f: {  	_ =	shalt  }
0x70: {  	_ =	shalt  }
0x71: {  	_ =	shalt  }
0x72: {  	_ =	shalt  }
0x73: {  	_ =	shalt  }
0x74: {  	_ =	shalt  }
0x75: {  	_ =	shalt  }
0x76: {  	_ =	shalt  }
0x77: {  	_ =	shalt  }
0x78: {  	_ =	shalt  }
0x79: {  	_ =	shalt  }
0x7a: {  	_ =	shalt  }
0x7b: {  	_ =	shalt  }
0x7c: {  	_ =	shalt  }
0x7d: {  	_ =	shalt  }
0x7e: {  	_ =	shalt  }
0x7f: {  	_ =	shalt  }
0x80: {  	_ =	shalt  }
0x81: {  	_ =	shalt  }
0x82: {  	_ =	shalt  }
0x83: {  	_ =	shalt  }
0x84: {  	_ =	shalt  }
0x85: {  	_ =	shalt  }
0x86: {  	_ =	shalt  }
0x87: {  	_ =	shalt  }
.Lfunc_end0:
.L_simem_size_0:
called_computation.1_lowered:
.L_overlay_start_0:
0x88: {  	s2 =	sld [smem:$0x3FD9]  }
0x89: {  	s3 =	sld [smem:$0x3FFE];
	_ =	sdelay $0x1  }
0x8a: {  	s1 =	srdreg.scid  }
0x8b: {  	s0 =	sand.u32 $0x1, s1  }
0x8c: {  	s17 =	sshll.u32 s0, $0xA;
	s2 =	sadd.s32 s3, s2  }
0x8d: {  	s2 =	sadd.s32 s2, s17  }
0x8e: {  	[smem:$0x3FBB] =	sst s2  }
0x8f: {  	_ = 	snop  }
0x90: {  	s18 =	sld [smem:$0x3FC1];
	(tm) =	ssettm $0x1  }
0x91: {  	s19 =	sld [smem:$0x3FFB];
	_ =	sdelay $0x3  }
0x92: {  	_ =	strace s19  }
0x93: {  	s2 =	sld [smem:$0x3FFC];
	_ =	sdelay $0x3  }
0x94: {  	_ =	strace s2  }
0x95: {  	s2 =	sld [smem:$0x3FFD];
	_ =	sdelay $0x3  }
0x96: {  	_ =	strace s2  }
0x97: {  	_ =	strace $0x8FFFFFFF  }
0x98: {  	s20 =	sld [smem:$0x3FDB];
	_ =	sdelay $0x1  }
0x99: {  	s4 =	simm.s32 $_scs_section_size  }
0x9a: {  	s5 =	simm.s32 $_size__tile_overlayer_lowered;
	s6 =	simm.s32 $_tile_overlayer_lowered  }
0x9b: {  	s7 =	simm.s32 $0x1BFF;
	s21 =	sshll.u32 s6, $0x1;
	s4 =	sadd.s32 s4, s20  }
0x9c: {  	s22 =	simm.s32 $0x0;
	s5 =	sshll.u32 s5, $0x1;
	s6 =	sadd.s32 s21, s4  }
0x9d: {  	[timem:s22], [sflag:s7] =	dma.local [hbm:s6], s5  }
0x9e: {  	_ =	swait.ge [sflag:s7], s5  }
0x9f: {  	s5 =	ssub.s32 $0x0, s5;
	[sflag:s7] =	ssyncset.done $0x0  }
0xa0: {  	[sflag:s7] =	ssyncadd.s32 s5;
	_ =	sdelay $0x1  }
0xa1: {  	s23 =	simm.s32 $0x1B8B  }
0xa2: {  	_ =	swait.ge [sflag:s23], $0x1  }
0xa3: {  	[sflag:s23] =	ssyncset.done $0x0  }
0xa4: {  	[sflag:s23] =	ssyncadd.s32 $0xFFFFFFFF  }
0xa5: {  	s5 =	sld [smem:$0x0]  }
0xa6: {  	s6 =	sand.u32 $0xFFFFFFFE, s1  }
0xa7: {  	p0 =	sne.s32 s1, s6  }
0xa8: {  	s6 =	sshll.u32 @p0 s6, $0xE  }
0xa9: {  	s6 =	sadd.s32 @p0 $0x11B8D, s6;
	s7 =	sshll.u32 @p0 s5, $0x11  }
0xaa: {  	s6 =	sor.u32 @p0 s7, s6  }
0xab: {  	[sflag:s6] =	ssyncadd.remote.s32 @p0 $0x1;
	_ =	sdelay $0x1  }
0xac: {  	s6 =	simm.s32 @p0 $0x1B8D  }
0xad: {  	_ =	swait.eq @p0 [sflag:s6], $0x1  }
0xae: {  	[sflag:s6] =	ssyncadd.s32 @p0 $0xFFFFFFFF  }
0xaf: {  	s7 =	sshll.u32 @!p0 s1, $0xE  }
0xb0: {  	s7 =	sor.u32 @!p0 $0x4000, s7;
	s6 =	simm.s32 @!p0 $0x1B8D  }
0xb1: {  	s5 =	sshll.u32 @!p0 s5, $0x11;
	s7 =	sadd.s32 @!p0 $0x11B8D, s7;
	_ =	swait.eq @!p0 [sflag:s6], $0x1  }
0xb2: {  	s5 =	sor.u32 @!p0 s5, s7;
	[sflag:s6] =	ssyncadd.s32 @!p0 $0xFFFFFFFF  }
0xb3: {  	s25 =	simm.s32 $0x1B8E;
	s24 =	sld [smem:$0x3FFE];
	[sflag:s5] =	ssyncadd.remote.s32 @!p0 $0x1  }
0xb4: {  	s26 =	simm.s32 $execute0_lowered;
	[smem:$0x3FD2] =	sst s25  }
0xb5: {  	s6 =	sshll.u32 s26, $0x1;
	_ =	strace $0x80000049;
	[dreg:$0x1] =	wrdreg $0xFFFFFFFF  }
0xb6: {  	s28 =	simm.s32 $_size_execute0_lowered;
	s4 =	sadd.s32 s4, s6;
	[dreg:$0x0] =	wrdreg $0x0  }
0xb7: {  	s6 =	sshll.u32 s28, $0x1;
	[dreg:$0x2] =	wrdreg s4  }
0xb8: {  	[dreg:$0x3] =	wrdreg s6  }
0xb9: {  	[dreg:$0x4] =	wrdreg $0xC0  }
0xba: {  	_ =	task [dreg:s22], $0x5FFFF  }
0xbb: {  	[dreg:$0x1] =	wrdreg $0xFFFFFFFF  }
0xbc: {  	[dreg:$0x0] =	wrdreg $0x60  }
0xbd: {  	[dreg:$0x2] =	wrdreg s18  }
0xbe: {  	[dreg:$0x3] =	wrdreg s24  }
0xbf: {  	[dreg:$0x4] =	wrdreg $0xA  }
0xc0: {  	_ =	task.clear_ibuf [dreg:s22], $0x5FFFF;
	_ =	strace $0x90000049  }
0xc1: {  	s29 =	simm.s32 $0xA;
	_ =	strace $0x8000004B  }
0xc2: {  	_ =	swait.ge [sflag:s29], $0x1  }
0xc3: {  	[sflag:s29] =	ssyncadd.s32 $0xFFFFFFFF  }
0xc4: {  	_ =	strace $0x9000004B  }
0xc5: {  	_ =	sfence  }
0xc6: {  	s30 =	sld [smem:$0x0];
	_ =	sdelay $0x2  }
0xc7: {  	s31 =	sshll.u32 s1, $0xD;
	s1 =	sshrl.u32 s1, $0x2  }
0xc8: {  	s4 =	sand.u32 $0x4000, s31;
	s1 =	sadd.s32 s1, s30  }
0xc9: {  	s0 =	sor.u32 s4, s0;
	s1 =	sshll.u32 s1, $0x11  }
0xca: {  	s0 =	sor.u32 s1, s0  }
0xcb: {  	s0 =	sadd.s32 $0x8F2B, s0  }
0xcc: {  	[sflag:s0] =	ssyncadd.remote.s32 $0x1  }
0xcd: {  	_ =	sfence.sel $0xFFFF  }
0xce: {  	[dreg:$0x0] =	wrdreg $0xFFFFFFFF;
	(pc) =	sbr.abs _section_cstart, $3  }
0xcf: {  	[dreg:$0x1] =	wrdreg $0xFFFFFFFF  }
0xd0: {  	_ =	task.clear_ibuf [dreg:s22], $0x2FFFF;
	_ =	strace $0x9FFFFFFF  }
0xd1: {  	(tm) =	ssettm $0x7FFFFFFF  }
tec
execute0_lowered:
.L_overlay_start_1:
0x0: {  	(tag) =	ssettag $0x1  }
0x1: {  	s1 =	rddreg [dreg:$0x0]  }
0x2: {  	s0 =	rddreg [dreg:$0x1];
	s2 =	simm.s32 $0x0  }
0x3: {  	s5 =	stileid.u32;
	s29 =	srdreg.scid;
	s9 =	simm.s32 $0x9  }
0x4: {  	s3 =	simm.s32 $0x7A1400;
	s10 =	simm.s32 $0x10200;
	s14 =	simm.s32 $0x11A00  }
0x5: {  	s16 =	simm.s32 $0x13600;
	s8 =	simm.s32 $0x13A00;
	s18 =	simm.s32 $0x15200  }
0x6: {  	s11 =	simm.s32 $0x15600;
	s20 =	simm.s32 $0x16E00;
	s12 =	simm.s32 $0x17200  }
0x7: {  	s22 =	simm.s32 $0x18A00;
	s13 =	simm.s32 $0x18E00;
	s28 =	simm.s32 $0x1A600  }
0x8: {  	s15 =	simm.s32 $0x1AA00;
	s17 =	simm.s32 $0x1C600;
	s31 =	simm.s32 $0x1  }
0x9: {  	s19 =	simm.s32 $0x15600;
	s23 =	simm.s32 $0x18E00;
	s25 =	simm.s32 $0x1AA00  }
0xa: {  	s21 =	simm.s32 $0x17200;
	[smem:$0x7FF] =	sst s2;
	s4 =	sshll.u32 s5, $0x7  }
0xb: {  	s2 =	sand.u32 $0x1, s29;
	s5 =	sshll.u32 s5, $0x1;
	_ =	strace $0x8000004A  }
0xc: {  	s4 =	sand.u32 $0x600, s4;
	s5 =	sor.u32 s2, s5;
	s2 =	ssub.s32 $0x2, s2  }
0xd: {  	s4 =	sadd.s32 s4, s0;
	s6 =	sshll.u32 s5, $0x4;
	s5 =	sshll.u32 s5, $0xD  }
0xe: {  	s7 =	sshrl.u32 s2, $0x1;
	s6 =	sand.u32 $0x70, s6;
	s0 =	sadd.s32 s5, s0  }
0xf: {  	v0 =	vlaneseq.u32;
	s2 =	ssub.s32 s2, s7;
	s7 =	simm.s32 $0x11E00;
	s0 =	sadd.s32 $0x3D5200, s0  }
0x10: {  	v0 =	vmul.u32 $0x80, v0;
	s4 =	sadd.s32 s6, s4;
	s30 =	smax.u32 s2, $0x1;
	[dreg:$0x4] =	wrdreg s0  }
0x11: {  	vm0 =	vmmov $0x3;
	s2 =	simm.s32 $0x0;
	s4 =	sadd.s32 $0x3D4A00, s4;
	[dreg:$0x5] =	wrdreg s30  }
0x12: {  	v1 =	vor.u32 $0x800, v0;
	v2 =	vor.u32 $0x1000, v0;
	v3 =	vor.u32 $0x1800, v0;
	s0 =	simm.s32 $0x2;
	[dreg:$0x3] =	wrdreg s4;
	s4 =	simm.s32 $0x400  }
.LBB2_1:
0x13: {  	[dreg:$0x6] =	wrdreg s2  }
0x14: {  	s5 =	rddreg [dreg:$0x3];
	s6 =	simm.s32 $0x80;
	s2 =	simm.s32 $0x0  }
0x15: {  	[tilespmem:s2], [sflag:$0x9] =	stream.strided.gather [hbm4b:s5+s6], $0x200, s4, s6, $0x38;
	[tilespmem:$0x1E200] =	vst v63  }
0x16: {  	_ =	swait.ge [sflag:s9], $0x200  }
0x17: {  	[sflag:s9] =	ssyncset.done $0x0  }
0x18: {  	[sflag:s9] =	ssyncadd.s32 $0xFFFFFE00  }
0x19: {  	v4 =	vld [tilespmem:$0x0];
	_ =	sdelay $0x4  }
0x1a: {  	(v2sf) =	vpush v4, $0x0;
	_ =	sdelay $0x3  }
0x1b: {  	(v2sf) =	vpush v4, $0x1;
	_ =	sdelay $0x4  }
0x1c: {  	(v2sf) =	vpush v4, $0x2;
	_ =	sdelay $0x5  }
0x1d: {  	s30 =	spop (v2sf)  }
0x1e: {  	(v2sf) =	vpush v4, $0x3;
	s5 =	sand.u32 $0xFFFFF80, s30  }
0x1f: {  	s5 =	sadd.s32 s1, s5  }
0x20: {  	[tilespmem:s10], [sflag:$0x1] =	stream.strided.gather [hbm4b:s5+s4], $0x1800, s3, s4, $0x38;
	[tilespmem:$0x1E200] =	vst v63  }
0x21: {  	s6 =	spop (v2sf);
	s5 =	sadd.s32 $0x5B8F00, s5  }
0x22: {  	(v2sf) =	vpush v4, $0x4;
	[tilespmem:s14], [sflag:$0x1] =	stream.linear.gather [hbm4b:s5+s2], $0x100, $0x38;
	[tilespmem:$0x1E200] =	vst v63  }
0x23: {  	s5 =	sand.u32 $0xFFFFF80, s6  }
0x24: {  	s5 =	sadd.s32 s1, s5  }
0x25: {  	[tilespmem:s7], [sflag:$0x2] =	stream.strided.gather [hbm4b:s5+s4], $0x1800, s3, s4, $0x38;
	[tilespmem:$0x1E200] =	vst v63  }
0x26: {  	s5 =	sadd.s32 $0x5B8F00, s5;
	s7 =	spop (v2sf)  }
0x27: {  	(v2sf) =	vpush v4, $0x5;
	[tilespmem:s16], [sflag:$0x2] =	stream.linear.gather [hbm4b:s5+s2], $0x100, $0x38;
	[tilespmem:$0x1E200] =	vst v63  }
0x28: {  	s5 =	sand.u32 $0xFFFFF80, s7  }
0x29: {  	s5 =	sadd.s32 s1, s5  }
0x2a: {  	[tilespmem:s8], [sflag:$0x3] =	stream.strided.gather [hbm4b:s5+s4], $0x1800, s3, s4, $0x38;
	[tilespmem:$0x1E200] =	vst v63  }
0x2b: {  	s5 =	sadd.s32 $0x5B8F00, s5  }
0x2c: {  	[tilespmem:s18], [sflag:$0x3] =	stream.linear.gather [hbm4b:s5+s2], $0x100, $0x38;
	[tilespmem:$0x1E200] =	vst v63  }
0x2d: {  	s8 =	spop (v2sf)  }
0x2e: {  	(v2sf) =	vpush v4, $0x6;
	s5 =	sand.u32 $0xFFFFF80, s8  }
0x2f: {  	s5 =	sadd.s32 s1, s5  }
0x30: {  	[tilespmem:s11], [sflag:$0x4] =	stream.strided.gather [hbm4b:s5+s4], $0x1800, s3, s4, $0x38;
	[tilespmem:$0x1E200] =	vst v63  }
0x31: {  	s9 =	spop (v2sf);
	s5 =	sadd.s32 $0x5B8F00, s5  }
0x32: {  	(v2sf) =	vpush v4, $0x7;
	[tilespmem:s20], [sflag:$0x4] =	stream.linear.gather [hbm4b:s5+s2], $0x100, $0x38;
	[tilespmem:$0x1E200] =	vst v63  }
0x33: {  	s5 =	sand.u32 $0xFFFFF80, s9  }
0x34: {  	s5 =	sadd.s32 s1, s5  }
0x35: {  	[tilespmem:s12], [sflag:$0x5] =	stream.strided.gather [hbm4b:s5+s4], $0x1800, s3, s4, $0x38;
	[tilespmem:$0x1E200] =	vst v63  }
0x36: {  	s11 =	spop (v2sf)  }
0x37: {  	s5 =	sadd.s32 $0x5B8F00, s5;
	s12 =	sand.u32 $0xFFFFF80, s11  }
0x38: {  	[tilespmem:s22], [sflag:$0x5] =	stream.linear.gather [hbm4b:s5+s2], $0x100, $0x38;
	[tilespmem:$0x1E200] =	vst v63  }
0x39: {  	s5 =	sadd.s32 s1, s12  }
0x3a: {  	[tilespmem:s13], [sflag:$0x6] =	stream.strided.gather [hbm4b:s5+s4], $0x1800, s3, s4, $0x38;
	[tilespmem:$0x1E200] =	vst v63  }
0x3b: {  	s5 =	sadd.s32 $0x5B8F00, s5  }
0x3c: {  	[tilespmem:s28], [sflag:$0x6] =	stream.linear.gather [hbm4b:s5+s2], $0x100, $0x38;
	[tilespmem:$0x1E200] =	vst v63  }
0x3d: {  	s13 =	spop (v2sf)  }
0x3e: {  	s24 =	sand.u32 $0xFFFFF80, s13  }
0x3f: {  	s5 =	sadd.s32 s1, s24  }
0x40: {  	[tilespmem:s15], [sflag:$0x7] =	stream.strided.gather [hbm4b:s5+s4], $0x1800, s3, s4, $0x38;
	[tilespmem:$0x1E200] =	vst v63  }
0x41: {  	s26 =	simm.s32 $0x1C200;
	s29 =	spop (v2sf);
	s5 =	sadd.s32 $0x5B8F00, s5  }
0x42: {  	[tilespmem:s26], [sflag:$0x7] =	stream.linear.gather [hbm4b:s5+s2], $0x100, $0x38;
	[tilespmem:$0x1E200] =	vst v63  }
0x43: {  	s5 =	sand.u32 $0xFFFFF80, s29  }
0x44: {  	s30 =	simm.s32 $0x1DE00;
	s6 =	simm.s32 $0xFFFFFFE0;
	s5 =	sadd.s32 s1, s5  }
0x45: {  	[tilespmem:s17], [sflag:$0x8] =	stream.strided.gather [hbm4b:s5+s4], $0x1800, s3, s4, $0x38;
	[tilespmem:$0x1E200] =	vst v63  }
0x46: {  	s9 =	simm.s32 $0x600;
	s11 =	simm.s32 $0x1C600;
	s5 =	sadd.s32 $0x5B8F00, s5  }
0x47: {  	[tilespmem:s30], [sflag:$0x8] =	stream.linear.gather [hbm4b:s5+s2], $0x100, $0x38;
	[tilespmem:$0x1E200] =	vst v63  }
0x48: {  	s15 =	simm.s32 $0x11E00;
	s17 =	simm.s32 $0x13A00;
	s5 =	simm.s32 $0x0  }
.LBB2_2:
0x49: {  	v5 =	vld [tilespmem:s5+$0x0]  }
0x4a: {  	s12 =	sadd.s32 $0x21, s6  }
0x4b: {  	s12 =	smin.u32 s12, $0x1F  }
0x4c: {  	s12 =	sshll.u32 s12, $0x4  }
0x4d: {  	v4 =	vld [tilespmem:s12+$0x0];
	_ =	swait.ge [sflag:s31], $0x1900  }
0x4e: {  	(v2sf) =	vpush v5, $0x0;
	_ =	sdelay $0xe  }
0x4f: {  	s2 =	spop (v2sf)  }
0x50: {  	s12 =	sand.u32 $0x7F, s2  }
0x51: {  	v6 =	vor.u32 s12, v0;
	_ =	sdelay $0x2  }
0x52: {  	[sflag:s31] =	ssyncset.done $0x0  }
0x53: {  	[sflag:s31] =	ssyncadd.s32 $0xFFFFE700  }
0x54: {  	v6 =	vld.idx.msk [tilespmem:v6+s10+$0x0], $0xffff  }
0x55: {  	v7 =	vor.u32 s12, v1;
	_ =	sdelay $0x3  }
0x56: {  	[tilespmem:s9+$0xFFFFFC00] =	vst v6  }
0x57: {  	v6 =	vld.idx.msk [tilespmem:v7+s10+$0x0], $0xffff  }
0x58: {  	(v2sf) =	vpush v5, $0x8;
	v12 =	vor.u32 s12, v2;
	_ =	sdelay $0x3  }
0x59: {  	[tilespmem:s9+$0xFFFFFC10] =	vst v6  }
0x5a: {  	v6 =	vld.idx.msk [tilespmem:v12+s10+$0x0], $0xffff  }
0x5b: {  	v13 =	vor.u32 s12, v3;
	_ =	sdelay $0x3  }
0x5c: {  	[tilespmem:s9+$0xFFFFFC20] =	vst v6  }
0x5d: {  	v6 =	vld.idx.msk [tilespmem:v13+s10+$0x0], $0x3;
	_ =	sdelay $0x3  }
0x5e: {  	s26 =	spop (v2sf)  }
0x5f: {  	s3 =	sand.u32 $0xFFFFF80, s26;
	v6 =	vnsel vm0, $0x0, v6  }
0x60: {  	s30 =	simm.s32 $0x400;
	s29 =	simm.s32 $0x7A1400;
	s12 =	sadd.s32 s1, s3;
	[tilespmem:s9+$0xFFFFFC30] =	vst v6  }
0x61: {  	[tilespmem:s10], [sflag:$0x1] =	stream.strided.gather [hbm4b:s12+s30], $0x1800, s29, s30, $0x38;
	[tilespmem:$0x1E200] =	vst v63  }
0x62: {  	s12 =	sadd.s32 $0x5B8F00, s12;
	s10 =	simm.s32 $0x0  }
0x63: {  	[tilespmem:s14], [sflag:$0x1] =	stream.linear.gather [hbm4b:s12+s10], $0x100, $0x38;
	[tilespmem:$0x1E200] =	vst v63  }
0x64: {  	_ =	swait.ge [sflag:s0], $0x1900  }
0x65: {  	(v2sf) =	vpush v5, $0x1;
	_ =	sdelay $0xe  }
0x66: {  	s4 =	spop (v2sf)  }
0x67: {  	s12 =	sand.u32 $0x7F, s4  }
0x68: {  	v14 =	vor.u32 s12, v0;
	_ =	sdelay $0x2  }
0x69: {  	[sflag:s0] =	ssyncset.done $0x0  }
0x6a: {  	[sflag:s0] =	ssyncadd.s32 $0xFFFFE700  }
0x6b: {  	v6 =	vld.idx.msk [tilespmem:v14+s15+$0x0], $0xffff  }
0x6c: {  	v15 =	vor.u32 s12, v1;
	_ =	sdelay $0x3  }
0x6d: {  	[tilespmem:s9+$0xFFFFFC80] =	vst v6  }
0x6e: {  	v6 =	vld.idx.msk [tilespmem:v15+s15+$0x0], $0xffff  }
0x6f: {  	(v2sf) =	vpush v5, $0x9;
	v16 =	vor.u32 s12, v2;
	_ =	sdelay $0x3  }
0x70: {  	[tilespmem:s9+$0xFFFFFC90] =	vst v6  }
0x71: {  	v6 =	vld.idx.msk [tilespmem:v16+s15+$0x0], $0xffff  }
0x72: {  	v17 =	vor.u32 s12, v3;
	_ =	sdelay $0x3  }
0x73: {  	[tilespmem:s9+$0xFFFFFCA0] =	vst v6  }
0x74: {  	v6 =	vld.idx.msk [tilespmem:v17+s15+$0x0], $0x3;
	_ =	sdelay $0x3  }
0x75: {  	s24 =	spop (v2sf)  }
0x76: {  	s7 =	sand.u32 $0xFFFFF80, s24;
	v6 =	vnsel vm0, $0x0, v6  }
0x77: {  	s12 =	sadd.s32 s1, s7;
	[tilespmem:s9+$0xFFFFFCB0] =	vst v6  }
0x78: {  	[tilespmem:s15], [sflag:$0x2] =	stream.strided.gather [hbm4b:s12+s30], $0x1800, s29, s30, $0x38;
	[tilespmem:$0x1E200] =	vst v63  }
0x79: {  	s2 =	simm.s32 $0x3;
	s12 =	sadd.s32 $0x5B8F00, s12  }
0x7a: {  	[tilespmem:s16], [sflag:$0x2] =	stream.linear.gather [hbm4b:s12+s10], $0x100, $0x38;
	[tilespmem:$0x1E200] =	vst v63  }
0x7b: {  	_ =	swait.ge [sflag:s2], $0x1900  }
0x7c: {  	(v2sf) =	vpush v5, $0x2;
	_ =	sdelay $0xe  }
0x7d: {  	s8 =	spop (v2sf)  }
0x7e: {  	s12 =	sand.u32 $0x7F, s8  }
0x7f: {  	v18 =	vor.u32 s12, v0;
	_ =	sdelay $0x2  }
0x80: {  	[sflag:s2] =	ssyncset.done $0x0  }
0x81: {  	[sflag:s2] =	ssyncadd.s32 $0xFFFFE700  }
0x82: {  	v6 =	vld.idx.msk [tilespmem:v18+s17+$0x0], $0xffff  }
0x83: {  	v19 =	vor.u32 s12, v1;
	_ =	sdelay $0x3  }
0x84: {  	[tilespmem:s9+$0xFFFFFD00] =	vst v6  }
0x85: {  	v6 =	vld.idx.msk [tilespmem:v19+s17+$0x0], $0xffff  }
0x86: {  	(v2sf) =	vpush v5, $0xA;
	v20 =	vor.u32 s12, v2;
	_ =	sdelay $0x3  }
0x87: {  	[tilespmem:s9+$0xFFFFFD10] =	vst v6  }
0x88: {  	v6 =	vld.idx.msk [tilespmem:v20+s17+$0x0], $0xffff  }
0x89: {  	v21 =	vor.u32 s12, v3;
	_ =	sdelay $0x3  }
0x8a: {  	[tilespmem:s9+$0xFFFFFD20] =	vst v6  }
0x8b: {  	v6 =	vld.idx.msk [tilespmem:v21+s17+$0x0], $0x3;
	_ =	sdelay $0x3  }
0x8c: {  	s12 =	spop (v2sf)  }
0x8d: {  	s13 =	sand.u32 $0xFFFFF80, s12;
	v6 =	vnsel vm0, $0x0, v6  }
0x8e: {  	s14 =	sadd.s32 s1, s13;
	[tilespmem:s9+$0xFFFFFD30] =	vst v6  }
0x8f: {  	[tilespmem:s17], [sflag:$0x3] =	stream.strided.gather [hbm4b:s14+s30], $0x1800, s29, s30, $0x38;
	[tilespmem:$0x1E200] =	vst v63  }
0x90: {  	s7 =	simm.s32 $0x4;
	s14 =	sadd.s32 $0x5B8F00, s14  }
0x91: {  	[tilespmem:s18], [sflag:$0x3] =	stream.linear.gather [hbm4b:s14+s10], $0x100, $0x38;
	[tilespmem:$0x1E200] =	vst v63  }
0x92: {  	_ =	swait.ge [sflag:s7], $0x1900  }
0x93: {  	(v2sf) =	vpush v5, $0x3;
	_ =	sdelay $0xe  }
0x94: {  	s16 =	spop (v2sf)  }
0x95: {  	s14 =	sand.u32 $0x7F, s16  }
0x96: {  	v22 =	vor.u32 s14, v0;
	_ =	sdelay $0x2  }
0x97: {  	[sflag:s7] =	ssyncset.done $0x0  }
0x98: {  	[sflag:s7] =	ssyncadd.s32 $0xFFFFE700  }
0x99: {  	v6 =	vld.idx.msk [tilespmem:v22+s19+$0x0], $0xffff  }
0x9a: {  	v23 =	vor.u32 s14, v1;
	_ =	sdelay $0x3  }
0x9b: {  	[tilespmem:s9+$0xFFFFFD80] =	vst v6  }
0x9c: {  	v6 =	vld.idx.msk [tilespmem:v23+s19+$0x0], $0xffff  }
0x9d: {  	(v2sf) =	vpush v5, $0xB;
	v24 =	vor.u32 s14, v2;
	_ =	sdelay $0x3  }
0x9e: {  	[tilespmem:s9+$0xFFFFFD90] =	vst v6  }
0x9f: {  	v6 =	vld.idx.msk [tilespmem:v24+s19+$0x0], $0xffff  }
0xa0: {  	v25 =	vor.u32 s14, v3;
	_ =	sdelay $0x3  }
0xa1: {  	[tilespmem:s9+$0xFFFFFDA0] =	vst v6  }
0xa2: {  	v6 =	vld.idx.msk [tilespmem:v25+s19+$0x0], $0x3;
	_ =	sdelay $0x3  }
0xa3: {  	s14 =	spop (v2sf)  }
0xa4: {  	s18 =	sand.u32 $0xFFFFF80, s14;
	v6 =	vnsel vm0, $0x0, v6  }
0xa5: {  	s16 =	sadd.s32 s1, s18;
	[tilespmem:s9+$0xFFFFFDB0] =	vst v6  }
0xa6: {  	[tilespmem:s19], [sflag:$0x4] =	stream.strided.gather [hbm4b:s16+s30], $0x1800, s29, s30, $0x38;
	[tilespmem:$0x1E200] =	vst v63  }
0xa7: {  	s4 =	simm.s32 $0x5;
	s16 =	sadd.s32 $0x5B8F00, s16  }
0xa8: {  	[tilespmem:s20], [sflag:$0x4] =	stream.linear.gather [hbm4b:s16+s10], $0x100, $0x38;
	[tilespmem:$0x1E200] =	vst v63  }
0xa9: {  	_ =	swait.ge [sflag:s4], $0x1900  }
0xaa: {  	(v2sf) =	vpush v5, $0x4;
	_ =	sdelay $0xe  }
0xab: {  	s20 =	spop (v2sf)  }
0xac: {  	s16 =	sand.u32 $0x7F, s20  }
0xad: {  	v26 =	vor.u32 s16, v0;
	_ =	sdelay $0x2  }
0xae: {  	[sflag:s4] =	ssyncset.done $0x0  }
0xaf: {  	[sflag:s4] =	ssyncadd.s32 $0xFFFFE700  }
0xb0: {  	v6 =	vld.idx.msk [tilespmem:v26+s21+$0x0], $0xffff  }
0xb1: {  	v27 =	vor.u32 s16, v1;
	_ =	sdelay $0x3  }
0xb2: {  	[tilespmem:s9+$0xFFFFFE00] =	vst v6  }
0xb3: {  	v6 =	vld.idx.msk [tilespmem:v27+s21+$0x0], $0xffff  }
0xb4: {  	(v2sf) =	vpush v5, $0xC;
	v28 =	vor.u32 s16, v2;
	_ =	sdelay $0x3  }
0xb5: {  	[tilespmem:s9+$0xFFFFFE10] =	vst v6  }
0xb6: {  	v6 =	vld.idx.msk [tilespmem:v28+s21+$0x0], $0xffff  }
0xb7: {  	v29 =	vor.u32 s16, v3;
	_ =	sdelay $0x3  }
0xb8: {  	[tilespmem:s9+$0xFFFFFE20] =	vst v6  }
0xb9: {  	v6 =	vld.idx.msk [tilespmem:v29+s21+$0x0], $0x3;
	_ =	sdelay $0x3  }
0xba: {  	s16 =	spop (v2sf)  }
0xbb: {  	s3 =	sand.u32 $0xFFFFF80, s16;
	v6 =	vnsel vm0, $0x0, v6  }
0xbc: {  	s18 =	sadd.s32 s1, s3;
	[tilespmem:s9+$0xFFFFFE30] =	vst v6  }
0xbd: {  	[tilespmem:s21], [sflag:$0x5] =	stream.strided.gather [hbm4b:s18+s30], $0x1800, s29, s30, $0x38;
	[tilespmem:$0x1E200] =	vst v63  }
0xbe: {  	s3 =	simm.s32 $0x6;
	s18 =	sadd.s32 $0x5B8F00, s18  }
0xbf: {  	[tilespmem:s22], [sflag:$0x5] =	stream.linear.gather [hbm4b:s18+s10], $0x100, $0x38;
	[tilespmem:$0x1E200] =	vst v63  }
0xc0: {  	_ =	swait.ge [sflag:s3], $0x1900  }
0xc1: {  	(v2sf) =	vpush v5, $0x5;
	_ =	sdelay $0xe  }
0xc2: {  	s8 =	spop (v2sf)  }
0xc3: {  	s18 =	sand.u32 $0x7F, s8  }
0xc4: {  	v30 =	vor.u32 s18, v0;
	_ =	sdelay $0x2  }
0xc5: {  	[sflag:s3] =	ssyncset.done $0x0  }
0xc6: {  	[sflag:s3] =	ssyncadd.s32 $0xFFFFE700  }
0xc7: {  	v6 =	vld.idx.msk [tilespmem:v30+s23+$0x0], $0xffff  }
0xc8: {  	v31 =	vor.u32 s18, v1;
	_ =	sdelay $0x3  }
0xc9: {  	[tilespmem:s9+$0xFFFFFE80] =	vst v6  }
0xca: {  	v6 =	vld.idx.msk [tilespmem:v31+s23+$0x0], $0xffff  }
0xcb: {  	(v2sf) =	vpush v5, $0xD;
	v32 =	vor.u32 s18, v2;
	_ =	sdelay $0x3  }
0xcc: {  	[tilespmem:s9+$0xFFFFFE90] =	vst v6  }
0xcd: {  	v6 =	vld.idx.msk [tilespmem:v32+s23+$0x0], $0xffff  }
0xce: {  	v33 =	vor.u32 s18, v3;
	_ =	sdelay $0x3  }
0xcf: {  	[tilespmem:s9+$0xFFFFFEA0] =	vst v6  }
0xd0: {  	v6 =	vld.idx.msk [tilespmem:v33+s23+$0x0], $0x3;
	_ =	sdelay $0x3  }
0xd1: {  	s18 =	spop (v2sf)  }
0xd2: {  	s13 =	sand.u32 $0xFFFFF80, s18;
	v6 =	vnsel vm0, $0x0, v6  }
0xd3: {  	s20 =	sadd.s32 s1, s13;
	[tilespmem:s9+$0xFFFFFEB0] =	vst v6  }
0xd4: {  	[tilespmem:s23], [sflag:$0x6] =	stream.strided.gather [hbm4b:s20+s30], $0x1800, s29, s30, $0x38;
	[tilespmem:$0x1E200] =	vst v63  }
0xd5: {  	s13 =	simm.s32 $0x7;
	s20 =	sadd.s32 $0x5B8F00, s20  }
0xd6: {  	[tilespmem:s28], [sflag:$0x6] =	stream.linear.gather [hbm4b:s20+s10], $0x100, $0x38;
	[tilespmem:$0x1E200] =	vst v63  }
0xd7: {  	_ =	swait.ge [sflag:s13], $0x1900  }
0xd8: {  	(v2sf) =	vpush v5, $0x6;
	_ =	sdelay $0xe  }
0xd9: {  	s22 =	spop (v2sf)  }
0xda: {  	s20 =	sand.u32 $0x7F, s22  }
0xdb: {  	v34 =	vor.u32 s20, v0;
	_ =	sdelay $0x2  }
0xdc: {  	[sflag:s13] =	ssyncset.done $0x0  }
0xdd: {  	[sflag:s13] =	ssyncadd.s32 $0xFFFFE700  }
0xde: {  	v6 =	vld.idx.msk [tilespmem:v34+s25+$0x0], $0xffff  }
0xdf: {  	v35 =	vor.u32 s20, v1;
	_ =	sdelay $0x3  }
0xe0: {  	[tilespmem:s9+$0xFFFFFF00] =	vst v6  }
0xe1: {  	v6 =	vld.idx.msk [tilespmem:v35+s25+$0x0], $0xffff  }
0xe2: {  	(v2sf) =	vpush v5, $0xE;
	v36 =	vor.u32 s20, v2;
	_ =	sdelay $0x3  }
0xe3: {  	[tilespmem:s9+$0xFFFFFF10] =	vst v6  }
0xe4: {  	v6 =	vld.idx.msk [tilespmem:v36+s25+$0x0], $0xffff  }
0xe5: {  	v37 =	vor.u32 s20, v3;
	_ =	sdelay $0x3  }
0xe6: {  	[tilespmem:s9+$0xFFFFFF20] =	vst v6  }
0xe7: {  	v6 =	vld.idx.msk [tilespmem:v37+s25+$0x0], $0x3;
	_ =	sdelay $0x3  }
0xe8: {  	s20 =	spop (v2sf)  }
0xe9: {  	s8 =	sand.u32 $0xFFFFF80, s20;
	v6 =	vnsel vm0, $0x0, v6  }
0xea: {  	s22 =	sadd.s32 s1, s8;
	[tilespmem:s9+$0xFFFFFF30] =	vst v6  }
0xeb: {  	[tilespmem:s25], [sflag:$0x7] =	stream.strided.gather [hbm4b:s22+s30], $0x1800, s29, s30, $0x38;
	[tilespmem:$0x1E200] =	vst v63  }
0xec: {  	s8 =	simm.s32 $0x1C200;
	s22 =	sadd.s32 $0x5B8F00, s22  }
0xed: {  	[tilespmem:s8], [sflag:$0x7] =	stream.linear.gather [hbm4b:s22+s10], $0x100, $0x38;
	[tilespmem:$0x1E200] =	vst v63  }
0xee: {  	s8 =	simm.s32 $0x8  }
0xef: {  	_ =	swait.ge [sflag:s8], $0x1900  }
0xf0: {  	(v2sf) =	vpush v5, $0x7;
	_ =	sdelay $0xe  }
0xf1: {  	s22 =	spop (v2sf)  }
0xf2: {  	s22 =	sand.u32 $0x7F, s22  }
0xf3: {  	v38 =	vor.u32 s22, v0;
	_ =	sdelay $0x2  }
0xf4: {  	[sflag:s8] =	ssyncset.done $0x0  }
0xf5: {  	[sflag:s8] =	ssyncadd.s32 $0xFFFFE700  }
0xf6: {  	v6 =	vld.idx.msk [tilespmem:v38+s11+$0x0], $0xffff  }
0xf7: {  	v39 =	vor.u32 s22, v1;
	_ =	sdelay $0x3  }
0xf8: {  	[tilespmem:s9+$0xFFFFFF80] =	vst v6  }
0xf9: {  	v6 =	vld.idx.msk [tilespmem:v39+s11+$0x0], $0xffff  }
0xfa: {  	(v2sf) =	vpush v5, $0xF;
	v5 =	vor.u32 s22, v2;
	_ =	sdelay $0x3  }
0xfb: {  	[tilespmem:s9+$0xFFFFFF90] =	vst v6  }
0xfc: {  	v5 =	vld.idx.msk [tilespmem:v5+s11+$0x0], $0xffff  }
0xfd: {  	v40 =	vor.u32 s22, v3;
	_ =	sdelay $0x3  }
0xfe: {  	[tilespmem:s9+$0xFFFFFFA0] =	vst v5  }
0xff: {  	v5 =	vld.idx.msk [tilespmem:v40+s11+$0x0], $0x3;
	_ =	sdelay $0x3  }
0x100: {  	s22 =	spop (v2sf)  }
0x101: {  	s28 =	sand.u32 $0xFFFFF80, s22;
	v5 =	vnsel vm0, $0x0, v5  }
0x102: {  	s26 =	sand.u32 $0x7F, s26;
	s28 =	sadd.s32 s1, s28;
	[tilespmem:s9+$0xFFFFFFB0] =	vst v5  }
0x103: {  	[tilespmem:s11], [sflag:$0x8] =	stream.strided.gather [hbm4b:s28+s30], $0x1800, s29, s30, $0x38;
	[tilespmem:$0x1E200] =	vst v63  }
0x104: {  	v5 =	vor.u32 s26, v0;
	s28 =	sadd.s32 $0x5B8F00, s28;
	s30 =	simm.s32 $0x1DE00  }
0x105: {  	[tilespmem:s30], [sflag:$0x8] =	stream.linear.gather [hbm4b:s28+s10], $0x100, $0x38;
	[tilespmem:$0x1E200] =	vst v63  }
0x106: {  	_ =	swait.ge [sflag:s31], $0x1900  }
0x107: {  	[sflag:s31] =	ssyncset.done $0x0  }
0x108: {  	s10 =	simm.s32 $0x10200;
	[sflag:s31] =	ssyncadd.s32 $0xFFFFE700  }
0x109: {  	v5 =	vld.idx.msk [tilespmem:v5+s10+$0x0], $0xffff  }
0x10a: {  	v41 =	vor.u32 s26, v1;
	_ =	sdelay $0x3  }
0x10b: {  	[tilespmem:s9+$0x0] =	vst v5  }
0x10c: {  	p0 =	seq.s32 s6, $0xFFFFFFFF;
	v5 =	vld.idx.msk [tilespmem:v41+s10+$0x0], $0xffff  }
0x10d: {  	v42 =	vor.u32 s26, v2;
	(v2sf) =	vpush @!p0 v4, $0x0;
	_ =	sdelay $0x3  }
0x10e: {  	[tilespmem:s9+$0x10] =	vst v5  }
0x10f: {  	v5 =	vld.idx.msk [tilespmem:v42+s10+$0x0], $0xffff  }
0x110: {  	v43 =	vor.u32 s26, v3;
	_ =	sdelay $0x3  }
0x111: {  	[tilespmem:s9+$0x20] =	vst v5  }
0x112: {  	v5 =	vld.idx.msk [tilespmem:v43+s10+$0x0], $0x3;
	_ =	sdelay $0x3  }
0x113: {  	s26 =	spop @!p0 (v2sf)  }
0x114: {  	s28 =	simm.s32 @!p0 $0x7A1400;
	s26 =	sand.u32 @!p0 $0xFFFFF80, s26;
	v5 =	vnsel vm0, $0x0, v5  }
0x115: {  	s30 =	simm.s32 @!p0 $0x10200;
	s29 =	sadd.s32 @!p0 s1, s26;
	s26 =	simm.s32 @!p0 $0x400;
	[tilespmem:s9+$0x30] =	vst v5  }
0x116: {  	[tilespmem:s30], [sflag:$0x1] =	stream.strided.gather @!p0 [hbm4b:s29+s26], $0x1800, s28, s26, $0x38;
	[tilespmem:$0x1E200] =	vst v63  }
0x117: {  	s0 =	simm.s32 $0x2;
	s30 =	sand.u32 $0x7F, s24  }
0x118: {  	s31 =	simm.s32 @!p0 $0x11A00;
	s29 =	sadd.s32 @!p0 $0x5B8F00, s29;
	s24 =	simm.s32 @!p0 $0x0;
	v5 =	vor.u32 s30, v0  }
0x119: {  	[tilespmem:s31], [sflag:$0x1] =	stream.linear.gather @!p0 [hbm4b:s29+s24], $0x100, $0x38;
	[tilespmem:$0x1E200] =	vst v63  }
0x11a: {  	_ =	swait.ge [sflag:s0], $0x1900  }
0x11b: {  	[sflag:s0] =	ssyncset.done $0x0  }
0x11c: {  	[sflag:s0] =	ssyncadd.s32 $0xFFFFE700  }
0x11d: {  	v5 =	vld.idx.msk [tilespmem:v5+s15+$0x0], $0xffff  }
0x11e: {  	v44 =	vor.u32 s30, v1;
	_ =	sdelay $0x3  }
0x11f: {  	[tilespmem:s9+$0x80] =	vst v5  }
0x120: {  	v5 =	vld.idx.msk [tilespmem:v44+s15+$0x0], $0xffff  }
0x121: {  	v45 =	vor.u32 s30, v2;
	(v2sf) =	vpush @!p0 v4, $0x1;
	_ =	sdelay $0x3  }
0x122: {  	[tilespmem:s9+$0x90] =	vst v5  }
0x123: {  	v5 =	vld.idx.msk [tilespmem:v45+s15+$0x0], $0xffff  }
0x124: {  	v46 =	vor.u32 s30, v3;
	_ =	sdelay $0x3  }
0x125: {  	[tilespmem:s9+$0xA0] =	vst v5  }
0x126: {  	v5 =	vld.idx.msk [tilespmem:v46+s15+$0x0], $0x3;
	_ =	sdelay $0x3  }
0x127: {  	s29 =	spop @!p0 (v2sf)  }
0x128: {  	s29 =	sand.u32 @!p0 $0xFFFFF80, s29;
	v5 =	vnsel vm0, $0x0, v5  }
0x129: {  	s12 =	sand.u32 $0x7F, s12;
	s30 =	simm.s32 @!p0 $0x11E00;
	s29 =	sadd.s32 @!p0 s1, s29;
	[tilespmem:s9+$0xB0] =	vst v5  }
0x12a: {  	[tilespmem:s30], [sflag:$0x2] =	stream.strided.gather @!p0 [hbm4b:s29+s26], $0x1800, s28, s26, $0x38;
	[tilespmem:$0x1E200] =	vst v63  }
0x12b: {  	v5 =	vor.u32 s12, v0;
	s29 =	sadd.s32 @!p0 $0x5B8F00, s29;
	s30 =	simm.s32 @!p0 $0x13600  }
0x12c: {  	[tilespmem:s30], [sflag:$0x2] =	stream.linear.gather @!p0 [hbm4b:s29+s24], $0x100, $0x38;
	[tilespmem:$0x1E200] =	vst v63  }
0x12d: {  	_ =	swait.ge [sflag:s2], $0x1900  }
0x12e: {  	[sflag:s2] =	ssyncset.done $0x0  }
0x12f: {  	[sflag:s2] =	ssyncadd.s32 $0xFFFFE700  }
0x130: {  	v5 =	vld.idx.msk [tilespmem:v5+s17+$0x0], $0xffff  }
0x131: {  	v47 =	vor.u32 s12, v1;
	_ =	sdelay $0x3  }
0x132: {  	[tilespmem:s9+$0x100] =	vst v5  }
0x133: {  	v5 =	vld.idx.msk [tilespmem:v47+s17+$0x0], $0xffff  }
0x134: {  	v48 =	vor.u32 s12, v2;
	(v2sf) =	vpush @!p0 v4, $0x2;
	_ =	sdelay $0x3  }
0x135: {  	[tilespmem:s9+$0x110] =	vst v5  }
0x136: {  	v5 =	vld.idx.msk [tilespmem:v48+s17+$0x0], $0xffff  }
0x137: {  	v49 =	vor.u32 s12, v3;
	_ =	sdelay $0x3  }
0x138: {  	[tilespmem:s9+$0x120] =	vst v5  }
0x139: {  	v5 =	vld.idx.msk [tilespmem:v49+s17+$0x0], $0x3;
	_ =	sdelay $0x3  }
0x13a: {  	s12 =	spop @!p0 (v2sf)  }
0x13b: {  	s12 =	sand.u32 @!p0 $0xFFFFF80, s12;
	v5 =	vnsel vm0, $0x0, v5  }
0x13c: {  	s14 =	sand.u32 $0x7F, s14;
	s29 =	simm.s32 @!p0 $0x13A00;
	s12 =	sadd.s32 @!p0 s1, s12;
	[tilespmem:s9+$0x130] =	vst v5  }
0x13d: {  	[tilespmem:s29], [sflag:$0x3] =	stream.strided.gather @!p0 [hbm4b:s12+s26], $0x1800, s28, s26, $0x38;
	[tilespmem:$0x1E200] =	vst v63  }
0x13e: {  	v5 =	vor.u32 s14, v0;
	s12 =	sadd.s32 @!p0 $0x5B8F00, s12;
	s29 =	simm.s32 @!p0 $0x15200  }
0x13f: {  	[tilespmem:s29], [sflag:$0x3] =	stream.linear.gather @!p0 [hbm4b:s12+s24], $0x100, $0x38;
	[tilespmem:$0x1E200] =	vst v63  }
0x140: {  	_ =	swait.ge [sflag:s7], $0x1900  }
0x141: {  	[sflag:s7] =	ssyncset.done $0x0  }
0x142: {  	[sflag:s7] =	ssyncadd.s32 $0xFFFFE700  }
0x143: {  	v5 =	vld.idx.msk [tilespmem:v5+s19+$0x0], $0xffff  }
0x144: {  	v50 =	vor.u32 s14, v1;
	_ =	sdelay $0x3  }
0x145: {  	[tilespmem:s9+$0x180] =	vst v5  }
0x146: {  	v5 =	vld.idx.msk [tilespmem:v50+s19+$0x0], $0xffff  }
0x147: {  	v51 =	vor.u32 s14, v2;
	(v2sf) =	vpush @!p0 v4, $0x3;
	_ =	sdelay $0x3  }
0x148: {  	[tilespmem:s9+$0x190] =	vst v5  }
0x149: {  	v5 =	vld.idx.msk [tilespmem:v51+s19+$0x0], $0xffff  }
0x14a: {  	v52 =	vor.u32 s14, v3;
	_ =	sdelay $0x3  }
0x14b: {  	[tilespmem:s9+$0x1A0] =	vst v5  }
0x14c: {  	v5 =	vld.idx.msk [tilespmem:v52+s19+$0x0], $0x3;
	_ =	sdelay $0x3  }
0x14d: {  	s12 =	spop @!p0 (v2sf)  }
0x14e: {  	s12 =	sand.u32 @!p0 $0xFFFFF80, s12;
	v5 =	vnsel vm0, $0x0, v5  }
0x14f: {  	s2 =	sand.u32 $0x7F, s16;
	s14 =	simm.s32 @!p0 $0x15600;
	s12 =	sadd.s32 @!p0 s1, s12;
	[tilespmem:s9+$0x1B0] =	vst v5  }
0x150: {  	[tilespmem:s14], [sflag:$0x4] =	stream.strided.gather @!p0 [hbm4b:s12+s26], $0x1800, s28, s26, $0x38;
	[tilespmem:$0x1E200] =	vst v63  }
0x151: {  	s16 =	simm.s32 @!p0 $0x16E00;
	v5 =	vor.u32 s2, v0;
	s12 =	sadd.s32 @!p0 $0x5B8F00, s12  }
0x152: {  	[tilespmem:s16], [sflag:$0x4] =	stream.linear.gather @!p0 [hbm4b:s12+s24], $0x100, $0x38;
	[tilespmem:$0x1E200] =	vst v63  }
0x153: {  	_ =	swait.ge [sflag:s4], $0x1900  }
0x154: {  	[sflag:s4] =	ssyncset.done $0x0  }
0x155: {  	[sflag:s4] =	ssyncadd.s32 $0xFFFFE700  }
0x156: {  	v5 =	vld.idx.msk [tilespmem:v5+s21+$0x0], $0xffff  }
0x157: {  	v53 =	vor.u32 s2, v1;
	_ =	sdelay $0x3  }
0x158: {  	[tilespmem:s9+$0x200] =	vst v5  }
0x159: {  	v5 =	vld.idx.msk [tilespmem:v53+s21+$0x0], $0xffff  }
0x15a: {  	v54 =	vor.u32 s2, v2;
	(v2sf) =	vpush @!p0 v4, $0x4;
	_ =	sdelay $0x3  }
0x15b: {  	[tilespmem:s9+$0x210] =	vst v5  }
0x15c: {  	v5 =	vld.idx.msk [tilespmem:v54+s21+$0x0], $0xffff  }
0x15d: {  	v55 =	vor.u32 s2, v3;
	_ =	sdelay $0x3  }
0x15e: {  	[tilespmem:s9+$0x220] =	vst v5  }
0x15f: {  	v5 =	vld.idx.msk [tilespmem:v55+s21+$0x0], $0x3;
	_ =	sdelay $0x3  }
0x160: {  	s12 =	spop @!p0 (v2sf)  }
0x161: {  	s12 =	sand.u32 @!p0 $0xFFFFF80, s12;
	v5 =	vnsel vm0, $0x0, v5  }
0x162: {  	s7 =	sand.u32 $0x7F, s18;
	s14 =	simm.s32 @!p0 $0x17200;
	s12 =	sadd.s32 @!p0 s1, s12;
	[tilespmem:s9+$0x230] =	vst v5  }
0x163: {  	[tilespmem:s14], [sflag:$0x5] =	stream.strided.gather @!p0 [hbm4b:s12+s26], $0x1800, s28, s26, $0x38;
	[tilespmem:$0x1E200] =	vst v63  }
0x164: {  	s16 =	simm.s32 @!p0 $0x18A00;
	v5 =	vor.u32 s7, v0;
	s12 =	sadd.s32 @!p0 $0x5B8F00, s12  }
0x165: {  	[tilespmem:s16], [sflag:$0x5] =	stream.linear.gather @!p0 [hbm4b:s12+s24], $0x100, $0x38;
	[tilespmem:$0x1E200] =	vst v63  }
0x166: {  	_ =	swait.ge [sflag:s3], $0x1900  }
0x167: {  	[sflag:s3] =	ssyncset.done $0x0  }
0x168: {  	[sflag:s3] =	ssyncadd.s32 $0xFFFFE700  }
0x169: {  	v5 =	vld.idx.msk [tilespmem:v5+s23+$0x0], $0xffff  }
0x16a: {  	v56 =	vor.u32 s7, v1;
	_ =	sdelay $0x3  }
0x16b: {  	[tilespmem:s9+$0x280] =	vst v5  }
0x16c: {  	v5 =	vld.idx.msk [tilespmem:v56+s23+$0x0], $0xffff  }
0x16d: {  	v57 =	vor.u32 s7, v2;
	(v2sf) =	vpush @!p0 v4, $0x5;
	_ =	sdelay $0x3  }
0x16e: {  	[tilespmem:s9+$0x290] =	vst v5  }
0x16f: {  	v5 =	vld.idx.msk [tilespmem:v57+s23+$0x0], $0xffff  }
0x170: {  	v58 =	vor.u32 s7, v3;
	_ =	sdelay $0x3  }
0x171: {  	[tilespmem:s9+$0x2A0] =	vst v5  }
0x172: {  	v5 =	vld.idx.msk [tilespmem:v58+s23+$0x0], $0x3;
	_ =	sdelay $0x3  }
0x173: {  	s12 =	spop @!p0 (v2sf)  }
0x174: {  	s12 =	sand.u32 @!p0 $0xFFFFF80, s12;
	v5 =	vnsel vm0, $0x0, v5  }
0x175: {  	s29 =	sand.u32 $0x7F, s20;
	s14 =	simm.s32 @!p0 $0x18E00;
	s12 =	sadd.s32 @!p0 s1, s12;
	[tilespmem:s9+$0x2B0] =	vst v5  }
0x176: {  	[tilespmem:s14], [sflag:$0x6] =	stream.strided.gather @!p0 [hbm4b:s12+s26], $0x1800, s28, s26, $0x38;
	[tilespmem:$0x1E200] =	vst v63  }
0x177: {  	s16 =	simm.s32 @!p0 $0x1A600;
	v5 =	vor.u32 s29, v0;
	s12 =	sadd.s32 @!p0 $0x5B8F00, s12  }
0x178: {  	[tilespmem:s16], [sflag:$0x6] =	stream.linear.gather @!p0 [hbm4b:s12+s24], $0x100, $0x38;
	[tilespmem:$0x1E200] =	vst v63  }
0x179: {  	_ =	swait.ge [sflag:s13], $0x1900  }
0x17a: {  	[sflag:s13] =	ssyncset.done $0x0  }
0x17b: {  	[sflag:s13] =	ssyncadd.s32 $0xFFFFE700  }
0x17c: {  	v5 =	vld.idx.msk [tilespmem:v5+s25+$0x0], $0xffff  }
0x17d: {  	v59 =	vor.u32 s29, v1;
	_ =	sdelay $0x3  }
0x17e: {  	[tilespmem:s9+$0x300] =	vst v5  }
0x17f: {  	v5 =	vld.idx.msk [tilespmem:v59+s25+$0x0], $0xffff  }
0x180: {  	v60 =	vor.u32 s29, v2;
	(v2sf) =	vpush @!p0 v4, $0x6;
	_ =	sdelay $0x3  }
0x181: {  	[tilespmem:s9+$0x310] =	vst v5  }
0x182: {  	v5 =	vld.idx.msk [tilespmem:v60+s25+$0x0], $0xffff  }
0x183: {  	v61 =	vor.u32 s29, v3;
	_ =	sdelay $0x3  }
0x184: {  	[tilespmem:s9+$0x320] =	vst v5  }
0x185: {  	v5 =	vld.idx.msk [tilespmem:v61+s25+$0x0], $0x3;
	_ =	sdelay $0x3  }
0x186: {  	s12 =	spop @!p0 (v2sf)  }
0x187: {  	s12 =	sand.u32 @!p0 $0xFFFFF80, s12;
	v5 =	vnsel vm0, $0x0, v5  }
0x188: {  	s30 =	sand.u32 $0x7F, s22;
	s14 =	simm.s32 @!p0 $0x1AA00;
	s12 =	sadd.s32 @!p0 s1, s12;
	[tilespmem:s9+$0x330] =	vst v5  }
0x189: {  	[tilespmem:s14], [sflag:$0x7] =	stream.strided.gather @!p0 [hbm4b:s12+s26], $0x1800, s28, s26, $0x38;
	[tilespmem:$0x1E200] =	vst v63  }
0x18a: {  	s16 =	simm.s32 @!p0 $0x1C200;
	v5 =	vor.u32 s30, v0;
	s12 =	sadd.s32 @!p0 $0x5B8F00, s12  }
0x18b: {  	[tilespmem:s16], [sflag:$0x7] =	stream.linear.gather @!p0 [hbm4b:s12+s24], $0x100, $0x38;
	[tilespmem:$0x1E200] =	vst v63  }
0x18c: {  	_ =	swait.ge [sflag:s8], $0x1900  }
0x18d: {  	[sflag:s8] =	ssyncset.done $0x0  }
0x18e: {  	[sflag:s8] =	ssyncadd.s32 $0xFFFFE700  }
0x18f: {  	v5 =	vld.idx.msk [tilespmem:v5+s11+$0x0], $0xffff  }
0x190: {  	v62 =	vor.u32 s30, v1;
	_ =	sdelay $0x3  }
0x191: {  	[tilespmem:s9+$0x380] =	vst v5  }
0x192: {  	v5 =	vld.idx.msk [tilespmem:v62+s11+$0x0], $0xffff  }
0x193: {  	v63 =	vor.u32 s30, v2;
	(v2sf) =	vpush @!p0 v4, $0x7;
	_ =	sdelay $0x3  }
0x194: {  	[tilespmem:s9+$0x390] =	vst v5  }
0x195: {  	v4 =	vld.idx.msk [tilespmem:v63+s11+$0x0], $0xffff  }
0x196: {  	v5 =	vor.u32 s30, v3;
	_ =	sdelay $0x3  }
0x197: {  	[tilespmem:s9+$0x3A0] =	vst v4  }
0x198: {  	v4 =	vld.idx.msk [tilespmem:v5+s11+$0x0], $0x3  }
0x199: {  	s6 =	sadd.s32 @!p0 $0x1, s6  }
0x19a: {  	p1 =	seq.s32 @!p0 s6, $0x0  }
0x19b: {  	s5 =	sadd.s32 @!p0 $0x10, s5;
	p1 =	por p0, p1;
	s31 =	simm.s32 $0x1  }
0x19c: {  	s0 =	simm.s32 $0x2;
	s22 =	simm.s32 $0x18A00;
	s12 =	spop @!p0 (v2sf)  }
0x19d: {  	s20 =	simm.s32 $0x16E00;
	s18 =	simm.s32 $0x15200;
	s12 =	sand.u32 @!p0 $0xFFFFF80, s12;
	v4 =	vnsel vm0, $0x0, v4  }
.Ltmp0:
0x19e: {  	s14 =	simm.s32 @!p0 $0x1C600;
	s12 =	sadd.s32 @!p0 s1, s12;
	[tilespmem:s9+$0x3B0] =	vst v4;
	(pc) =	sbr.rel @!p1 .LBB2_2-.Ltmp0, $4  }
0x19f: {  	[tilespmem:s14], [sflag:$0x8] =	stream.strided.gather @!p0 [hbm4b:s12+s26], $0x1800, s28, s26, $0x38;
	[tilespmem:$0x1E200] =	vst v63  }
0x1a0: {  	s16 =	simm.s32 $0x13600;
	s12 =	sadd.s32 @!p0 $0x5B8F00, s12;
	s14 =	simm.s32 @!p0 $0x1DE00  }
0x1a1: {  	[tilespmem:s14], [sflag:$0x8] =	stream.linear.gather @!p0 [hbm4b:s12+s24], $0x100, $0x38;
	[tilespmem:$0x1E200] =	vst v63  }
0x1a2: {  	s9 =	sadd.s32 @!p0 $0x800, s9;
	s28 =	simm.s32 $0x1A600;
	s14 =	simm.s32 $0x11A00  }
0x1a3: {  	s5 =	rddreg [dreg:$0x4]  }
0x1a4: {  	s2 =	simm.s32 $0x200;
	s3 =	simm.s32 $0x0;
	s9 =	simm.s32 $0x9  }
0x1a5: {  	[hbm4b:s5+s3] =	stream.linear.scatter [tilespmem:s2], [sflag:$0x9], $0x10000, $0x38;
	[tilespmem:$0x1E200] =	vst v63  }
0x1a6: {  	_ =	swait.ge [sflag:s9], $0x10000  }
0x1a7: {  	s29 =	rddreg [dreg:$0x6]  }
0x1a8: {  	s30 =	rddreg [dreg:$0x5];
	s2 =	sadd.s32 $0x1, s29  }
0x1a9: {  	p0 =	sne.s32 s2, s30  }
.Ltmp1:
0x1aa: {  	_ = 	snop;
	(pc) =	sbr.rel @p0 .LBB2_1-.Ltmp1, $4  }
0x1ab: {  	s4 =	simm.s32 $0x400;
	s7 =	simm.s32 $0x11E00  }
0x1ac: {  	s8 =	simm.s32 $0x13A00;
	s11 =	simm.s32 $0x15600;
	s12 =	simm.s32 $0x17200  }
0x1ad: {  	s13 =	simm.s32 $0x18E00;
	s15 =	simm.s32 $0x1AA00;
	[sflag:s9] =	ssyncset.done $0x0  }
0x1ae: {  	s17 =	simm.s32 $0x1C600;
	s3 =	simm.s32 $0x7A1400;
	[sflag:s9] =	ssyncadd.s32 $0xFFFF0000  }
0x1af: {  	_ =	sfence.sel $0x180000  }
0x1b0: {  	[bflag:$0x0] =	sbarrier.arrive $0xFFFF  }
0x1b1: {  	_ =	strace $0x9000004A  }
0x1b2: {  	s0 =	stileid.u32;
	[bflag:$0x2] =	sbarrier.arrive $0xFFFF  }
0x1b3: {  	p0 =	sne.s32 s0, $0x0;
	s0 =	rddreg [dreg:$0x2]  }
0x1b4: {  	s0 =	sadd.s32 @!p0 $0x100000, s0  }
0x1b5: {  	[sflag:s0] =	ssyncadd.tile.s32 @!p0 $0x1;
	_ =	shalt  }
.Lfunc_end2:
_tile_overlayer_lowered:
.L_overlay_start_2:
0x1b6: {  	(tag) =	ssettag $0x2  }
0x1b7: {  	s0 =	rddreg [dreg:$0x0];
	s2 =	stileid.u32  }
0x1b8: {  	s1 =	rddreg [dreg:$0x1];
	p0 =	sne.s32 s2, $0x0  }
0x1b9: {  	s3 =	rddreg [dreg:$0x2];
	[bflag:$0x3] =	sbarrier.arrive $0xFFFF;
	s2 =	simm.s32 @!p0 $0x1C09  }
0x1ba: {  	[timem:s3], [sflag:s2] =	dma.local @!p0 [hbm:s0], s1  }
0x1bb: {  	s0 =	simm.s32 @!p0 $0x9  }
0x1bc: {  	_ =	swait.ge @!p0 [sflag:s0], s1  }
0x1bd: {  	s1 =	ssub.s32 @!p0 $0x0, s1;
	[sflag:s0] =	ssyncset.done @!p0 $0x0  }
0x1be: {  	[sflag:s0] =	ssyncadd.s32 @!p0 s1  }
0x1bf: {  	[bflag:$0x3] =	sbarrier.arrive $0xFFFF  }
0x1c0: {  	_ =	shalt  }

</sc_bundles>
